<compile_context>
chip_gen: v7x
topology: tpu7x:2x2x1
jax: 0.10.2.dev20260603
libtpu: 0.0.44.dev20260713+nightly
codegen_flags: <defaults>
</compile_context>

<pallas_src>
import functools

import jax
import jax.numpy as jnp
from jax import lax
from jax.experimental import pallas as pl
from jax.experimental.pallas import tpu as pltpu
from jax.experimental.pallas import tpu_sc as plsc

B = 4096
M = 64
D = 128


def _make_sc_gather(n_comm: int):
    info = plsc.get_sparse_core_info()
    nc, ns = info.num_cores, info.num_subcores
    b_per_w = B // (nc * ns)

    mesh = plsc.VectorSubcoreMesh(core_axis_name="c", subcore_axis_name="s")

    @functools.partial(
        pl.kernel,
        mesh=mesh,
        out_type=(
            jax.ShapeDtypeStruct((B, M), jnp.float32),
            jax.ShapeDtypeStruct((B, M), jnp.int32),
            jax.ShapeDtypeStruct((B, M), jnp.float32),
        ),
        scratch_types=[
            pltpu.VMEM((b_per_w,), jnp.int32),
            pltpu.VMEM((b_per_w,), jnp.int32),
            pltpu.VMEM((b_per_w,), jnp.int32),
            pltpu.VMEM((b_per_w,), jnp.int32),
            pltpu.VMEM((b_per_w,), jnp.float32),
            pltpu.VMEM((b_per_w, 2 * M), jnp.float32),
            pltpu.VMEM((b_per_w, M), jnp.float32),
            pltpu.VMEM((b_per_w, M), jnp.int32),
            pltpu.VMEM((b_per_w, M), jnp.float32),
            pltpu.SemaphoreType.DMA,
            pltpu.SemaphoreType.DMA,
        ],
    )
    def sc_gather(nodes_hbm, n2c_hbm, combo_hbm, mnum_hbm, ts_hbm,
                  scores_out, nodes_out, ts_out,
                  idx_v, craw_v, cid_v, mnum_v, tsin_v,
                  combo_v, scores_v, members_v, tsout_v, sem, sem_ts):
        wid = lax.axis_index("s") * nc + lax.axis_index("c")
        base = wid * b_per_w

        cp_n = pltpu.async_copy(nodes_hbm.at[pl.ds(base, b_per_w)], idx_v, sem)
        cp_t = pltpu.async_copy(ts_hbm.at[pl.ds(base, b_per_w)], tsin_v,
                                sem_ts)
        cp_n.wait()
        pltpu.async_copy(n2c_hbm.at[idx_v], craw_v, sem).wait()
        for j in range(b_per_w // 16):
            c = craw_v[pl.ds(j * 16, 16)]
            cid_v[pl.ds(j * 16, 16)] = jnp.clip(c, 0, n_comm - 1)
        cp1 = pltpu.async_copy(combo_hbm.at[cid_v], combo_v, sem)
        cp2 = pltpu.async_copy(mnum_hbm.at[cid_v], mnum_v, sem)
        cp_t.wait()
        cp1.wait()
        cp2.wait()

        def body(g, carry):
            gbase = g * 16
            mn16 = mnum_v[pl.ds(gbase, 16)]
            c16 = craw_v[pl.ds(gbase, 16)]
            ts16 = tsin_v[pl.ds(gbase, 16)]
            valid16 = jnp.logical_and(c16 >= 0, c16 < n_comm)
            mneff16 = jnp.where(valid16, mn16, 0)
            for e in range(16):
                mn = mneff16[e]
                ts_i = ts16[e]
                i = gbase + e
                for s in range(M // 16):
                    lane = lax.iota(jnp.int32, 16) + (s * 16)
                    msk = lane < mn
                    sl = pl.ds(s * 16, 16)
                    mem_f = jnp.where(msk, combo_v[i, pl.ds(M + s * 16, 16)],
                                      -1.0)
                    scores_v[i, sl] = jnp.where(msk, combo_v[i, sl], 0.0)
                    members_v[i, sl] = mem_f.astype(jnp.int32)
                    tsout_v[i, sl] = jnp.where(msk, ts_i, 0.0)
            return carry

        lax.fori_loop(0, b_per_w // 16, body, 0)

        co1 = pltpu.async_copy(scores_v, scores_out.at[pl.ds(base, b_per_w)],
                               sem)
        co2 = pltpu.async_copy(members_v, nodes_out.at[pl.ds(base, b_per_w)],
                               sem)
        co3 = pltpu.async_copy(tsout_v, ts_out.at[pl.ds(base, b_per_w)], sem)
        co1.wait()
        co2.wait()
        co3.wait()

    return sc_gather


_BB = 256


def _tc_body(s_ref, m_ref, o_ref):
    s = s_ref[...]
    m = m_ref[...]
    o_ref[...] = s[:, :, None] * m[:, None, :]


def _tc_outer(scores_masked, unique_message):
    return pl.pallas_call(
        _tc_body,
        grid=(B // _BB,),
        in_specs=[
            pl.BlockSpec((_BB, M), lambda i: (i, 0)),
            pl.BlockSpec((_BB, D), lambda i: (i, 0)),
        ],
        out_specs=pl.BlockSpec((_BB, M, D), lambda i: (i, 0, 0)),
        out_shape=jax.ShapeDtypeStruct((B, M, D), jnp.float32),
    )(scores_masked, unique_message)


def kernel(nodes, unique_message, timestamps, node2community, community_index,
           community2node, member_num, member_score):
    del community_index
    n_comm = member_score.shape[0]
    combo = jnp.concatenate(
        [member_score.astype(jnp.float32),
         community2node.astype(jnp.float32)], axis=1)
    scores_masked, update_nodes, update_ts = _make_sc_gather(n_comm)(
        nodes.astype(jnp.int32),
        node2community.astype(jnp.int32),
        combo,
        member_num.astype(jnp.int32),
        timestamps.astype(jnp.float32),
    )
    update_messages = _tc_outer(scores_masked, unique_message.astype(jnp.float32))
    return update_nodes, update_messages, update_ts

# --- scband reference (transcript-rebuilt; emitter-appended) ---
"""Pipeline reference for scband-topk-community-updater-83992380440994 (READ-ONLY COPY).

The authoritative reference and input builder live on the scoring server;
editing this copy changes nothing except your own understanding.
"""

import jax, jax.numpy as jnp
import numpy as np

N_NODES = 100000
N_COMM = 1024
MAX_MEMBER = 64
BATCH = 4096
DIM = 128


def setup_inputs(seed: int = 0) -> dict:
    key = jax.random.key(seed)
    ks = jax.random.split(key, 8)
    nodes = jax.random.randint(ks[0], (BATCH,), 0, N_NODES)
    unique_message = jax.random.normal(ks[1], (BATCH, DIM), dtype=jnp.float32)
    timestamps = jax.random.uniform(ks[2], (BATCH,), dtype=jnp.float32) * 1e6
    # module state: some nodes unassigned (-1), matching np.array([-1]*n_nodes) init
    node2community = jax.random.randint(ks[3], (N_NODES,), -1, N_COMM)
    community_index = jnp.arange(N_COMM, dtype=jnp.int32)
    community2node = jax.random.randint(ks[4], (N_COMM, MAX_MEMBER), 0, N_NODES)
    member_num = jax.random.randint(ks[5], (N_COMM,), 1, MAX_MEMBER + 1)
    member_score = jax.random.uniform(ks[6], (N_COMM, MAX_MEMBER), dtype=jnp.float32)
    return {
        "nodes": nodes,
        "unique_message": unique_message,
        "timestamps": timestamps,
        "node2community": node2community,
        "community_index": community_index,
        "community2node": community2node,
        "member_num": member_num,
        "member_score": member_score,
    }


def reference(nodes, unique_message, timestamps, node2community, community_index,
              community2node, member_num, member_score):
    # update_community_member: route each event's message to all members of the
    # event node's community, weighted by stored per-member scores.
    # Dense masked equivalent of the ragged torch loop (static shapes).
    community_nodes = jnp.take(node2community, nodes, axis=0)            # (B,)
    # use_index = (community_nodes.view(1,-1) == community_index.view(-1,1)).any(dim=0)
    use_mask = (community_nodes[None, :] == community_index[:, None]).any(axis=0)  # (B,)
    cid = jnp.clip(community_nodes, 0, community_index.shape[0] - 1)     # safe gather ids
    scores = jnp.take(member_score, cid, axis=0)                         # (B, M)
    members = jnp.take(community2node, cid, axis=0)                      # (B, M)
    mnum = jnp.take(member_num, cid, axis=0)                             # (B,)
    slot_mask = jnp.arange(members.shape[1])[None, :] < mnum[:, None]    # (B, M)
    full_mask = jnp.logical_and(slot_mask, use_mask[:, None])            # (B, M)
    # messages = member_score[:num].outer(use_messages[i])  (outer product per event)
    update_messages = (scores[:, :, None] * unique_message[:, None, :]) \
        * full_mask[:, :, None].astype(unique_message.dtype)             # (B, M, D)
    update_nodes = jnp.where(full_mask, members, -1)                     # (B, M)
    # torch.repeat_interleave(use_timestamps[i], member_num_cid)
    update_timestamps = jnp.where(full_mask, timestamps[:, None], 0.0)   # (B, M)
    return update_nodes, update_messages, update_timestamps

if __name__ == "__main__":
    import jax
    _d = setup_inputs()
    print(jax.jit(kernel)(*tuple(_d.values())))

</pallas_src>

<mosaic_0001>
#map = affine_map<(d0, d1) -> (0)>
#map1 = affine_map<(d0, d1) -> (0, 0)>
module attributes {stable_mosaic.version = 14 : i64} {
  func.func @sc_gather(%arg0: i32, %arg1: i32, %arg2: memref<4096xi32, #tpu.memory_space<hbm>>, %arg3: memref<100000xi32, #tpu.memory_space<hbm>>, %arg4: memref<1024x128xf32, #tpu.memory_space<hbm>>, %arg5: memref<1024xi32, #tpu.memory_space<hbm>>, %arg6: memref<4096xf32, #tpu.memory_space<hbm>>, %arg7: memref<4096x64xf32, #tpu.memory_space<hbm>>, %arg8: memref<4096x64xi32, #tpu.memory_space<hbm>>, %arg9: memref<4096x64xf32, #tpu.memory_space<hbm>>, %arg10: memref<128xi32, #tpu.memory_space<vmem>>, %arg11: memref<128xi32, #tpu.memory_space<vmem>>, %arg12: memref<128xi32, #tpu.memory_space<vmem>>, %arg13: memref<128xi32, #tpu.memory_space<vmem>>, %arg14: memref<128xf32, #tpu.memory_space<vmem>>, %arg15: memref<128x128xf32, #tpu.memory_space<vmem>>, %arg16: memref<128x64xf32, #tpu.memory_space<vmem>>, %arg17: memref<128x64xi32, #tpu.memory_space<vmem>>, %arg18: memref<128x64xf32, #tpu.memory_space<vmem>>, %arg19: memref<!tpu.dma_semaphore, #tpu.memory_space<semaphore_mem>>, %arg20: memref<!tpu.dma_semaphore, #tpu.memory_space<semaphore_mem>>) attributes {dimension_semantics = [#tpu.dimension_semantics<core_parallel>, #tpu.dimension_semantics<subcore_parallel>], iteration_bounds = array<i64: 2, 16>, scalar_prefetch = 0 : i64, scratch_operands = 11 : i64, tpu.core_type = #tpu.core_type<sc_vector_subcore>, window_params = [{transform_indices = #map}, {transform_indices = #map}, {transform_indices = #map1}, {transform_indices = #map}, {transform_indices = #map}, {transform_indices = #map1}, {transform_indices = #map1}, {transform_indices = #map1}]} {
    %mul3A = arith.constant 2 : i32
    %mul3A_0 = arith.muli %arg1, %mul3A : i32
    %add3A = arith.addi %mul3A_0, %arg0 : i32
    %mul3A_1 = arith.constant 128 : i32
    %mul3A_2 = arith.muli %add3A, %mul3A_1 : i32
    %dma_start3A = tpu.memref_slice %arg2[%mul3A_2] : memref<4096xi32, #tpu.memory_space<hbm>> -> memref<128xi32, #tpu.memory_space<hbm>>
    %dma_start3A_3 = tpu.memref_slice %arg2[%mul3A_2] : memref<4096xi32, #tpu.memory_space<hbm>> -> memref<128xi32, #tpu.memory_space<hbm>>
    tpu.enqueue_dma source(%dma_start3A_3 : memref<128xi32, #tpu.memory_space<hbm>>) target(%arg10 : memref<128xi32, #tpu.memory_space<vmem>>) target_semaphore(%arg19 : memref<!tpu.dma_semaphore, #tpu.memory_space<semaphore_mem>>)
    %dma_start3A_4 = tpu.memref_slice %arg6[%mul3A_2] : memref<4096xf32, #tpu.memory_space<hbm>> -> memref<128xf32, #tpu.memory_space<hbm>>
    %dma_start3A_5 = tpu.memref_slice %arg6[%mul3A_2] : memref<4096xf32, #tpu.memory_space<hbm>> -> memref<128xf32, #tpu.memory_space<hbm>>
    tpu.enqueue_dma source(%dma_start3A_5 : memref<128xf32, #tpu.memory_space<hbm>>) target(%arg14 : memref<128xf32, #tpu.memory_space<vmem>>) target_semaphore(%arg20 : memref<!tpu.dma_semaphore, #tpu.memory_space<semaphore_mem>>)
    %dma_wait3A = tpu.memref_slice %arg2[%mul3A_2] : memref<4096xi32, #tpu.memory_space<hbm>> -> memref<128xi32, #tpu.memory_space<hbm>>
    %dma_wait3A_6 = tpu.memref_slice %arg2[%mul3A_2] : memref<4096xi32, #tpu.memory_space<hbm>> -> memref<128xi32, #tpu.memory_space<hbm>>
    tpu.wait_dma2 semaphore(%arg19 : memref<!tpu.dma_semaphore, #tpu.memory_space<semaphore_mem>>) src(%dma_wait3A_6 : memref<128xi32, #tpu.memory_space<hbm>>) dst(%arg10 : memref<128xi32, #tpu.memory_space<vmem>>)
    %dma_start3A_7 = arith.constant 0 : i32
    %dma_start3A_8 = tpu.memref_slice %arg3[%dma_start3A_7] : memref<100000xi32, #tpu.memory_space<hbm>> -> memref<100000xi32, #tpu.memory_space<hbm>>
    tpu.enqueue_indirect_dma source(%dma_start3A_8 : memref<100000xi32, #tpu.memory_space<hbm>>) target(%arg11 : memref<128xi32, #tpu.memory_space<vmem>>) offsets(%arg10 : memref<128xi32, #tpu.memory_space<vmem>>) semaphore(%arg19 : memref<!tpu.dma_semaphore, #tpu.memory_space<semaphore_mem>>)
    %dma_wait3A_9 = arith.constant 0 : i32
    %dma_wait3A_10 = tpu.memref_slice %arg3[%dma_wait3A_9] : memref<100000xi32, #tpu.memory_space<hbm>> -> memref<100000xi32, #tpu.memory_space<hbm>>
    tpu.wait_indirect_dma semaphore(%arg19 : memref<!tpu.dma_semaphore, #tpu.memory_space<semaphore_mem>>) src(%dma_wait3A_10 : memref<100000xi32, #tpu.memory_space<hbm>>) dst(%arg11 : memref<128xi32, #tpu.memory_space<vmem>>)
    %get3A = arith.constant 0 : index
    %get3A_11 = tpu.vector_load %arg11[%get3A] {strides = array<i32>} : memref<128xi32, #tpu.memory_space<vmem>>, vector<16xi32>,
    %get3A_12 = vector.shape_cast %get3A_11 : vector<16xi32> to vector<16xi32>
    %jit3A = arith.constant 0 : i32
    %jit3A_13 = arith.constant 1023 : i32
    %max3A = vector.broadcast %jit3A : i32 to vector<16xi32>
    %max3A_14 = arith.maxsi %max3A, %get3A_12 : vector<16xi32>
    %min3A = vector.broadcast %jit3A_13 : i32 to vector<16xi32>
    %min3A_15 = arith.minsi %min3A, %max3A_14 : vector<16xi32>
    %swap3A = arith.constant 0 : index
    %swap3A_16 = tpu.vector_load %arg12[%swap3A] {strides = array<i32>} : memref<128xi32, #tpu.memory_space<vmem>>, vector<16xi32>,
    %swap3A_17 = vector.shape_cast %swap3A_16 : vector<16xi32> to vector<16xi32>
    %swap3A_18 = vector.shape_cast %min3A_15 : vector<16xi32> to vector<16xi32>
    tpu.vector_store %arg12[%swap3A], %swap3A_18 {strides = array<i32>} : memref<128xi32, #tpu.memory_space<vmem>>, vector<16xi32>,
    %get3A_19 = arith.constant 16 : index
    %get3A_20 = tpu.vector_load %arg11[%get3A_19] {strides = array<i32>} : memref<128xi32, #tpu.memory_space<vmem>>, vector<16xi32>,
    %get3A_21 = vector.shape_cast %get3A_20 : vector<16xi32> to vector<16xi32>
    %jit3A_22 = arith.constant 0 : i32
    %jit3A_23 = arith.constant 1023 : i32
    %max3A_24 = vector.broadcast %jit3A_22 : i32 to vector<16xi32>
    %max3A_25 = arith.maxsi %max3A_24, %get3A_21 : vector<16xi32>
    %min3A_26 = vector.broadcast %jit3A_23 : i32 to vector<16xi32>
    %min3A_27 = arith.minsi %min3A_26, %max3A_25 : vector<16xi32>
    %swap3A_28 = arith.constant 16 : index
    %swap3A_29 = tpu.vector_load %arg12[%swap3A_28] {strides = array<i32>} : memref<128xi32, #tpu.memory_space<vmem>>, vector<16xi32>,
    %swap3A_30 = vector.shape_cast %swap3A_29 : vector<16xi32> to vector<16xi32>
    %swap3A_31 = vector.shape_cast %min3A_27 : vector<16xi32> to vector<16xi32>
    tpu.vector_store %arg12[%swap3A_28], %swap3A_31 {strides = array<i32>} : memref<128xi32, #tpu.memory_space<vmem>>, vector<16xi32>,
    %get3A_32 = arith.constant 32 : index
    %get3A_33 = tpu.vector_load %arg11[%get3A_32] {strides = array<i32>} : memref<128xi32, #tpu.memory_space<vmem>>, vector<16xi32>,
    %get3A_34 = vector.shape_cast %get3A_33 : vector<16xi32> to vector<16xi32>
    %jit3A_35 = arith.constant 0 : i32
    %jit3A_36 = arith.constant 1023 : i32
    %max3A_37 = vector.broadcast %jit3A_35 : i32 to vector<16xi32>
    %max3A_38 = arith.maxsi %max3A_37, %get3A_34 : vector<16xi32>
    %min3A_39 = vector.broadcast %jit3A_36 : i32 to vector<16xi32>
    %min3A_40 = arith.minsi %min3A_39, %max3A_38 : vector<16xi32>
    %swap3A_41 = arith.constant 32 : index
    %swap3A_42 = tpu.vector_load %arg12[%swap3A_41] {strides = array<i32>} : memref<128xi32, #tpu.memory_space<vmem>>, vector<16xi32>,
    %swap3A_43 = vector.shape_cast %swap3A_42 : vector<16xi32> to vector<16xi32>
    %swap3A_44 = vector.shape_cast %min3A_40 : vector<16xi32> to vector<16xi32>
    tpu.vector_store %arg12[%swap3A_41], %swap3A_44 {strides = array<i32>} : memref<128xi32, #tpu.memory_space<vmem>>, vector<16xi32>,
    %get3A_45 = arith.constant 48 : index
    %get3A_46 = tpu.vector_load %arg11[%get3A_45] {strides = array<i32>} : memref<128xi32, #tpu.memory_space<vmem>>, vector<16xi32>,
    %get3A_47 = vector.shape_cast %get3A_46 : vector<16xi32> to vector<16xi32>
    %jit3A_48 = arith.constant 0 : i32
    %jit3A_49 = arith.constant 1023 : i32
    %max3A_50 = vector.broadcast %jit3A_48 : i32 to vector<16xi32>
    %max3A_51 = arith.maxsi %max3A_50, %get3A_47 : vector<16xi32>
    %min3A_52 = vector.broadcast %jit3A_49 : i32 to vector<16xi32>
    %min3A_53 = arith.minsi %min3A_52, %max3A_51 : vector<16xi32>
    %swap3A_54 = arith.constant 48 : index
    %swap3A_55 = tpu.vector_load %arg12[%swap3A_54] {strides = array<i32>} : memref<128xi32, #tpu.memory_space<vmem>>, vector<16xi32>,
    %swap3A_56 = vector.shape_cast %swap3A_55 : vector<16xi32> to vector<16xi32>
    %swap3A_57 = vector.shape_cast %min3A_53 : vector<16xi32> to vector<16xi32>
    tpu.vector_store %arg12[%swap3A_54], %swap3A_57 {strides = array<i32>} : memref<128xi32, #tpu.memory_space<vmem>>, vector<16xi32>,
    %get3A_58 = arith.constant 64 : index
    %get3A_59 = tpu.vector_load %arg11[%get3A_58] {strides = array<i32>} : memref<128xi32, #tpu.memory_space<vmem>>, vector<16xi32>,
    %get3A_60 = vector.shape_cast %get3A_59 : vector<16xi32> to vector<16xi32>
    %jit3A_61 = arith.constant 0 : i32
    %jit3A_62 = arith.constant 1023 : i32
    %max3A_63 = vector.broadcast %jit3A_61 : i32 to vector<16xi32>
    %max3A_64 = arith.maxsi %max3A_63, %get3A_60 : vector<16xi32>
    %min3A_65 = vector.broadcast %jit3A_62 : i32 to vector<16xi32>
    %min3A_66 = arith.minsi %min3A_65, %max3A_64 : vector<16xi32>
    %swap3A_67 = arith.constant 64 : index
    %swap3A_68 = tpu.vector_load %arg12[%swap3A_67] {strides = array<i32>} : memref<128xi32, #tpu.memory_space<vmem>>, vector<16xi32>,
    %swap3A_69 = vector.shape_cast %swap3A_68 : vector<16xi32> to vector<16xi32>
    %swap3A_70 = vector.shape_cast %min3A_66 : vector<16xi32> to vector<16xi32>
    tpu.vector_store %arg12[%swap3A_67], %swap3A_70 {strides = array<i32>} : memref<128xi32, #tpu.memory_space<vmem>>, vector<16xi32>,
    %get3A_71 = arith.constant 80 : index
    %get3A_72 = tpu.vector_load %arg11[%get3A_71] {strides = array<i32>} : memref<128xi32, #tpu.memory_space<vmem>>, vector<16xi32>,
    %get3A_73 = vector.shape_cast %get3A_72 : vector<16xi32> to vector<16xi32>
    %jit3A_74 = arith.constant 0 : i32
    %jit3A_75 = arith.constant 1023 : i32
    %max3A_76 = vector.broadcast %jit3A_74 : i32 to vector<16xi32>
    %max3A_77 = arith.maxsi %max3A_76, %get3A_73 : vector<16xi32>
    %min3A_78 = vector.broadcast %jit3A_75 : i32 to vector<16xi32>
    %min3A_79 = arith.minsi %min3A_78, %max3A_77 : vector<16xi32>
    %swap3A_80 = arith.constant 80 : index
    %swap3A_81 = tpu.vector_load %arg12[%swap3A_80] {strides = array<i32>} : memref<128xi32, #tpu.memory_space<vmem>>, vector<16xi32>,
    %swap3A_82 = vector.shape_cast %swap3A_81 : vector<16xi32> to vector<16xi32>
    %swap3A_83 = vector.shape_cast %min3A_79 : vector<16xi32> to vector<16xi32>
    tpu.vector_store %arg12[%swap3A_80], %swap3A_83 {strides = array<i32>} : memref<128xi32, #tpu.memory_space<vmem>>, vector<16xi32>,
    %get3A_84 = arith.constant 96 : index
    %get3A_85 = tpu.vector_load %arg11[%get3A_84] {strides = array<i32>} : memref<128xi32, #tpu.memory_space<vmem>>, vector<16xi32>,
    %get3A_86 = vector.shape_cast %get3A_85 : vector<16xi32> to vector<16xi32>
    %jit3A_87 = arith.constant 0 : i32
    %jit3A_88 = arith.constant 1023 : i32
    %max3A_89 = vector.broadcast %jit3A_87 : i32 to vector<16xi32>
    %max3A_90 = arith.maxsi %max3A_89, %get3A_86 : vector<16xi32>
    %min3A_91 = vector.broadcast %jit3A_88 : i32 to vector<16xi32>
    %min3A_92 = arith.minsi %min3A_91, %max3A_90 : vector<16xi32>
    %swap3A_93 = arith.constant 96 : index
    %swap3A_94 = tpu.vector_load %arg12[%swap3A_93] {strides = array<i32>} : memref<128xi32, #tpu.memory_space<vmem>>, vector<16xi32>,
    %swap3A_95 = vector.shape_cast %swap3A_94 : vector<16xi32> to vector<16xi32>
    %swap3A_96 = vector.shape_cast %min3A_92 : vector<16xi32> to vector<16xi32>
    tpu.vector_store %arg12[%swap3A_93], %swap3A_96 {strides = array<i32>} : memref<128xi32, #tpu.memory_space<vmem>>, vector<16xi32>,
    %get3A_97 = arith.constant 112 : index
    %get3A_98 = tpu.vector_load %arg11[%get3A_97] {strides = array<i32>} : memref<128xi32, #tpu.memory_space<vmem>>, vector<16xi32>,
    %get3A_99 = vector.shape_cast %get3A_98 : vector<16xi32> to vector<16xi32>
    %jit3A_100 = arith.constant 0 : i32
    %jit3A_101 = arith.constant 1023 : i32
    %max3A_102 = vector.broadcast %jit3A_100 : i32 to vector<16xi32>
    %max3A_103 = arith.maxsi %max3A_102, %get3A_99 : vector<16xi32>
    %min3A_104 = vector.broadcast %jit3A_101 : i32 to vector<16xi32>
    %min3A_105 = arith.minsi %min3A_104, %max3A_103 : vector<16xi32>
    %swap3A_106 = arith.constant 112 : index
    %swap3A_107 = tpu.vector_load %arg12[%swap3A_106] {strides = array<i32>} : memref<128xi32, #tpu.memory_space<vmem>>, vector<16xi32>,
    %swap3A_108 = vector.shape_cast %swap3A_107 : vector<16xi32> to vector<16xi32>
    %swap3A_109 = vector.shape_cast %min3A_105 : vector<16xi32> to vector<16xi32>
    tpu.vector_store %arg12[%swap3A_106], %swap3A_109 {strides = array<i32>} : memref<128xi32, #tpu.memory_space<vmem>>, vector<16xi32>,
    %dma_start3A_110 = arith.constant 0 : i32
    %dma_start3A_111 = arith.constant 0 : i32
    %dma_start3A_112 = tpu.memref_slice %arg4[%dma_start3A_110, %dma_start3A_111] : memref<1024x128xf32, #tpu.memory_space<hbm>> -> memref<1024x128xf32, #tpu.memory_space<hbm>>
    tpu.enqueue_indirect_dma source(%dma_start3A_112 : memref<1024x128xf32, #tpu.memory_space<hbm>>) target(%arg15 : memref<128x128xf32, #tpu.memory_space<vmem>>) offsets(%arg12 : memref<128xi32, #tpu.memory_space<vmem>>) semaphore(%arg19 : memref<!tpu.dma_semaphore, #tpu.memory_space<semaphore_mem>>)
    %dma_start3A_113 = arith.constant 0 : i32
    %dma_start3A_114 = tpu.memref_slice %arg5[%dma_start3A_113] : memref<1024xi32, #tpu.memory_space<hbm>> -> memref<1024xi32, #tpu.memory_space<hbm>>
    tpu.enqueue_indirect_dma source(%dma_start3A_114 : memref<1024xi32, #tpu.memory_space<hbm>>) target(%arg13 : memref<128xi32, #tpu.memory_space<vmem>>) offsets(%arg12 : memref<128xi32, #tpu.memory_space<vmem>>) semaphore(%arg19 : memref<!tpu.dma_semaphore, #tpu.memory_space<semaphore_mem>>)
    %dma_wait3A_115 = tpu.memref_slice %arg6[%mul3A_2] : memref<4096xf32, #tpu.memory_space<hbm>> -> memref<128xf32, #tpu.memory_space<hbm>>
    %dma_wait3A_116 = tpu.memref_slice %arg6[%mul3A_2] : memref<4096xf32, #tpu.memory_space<hbm>> -> memref<128xf32, #tpu.memory_space<hbm>>
    tpu.wait_dma2 semaphore(%arg20 : memref<!tpu.dma_semaphore, #tpu.memory_space<semaphore_mem>>) src(%dma_wait3A_116 : memref<128xf32, #tpu.memory_space<hbm>>) dst(%arg14 : memref<128xf32, #tpu.memory_space<vmem>>)
    %dma_wait3A_117 = arith.constant 0 : i32
    %dma_wait3A_118 = arith.constant 0 : i32
    %dma_wait3A_119 = tpu.memref_slice %arg4[%dma_wait3A_117, %dma_wait3A_118] : memref<1024x128xf32, #tpu.memory_space<hbm>> -> memref<1024x128xf32, #tpu.memory_space<hbm>>
    tpu.wait_indirect_dma semaphore(%arg19 : memref<!tpu.dma_semaphore, #tpu.memory_space<semaphore_mem>>) src(%dma_wait3A_119 : memref<1024x128xf32, #tpu.memory_space<hbm>>) dst(%arg15 : memref<128x128xf32, #tpu.memory_space<vmem>>)
    %dma_wait3A_120 = arith.constant 0 : i32
    %dma_wait3A_121 = tpu.memref_slice %arg5[%dma_wait3A_120] : memref<1024xi32, #tpu.memory_space<hbm>> -> memref<1024xi32, #tpu.memory_space<hbm>>
    tpu.wait_indirect_dma semaphore(%arg19 : memref<!tpu.dma_semaphore, #tpu.memory_space<semaphore_mem>>) src(%dma_wait3A_121 : memref<1024xi32, #tpu.memory_space<hbm>>) dst(%arg13 : memref<128xi32, #tpu.memory_space<vmem>>)
    %scan3A = arith.constant 0 : i32
    %scan3A_122 = arith.constant 0 : i32
    %scan3A_123 = arith.constant 8 : i32
    %scan3A_124 = arith.addi %scan3A_122, %scan3A_123 : i32
    %scan3A_125 = arith.constant 1 : i32
    scf.for %scan3A_151 = %scan3A_122 to %scan3A_124 step %scan3A_125  : i32 {
      %mul3A_152 = arith.constant 16 : i32
      %mul3A_153 = arith.muli %scan3A_151, %mul3A_152 : i32
      %get3A_154 = arith.index_cast %mul3A_153 : i32 to index
      %get3A_155 = tpu.vector_load %arg13[%get3A_154] {strides = array<i32>} : memref<128xi32, #tpu.memory_space<vmem>>, vector<16xi32>,
      %get3A_156 = vector.shape_cast %get3A_155 : vector<16xi32> to vector<16xi32>
      %get3A_157 = arith.index_cast %mul3A_153 : i32 to index
      %get3A_158 = tpu.vector_load %arg11[%get3A_157] {strides = array<i32>} : memref<128xi32, #tpu.memory_space<vmem>>, vector<16xi32>,
      %get3A_159 = vector.shape_cast %get3A_158 : vector<16xi32> to vector<16xi32>
      %get3A_160 = arith.index_cast %mul3A_153 : i32 to index
      %get3A_161 = tpu.vector_load %arg14[%get3A_160] {strides = array<i32>} : memref<128xf32, #tpu.memory_space<vmem>>, vector<16xf32>,
      %get3A_162 = vector.shape_cast %get3A_161 : vector<16xf32> to vector<16xf32>
      %ge3A = arith.constant 0 : i32
      %ge3A_163 = vector.broadcast %ge3A : i32 to vector<16xi32>
      %ge3A_164 = arith.cmpi sge, %get3A_159, %ge3A_163 : vector<16xi32>
      %lt3A = arith.constant 1024 : i32
      %lt3A_165 = vector.broadcast %lt3A : i32 to vector<16xi32>
      %lt3A_166 = arith.cmpi slt, %get3A_159, %lt3A_165 : vector<16xi32>
      %and3A = arith.andi %ge3A_164, %lt3A_166 : vector<16xi1>
      %jit3A_167 = arith.constant 0 : i32
      %broadcast_in_dim3A = vector.broadcast %jit3A_167 : i32 to vector<16xi32>
      %select_n3A = arith.select %and3A, %get3A_156, %broadcast_in_dim3A : vector<16xi1>, vector<16xi32>
      %slice3A = vector.extract_strided_slice %select_n3A {offsets = [0], sizes = [1], strides = [1]} : vector<16xi32> to vector<1xi32>
      %squeeze3A = vector.extract %slice3A[0] : i32 from vector<1xi32>
      %slice3A_168 = vector.extract_strided_slice %get3A_162 {offsets = [0], sizes = [1], strides = [1]} : vector<16xf32> to vector<1xf32>
      %squeeze3A_169 = vector.extract %slice3A_168[0] : f32 from vector<1xf32>
      %add3A_170 = arith.constant 0 : i32
      %add3A_171 = arith.addi %mul3A_153, %add3A_170 : i32
      %iota3A = tpu.iota {dimensions = array<i32: 0>} : vector<16xi32>
      %add3A_172 = arith.constant 0 : i32
      %add3A_173 = vector.broadcast %add3A_172 : i32 to vector<16xi32>
      %add3A_174 = arith.addi %iota3A, %add3A_173 : vector<16xi32>
      %lt3A_175 = vector.broadcast %squeeze3A : i32 to vector<16xi32>
      %lt3A_176 = arith.cmpi slt, %add3A_174, %lt3A_175 : vector<16xi32>
      %get3A_177 = arith.index_cast %add3A_171 : i32 to index
      %get3A_178 = arith.constant 64 : index
      %get3A_179 = tpu.vector_load %arg15[%get3A_177, %get3A_178] {strides = array<i32>} : memref<128x128xf32, #tpu.memory_space<vmem>>, vector<1x16xf32>,
      %get3A_180 = vector.shape_cast %get3A_179 : vector<1x16xf32> to vector<16xf32>
      %jit3A_181 = arith.constant -1.000000e+00 : f32
      %broadcast_in_dim3A_182 = vector.broadcast %jit3A_181 : f32 to vector<16xf32>
      %select_n3A_183 = arith.select %lt3A_176, %get3A_180, %broadcast_in_dim3A_182 : vector<16xi1>, vector<16xf32>
      %get3A_184 = arith.index_cast %add3A_171 : i32 to index
      %get3A_185 = arith.constant 0 : index
      %get3A_186 = tpu.vector_load %arg15[%get3A_184, %get3A_185] {strides = array<i32>} : memref<128x128xf32, #tpu.memory_space<vmem>>, vector<1x16xf32>,
      %get3A_187 = vector.shape_cast %get3A_186 : vector<1x16xf32> to vector<16xf32>
      %jit3A_188 = arith.constant 0.000000e+00 : f32
      %broadcast_in_dim3A_189 = vector.broadcast %jit3A_188 : f32 to vector<16xf32>
      %select_n3A_190 = arith.select %lt3A_176, %get3A_187, %broadcast_in_dim3A_189 : vector<16xi1>, vector<16xf32>
      %swap3A_191 = arith.index_cast %add3A_171 : i32 to index
      %swap3A_192 = arith.constant 0 : index
      %swap3A_193 = tpu.vector_load %arg16[%swap3A_191, %swap3A_192] {strides = array<i32>} : memref<128x64xf32, #tpu.memory_space<vmem>>, vector<1x16xf32>,
      %swap3A_194 = vector.shape_cast %swap3A_193 : vector<1x16xf32> to vector<16xf32>
      %swap3A_195 = vector.shape_cast %select_n3A_190 : vector<16xf32> to vector<1x16xf32>
      tpu.vector_store %arg16[%swap3A_191, %swap3A_192], %swap3A_195 {strides = array<i32>} : memref<128x64xf32, #tpu.memory_space<vmem>>, vector<1x16xf32>,
      %convert_element_type3A = arith.fptosi %select_n3A_183 : vector<16xf32> to vector<16xi32>
      %swap3A_196 = arith.index_cast %add3A_171 : i32 to index
      %swap3A_197 = arith.constant 0 : index
      %swap3A_198 = tpu.vector_load %arg17[%swap3A_196, %swap3A_197] {strides = array<i32>} : memref<128x64xi32, #tpu.memory_space<vmem>>, vector<1x16xi32>,
      %swap3A_199 = vector.shape_cast %swap3A_198 : vector<1x16xi32> to vector<16xi32>
      %swap3A_200 = vector.shape_cast %convert_element_type3A : vector<16xi32> to vector<1x16xi32>
      tpu.vector_store %arg17[%swap3A_196, %swap3A_197], %swap3A_200 {strides = array<i32>} : memref<128x64xi32, #tpu.memory_space<vmem>>, vector<1x16xi32>,
      %jit3A_201 = arith.constant 0.000000e+00 : f32
      %broadcast_in_dim3A_202 = vector.broadcast %squeeze3A_169 : f32 to vector<16xf32>
      %broadcast_in_dim3A_203 = vector.broadcast %jit3A_201 : f32 to vector<16xf32>
      %select_n3A_204 = arith.select %lt3A_176, %broadcast_in_dim3A_202, %broadcast_in_dim3A_203 : vector<16xi1>, vector<16xf32>
      %swap3A_205 = arith.index_cast %add3A_171 : i32 to index
      %swap3A_206 = arith.constant 0 : index
      %swap3A_207 = tpu.vector_load %arg18[%swap3A_205, %swap3A_206] {strides = array<i32>} : memref<128x64xf32, #tpu.memory_space<vmem>>, vector<1x16xf32>,
      %swap3A_208 = vector.shape_cast %swap3A_207 : vector<1x16xf32> to vector<16xf32>
      %swap3A_209 = vector.shape_cast %select_n3A_204 : vector<16xf32> to vector<1x16xf32>
      tpu.vector_store %arg18[%swap3A_205, %swap3A_206], %swap3A_209 {strides = array<i32>} : memref<128x64xf32, #tpu.memory_space<vmem>>, vector<1x16xf32>,
      %iota3A_210 = tpu.iota {dimensions = array<i32: 0>} : vector<16xi32>
      %add3A_211 = arith.constant 16 : i32
      %add3A_212 = vector.broadcast %add3A_211 : i32 to vector<16xi32>
      %add3A_213 = arith.addi %iota3A_210, %add3A_212 : vector<16xi32>
      %lt3A_214 = vector.broadcast %squeeze3A : i32 to vector<16xi32>
      %lt3A_215 = arith.cmpi slt, %add3A_213, %lt3A_214 : vector<16xi32>
      %get3A_216 = arith.index_cast %add3A_171 : i32 to index
      %get3A_217 = arith.constant 80 : index
      %get3A_218 = tpu.vector_load %arg15[%get3A_216, %get3A_217] {strides = array<i32>} : memref<128x128xf32, #tpu.memory_space<vmem>>, vector<1x16xf32>,
      %get3A_219 = vector.shape_cast %get3A_218 : vector<1x16xf32> to vector<16xf32>
      %jit3A_220 = arith.constant -1.000000e+00 : f32
      %broadcast_in_dim3A_221 = vector.broadcast %jit3A_220 : f32 to vector<16xf32>
      %select_n3A_222 = arith.select %lt3A_215, %get3A_219, %broadcast_in_dim3A_221 : vector<16xi1>, vector<16xf32>
      %get3A_223 = arith.index_cast %add3A_171 : i32 to index
      %get3A_224 = arith.constant 16 : index
      %get3A_225 = tpu.vector_load %arg15[%get3A_223, %get3A_224] {strides = array<i32>} : memref<128x128xf32, #tpu.memory_space<vmem>>, vector<1x16xf32>,
      %get3A_226 = vector.shape_cast %get3A_225 : vector<1x16xf32> to vector<16xf32>
      %jit3A_227 = arith.constant 0.000000e+00 : f32
      %broadcast_in_dim3A_228 = vector.broadcast %jit3A_227 : f32 to vector<16xf32>
      %select_n3A_229 = arith.select %lt3A_215, %get3A_226, %broadcast_in_dim3A_228 : vector<16xi1>, vector<16xf32>
      %swap3A_230 = arith.index_cast %add3A_171 : i32 to index
      %swap3A_231 = arith.constant 16 : index
      %swap3A_232 = tpu.vector_load %arg16[%swap3A_230, %swap3A_231] {strides = array<i32>} : memref<128x64xf32, #tpu.memory_space<vmem>>, vector<1x16xf32>,
      %swap3A_233 = vector.shape_cast %swap3A_232 : vector<1x16xf32> to vector<16xf32>
      %swap3A_234 = vector.shape_cast %select_n3A_229 : vector<16xf32> to vector<1x16xf32>
      tpu.vector_store %arg16[%swap3A_230, %swap3A_231], %swap3A_234 {strides = array<i32>} : memref<128x64xf32, #tpu.memory_space<vmem>>, vector<1x16xf32>,
      %convert_element_type3A_235 = arith.fptosi %select_n3A_222 : vector<16xf32> to vector<16xi32>
      %swap3A_236 = arith.index_cast %add3A_171 : i32 to index
      %swap3A_237 = arith.constant 16 : index
      %swap3A_238 = tpu.vector_load %arg17[%swap3A_236, %swap3A_237] {strides = array<i32>} : memref<128x64xi32, #tpu.memory_space<vmem>>, vector<1x16xi32>,
      %swap3A_239 = vector.shape_cast %swap3A_238 : vector<1x16xi32> to vector<16xi32>
      %swap3A_240 = vector.shape_cast %convert_element_type3A_235 : vector<16xi32> to vector<1x16xi32>
      tpu.vector_store %arg17[%swap3A_236, %swap3A_237], %swap3A_240 {strides = array<i32>} : memref<128x64xi32, #tpu.memory_space<vmem>>, vector<1x16xi32>,
      %jit3A_241 = arith.constant 0.000000e+00 : f32
      %broadcast_in_dim3A_242 = vector.broadcast %squeeze3A_169 : f32 to vector<16xf32>
      %broadcast_in_dim3A_243 = vector.broadcast %jit3A_241 : f32 to vector<16xf32>
      %select_n3A_244 = arith.select %lt3A_215, %broadcast_in_dim3A_242, %broadcast_in_dim3A_243 : vector<16xi1>, vector<16xf32>
      %swap3A_245 = arith.index_cast %add3A_171 : i32 to index
      %swap3A_246 = arith.constant 16 : index
      %swap3A_247 = tpu.vector_load %arg18[%swap3A_245, %swap3A_246] {strides = array<i32>} : memref<128x64xf32, #tpu.memory_space<vmem>>, vector<1x16xf32>,
      %swap3A_248 = vector.shape_cast %swap3A_247 : vector<1x16xf32> to vector<16xf32>
      %swap3A_249 = vector.shape_cast %select_n3A_244 : vector<16xf32> to vector<1x16xf32>
      tpu.vector_store %arg18[%swap3A_245, %swap3A_246], %swap3A_249 {strides = array<i32>} : memref<128x64xf32, #tpu.memory_space<vmem>>, vector<1x16xf32>,
      %iota3A_250 = tpu.iota {dimensions = array<i32: 0>} : vector<16xi32>
      %add3A_251 = arith.constant 32 : i32
      %add3A_252 = vector.broadcast %add3A_251 : i32 to vector<16xi32>
      %add3A_253 = arith.addi %iota3A_250, %add3A_252 : vector<16xi32>
      %lt3A_254 = vector.broadcast %squeeze3A : i32 to vector<16xi32>
      %lt3A_255 = arith.cmpi slt, %add3A_253, %lt3A_254 : vector<16xi32>
      %get3A_256 = arith.index_cast %add3A_171 : i32 to index
      %get3A_257 = arith.constant 96 : index
      %get3A_258 = tpu.vector_load %arg15[%get3A_256, %get3A_257] {strides = array<i32>} : memref<128x128xf32, #tpu.memory_space<vmem>>, vector<1x16xf32>,
      %get3A_259 = vector.shape_cast %get3A_258 : vector<1x16xf32> to vector<16xf32>
      %jit3A_260 = arith.constant -1.000000e+00 : f32
      %broadcast_in_dim3A_261 = vector.broadcast %jit3A_260 : f32 to vector<16xf32>
      %select_n3A_262 = arith.select %lt3A_255, %get3A_259, %broadcast_in_dim3A_261 : vector<16xi1>, vector<16xf32>
      %get3A_263 = arith.index_cast %add3A_171 : i32 to index
      %get3A_264 = arith.constant 32 : index
      %get3A_265 = tpu.vector_load %arg15[%get3A_263, %get3A_264] {strides = array<i32>} : memref<128x128xf32, #tpu.memory_space<vmem>>, vector<1x16xf32>,
      %get3A_266 = vector.shape_cast %get3A_265 : vector<1x16xf32> to vector<16xf32>
      %jit3A_267 = arith.constant 0.000000e+00 : f32
      %broadcast_in_dim3A_268 = vector.broadcast %jit3A_267 : f32 to vector<16xf32>
      %select_n3A_269 = arith.select %lt3A_255, %get3A_266, %broadcast_in_dim3A_268 : vector<16xi1>, vector<16xf32>
      %swap3A_270 = arith.index_cast %add3A_171 : i32 to index
      %swap3A_271 = arith.constant 32 : index
      %swap3A_272 = tpu.vector_load %arg16[%swap3A_270, %swap3A_271] {strides = array<i32>} : memref<128x64xf32, #tpu.memory_space<vmem>>, vector<1x16xf32>,
      %swap3A_273 = vector.shape_cast %swap3A_272 : vector<1x16xf32> to vector<16xf32>
      %swap3A_274 = vector.shape_cast %select_n3A_269 : vector<16xf32> to vector<1x16xf32>
      tpu.vector_store %arg16[%swap3A_270, %swap3A_271], %swap3A_274 {strides = array<i32>} : memref<128x64xf32, #tpu.memory_space<vmem>>, vector<1x16xf32>,
      %convert_element_type3A_275 = arith.fptosi %select_n3A_262 : vector<16xf32> to vector<16xi32>
      %swap3A_276 = arith.index_cast %add3A_171 : i32 to index
      %swap3A_277 = arith.constant 32 : index
      %swap3A_278 = tpu.vector_load %arg17[%swap3A_276, %swap3A_277] {strides = array<i32>} : memref<128x64xi32, #tpu.memory_space<vmem>>, vector<1x16xi32>,
      %swap3A_279 = vector.shape_cast %swap3A_278 : vector<1x16xi32> to vector<16xi32>
      %swap3A_280 = vector.shape_cast %convert_element_type3A_275 : vector<16xi32> to vector<1x16xi32>
      tpu.vector_store %arg17[%swap3A_276, %swap3A_277], %swap3A_280 {strides = array<i32>} : memref<128x64xi32, #tpu.memory_space<vmem>>, vector<1x16xi32>,
      %jit3A_281 = arith.constant 0.000000e+00 : f32
      %broadcast_in_dim3A_282 = vector.broadcast %squeeze3A_169 : f32 to vector<16xf32>
      %broadcast_in_dim3A_283 = vector.broadcast %jit3A_281 : f32 to vector<16xf32>
      %select_n3A_284 = arith.select %lt3A_255, %broadcast_in_dim3A_282, %broadcast_in_dim3A_283 : vector<16xi1>, vector<16xf32>
      %swap3A_285 = arith.index_cast %add3A_171 : i32 to index
      %swap3A_286 = arith.constant 32 : index
      %swap3A_287 = tpu.vector_load %arg18[%swap3A_285, %swap3A_286] {strides = array<i32>} : memref<128x64xf32, #tpu.memory_space<vmem>>, vector<1x16xf32>,
      %swap3A_288 = vector.shape_cast %swap3A_287 : vector<1x16xf32> to vector<16xf32>
      %swap3A_289 = vector.shape_cast %select_n3A_284 : vector<16xf32> to vector<1x16xf32>
      tpu.vector_store %arg18[%swap3A_285, %swap3A_286], %swap3A_289 {strides = array<i32>} : memref<128x64xf32, #tpu.memory_space<vmem>>, vector<1x16xf32>,
      %iota3A_290 = tpu.iota {dimensions = array<i32: 0>} : vector<16xi32>
      %add3A_291 = arith.constant 48 : i32
      %add3A_292 = vector.broadcast %add3A_291 : i32 to vector<16xi32>
      %add3A_293 = arith.addi %iota3A_290, %add3A_292 : vector<16xi32>
      %lt3A_294 = vector.broadcast %squeeze3A : i32 to vector<16xi32>
      %lt3A_295 = arith.cmpi slt, %add3A_293, %lt3A_294 : vector<16xi32>
      %get3A_296 = arith.index_cast %add3A_171 : i32 to index
      %get3A_297 = arith.constant 112 : index
      %get3A_298 = tpu.vector_load %arg15[%get3A_296, %get3A_297] {strides = array<i32>} : memref<128x128xf32, #tpu.memory_space<vmem>>, vector<1x16xf32>,
      %get3A_299 = vector.shape_cast %get3A_298 : vector<1x16xf32> to vector<16xf32>
      %jit3A_300 = arith.constant -1.000000e+00 : f32
      %broadcast_in_dim3A_301 = vector.broadcast %jit3A_300 : f32 to vector<16xf32>
      %select_n3A_302 = arith.select %lt3A_295, %get3A_299, %broadcast_in_dim3A_301 : vector<16xi1>, vector<16xf32>
      %get3A_303 = arith.index_cast %add3A_171 : i32 to index
      %get3A_304 = arith.constant 48 : index
      %get3A_305 = tpu.vector_load %arg15[%get3A_303, %get3A_304] {strides = array<i32>} : memref<128x128xf32, #tpu.memory_space<vmem>>, vector<1x16xf32>,
      %get3A_306 = vector.shape_cast %get3A_305 : vector<1x16xf32> to vector<16xf32>
      %jit3A_307 = arith.constant 0.000000e+00 : f32
      %broadcast_in_dim3A_308 = vector.broadcast %jit3A_307 : f32 to vector<16xf32>
      %select_n3A_309 = arith.select %lt3A_295, %get3A_306, %broadcast_in_dim3A_308 : vector<16xi1>, vector<16xf32>
      %swap3A_310 = arith.index_cast %add3A_171 : i32 to index
      %swap3A_311 = arith.constant 48 : index
      %swap3A_312 = tpu.vector_load %arg16[%swap3A_310, %swap3A_311] {strides = array<i32>} : memref<128x64xf32, #tpu.memory_space<vmem>>, vector<1x16xf32>,
      %swap3A_313 = vector.shape_cast %swap3A_312 : vector<1x16xf32> to vector<16xf32>
      %swap3A_314 = vector.shape_cast %select_n3A_309 : vector<16xf32> to vector<1x16xf32>
      tpu.vector_store %arg16[%swap3A_310, %swap3A_311], %swap3A_314 {strides = array<i32>} : memref<128x64xf32, #tpu.memory_space<vmem>>, vector<1x16xf32>,
      %convert_element_type3A_315 = arith.fptosi %select_n3A_302 : vector<16xf32> to vector<16xi32>
      %swap3A_316 = arith.index_cast %add3A_171 : i32 to index
      %swap3A_317 = arith.constant 48 : index
      %swap3A_318 = tpu.vector_load %arg17[%swap3A_316, %swap3A_317] {strides = array<i32>} : memref<128x64xi32, #tpu.memory_space<vmem>>, vector<1x16xi32>,
      %swap3A_319 = vector.shape_cast %swap3A_318 : vector<1x16xi32> to vector<16xi32>
      %swap3A_320 = vector.shape_cast %convert_element_type3A_315 : vector<16xi32> to vector<1x16xi32>
      tpu.vector_store %arg17[%swap3A_316, %swap3A_317], %swap3A_320 {strides = array<i32>} : memref<128x64xi32, #tpu.memory_space<vmem>>, vector<1x16xi32>,
      %jit3A_321 = arith.constant 0.000000e+00 : f32
      %broadcast_in_dim3A_322 = vector.broadcast %squeeze3A_169 : f32 to vector<16xf32>
      %broadcast_in_dim3A_323 = vector.broadcast %jit3A_321 : f32 to vector<16xf32>
      %select_n3A_324 = arith.select %lt3A_295, %broadcast_in_dim3A_322, %broadcast_in_dim3A_323 : vector<16xi1>, vector<16xf32>
      %swap3A_325 = arith.index_cast %add3A_171 : i32 to index
      %swap3A_326 = arith.constant 48 : index
      %swap3A_327 = tpu.vector_load %arg18[%swap3A_325, %swap3A_326] {strides = array<i32>} : memref<128x64xf32, #tpu.memory_space<vmem>>, vector<1x16xf32>,
      %swap3A_328 = vector.shape_cast %swap3A_327 : vector<1x16xf32> to vector<16xf32>
      %swap3A_329 = vector.shape_cast %select_n3A_324 : vector<16xf32> to vector<1x16xf32>
      tpu.vector_store %arg18[%swap3A_325, %swap3A_326], %swap3A_329 {strides = array<i32>} : memref<128x64xf32, #tpu.memory_space<vmem>>, vector<1x16xf32>,
      %slice3A_330 = vector.extract_strided_slice %select_n3A {offsets = [1], sizes = [1], strides = [1]} : vector<16xi32> to vector<1xi32>
      %squeeze3A_331 = vector.extract %slice3A_330[0] : i32 from vector<1xi32>
      %slice3A_332 = vector.extract_strided_slice %get3A_162 {offsets = [1], sizes = [1], strides = [1]} : vector<16xf32> to vector<1xf32>
      %squeeze3A_333 = vector.extract %slice3A_332[0] : f32 from vector<1xf32>
      %add3A_334 = arith.constant 1 : i32
      %add3A_335 = arith.addi %mul3A_153, %add3A_334 : i32
      %iota3A_336 = tpu.iota {dimensions = array<i32: 0>} : vector<16xi32>
      %add3A_337 = arith.constant 0 : i32
      %add3A_338 = vector.broadcast %add3A_337 : i32 to vector<16xi32>
      %add3A_339 = arith.addi %iota3A_336, %add3A_338 : vector<16xi32>
      %lt3A_340 = vector.broadcast %squeeze3A_331 : i32 to vector<16xi32>
      %lt3A_341 = arith.cmpi slt, %add3A_339, %lt3A_340 : vector<16xi32>
      %get3A_342 = arith.index_cast %add3A_335 : i32 to index
      %get3A_343 = arith.constant 64 : index
      %get3A_344 = tpu.vector_load %arg15[%get3A_342, %get3A_343] {strides = array<i32>} : memref<128x128xf32, #tpu.memory_space<vmem>>, vector<1x16xf32>,
      %get3A_345 = vector.shape_cast %get3A_344 : vector<1x16xf32> to vector<16xf32>
      %jit3A_346 = arith.constant -1.000000e+00 : f32
      %broadcast_in_dim3A_347 = vector.broadcast %jit3A_346 : f32 to vector<16xf32>
      %select_n3A_348 = arith.select %lt3A_341, %get3A_345, %broadcast_in_dim3A_347 : vector<16xi1>, vector<16xf32>
      %get3A_349 = arith.index_cast %add3A_335 : i32 to index
      %get3A_350 = arith.constant 0 : index
      %get3A_351 = tpu.vector_load %arg15[%get3A_349, %get3A_350] {strides = array<i32>} : memref<128x128xf32, #tpu.memory_space<vmem>>, vector<1x16xf32>,
      %get3A_352 = vector.shape_cast %get3A_351 : vector<1x16xf32> to vector<16xf32>
      %jit3A_353 = arith.constant 0.000000e+00 : f32
      %broadcast_in_dim3A_354 = vector.broadcast %jit3A_353 : f32 to vector<16xf32>
      %select_n3A_355 = arith.select %lt3A_341, %get3A_352, %broadcast_in_dim3A_354 : vector<16xi1>, vector<16xf32>
      %swap3A_356 = arith.index_cast %add3A_335 : i32 to index
      %swap3A_357 = arith.constant 0 : index
      %swap3A_358 = tpu.vector_load %arg16[%swap3A_356, %swap3A_357] {strides = array<i32>} : memref<128x64xf32, #tpu.memory_space<vmem>>, vector<1x16xf32>,
      %swap3A_359 = vector.shape_cast %swap3A_358 : vector<1x16xf32> to vector<16xf32>
      %swap3A_360 = vector.shape_cast %select_n3A_355 : vector<16xf32> to vector<1x16xf32>
      tpu.vector_store %arg16[%swap3A_356, %swap3A_357], %swap3A_360 {strides = array<i32>} : memref<128x64xf32, #tpu.memory_space<vmem>>, vector<1x16xf32>,
      %convert_element_type3A_361 = arith.fptosi %select_n3A_348 : vector<16xf32> to vector<16xi32>
      %swap3A_362 = arith.index_cast %add3A_335 : i32 to index
      %swap3A_363 = arith.constant 0 : index
      %swap3A_364 = tpu.vector_load %arg17[%swap3A_362, %swap3A_363] {strides = array<i32>} : memref<128x64xi32, #tpu.memory_space<vmem>>, vector<1x16xi32>,
      %swap3A_365 = vector.shape_cast %swap3A_364 : vector<1x16xi32> to vector<16xi32>
      %swap3A_366 = vector.shape_cast %convert_element_type3A_361 : vector<16xi32> to vector<1x16xi32>
      tpu.vector_store %arg17[%swap3A_362, %swap3A_363], %swap3A_366 {strides = array<i32>} : memref<128x64xi32, #tpu.memory_space<vmem>>, vector<1x16xi32>,
      %jit3A_367 = arith.constant 0.000000e+00 : f32
      %broadcast_in_dim3A_368 = vector.broadcast %squeeze3A_333 : f32 to vector<16xf32>
      %broadcast_in_dim3A_369 = vector.broadcast %jit3A_367 : f32 to vector<16xf32>
      %select_n3A_370 = arith.select %lt3A_341, %broadcast_in_dim3A_368, %broadcast_in_dim3A_369 : vector<16xi1>, vector<16xf32>
      %swap3A_371 = arith.index_cast %add3A_335 : i32 to index
      %swap3A_372 = arith.constant 0 : index
      %swap3A_373 = tpu.vector_load %arg18[%swap3A_371, %swap3A_372] {strides = array<i32>} : memref<128x64xf32, #tpu.memory_space<vmem>>, vector<1x16xf32>,
      %swap3A_374 = vector.shape_cast %swap3A_373 : vector<1x16xf32> to vector<16xf32>
      %swap3A_375 = vector.shape_cast %select_n3A_370 : vector<16xf32> to vector<1x16xf32>
      tpu.vector_store %arg18[%swap3A_371, %swap3A_372], %swap3A_375 {strides = array<i32>} : memref<128x64xf32, #tpu.memory_space<vmem>>, vector<1x16xf32>,
      %iota3A_376 = tpu.iota {dimensions = array<i32: 0>} : vector<16xi32>
      %add3A_377 = arith.constant 16 : i32
      %add3A_378 = vector.broadcast %add3A_377 : i32 to vector<16xi32>
      %add3A_379 = arith.addi %iota3A_376, %add3A_378 : vector<16xi32>
      %lt3A_380 = vector.broadcast %squeeze3A_331 : i32 to vector<16xi32>
      %lt3A_381 = arith.cmpi slt, %add3A_379, %lt3A_380 : vector<16xi32>
      %get3A_382 = arith.index_cast %add3A_335 : i32 to index
      %get3A_383 = arith.constant 80 : index
      %get3A_384 = tpu.vector_load %arg15[%get3A_382, %get3A_383] {strides = array<i32>} : memref<128x128xf32, #tpu.memory_space<vmem>>, vector<1x16xf32>,
      %get3A_385 = vector.shape_cast %get3A_384 : vector<1x16xf32> to vector<16xf32>
      %jit3A_386 = arith.constant -1.000000e+00 : f32
      %broadcast_in_dim3A_387 = vector.broadcast %jit3A_386 : f32 to vector<16xf32>
      %select_n3A_388 = arith.select %lt3A_381, %get3A_385, %broadcast_in_dim3A_387 : vector<16xi1>, vector<16xf32>
      %get3A_389 = arith.index_cast %add3A_335 : i32 to index
      %get3A_390 = arith.constant 16 : index
      %get3A_391 = tpu.vector_load %arg15[%get3A_389, %get3A_390] {strides = array<i32>} : memref<128x128xf32, #tpu.memory_space<vmem>>, vector<1x16xf32>,
      %get3A_392 = vector.shape_cast %get3A_391 : vector<1x16xf32> to vector<16xf32>
      %jit3A_393 = arith.constant 0.000000e+00 : f32
      %broadcast_in_dim3A_394 = vector.broadcast %jit3A_393 : f32 to vector<16xf32>
      %select_n3A_395 = arith.select %lt3A_381, %get3A_392, %broadcast_in_dim3A_394 : vector<16xi1>, vector<16xf32>
      %swap3A_396 = arith.index_cast %add3A_335 : i32 to index
      %swap3A_397 = arith.constant 16 : index
      %swap3A_398 = tpu.vector_load %arg16[%swap3A_396, %swap3A_397] {strides = array<i32>} : memref<128x64xf32, #tpu.memory_space<vmem>>, vector<1x16xf32>,
      %swap3A_399 = vector.shape_cast %swap3A_398 : vector<1x16xf32> to vector<16xf32>
      %swap3A_400 = vector.shape_cast %select_n3A_395 : vector<16xf32> to vector<1x16xf32>
      tpu.vector_store %arg16[%swap3A_396, %swap3A_397], %swap3A_400 {strides = array<i32>} : memref<128x64xf32, #tpu.memory_space<vmem>>, vector<1x16xf32>,
      %convert_element_type3A_401 = arith.fptosi %select_n3A_388 : vector<16xf32> to vector<16xi32>
      %swap3A_402 = arith.index_cast %add3A_335 : i32 to index
      %swap3A_403 = arith.constant 16 : index
      %swap3A_404 = tpu.vector_load %arg17[%swap3A_402, %swap3A_403] {strides = array<i32>} : memref<128x64xi32, #tpu.memory_space<vmem>>, vector<1x16xi32>,
      %swap3A_405 = vector.shape_cast %swap3A_404 : vector<1x16xi32> to vector<16xi32>
      %swap3A_406 = vector.shape_cast %convert_element_type3A_401 : vector<16xi32> to vector<1x16xi32>
      tpu.vector_store %arg17[%swap3A_402, %swap3A_403], %swap3A_406 {strides = array<i32>} : memref<128x64xi32, #tpu.memory_space<vmem>>, vector<1x16xi32>,
      %jit3A_407 = arith.constant 0.000000e+00 : f32
      %broadcast_in_dim3A_408 = vector.broadcast %squeeze3A_333 : f32 to vector<16xf32>
      %broadcast_in_dim3A_409 = vector.broadcast %jit3A_407 : f32 to vector<16xf32>
      %select_n3A_410 = arith.select %lt3A_381, %broadcast_in_dim3A_408, %broadcast_in_dim3A_409 : vector<16xi1>, vector<16xf32>
      %swap3A_411 = arith.index_cast %add3A_335 : i32 to index
      %swap3A_412 = arith.constant 16 : index
      %swap3A_413 = tpu.vector_load %arg18[%swap3A_411, %swap3A_412] {strides = array<i32>} : memref<128x64xf32, #tpu.memory_space<vmem>>, vector<1x16xf32>,
      %swap3A_414 = vector.shape_cast %swap3A_413 : vector<1x16xf32> to vector<16xf32>
      %swap3A_415 = vector.shape_cast %select_n3A_410 : vector<16xf32> to vector<1x16xf32>
      tpu.vector_store %arg18[%swap3A_411, %swap3A_412], %swap3A_415 {strides = array<i32>} : memref<128x64xf32, #tpu.memory_space<vmem>>, vector<1x16xf32>,
      %iota3A_416 = tpu.iota {dimensions = array<i32: 0>} : vector<16xi32>
      %add3A_417 = arith.constant 32 : i32
      %add3A_418 = vector.broadcast %add3A_417 : i32 to vector<16xi32>
      %add3A_419 = arith.addi %iota3A_416, %add3A_418 : vector<16xi32>
      %lt3A_420 = vector.broadcast %squeeze3A_331 : i32 to vector<16xi32>
      %lt3A_421 = arith.cmpi slt, %add3A_419, %lt3A_420 : vector<16xi32>
      %get3A_422 = arith.index_cast %add3A_335 : i32 to index
      %get3A_423 = arith.constant 96 : index
      %get3A_424 = tpu.vector_load %arg15[%get3A_422, %get3A_423] {strides = array<i32>} : memref<128x128xf32, #tpu.memory_space<vmem>>, vector<1x16xf32>,
      %get3A_425 = vector.shape_cast %get3A_424 : vector<1x16xf32> to vector<16xf32>
      %jit3A_426 = arith.constant -1.000000e+00 : f32
      %broadcast_in_dim3A_427 = vector.broadcast %jit3A_426 : f32 to vector<16xf32>
      %select_n3A_428 = arith.select %lt3A_421, %get3A_425, %broadcast_in_dim3A_427 : vector<16xi1>, vector<16xf32>
      %get3A_429 = arith.index_cast %add3A_335 : i32 to index
      %get3A_430 = arith.constant 32 : index
      %get3A_431 = tpu.vector_load %arg15[%get3A_429, %get3A_430] {strides = array<i32>} : memref<128x128xf32, #tpu.memory_space<vmem>>, vector<1x16xf32>,
      %get3A_432 = vector.shape_cast %get3A_431 : vector<1x16xf32> to vector<16xf32>
      %jit3A_433 = arith.constant 0.000000e+00 : f32
      %broadcast_in_dim3A_434 = vector.broadcast %jit3A_433 : f32 to vector<16xf32>
      %select_n3A_435 = arith.select %lt3A_421, %get3A_432, %broadcast_in_dim3A_434 : vector<16xi1>, vector<16xf32>
      %swap3A_436 = arith.index_cast %add3A_335 : i32 to index
      %swap3A_437 = arith.constant 32 : index
      %swap3A_438 = tpu.vector_load %arg16[%swap3A_436, %swap3A_437] {strides = array<i32>} : memref<128x64xf32, #tpu.memory_space<vmem>>, vector<1x16xf32>,
      %swap3A_439 = vector.shape_cast %swap3A_438 : vector<1x16xf32> to vector<16xf32>
      %swap3A_440 = vector.shape_cast %select_n3A_435 : vector<16xf32> to vector<1x16xf32>
      tpu.vector_store %arg16[%swap3A_436, %swap3A_437], %swap3A_440 {strides = array<i32>} : memref<128x64xf32, #tpu.memory_space<vmem>>, vector<1x16xf32>,
      %convert_element_type3A_441 = arith.fptosi %select_n3A_428 : vector<16xf32> to vector<16xi32>
      %swap3A_442 = arith.index_cast %add3A_335 : i32 to index
      %swap3A_443 = arith.constant 32 : index
      %swap3A_444 = tpu.vector_load %arg17[%swap3A_442, %swap3A_443] {strides = array<i32>} : memref<128x64xi32, #tpu.memory_space<vmem>>, vector<1x16xi32>,
      %swap3A_445 = vector.shape_cast %swap3A_444 : vector<1x16xi32> to vector<16xi32>
      %swap3A_446 = vector.shape_cast %convert_element_type3A_441 : vector<16xi32> to vector<1x16xi32>
      tpu.vector_store %arg17[%swap3A_442, %swap3A_443], %swap3A_446 {strides = array<i32>} : memref<128x64xi32, #tpu.memory_space<vmem>>, vector<1x16xi32>,
      %jit3A_447 = arith.constant 0.000000e+00 : f32
      %broadcast_in_dim3A_448 = vector.broadcast %squeeze3A_333 : f32 to vector<16xf32>
      %broadcast_in_dim3A_449 = vector.broadcast %jit3A_447 : f32 to vector<16xf32>
      %select_n3A_450 = arith.select %lt3A_421, %broadcast_in_dim3A_448, %broadcast_in_dim3A_449 : vector<16xi1>, vector<16xf32>
      %swap3A_451 = arith.index_cast %add3A_335 : i32 to index
      %swap3A_452 = arith.constant 32 : index
      %swap3A_453 = tpu.vector_load %arg18[%swap3A_451, %swap3A_452] {strides = array<i32>} : memref<128x64xf32, #tpu.memory_space<vmem>>, vector<1x16xf32>,
      %swap3A_454 = vector.shape_cast %swap3A_453 : vector<1x16xf32> to vector<16xf32>
      %swap3A_455 = vector.shape_cast %select_n3A_450 : vector<16xf32> to vector<1x16xf32>
      tpu.vector_store %arg18[%swap3A_451, %swap3A_452], %swap3A_455 {strides = array<i32>} : memref<128x64xf32, #tpu.memory_space<vmem>>, vector<1x16xf32>,
      %iota3A_456 = tpu.iota {dimensions = array<i32: 0>} : vector<16xi32>
      %add3A_457 = arith.constant 48 : i32
      %add3A_458 = vector.broadcast %add3A_457 : i32 to vector<16xi32>
      %add3A_459 = arith.addi %iota3A_456, %add3A_458 : vector<16xi32>
      %lt3A_460 = vector.broadcast %squeeze3A_331 : i32 to vector<16xi32>
      %lt3A_461 = arith.cmpi slt, %add3A_459, %lt3A_460 : vector<16xi32>
      %get3A_462 = arith.index_cast %add3A_335 : i32 to index
      %get3A_463 = arith.constant 112 : index
      %get3A_464 = tpu.vector_load %arg15[%get3A_462, %get3A_463] {strides = array<i32>} : memref<128x128xf32, #tpu.memory_space<vmem>>, vector<1x16xf32>,
      %get3A_465 = vector.shape_cast %get3A_464 : vector<1x16xf32> to vector<16xf32>
      %jit3A_466 = arith.constant -1.000000e+00 : f32
      %broadcast_in_dim3A_467 = vector.broadcast %jit3A_466 : f32 to vector<16xf32>
      %select_n3A_468 = arith.select %lt3A_461, %get3A_465, %broadcast_in_dim3A_467 : vector<16xi1>, vector<16xf32>
      %get3A_469 = arith.index_cast %add3A_335 : i32 to index
      %get3A_470 = arith.constant 48 : index
      %get3A_471 = tpu.vector_load %arg15[%get3A_469, %get3A_470] {strides = array<i32>} : memref<128x128xf32, #tpu.memory_space<vmem>>, vector<1x16xf32>,
      %get3A_472 = vector.shape_cast %get3A_471 : vector<1x16xf32> to vector<16xf32>
      %jit3A_473 = arith.constant 0.000000e+00 : f32
      %broadcast_in_dim3A_474 = vector.broadcast %jit3A_473 : f32 to vector<16xf32>
      %select_n3A_475 = arith.select %lt3A_461, %get3A_472, %broadcast_in_dim3A_474 : vector<16xi1>, vector<16xf32>
      %swap3A_476 = arith.index_cast %add3A_335 : i32 to index
      %swap3A_477 = arith.constant 48 : index
      %swap3A_478 = tpu.vector_load %arg16[%swap3A_476, %swap3A_477] {strides = array<i32>} : memref<128x64xf32, #tpu.memory_space<vmem>>, vector<1x16xf32>,
      %swap3A_479 = vector.shape_cast %swap3A_478 : vector<1x16xf32> to vector<16xf32>
      %swap3A_480 = vector.shape_cast %select_n3A_475 : vector<16xf32> to vector<1x16xf32>
      tpu.vector_store %arg16[%swap3A_476, %swap3A_477], %swap3A_480 {strides = array<i32>} : memref<128x64xf32, #tpu.memory_space<vmem>>, vector<1x16xf32>,
      %convert_element_type3A_481 = arith.fptosi %select_n3A_468 : vector<16xf32> to vector<16xi32>
      %swap3A_482 = arith.index_cast %add3A_335 : i32 to index
      %swap3A_483 = arith.constant 48 : index
      %swap3A_484 = tpu.vector_load %arg17[%swap3A_482, %swap3A_483] {strides = array<i32>} : memref<128x64xi32, #tpu.memory_space<vmem>>, vector<1x16xi32>,
      %swap3A_485 = vector.shape_cast %swap3A_484 : vector<1x16xi32> to vector<16xi32>
      %swap3A_486 = vector.shape_cast %convert_element_type3A_481 : vector<16xi32> to vector<1x16xi32>
      tpu.vector_store %arg17[%swap3A_482, %swap3A_483], %swap3A_486 {strides = array<i32>} : memref<128x64xi32, #tpu.memory_space<vmem>>, vector<1x16xi32>,
      %jit3A_487 = arith.constant 0.000000e+00 : f32
      %broadcast_in_dim3A_488 = vector.broadcast %squeeze3A_333 : f32 to vector<16xf32>
      %broadcast_in_dim3A_489 = vector.broadcast %jit3A_487 : f32 to vector<16xf32>
      %select_n3A_490 = arith.select %lt3A_461, %broadcast_in_dim3A_488, %broadcast_in_dim3A_489 : vector<16xi1>, vector<16xf32>
      %swap3A_491 = arith.index_cast %add3A_335 : i32 to index
      %swap3A_492 = arith.constant 48 : index
      %swap3A_493 = tpu.vector_load %arg18[%swap3A_491, %swap3A_492] {strides = array<i32>} : memref<128x64xf32, #tpu.memory_space<vmem>>, vector<1x16xf32>,
      %swap3A_494 = vector.shape_cast %swap3A_493 : vector<1x16xf32> to vector<16xf32>
      %swap3A_495 = vector.shape_cast %select_n3A_490 : vector<16xf32> to vector<1x16xf32>
      tpu.vector_store %arg18[%swap3A_491, %swap3A_492], %swap3A_495 {strides = array<i32>} : memref<128x64xf32, #tpu.memory_space<vmem>>, vector<1x16xf32>,
      %slice3A_496 = vector.extract_strided_slice %select_n3A {offsets = [2], sizes = [1], strides = [1]} : vector<16xi32> to vector<1xi32>
      %squeeze3A_497 = vector.extract %slice3A_496[0] : i32 from vector<1xi32>
      %slice3A_498 = vector.extract_strided_slice %get3A_162 {offsets = [2], sizes = [1], strides = [1]} : vector<16xf32> to vector<1xf32>
      %squeeze3A_499 = vector.extract %slice3A_498[0] : f32 from vector<1xf32>
      %add3A_500 = arith.constant 2 : i32
      %add3A_501 = arith.addi %mul3A_153, %add3A_500 : i32
      %iota3A_502 = tpu.iota {dimensions = array<i32: 0>} : vector<16xi32>
      %add3A_503 = arith.constant 0 : i32
      %add3A_504 = vector.broadcast %add3A_503 : i32 to vector<16xi32>
      %add3A_505 = arith.addi %iota3A_502, %add3A_504 : vector<16xi32>
      %lt3A_506 = vector.broadcast %squeeze3A_497 : i32 to vector<16xi32>
      %lt3A_507 = arith.cmpi slt, %add3A_505, %lt3A_506 : vector<16xi32>
      %get3A_508 = arith.index_cast %add3A_501 : i32 to index
      %get3A_509 = arith.constant 64 : index
      %get3A_510 = tpu.vector_load %arg15[%get3A_508, %get3A_509] {strides = array<i32>} : memref<128x128xf32, #tpu.memory_space<vmem>>, vector<1x16xf32>,
      %get3A_511 = vector.shape_cast %get3A_510 : vector<1x16xf32> to vector<16xf32>
      %jit3A_512 = arith.constant -1.000000e+00 : f32
      %broadcast_in_dim3A_513 = vector.broadcast %jit3A_512 : f32 to vector<16xf32>
      %select_n3A_514 = arith.select %lt3A_507, %get3A_511, %broadcast_in_dim3A_513 : vector<16xi1>, vector<16xf32>
      %get3A_515 = arith.index_cast %add3A_501 : i32 to index
      %get3A_516 = arith.constant 0 : index
      %get3A_517 = tpu.vector_load %arg15[%get3A_515, %get3A_516] {strides = array<i32>} : memref<128x128xf32, #tpu.memory_space<vmem>>, vector<1x16xf32>,
      %get3A_518 = vector.shape_cast %get3A_517 : vector<1x16xf32> to vector<16xf32>
      %jit3A_519 = arith.constant 0.000000e+00 : f32
      %broadcast_in_dim3A_520 = vector.broadcast %jit3A_519 : f32 to vector<16xf32>
      %select_n3A_521 = arith.select %lt3A_507, %get3A_518, %broadcast_in_dim3A_520 : vector<16xi1>, vector<16xf32>
      %swap3A_522 = arith.index_cast %add3A_501 : i32 to index
      %swap3A_523 = arith.constant 0 : index
      %swap3A_524 = tpu.vector_load %arg16[%swap3A_522, %swap3A_523] {strides = array<i32>} : memref<128x64xf32, #tpu.memory_space<vmem>>, vector<1x16xf32>,
      %swap3A_525 = vector.shape_cast %swap3A_524 : vector<1x16xf32> to vector<16xf32>
      %swap3A_526 = vector.shape_cast %select_n3A_521 : vector<16xf32> to vector<1x16xf32>
      tpu.vector_store %arg16[%swap3A_522, %swap3A_523], %swap3A_526 {strides = array<i32>} : memref<128x64xf32, #tpu.memory_space<vmem>>, vector<1x16xf32>,
      %convert_element_type3A_527 = arith.fptosi %select_n3A_514 : vector<16xf32> to vector<16xi32>
      %swap3A_528 = arith.index_cast %add3A_501 : i32 to index
      %swap3A_529 = arith.constant 0 : index
      %swap3A_530 = tpu.vector_load %arg17[%swap3A_528, %swap3A_529] {strides = array<i32>} : memref<128x64xi32, #tpu.memory_space<vmem>>, vector<1x16xi32>,
      %swap3A_531 = vector.shape_cast %swap3A_530 : vector<1x16xi32> to vector<16xi32>
      %swap3A_532 = vector.shape_cast %convert_element_type3A_527 : vector<16xi32> to vector<1x16xi32>
      tpu.vector_store %arg17[%swap3A_528, %swap3A_529], %swap3A_532 {strides = array<i32>} : memref<128x64xi32, #tpu.memory_space<vmem>>, vector<1x16xi32>,
      %jit3A_533 = arith.constant 0.000000e+00 : f32
      %broadcast_in_dim3A_534 = vector.broadcast %squeeze3A_499 : f32 to vector<16xf32>
      %broadcast_in_dim3A_535 = vector.broadcast %jit3A_533 : f32 to vector<16xf32>
      %select_n3A_536 = arith.select %lt3A_507, %broadcast_in_dim3A_534, %broadcast_in_dim3A_535 : vector<16xi1>, vector<16xf32>
      %swap3A_537 = arith.index_cast %add3A_501 : i32 to index
      %swap3A_538 = arith.constant 0 : index
      %swap3A_539 = tpu.vector_load %arg18[%swap3A_537, %swap3A_538] {strides = array<i32>} : memref<128x64xf32, #tpu.memory_space<vmem>>, vector<1x16xf32>,
      %swap3A_540 = vector.shape_cast %swap3A_539 : vector<1x16xf32> to vector<16xf32>
      %swap3A_541 = vector.shape_cast %select_n3A_536 : vector<16xf32> to vector<1x16xf32>
      tpu.vector_store %arg18[%swap3A_537, %swap3A_538], %swap3A_541 {strides = array<i32>} : memref<128x64xf32, #tpu.memory_space<vmem>>, vector<1x16xf32>,
      %iota3A_542 = tpu.iota {dimensions = array<i32: 0>} : vector<16xi32>
      %add3A_543 = arith.constant 16 : i32
      %add3A_544 = vector.broadcast %add3A_543 : i32 to vector<16xi32>
      %add3A_545 = arith.addi %iota3A_542, %add3A_544 : vector<16xi32>
      %lt3A_546 = vector.broadcast %squeeze3A_497 : i32 to vector<16xi32>
      %lt3A_547 = arith.cmpi slt, %add3A_545, %lt3A_546 : vector<16xi32>
      %get3A_548 = arith.index_cast %add3A_501 : i32 to index
      %get3A_549 = arith.constant 80 : index
      %get3A_550 = tpu.vector_load %arg15[%get3A_548, %get3A_549] {strides = array<i32>} : memref<128x128xf32, #tpu.memory_space<vmem>>, vector<1x16xf32>,
      %get3A_551 = vector.shape_cast %get3A_550 : vector<1x16xf32> to vector<16xf32>
      %jit3A_552 = arith.constant -1.000000e+00 : f32
      %broadcast_in_dim3A_553 = vector.broadcast %jit3A_552 : f32 to vector<16xf32>
      %select_n3A_554 = arith.select %lt3A_547, %get3A_551, %broadcast_in_dim3A_553 : vector<16xi1>, vector<16xf32>
      %get3A_555 = arith.index_cast %add3A_501 : i32 to index
      %get3A_556 = arith.constant 16 : index
      %get3A_557 = tpu.vector_load %arg15[%get3A_555, %get3A_556] {strides = array<i32>} : memref<128x128xf32, #tpu.memory_space<vmem>>, vector<1x16xf32>,
      %get3A_558 = vector.shape_cast %get3A_557 : vector<1x16xf32> to vector<16xf32>
      %jit3A_559 = arith.constant 0.000000e+00 : f32
      %broadcast_in_dim3A_560 = vector.broadcast %jit3A_559 : f32 to vector<16xf32>
      %select_n3A_561 = arith.select %lt3A_547, %get3A_558, %broadcast_in_dim3A_560 : vector<16xi1>, vector<16xf32>
      %swap3A_562 = arith.index_cast %add3A_501 : i32 to index
      %swap3A_563 = arith.constant 16 : index
      %swap3A_564 = tpu.vector_load %arg16[%swap3A_562, %swap3A_563] {strides = array<i32>} : memref<128x64xf32, #tpu.memory_space<vmem>>, vector<1x16xf32>,
      %swap3A_565 = vector.shape_cast %swap3A_564 : vector<1x16xf32> to vector<16xf32>
      %swap3A_566 = vector.shape_cast %select_n3A_561 : vector<16xf32> to vector<1x16xf32>
      tpu.vector_store %arg16[%swap3A_562, %swap3A_563], %swap3A_566 {strides = array<i32>} : memref<128x64xf32, #tpu.memory_space<vmem>>, vector<1x16xf32>,
      %convert_element_type3A_567 = arith.fptosi %select_n3A_554 : vector<16xf32> to vector<16xi32>
      %swap3A_568 = arith.index_cast %add3A_501 : i32 to index
      %swap3A_569 = arith.constant 16 : index
      %swap3A_570 = tpu.vector_load %arg17[%swap3A_568, %swap3A_569] {strides = array<i32>} : memref<128x64xi32, #tpu.memory_space<vmem>>, vector<1x16xi32>,
      %swap3A_571 = vector.shape_cast %swap3A_570 : vector<1x16xi32> to vector<16xi32>
      %swap3A_572 = vector.shape_cast %convert_element_type3A_567 : vector<16xi32> to vector<1x16xi32>
      tpu.vector_store %arg17[%swap3A_568, %swap3A_569], %swap3A_572 {strides = array<i32>} : memref<128x64xi32, #tpu.memory_space<vmem>>, vector<1x16xi32>,
      %jit3A_573 = arith.constant 0.000000e+00 : f32
      %broadcast_in_dim3A_574 = vector.broadcast %squeeze3A_499 : f32 to vector<16xf32>
      %broadcast_in_dim3A_575 = vector.broadcast %jit3A_573 : f32 to vector<16xf32>
      %select_n3A_576 = arith.select %lt3A_547, %broadcast_in_dim3A_574, %broadcast_in_dim3A_575 : vector<16xi1>, vector<16xf32>
      %swap3A_577 = arith.index_cast %add3A_501 : i32 to index
      %swap3A_578 = arith.constant 16 : index
      %swap3A_579 = tpu.vector_load %arg18[%swap3A_577, %swap3A_578] {strides = array<i32>} : memref<128x64xf32, #tpu.memory_space<vmem>>, vector<1x16xf32>,
      %swap3A_580 = vector.shape_cast %swap3A_579 : vector<1x16xf32> to vector<16xf32>
      %swap3A_581 = vector.shape_cast %select_n3A_576 : vector<16xf32> to vector<1x16xf32>
      tpu.vector_store %arg18[%swap3A_577, %swap3A_578], %swap3A_581 {strides = array<i32>} : memref<128x64xf32, #tpu.memory_space<vmem>>, vector<1x16xf32>,
      %iota3A_582 = tpu.iota {dimensions = array<i32: 0>} : vector<16xi32>
      %add3A_583 = arith.constant 32 : i32
      %add3A_584 = vector.broadcast %add3A_583 : i32 to vector<16xi32>
      %add3A_585 = arith.addi %iota3A_582, %add3A_584 : vector<16xi32>
      %lt3A_586 = vector.broadcast %squeeze3A_497 : i32 to vector<16xi32>
      %lt3A_587 = arith.cmpi slt, %add3A_585, %lt3A_586 : vector<16xi32>
      %get3A_588 = arith.index_cast %add3A_501 : i32 to index
      %get3A_589 = arith.constant 96 : index
      %get3A_590 = tpu.vector_load %arg15[%get3A_588, %get3A_589] {strides = array<i32>} : memref<128x128xf32, #tpu.memory_space<vmem>>, vector<1x16xf32>,
      %get3A_591 = vector.shape_cast %get3A_590 : vector<1x16xf32> to vector<16xf32>
      %jit3A_592 = arith.constant -1.000000e+00 : f32
      %broadcast_in_dim3A_593 = vector.broadcast %jit3A_592 : f32 to vector<16xf32>
      %select_n3A_594 = arith.select %lt3A_587, %get3A_591, %broadcast_in_dim3A_593 : vector<16xi1>, vector<16xf32>
      %get3A_595 = arith.index_cast %add3A_501 : i32 to index
      %get3A_596 = arith.constant 32 : index
      %get3A_597 = tpu.vector_load %arg15[%get3A_595, %get3A_596] {strides = array<i32>} : memref<128x128xf32, #tpu.memory_space<vmem>>, vector<1x16xf32>,
      %get3A_598 = vector.shape_cast %get3A_597 : vector<1x16xf32> to vector<16xf32>
      %jit3A_599 = arith.constant 0.000000e+00 : f32
      %broadcast_in_dim3A_600 = vector.broadcast %jit3A_599 : f32 to vector<16xf32>
      %select_n3A_601 = arith.select %lt3A_587, %get3A_598, %broadcast_in_dim3A_600 : vector<16xi1>, vector<16xf32>
      %swap3A_602 = arith.index_cast %add3A_501 : i32 to index
      %swap3A_603 = arith.constant 32 : index
      %swap3A_604 = tpu.vector_load %arg16[%swap3A_602, %swap3A_603] {strides = array<i32>} : memref<128x64xf32, #tpu.memory_space<vmem>>, vector<1x16xf32>,
      %swap3A_605 = vector.shape_cast %swap3A_604 : vector<1x16xf32> to vector<16xf32>
      %swap3A_606 = vector.shape_cast %select_n3A_601 : vector<16xf32> to vector<1x16xf32>
      tpu.vector_store %arg16[%swap3A_602, %swap3A_603], %swap3A_606 {strides = array<i32>} : memref<128x64xf32, #tpu.memory_space<vmem>>, vector<1x16xf32>,
      %convert_element_type3A_607 = arith.fptosi %select_n3A_594 : vector<16xf32> to vector<16xi32>
      %swap3A_608 = arith.index_cast %add3A_501 : i32 to index
      %swap3A_609 = arith.constant 32 : index
      %swap3A_610 = tpu.vector_load %arg17[%swap3A_608, %swap3A_609] {strides = array<i32>} : memref<128x64xi32, #tpu.memory_space<vmem>>, vector<1x16xi32>,
      %swap3A_611 = vector.shape_cast %swap3A_610 : vector<1x16xi32> to vector<16xi32>
      %swap3A_612 = vector.shape_cast %convert_element_type3A_607 : vector<16xi32> to vector<1x16xi32>
      tpu.vector_store %arg17[%swap3A_608, %swap3A_609], %swap3A_612 {strides = array<i32>} : memref<128x64xi32, #tpu.memory_space<vmem>>, vector<1x16xi32>,
      %jit3A_613 = arith.constant 0.000000e+00 : f32
      %broadcast_in_dim3A_614 = vector.broadcast %squeeze3A_499 : f32 to vector<16xf32>
      %broadcast_in_dim3A_615 = vector.broadcast %jit3A_613 : f32 to vector<16xf32>
      %select_n3A_616 = arith.select %lt3A_587, %broadcast_in_dim3A_614, %broadcast_in_dim3A_615 : vector<16xi1>, vector<16xf32>
      %swap3A_617 = arith.index_cast %add3A_501 : i32 to index
      %swap3A_618 = arith.constant 32 : index
      %swap3A_619 = tpu.vector_load %arg18[%swap3A_617, %swap3A_618] {strides = array<i32>} : memref<128x64xf32, #tpu.memory_space<vmem>>, vector<1x16xf32>,
      %swap3A_620 = vector.shape_cast %swap3A_619 : vector<1x16xf32> to vector<16xf32>
      %swap3A_621 = vector.shape_cast %select_n3A_616 : vector<16xf32> to vector<1x16xf32>
      tpu.vector_store %arg18[%swap3A_617, %swap3A_618], %swap3A_621 {strides = array<i32>} : memref<128x64xf32, #tpu.memory_space<vmem>>, vector<1x16xf32>,
      %iota3A_622 = tpu.iota {dimensions = array<i32: 0>} : vector<16xi32>
      %add3A_623 = arith.constant 48 : i32
      %add3A_624 = vector.broadcast %add3A_623 : i32 to vector<16xi32>
      %add3A_625 = arith.addi %iota3A_622, %add3A_624 : vector<16xi32>
      %lt3A_626 = vector.broadcast %squeeze3A_497 : i32 to vector<16xi32>
      %lt3A_627 = arith.cmpi slt, %add3A_625, %lt3A_626 : vector<16xi32>
      %get3A_628 = arith.index_cast %add3A_501 : i32 to index
      %get3A_629 = arith.constant 112 : index
      %get3A_630 = tpu.vector_load %arg15[%get3A_628, %get3A_629] {strides = array<i32>} : memref<128x128xf32, #tpu.memory_space<vmem>>, vector<1x16xf32>,
      %get3A_631 = vector.shape_cast %get3A_630 : vector<1x16xf32> to vector<16xf32>
      %jit3A_632 = arith.constant -1.000000e+00 : f32
      %broadcast_in_dim3A_633 = vector.broadcast %jit3A_632 : f32 to vector<16xf32>
      %select_n3A_634 = arith.select %lt3A_627, %get3A_631, %broadcast_in_dim3A_633 : vector<16xi1>, vector<16xf32>
      %get3A_635 = arith.index_cast %add3A_501 : i32 to index
      %get3A_636 = arith.constant 48 : index
      %get3A_637 = tpu.vector_load %arg15[%get3A_635, %get3A_636] {strides = array<i32>} : memref<128x128xf32, #tpu.memory_space<vmem>>, vector<1x16xf32>,
      %get3A_638 = vector.shape_cast %get3A_637 : vector<1x16xf32> to vector<16xf32>
      %jit3A_639 = arith.constant 0.000000e+00 : f32
      %broadcast_in_dim3A_640 = vector.broadcast %jit3A_639 : f32 to vector<16xf32>
      %select_n3A_641 = arith.select %lt3A_627, %get3A_638, %broadcast_in_dim3A_640 : vector<16xi1>, vector<16xf32>
      %swap3A_642 = arith.index_cast %add3A_501 : i32 to index
      %swap3A_643 = arith.constant 48 : index
      %swap3A_644 = tpu.vector_load %arg16[%swap3A_642, %swap3A_643] {strides = array<i32>} : memref<128x64xf32, #tpu.memory_space<vmem>>, vector<1x16xf32>,
      %swap3A_645 = vector.shape_cast %swap3A_644 : vector<1x16xf32> to vector<16xf32>
      %swap3A_646 = vector.shape_cast %select_n3A_641 : vector<16xf32> to vector<1x16xf32>
      tpu.vector_store %arg16[%swap3A_642, %swap3A_643], %swap3A_646 {strides = array<i32>} : memref<128x64xf32, #tpu.memory_space<vmem>>, vector<1x16xf32>,
      %convert_element_type3A_647 = arith.fptosi %select_n3A_634 : vector<16xf32> to vector<16xi32>
      %swap3A_648 = arith.index_cast %add3A_501 : i32 to index
      %swap3A_649 = arith.constant 48 : index
      %swap3A_650 = tpu.vector_load %arg17[%swap3A_648, %swap3A_649] {strides = array<i32>} : memref<128x64xi32, #tpu.memory_space<vmem>>, vector<1x16xi32>,
      %swap3A_651 = vector.shape_cast %swap3A_650 : vector<1x16xi32> to vector<16xi32>
      %swap3A_652 = vector.shape_cast %convert_element_type3A_647 : vector<16xi32> to vector<1x16xi32>
      tpu.vector_store %arg17[%swap3A_648, %swap3A_649], %swap3A_652 {strides = array<i32>} : memref<128x64xi32, #tpu.memory_space<vmem>>, vector<1x16xi32>,
      %jit3A_653 = arith.constant 0.000000e+00 : f32
      %broadcast_in_dim3A_654 = vector.broadcast %squeeze3A_499 : f32 to vector<16xf32>
      %broadcast_in_dim3A_655 = vector.broadcast %jit3A_653 : f32 to vector<16xf32>
      %select_n3A_656 = arith.select %lt3A_627, %broadcast_in_dim3A_654, %broadcast_in_dim3A_655 : vector<16xi1>, vector<16xf32>
      %swap3A_657 = arith.index_cast %add3A_501 : i32 to index
      %swap3A_658 = arith.constant 48 : index
      %swap3A_659 = tpu.vector_load %arg18[%swap3A_657, %swap3A_658] {strides = array<i32>} : memref<128x64xf32, #tpu.memory_space<vmem>>, vector<1x16xf32>,
      %swap3A_660 = vector.shape_cast %swap3A_659 : vector<1x16xf32> to vector<16xf32>
      %swap3A_661 = vector.shape_cast %select_n3A_656 : vector<16xf32> to vector<1x16xf32>
      tpu.vector_store %arg18[%swap3A_657, %swap3A_658], %swap3A_661 {strides = array<i32>} : memref<128x64xf32, #tpu.memory_space<vmem>>, vector<1x16xf32>,
      %slice3A_662 = vector.extract_strided_slice %select_n3A {offsets = [3], sizes = [1], strides = [1]} : vector<16xi32> to vector<1xi32>
      %squeeze3A_663 = vector.extract %slice3A_662[0] : i32 from vector<1xi32>
      %slice3A_664 = vector.extract_strided_slice %get3A_162 {offsets = [3], sizes = [1], strides = [1]} : vector<16xf32> to vector<1xf32>
      %squeeze3A_665 = vector.extract %slice3A_664[0] : f32 from vector<1xf32>
      %add3A_666 = arith.constant 3 : i32
      %add3A_667 = arith.addi %mul3A_153, %add3A_666 : i32
      %iota3A_668 = tpu.iota {dimensions = array<i32: 0>} : vector<16xi32>
      %add3A_669 = arith.constant 0 : i32
      %add3A_670 = vector.broadcast %add3A_669 : i32 to vector<16xi32>
      %add3A_671 = arith.addi %iota3A_668, %add3A_670 : vector<16xi32>
      %lt3A_672 = vector.broadcast %squeeze3A_663 : i32 to vector<16xi32>
      %lt3A_673 = arith.cmpi slt, %add3A_671, %lt3A_672 : vector<16xi32>
      %get3A_674 = arith.index_cast %add3A_667 : i32 to index
      %get3A_675 = arith.constant 64 : index
      %get3A_676 = tpu.vector_load %arg15[%get3A_674, %get3A_675] {strides = array<i32>} : memref<128x128xf32, #tpu.memory_space<vmem>>, vector<1x16xf32>,
      %get3A_677 = vector.shape_cast %get3A_676 : vector<1x16xf32> to vector<16xf32>
      %jit3A_678 = arith.constant -1.000000e+00 : f32
      %broadcast_in_dim3A_679 = vector.broadcast %jit3A_678 : f32 to vector<16xf32>
      %select_n3A_680 = arith.select %lt3A_673, %get3A_677, %broadcast_in_dim3A_679 : vector<16xi1>, vector<16xf32>
      %get3A_681 = arith.index_cast %add3A_667 : i32 to index
      %get3A_682 = arith.constant 0 : index
      %get3A_683 = tpu.vector_load %arg15[%get3A_681, %get3A_682] {strides = array<i32>} : memref<128x128xf32, #tpu.memory_space<vmem>>, vector<1x16xf32>,
      %get3A_684 = vector.shape_cast %get3A_683 : vector<1x16xf32> to vector<16xf32>
      %jit3A_685 = arith.constant 0.000000e+00 : f32
      %broadcast_in_dim3A_686 = vector.broadcast %jit3A_685 : f32 to vector<16xf32>
      %select_n3A_687 = arith.select %lt3A_673, %get3A_684, %broadcast_in_dim3A_686 : vector<16xi1>, vector<16xf32>
      %swap3A_688 = arith.index_cast %add3A_667 : i32 to index
      %swap3A_689 = arith.constant 0 : index
      %swap3A_690 = tpu.vector_load %arg16[%swap3A_688, %swap3A_689] {strides = array<i32>} : memref<128x64xf32, #tpu.memory_space<vmem>>, vector<1x16xf32>,
      %swap3A_691 = vector.shape_cast %swap3A_690 : vector<1x16xf32> to vector<16xf32>
      %swap3A_692 = vector.shape_cast %select_n3A_687 : vector<16xf32> to vector<1x16xf32>
      tpu.vector_store %arg16[%swap3A_688, %swap3A_689], %swap3A_692 {strides = array<i32>} : memref<128x64xf32, #tpu.memory_space<vmem>>, vector<1x16xf32>,
      %convert_element_type3A_693 = arith.fptosi %select_n3A_680 : vector<16xf32> to vector<16xi32>
      %swap3A_694 = arith.index_cast %add3A_667 : i32 to index
      %swap3A_695 = arith.constant 0 : index
      %swap3A_696 = tpu.vector_load %arg17[%swap3A_694, %swap3A_695] {strides = array<i32>} : memref<128x64xi32, #tpu.memory_space<vmem>>, vector<1x16xi32>,
      %swap3A_697 = vector.shape_cast %swap3A_696 : vector<1x16xi32> to vector<16xi32>
      %swap3A_698 = vector.shape_cast %convert_element_type3A_693 : vector<16xi32> to vector<1x16xi32>
      tpu.vector_store %arg17[%swap3A_694, %swap3A_695], %swap3A_698 {strides = array<i32>} : memref<128x64xi32, #tpu.memory_space<vmem>>, vector<1x16xi32>,
      %jit3A_699 = arith.constant 0.000000e+00 : f32
      %broadcast_in_dim3A_700 = vector.broadcast %squeeze3A_665 : f32 to vector<16xf32>
      %broadcast_in_dim3A_701 = vector.broadcast %jit3A_699 : f32 to vector<16xf32>
      %select_n3A_702 = arith.select %lt3A_673, %broadcast_in_dim3A_700, %broadcast_in_dim3A_701 : vector<16xi1>, vector<16xf32>
      %swap3A_703 = arith.index_cast %add3A_667 : i32 to index
      %swap3A_704 = arith.constant 0 : index
      %swap3A_705 = tpu.vector_load %arg18[%swap3A_703, %swap3A_704] {strides = array<i32>} : memref<128x64xf32, #tpu.memory_space<vmem>>, vector<1x16xf32>,
      %swap3A_706 = vector.shape_cast %swap3A_705 : vector<1x16xf32> to vector<16xf32>
      %swap3A_707 = vector.shape_cast %select_n3A_702 : vector<16xf32> to vector<1x16xf32>
      tpu.vector_store %arg18[%swap3A_703, %swap3A_704], %swap3A_707 {strides = array<i32>} : memref<128x64xf32, #tpu.memory_space<vmem>>, vector<1x16xf32>,
      %iota3A_708 = tpu.iota {dimensions = array<i32: 0>} : vector<16xi32>
      %add3A_709 = arith.constant 16 : i32
      %add3A_710 = vector.broadcast %add3A_709 : i32 to vector<16xi32>
      %add3A_711 = arith.addi %iota3A_708, %add3A_710 : vector<16xi32>
      %lt3A_712 = vector.broadcast %squeeze3A_663 : i32 to vector<16xi32>
      %lt3A_713 = arith.cmpi slt, %add3A_711, %lt3A_712 : vector<16xi32>
      %get3A_714 = arith.index_cast %add3A_667 : i32 to index
      %get3A_715 = arith.constant 80 : index
      %get3A_716 = tpu.vector_load %arg15[%get3A_714, %get3A_715] {strides = array<i32>} : memref<128x128xf32, #tpu.memory_space<vmem>>, vector<1x16xf32>,
      %get3A_717 = vector.shape_cast %get3A_716 : vector<1x16xf32> to vector<16xf32>
      %jit3A_718 = arith.constant -1.000000e+00 : f32
      %broadcast_in_dim3A_719 = vector.broadcast %jit3A_718 : f32 to vector<16xf32>
      %select_n3A_720 = arith.select %lt3A_713, %get3A_717, %broadcast_in_dim3A_719 : vector<16xi1>, vector<16xf32>
      %get3A_721 = arith.index_cast %add3A_667 : i32 to index
      %get3A_722 = arith.constant 16 : index
      %get3A_723 = tpu.vector_load %arg15[%get3A_721, %get3A_722] {strides = array<i32>} : memref<128x128xf32, #tpu.memory_space<vmem>>, vector<1x16xf32>,
      %get3A_724 = vector.shape_cast %get3A_723 : vector<1x16xf32> to vector<16xf32>
      %jit3A_725 = arith.constant 0.000000e+00 : f32
      %broadcast_in_dim3A_726 = vector.broadcast %jit3A_725 : f32 to vector<16xf32>
      %select_n3A_727 = arith.select %lt3A_713, %get3A_724, %broadcast_in_dim3A_726 : vector<16xi1>, vector<16xf32>
      %swap3A_728 = arith.index_cast %add3A_667 : i32 to index
      %swap3A_729 = arith.constant 16 : index
      %swap3A_730 = tpu.vector_load %arg16[%swap3A_728, %swap3A_729] {strides = array<i32>} : memref<128x64xf32, #tpu.memory_space<vmem>>, vector<1x16xf32>,
      %swap3A_731 = vector.shape_cast %swap3A_730 : vector<1x16xf32> to vector<16xf32>
      %swap3A_732 = vector.shape_cast %select_n3A_727 : vector<16xf32> to vector<1x16xf32>
      tpu.vector_store %arg16[%swap3A_728, %swap3A_729], %swap3A_732 {strides = array<i32>} : memref<128x64xf32, #tpu.memory_space<vmem>>, vector<1x16xf32>,
      %convert_element_type3A_733 = arith.fptosi %select_n3A_720 : vector<16xf32> to vector<16xi32>
      %swap3A_734 = arith.index_cast %add3A_667 : i32 to index
      %swap3A_735 = arith.constant 16 : index
      %swap3A_736 = tpu.vector_load %arg17[%swap3A_734, %swap3A_735] {strides = array<i32>} : memref<128x64xi32, #tpu.memory_space<vmem>>, vector<1x16xi32>,
      %swap3A_737 = vector.shape_cast %swap3A_736 : vector<1x16xi32> to vector<16xi32>
      %swap3A_738 = vector.shape_cast %convert_element_type3A_733 : vector<16xi32> to vector<1x16xi32>
      tpu.vector_store %arg17[%swap3A_734, %swap3A_735], %swap3A_738 {strides = array<i32>} : memref<128x64xi32, #tpu.memory_space<vmem>>, vector<1x16xi32>,
      %jit3A_739 = arith.constant 0.000000e+00 : f32
      %broadcast_in_dim3A_740 = vector.broadcast %squeeze3A_665 : f32 to vector<16xf32>
      %broadcast_in_dim3A_741 = vector.broadcast %jit3A_739 : f32 to vector<16xf32>
      %select_n3A_742 = arith.select %lt3A_713, %broadcast_in_dim3A_740, %broadcast_in_dim3A_741 : vector<16xi1>, vector<16xf32>
      %swap3A_743 = arith.index_cast %add3A_667 : i32 to index
      %swap3A_744 = arith.constant 16 : index
      %swap3A_745 = tpu.vector_load %arg18[%swap3A_743, %swap3A_744] {strides = array<i32>} : memref<128x64xf32, #tpu.memory_space<vmem>>, vector<1x16xf32>,
      %swap3A_746 = vector.shape_cast %swap3A_745 : vector<1x16xf32> to vector<16xf32>
      %swap3A_747 = vector.shape_cast %select_n3A_742 : vector<16xf32> to vector<1x16xf32>
      tpu.vector_store %arg18[%swap3A_743, %swap3A_744], %swap3A_747 {strides = array<i32>} : memref<128x64xf32, #tpu.memory_space<vmem>>, vector<1x16xf32>,
      %iota3A_748 = tpu.iota {dimensions = array<i32: 0>} : vector<16xi32>
      %add3A_749 = arith.constant 32 : i32
      %add3A_750 = vector.broadcast %add3A_749 : i32 to vector<16xi32>
      %add3A_751 = arith.addi %iota3A_748, %add3A_750 : vector<16xi32>
      %lt3A_752 = vector.broadcast %squeeze3A_663 : i32 to vector<16xi32>
      %lt3A_753 = arith.cmpi slt, %add3A_751, %lt3A_752 : vector<16xi32>
      %get3A_754 = arith.index_cast %add3A_667 : i32 to index
      %get3A_755 = arith.constant 96 : index
      %get3A_756 = tpu.vector_load %arg15[%get3A_754, %get3A_755] {strides = array<i32>} : memref<128x128xf32, #tpu.memory_space<vmem>>, vector<1x16xf32>,
      %get3A_757 = vector.shape_cast %get3A_756 : vector<1x16xf32> to vector<16xf32>
      %jit3A_758 = arith.constant -1.000000e+00 : f32
      %broadcast_in_dim3A_759 = vector.broadcast %jit3A_758 : f32 to vector<16xf32>
      %select_n3A_760 = arith.select %lt3A_753, %get3A_757, %broadcast_in_dim3A_759 : vector<16xi1>, vector<16xf32>
      %get3A_761 = arith.index_cast %add3A_667 : i32 to index
      %get3A_762 = arith.constant 32 : index
      %get3A_763 = tpu.vector_load %arg15[%get3A_761, %get3A_762] {strides = array<i32>} : memref<128x128xf32, #tpu.memory_space<vmem>>, vector<1x16xf32>,
      %get3A_764 = vector.shape_cast %get3A_763 : vector<1x16xf32> to vector<16xf32>
      %jit3A_765 = arith.constant 0.000000e+00 : f32
      %broadcast_in_dim3A_766 = vector.broadcast %jit3A_765 : f32 to vector<16xf32>
      %select_n3A_767 = arith.select %lt3A_753, %get3A_764, %broadcast_in_dim3A_766 : vector<16xi1>, vector<16xf32>
      %swap3A_768 = arith.index_cast %add3A_667 : i32 to index
      %swap3A_769 = arith.constant 32 : index
      %swap3A_770 = tpu.vector_load %arg16[%swap3A_768, %swap3A_769] {strides = array<i32>} : memref<128x64xf32, #tpu.memory_space<vmem>>, vector<1x16xf32>,
      %swap3A_771 = vector.shape_cast %swap3A_770 : vector<1x16xf32> to vector<16xf32>
      %swap3A_772 = vector.shape_cast %select_n3A_767 : vector<16xf32> to vector<1x16xf32>
      tpu.vector_store %arg16[%swap3A_768, %swap3A_769], %swap3A_772 {strides = array<i32>} : memref<128x64xf32, #tpu.memory_space<vmem>>, vector<1x16xf32>,
      %convert_element_type3A_773 = arith.fptosi %select_n3A_760 : vector<16xf32> to vector<16xi32>
      %swap3A_774 = arith.index_cast %add3A_667 : i32 to index
      %swap3A_775 = arith.constant 32 : index
      %swap3A_776 = tpu.vector_load %arg17[%swap3A_774, %swap3A_775] {strides = array<i32>} : memref<128x64xi32, #tpu.memory_space<vmem>>, vector<1x16xi32>,
      %swap3A_777 = vector.shape_cast %swap3A_776 : vector<1x16xi32> to vector<16xi32>
      %swap3A_778 = vector.shape_cast %convert_element_type3A_773 : vector<16xi32> to vector<1x16xi32>
      tpu.vector_store %arg17[%swap3A_774, %swap3A_775], %swap3A_778 {strides = array<i32>} : memref<128x64xi32, #tpu.memory_space<vmem>>, vector<1x16xi32>,
      %jit3A_779 = arith.constant 0.000000e+00 : f32
      %broadcast_in_dim3A_780 = vector.broadcast %squeeze3A_665 : f32 to vector<16xf32>
      %broadcast_in_dim3A_781 = vector.broadcast %jit3A_779 : f32 to vector<16xf32>
      %select_n3A_782 = arith.select %lt3A_753, %broadcast_in_dim3A_780, %broadcast_in_dim3A_781 : vector<16xi1>, vector<16xf32>
      %swap3A_783 = arith.index_cast %add3A_667 : i32 to index
      %swap3A_784 = arith.constant 32 : index
      %swap3A_785 = tpu.vector_load %arg18[%swap3A_783, %swap3A_784] {strides = array<i32>} : memref<128x64xf32, #tpu.memory_space<vmem>>, vector<1x16xf32>,
      %swap3A_786 = vector.shape_cast %swap3A_785 : vector<1x16xf32> to vector<16xf32>
      %swap3A_787 = vector.shape_cast %select_n3A_782 : vector<16xf32> to vector<1x16xf32>
      tpu.vector_store %arg18[%swap3A_783, %swap3A_784], %swap3A_787 {strides = array<i32>} : memref<128x64xf32, #tpu.memory_space<vmem>>, vector<1x16xf32>,
      %iota3A_788 = tpu.iota {dimensions = array<i32: 0>} : vector<16xi32>
      %add3A_789 = arith.constant 48 : i32
      %add3A_790 = vector.broadcast %add3A_789 : i32 to vector<16xi32>
      %add3A_791 = arith.addi %iota3A_788, %add3A_790 : vector<16xi32>
      %lt3A_792 = vector.broadcast %squeeze3A_663 : i32 to vector<16xi32>
      %lt3A_793 = arith.cmpi slt, %add3A_791, %lt3A_792 : vector<16xi32>
      %get3A_794 = arith.index_cast %add3A_667 : i32 to index
      %get3A_795 = arith.constant 112 : index
      %get3A_796 = tpu.vector_load %arg15[%get3A_794, %get3A_795] {strides = array<i32>} : memref<128x128xf32, #tpu.memory_space<vmem>>, vector<1x16xf32>,
      %get3A_797 = vector.shape_cast %get3A_796 : vector<1x16xf32> to vector<16xf32>
      %jit3A_798 = arith.constant -1.000000e+00 : f32
      %broadcast_in_dim3A_799 = vector.broadcast %jit3A_798 : f32 to vector<16xf32>
      %select_n3A_800 = arith.select %lt3A_793, %get3A_797, %broadcast_in_dim3A_799 : vector<16xi1>, vector<16xf32>
      %get3A_801 = arith.index_cast %add3A_667 : i32 to index
      %get3A_802 = arith.constant 48 : index
      %get3A_803 = tpu.vector_load %arg15[%get3A_801, %get3A_802] {strides = array<i32>} : memref<128x128xf32, #tpu.memory_space<vmem>>, vector<1x16xf32>,
      %get3A_804 = vector.shape_cast %get3A_803 : vector<1x16xf32> to vector<16xf32>
      %jit3A_805 = arith.constant 0.000000e+00 : f32
      %broadcast_in_dim3A_806 = vector.broadcast %jit3A_805 : f32 to vector<16xf32>
      %select_n3A_807 = arith.select %lt3A_793, %get3A_804, %broadcast_in_dim3A_806 : vector<16xi1>, vector<16xf32>
      %swap3A_808 = arith.index_cast %add3A_667 : i32 to index
      %swap3A_809 = arith.constant 48 : index
      %swap3A_810 = tpu.vector_load %arg16[%swap3A_808, %swap3A_809] {strides = array<i32>} : memref<128x64xf32, #tpu.memory_space<vmem>>, vector<1x16xf32>,
      %swap3A_811 = vector.shape_cast %swap3A_810 : vector<1x16xf32> to vector<16xf32>
      %swap3A_812 = vector.shape_cast %select_n3A_807 : vector<16xf32> to vector<1x16xf32>
      tpu.vector_store %arg16[%swap3A_808, %swap3A_809], %swap3A_812 {strides = array<i32>} : memref<128x64xf32, #tpu.memory_space<vmem>>, vector<1x16xf32>,
      %convert_element_type3A_813 = arith.fptosi %select_n3A_800 : vector<16xf32> to vector<16xi32>
      %swap3A_814 = arith.index_cast %add3A_667 : i32 to index
      %swap3A_815 = arith.constant 48 : index
      %swap3A_816 = tpu.vector_load %arg17[%swap3A_814, %swap3A_815] {strides = array<i32>} : memref<128x64xi32, #tpu.memory_space<vmem>>, vector<1x16xi32>,
      %swap3A_817 = vector.shape_cast %swap3A_816 : vector<1x16xi32> to vector<16xi32>
      %swap3A_818 = vector.shape_cast %convert_element_type3A_813 : vector<16xi32> to vector<1x16xi32>
      tpu.vector_store %arg17[%swap3A_814, %swap3A_815], %swap3A_818 {strides = array<i32>} : memref<128x64xi32, #tpu.memory_space<vmem>>, vector<1x16xi32>,
      %jit3A_819 = arith.constant 0.000000e+00 : f32
      %broadcast_in_dim3A_820 = vector.broadcast %squeeze3A_665 : f32 to vector<16xf32>
      %broadcast_in_dim3A_821 = vector.broadcast %jit3A_819 : f32 to vector<16xf32>
      %select_n3A_822 = arith.select %lt3A_793, %broadcast_in_dim3A_820, %broadcast_in_dim3A_821 : vector<16xi1>, vector<16xf32>
      %swap3A_823 = arith.index_cast %add3A_667 : i32 to index
      %swap3A_824 = arith.constant 48 : index
      %swap3A_825 = tpu.vector_load %arg18[%swap3A_823, %swap3A_824] {strides = array<i32>} : memref<128x64xf32, #tpu.memory_space<vmem>>, vector<1x16xf32>,
      %swap3A_826 = vector.shape_cast %swap3A_825 : vector<1x16xf32> to vector<16xf32>
      %swap3A_827 = vector.shape_cast %select_n3A_822 : vector<16xf32> to vector<1x16xf32>
      tpu.vector_store %arg18[%swap3A_823, %swap3A_824], %swap3A_827 {strides = array<i32>} : memref<128x64xf32, #tpu.memory_space<vmem>>, vector<1x16xf32>,
      %slice3A_828 = vector.extract_strided_slice %select_n3A {offsets = [4], sizes = [1], strides = [1]} : vector<16xi32> to vector<1xi32>
      %squeeze3A_829 = vector.extract %slice3A_828[0] : i32 from vector<1xi32>
      %slice3A_830 = vector.extract_strided_slice %get3A_162 {offsets = [4], sizes = [1], strides = [1]} : vector<16xf32> to vector<1xf32>
      %squeeze3A_831 = vector.extract %slice3A_830[0] : f32 from vector<1xf32>
      %add3A_832 = arith.constant 4 : i32
      %add3A_833 = arith.addi %mul3A_153, %add3A_832 : i32
      %iota3A_834 = tpu.iota {dimensions = array<i32: 0>} : vector<16xi32>
      %add3A_835 = arith.constant 0 : i32
      %add3A_836 = vector.broadcast %add3A_835 : i32 to vector<16xi32>
      %add3A_837 = arith.addi %iota3A_834, %add3A_836 : vector<16xi32>
      %lt3A_838 = vector.broadcast %squeeze3A_829 : i32 to vector<16xi32>
      %lt3A_839 = arith.cmpi slt, %add3A_837, %lt3A_838 : vector<16xi32>
      %get3A_840 = arith.index_cast %add3A_833 : i32 to index
      %get3A_841 = arith.constant 64 : index
      %get3A_842 = tpu.vector_load %arg15[%get3A_840, %get3A_841] {strides = array<i32>} : memref<128x128xf32, #tpu.memory_space<vmem>>, vector<1x16xf32>,
      %get3A_843 = vector.shape_cast %get3A_842 : vector<1x16xf32> to vector<16xf32>
      %jit3A_844 = arith.constant -1.000000e+00 : f32
      %broadcast_in_dim3A_845 = vector.broadcast %jit3A_844 : f32 to vector<16xf32>
      %select_n3A_846 = arith.select %lt3A_839, %get3A_843, %broadcast_in_dim3A_845 : vector<16xi1>, vector<16xf32>
      %get3A_847 = arith.index_cast %add3A_833 : i32 to index
      %get3A_848 = arith.constant 0 : index
      %get3A_849 = tpu.vector_load %arg15[%get3A_847, %get3A_848] {strides = array<i32>} : memref<128x128xf32, #tpu.memory_space<vmem>>, vector<1x16xf32>,
      %get3A_850 = vector.shape_cast %get3A_849 : vector<1x16xf32> to vector<16xf32>
      %jit3A_851 = arith.constant 0.000000e+00 : f32
      %broadcast_in_dim3A_852 = vector.broadcast %jit3A_851 : f32 to vector<16xf32>
      %select_n3A_853 = arith.select %lt3A_839, %get3A_850, %broadcast_in_dim3A_852 : vector<16xi1>, vector<16xf32>
      %swap3A_854 = arith.index_cast %add3A_833 : i32 to index
      %swap3A_855 = arith.constant 0 : index
      %swap3A_856 = tpu.vector_load %arg16[%swap3A_854, %swap3A_855] {strides = array<i32>} : memref<128x64xf32, #tpu.memory_space<vmem>>, vector<1x16xf32>,
      %swap3A_857 = vector.shape_cast %swap3A_856 : vector<1x16xf32> to vector<16xf32>
      %swap3A_858 = vector.shape_cast %select_n3A_853 : vector<16xf32> to vector<1x16xf32>
      tpu.vector_store %arg16[%swap3A_854, %swap3A_855], %swap3A_858 {strides = array<i32>} : memref<128x64xf32, #tpu.memory_space<vmem>>, vector<1x16xf32>,
      %convert_element_type3A_859 = arith.fptosi %select_n3A_846 : vector<16xf32> to vector<16xi32>
      %swap3A_860 = arith.index_cast %add3A_833 : i32 to index
      %swap3A_861 = arith.constant 0 : index
      %swap3A_862 = tpu.vector_load %arg17[%swap3A_860, %swap3A_861] {strides = array<i32>} : memref<128x64xi32, #tpu.memory_space<vmem>>, vector<1x16xi32>,
      %swap3A_863 = vector.shape_cast %swap3A_862 : vector<1x16xi32> to vector<16xi32>
      %swap3A_864 = vector.shape_cast %convert_element_type3A_859 : vector<16xi32> to vector<1x16xi32>
      tpu.vector_store %arg17[%swap3A_860, %swap3A_861], %swap3A_864 {strides = array<i32>} : memref<128x64xi32, #tpu.memory_space<vmem>>, vector<1x16xi32>,
      %jit3A_865 = arith.constant 0.000000e+00 : f32
      %broadcast_in_dim3A_866 = vector.broadcast %squeeze3A_831 : f32 to vector<16xf32>
      %broadcast_in_dim3A_867 = vector.broadcast %jit3A_865 : f32 to vector<16xf32>
      %select_n3A_868 = arith.select %lt3A_839, %broadcast_in_dim3A_866, %broadcast_in_dim3A_867 : vector<16xi1>, vector<16xf32>
      %swap3A_869 = arith.index_cast %add3A_833 : i32 to index
      %swap3A_870 = arith.constant 0 : index
      %swap3A_871 = tpu.vector_load %arg18[%swap3A_869, %swap3A_870] {strides = array<i32>} : memref<128x64xf32, #tpu.memory_space<vmem>>, vector<1x16xf32>,
      %swap3A_872 = vector.shape_cast %swap3A_871 : vector<1x16xf32> to vector<16xf32>
      %swap3A_873 = vector.shape_cast %select_n3A_868 : vector<16xf32> to vector<1x16xf32>
      tpu.vector_store %arg18[%swap3A_869, %swap3A_870], %swap3A_873 {strides = array<i32>} : memref<128x64xf32, #tpu.memory_space<vmem>>, vector<1x16xf32>,
      %iota3A_874 = tpu.iota {dimensions = array<i32: 0>} : vector<16xi32>
      %add3A_875 = arith.constant 16 : i32
      %add3A_876 = vector.broadcast %add3A_875 : i32 to vector<16xi32>
      %add3A_877 = arith.addi %iota3A_874, %add3A_876 : vector<16xi32>
      %lt3A_878 = vector.broadcast %squeeze3A_829 : i32 to vector<16xi32>
      %lt3A_879 = arith.cmpi slt, %add3A_877, %lt3A_878 : vector<16xi32>
      %get3A_880 = arith.index_cast %add3A_833 : i32 to index
      %get3A_881 = arith.constant 80 : index
      %get3A_882 = tpu.vector_load %arg15[%get3A_880, %get3A_881] {strides = array<i32>} : memref<128x128xf32, #tpu.memory_space<vmem>>, vector<1x16xf32>,
      %get3A_883 = vector.shape_cast %get3A_882 : vector<1x16xf32> to vector<16xf32>
      %jit3A_884 = arith.constant -1.000000e+00 : f32
      %broadcast_in_dim3A_885 = vector.broadcast %jit3A_884 : f32 to vector<16xf32>
      %select_n3A_886 = arith.select %lt3A_879, %get3A_883, %broadcast_in_dim3A_885 : vector<16xi1>, vector<16xf32>
      %get3A_887 = arith.index_cast %add3A_833 : i32 to index
      %get3A_888 = arith.constant 16 : index
      %get3A_889 = tpu.vector_load %arg15[%get3A_887, %get3A_888] {strides = array<i32>} : memref<128x128xf32, #tpu.memory_space<vmem>>, vector<1x16xf32>,
      %get3A_890 = vector.shape_cast %get3A_889 : vector<1x16xf32> to vector<16xf32>
      %jit3A_891 = arith.constant 0.000000e+00 : f32
      %broadcast_in_dim3A_892 = vector.broadcast %jit3A_891 : f32 to vector<16xf32>
      %select_n3A_893 = arith.select %lt3A_879, %get3A_890, %broadcast_in_dim3A_892 : vector<16xi1>, vector<16xf32>
      %swap3A_894 = arith.index_cast %add3A_833 : i32 to index
      %swap3A_895 = arith.constant 16 : index
      %swap3A_896 = tpu.vector_load %arg16[%swap3A_894, %swap3A_895] {strides = array<i32>} : memref<128x64xf32, #tpu.memory_space<vmem>>, vector<1x16xf32>,
      %swap3A_897 = vector.shape_cast %swap3A_896 : vector<1x16xf32> to vector<16xf32>
      %swap3A_898 = vector.shape_cast %select_n3A_893 : vector<16xf32> to vector<1x16xf32>
      tpu.vector_store %arg16[%swap3A_894, %swap3A_895], %swap3A_898 {strides = array<i32>} : memref<128x64xf32, #tpu.memory_space<vmem>>, vector<1x16xf32>,
      %convert_element_type3A_899 = arith.fptosi %select_n3A_886 : vector<16xf32> to vector<16xi32>
      %swap3A_900 = arith.index_cast %add3A_833 : i32 to index
      %swap3A_901 = arith.constant 16 : index
      %swap3A_902 = tpu.vector_load %arg17[%swap3A_900, %swap3A_901] {strides = array<i32>} : memref<128x64xi32, #tpu.memory_space<vmem>>, vector<1x16xi32>,
      %swap3A_903 = vector.shape_cast %swap3A_902 : vector<1x16xi32> to vector<16xi32>
      %swap3A_904 = vector.shape_cast %convert_element_type3A_899 : vector<16xi32> to vector<1x16xi32>
      tpu.vector_store %arg17[%swap3A_900, %swap3A_901], %swap3A_904 {strides = array<i32>} : memref<128x64xi32, #tpu.memory_space<vmem>>, vector<1x16xi32>,
      %jit3A_905 = arith.constant 0.000000e+00 : f32
      %broadcast_in_dim3A_906 = vector.broadcast %squeeze3A_831 : f32 to vector<16xf32>
      %broadcast_in_dim3A_907 = vector.broadcast %jit3A_905 : f32 to vector<16xf32>
      %select_n3A_908 = arith.select %lt3A_879, %broadcast_in_dim3A_906, %broadcast_in_dim3A_907 : vector<16xi1>, vector<16xf32>
      %swap3A_909 = arith.index_cast %add3A_833 : i32 to index
      %swap3A_910 = arith.constant 16 : index
      %swap3A_911 = tpu.vector_load %arg18[%swap3A_909, %swap3A_910] {strides = array<i32>} : memref<128x64xf32, #tpu.memory_space<vmem>>, vector<1x16xf32>,
      %swap3A_912 = vector.shape_cast %swap3A_911 : vector<1x16xf32> to vector<16xf32>
      %swap3A_913 = vector.shape_cast %select_n3A_908 : vector<16xf32> to vector<1x16xf32>
      tpu.vector_store %arg18[%swap3A_909, %swap3A_910], %swap3A_913 {strides = array<i32>} : memref<128x64xf32, #tpu.memory_space<vmem>>, vector<1x16xf32>,
      %iota3A_914 = tpu.iota {dimensions = array<i32: 0>} : vector<16xi32>
      %add3A_915 = arith.constant 32 : i32
      %add3A_916 = vector.broadcast %add3A_915 : i32 to vector<16xi32>
      %add3A_917 = arith.addi %iota3A_914, %add3A_916 : vector<16xi32>
      %lt3A_918 = vector.broadcast %squeeze3A_829 : i32 to vector<16xi32>
      %lt3A_919 = arith.cmpi slt, %add3A_917, %lt3A_918 : vector<16xi32>
      %get3A_920 = arith.index_cast %add3A_833 : i32 to index
      %get3A_921 = arith.constant 96 : index
      %get3A_922 = tpu.vector_load %arg15[%get3A_920, %get3A_921] {strides = array<i32>} : memref<128x128xf32, #tpu.memory_space<vmem>>, vector<1x16xf32>,
      %get3A_923 = vector.shape_cast %get3A_922 : vector<1x16xf32> to vector<16xf32>
      %jit3A_924 = arith.constant -1.000000e+00 : f32
      %broadcast_in_dim3A_925 = vector.broadcast %jit3A_924 : f32 to vector<16xf32>
      %select_n3A_926 = arith.select %lt3A_919, %get3A_923, %broadcast_in_dim3A_925 : vector<16xi1>, vector<16xf32>
      %get3A_927 = arith.index_cast %add3A_833 : i32 to index
      %get3A_928 = arith.constant 32 : index
      %get3A_929 = tpu.vector_load %arg15[%get3A_927, %get3A_928] {strides = array<i32>} : memref<128x128xf32, #tpu.memory_space<vmem>>, vector<1x16xf32>,
      %get3A_930 = vector.shape_cast %get3A_929 : vector<1x16xf32> to vector<16xf32>
      %jit3A_931 = arith.constant 0.000000e+00 : f32
      %broadcast_in_dim3A_932 = vector.broadcast %jit3A_931 : f32 to vector<16xf32>
      %select_n3A_933 = arith.select %lt3A_919, %get3A_930, %broadcast_in_dim3A_932 : vector<16xi1>, vector<16xf32>
      %swap3A_934 = arith.index_cast %add3A_833 : i32 to index
      %swap3A_935 = arith.constant 32 : index
      %swap3A_936 = tpu.vector_load %arg16[%swap3A_934, %swap3A_935] {strides = array<i32>} : memref<128x64xf32, #tpu.memory_space<vmem>>, vector<1x16xf32>,
      %swap3A_937 = vector.shape_cast %swap3A_936 : vector<1x16xf32> to vector<16xf32>
      %swap3A_938 = vector.shape_cast %select_n3A_933 : vector<16xf32> to vector<1x16xf32>
      tpu.vector_store %arg16[%swap3A_934, %swap3A_935], %swap3A_938 {strides = array<i32>} : memref<128x64xf32, #tpu.memory_space<vmem>>, vector<1x16xf32>,
      %convert_element_type3A_939 = arith.fptosi %select_n3A_926 : vector<16xf32> to vector<16xi32>
      %swap3A_940 = arith.index_cast %add3A_833 : i32 to index
      %swap3A_941 = arith.constant 32 : index
      %swap3A_942 = tpu.vector_load %arg17[%swap3A_940, %swap3A_941] {strides = array<i32>} : memref<128x64xi32, #tpu.memory_space<vmem>>, vector<1x16xi32>,
      %swap3A_943 = vector.shape_cast %swap3A_942 : vector<1x16xi32> to vector<16xi32>
      %swap3A_944 = vector.shape_cast %convert_element_type3A_939 : vector<16xi32> to vector<1x16xi32>
      tpu.vector_store %arg17[%swap3A_940, %swap3A_941], %swap3A_944 {strides = array<i32>} : memref<128x64xi32, #tpu.memory_space<vmem>>, vector<1x16xi32>,
      %jit3A_945 = arith.constant 0.000000e+00 : f32
      %broadcast_in_dim3A_946 = vector.broadcast %squeeze3A_831 : f32 to vector<16xf32>
      %broadcast_in_dim3A_947 = vector.broadcast %jit3A_945 : f32 to vector<16xf32>
      %select_n3A_948 = arith.select %lt3A_919, %broadcast_in_dim3A_946, %broadcast_in_dim3A_947 : vector<16xi1>, vector<16xf32>
      %swap3A_949 = arith.index_cast %add3A_833 : i32 to index
      %swap3A_950 = arith.constant 32 : index
      %swap3A_951 = tpu.vector_load %arg18[%swap3A_949, %swap3A_950] {strides = array<i32>} : memref<128x64xf32, #tpu.memory_space<vmem>>, vector<1x16xf32>,
      %swap3A_952 = vector.shape_cast %swap3A_951 : vector<1x16xf32> to vector<16xf32>
      %swap3A_953 = vector.shape_cast %select_n3A_948 : vector<16xf32> to vector<1x16xf32>
      tpu.vector_store %arg18[%swap3A_949, %swap3A_950], %swap3A_953 {strides = array<i32>} : memref<128x64xf32, #tpu.memory_space<vmem>>, vector<1x16xf32>,
      %iota3A_954 = tpu.iota {dimensions = array<i32: 0>} : vector<16xi32>
      %add3A_955 = arith.constant 48 : i32
      %add3A_956 = vector.broadcast %add3A_955 : i32 to vector<16xi32>
      %add3A_957 = arith.addi %iota3A_954, %add3A_956 : vector<16xi32>
      %lt3A_958 = vector.broadcast %squeeze3A_829 : i32 to vector<16xi32>
      %lt3A_959 = arith.cmpi slt, %add3A_957, %lt3A_958 : vector<16xi32>
      %get3A_960 = arith.index_cast %add3A_833 : i32 to index
      %get3A_961 = arith.constant 112 : index
      %get3A_962 = tpu.vector_load %arg15[%get3A_960, %get3A_961] {strides = array<i32>} : memref<128x128xf32, #tpu.memory_space<vmem>>, vector<1x16xf32>,
      %get3A_963 = vector.shape_cast %get3A_962 : vector<1x16xf32> to vector<16xf32>
      %jit3A_964 = arith.constant -1.000000e+00 : f32
      %broadcast_in_dim3A_965 = vector.broadcast %jit3A_964 : f32 to vector<16xf32>
      %select_n3A_966 = arith.select %lt3A_959, %get3A_963, %broadcast_in_dim3A_965 : vector<16xi1>, vector<16xf32>
      %get3A_967 = arith.index_cast %add3A_833 : i32 to index
      %get3A_968 = arith.constant 48 : index
      %get3A_969 = tpu.vector_load %arg15[%get3A_967, %get3A_968] {strides = array<i32>} : memref<128x128xf32, #tpu.memory_space<vmem>>, vector<1x16xf32>,
      %get3A_970 = vector.shape_cast %get3A_969 : vector<1x16xf32> to vector<16xf32>
      %jit3A_971 = arith.constant 0.000000e+00 : f32
      %broadcast_in_dim3A_972 = vector.broadcast %jit3A_971 : f32 to vector<16xf32>
      %select_n3A_973 = arith.select %lt3A_959, %get3A_970, %broadcast_in_dim3A_972 : vector<16xi1>, vector<16xf32>
      %swap3A_974 = arith.index_cast %add3A_833 : i32 to index
      %swap3A_975 = arith.constant 48 : index
      %swap3A_976 = tpu.vector_load %arg16[%swap3A_974, %swap3A_975] {strides = array<i32>} : memref<128x64xf32, #tpu.memory_space<vmem>>, vector<1x16xf32>,
      %swap3A_977 = vector.shape_cast %swap3A_976 : vector<1x16xf32> to vector<16xf32>
      %swap3A_978 = vector.shape_cast %select_n3A_973 : vector<16xf32> to vector<1x16xf32>
      tpu.vector_store %arg16[%swap3A_974, %swap3A_975], %swap3A_978 {strides = array<i32>} : memref<128x64xf32, #tpu.memory_space<vmem>>, vector<1x16xf32>,
      %convert_element_type3A_979 = arith.fptosi %select_n3A_966 : vector<16xf32> to vector<16xi32>
      %swap3A_980 = arith.index_cast %add3A_833 : i32 to index
      %swap3A_981 = arith.constant 48 : index
      %swap3A_982 = tpu.vector_load %arg17[%swap3A_980, %swap3A_981] {strides = array<i32>} : memref<128x64xi32, #tpu.memory_space<vmem>>, vector<1x16xi32>,
      %swap3A_983 = vector.shape_cast %swap3A_982 : vector<1x16xi32> to vector<16xi32>
      %swap3A_984 = vector.shape_cast %convert_element_type3A_979 : vector<16xi32> to vector<1x16xi32>
      tpu.vector_store %arg17[%swap3A_980, %swap3A_981], %swap3A_984 {strides = array<i32>} : memref<128x64xi32, #tpu.memory_space<vmem>>, vector<1x16xi32>,
      %jit3A_985 = arith.constant 0.000000e+00 : f32
      %broadcast_in_dim3A_986 = vector.broadcast %squeeze3A_831 : f32 to vector<16xf32>
      %broadcast_in_dim3A_987 = vector.broadcast %jit3A_985 : f32 to vector<16xf32>
      %select_n3A_988 = arith.select %lt3A_959, %broadcast_in_dim3A_986, %broadcast_in_dim3A_987 : vector<16xi1>, vector<16xf32>
      %swap3A_989 = arith.index_cast %add3A_833 : i32 to index
      %swap3A_990 = arith.constant 48 : index
      %swap3A_991 = tpu.vector_load %arg18[%swap3A_989, %swap3A_990] {strides = array<i32>} : memref<128x64xf32, #tpu.memory_space<vmem>>, vector<1x16xf32>,
      %swap3A_992 = vector.shape_cast %swap3A_991 : vector<1x16xf32> to vector<16xf32>
      %swap3A_993 = vector.shape_cast %select_n3A_988 : vector<16xf32> to vector<1x16xf32>
      tpu.vector_store %arg18[%swap3A_989, %swap3A_990], %swap3A_993 {strides = array<i32>} : memref<128x64xf32, #tpu.memory_space<vmem>>, vector<1x16xf32>,
      %slice3A_994 = vector.extract_strided_slice %select_n3A {offsets = [5], sizes = [1], strides = [1]} : vector<16xi32> to vector<1xi32>
      %squeeze3A_995 = vector.extract %slice3A_994[0] : i32 from vector<1xi32>
      %slice3A_996 = vector.extract_strided_slice %get3A_162 {offsets = [5], sizes = [1], strides = [1]} : vector<16xf32> to vector<1xf32>
      %squeeze3A_997 = vector.extract %slice3A_996[0] : f32 from vector<1xf32>
      %add3A_998 = arith.constant 5 : i32
      %add3A_999 = arith.addi %mul3A_153, %add3A_998 : i32
      %iota3A_1000 = tpu.iota {dimensions = array<i32: 0>} : vector<16xi32>
      %add3A_1001 = arith.constant 0 : i32
      %add3A_1002 = vector.broadcast %add3A_1001 : i32 to vector<16xi32>
      %add3A_1003 = arith.addi %iota3A_1000, %add3A_1002 : vector<16xi32>
      %lt3A_1004 = vector.broadcast %squeeze3A_995 : i32 to vector<16xi32>
      %lt3A_1005 = arith.cmpi slt, %add3A_1003, %lt3A_1004 : vector<16xi32>
      %get3A_1006 = arith.index_cast %add3A_999 : i32 to index
      %get3A_1007 = arith.constant 64 : index
      %get3A_1008 = tpu.vector_load %arg15[%get3A_1006, %get3A_1007] {strides = array<i32>} : memref<128x128xf32, #tpu.memory_space<vmem>>, vector<1x16xf32>,
      %get3A_1009 = vector.shape_cast %get3A_1008 : vector<1x16xf32> to vector<16xf32>
      %jit3A_1010 = arith.constant -1.000000e+00 : f32
      %broadcast_in_dim3A_1011 = vector.broadcast %jit3A_1010 : f32 to vector<16xf32>
      %select_n3A_1012 = arith.select %lt3A_1005, %get3A_1009, %broadcast_in_dim3A_1011 : vector<16xi1>, vector<16xf32>
      %get3A_1013 = arith.index_cast %add3A_999 : i32 to index
      %get3A_1014 = arith.constant 0 : index
      %get3A_1015 = tpu.vector_load %arg15[%get3A_1013, %get3A_1014] {strides = array<i32>} : memref<128x128xf32, #tpu.memory_space<vmem>>, vector<1x16xf32>,
      %get3A_1016 = vector.shape_cast %get3A_1015 : vector<1x16xf32> to vector<16xf32>
      %jit3A_1017 = arith.constant 0.000000e+00 : f32
      %broadcast_in_dim3A_1018 = vector.broadcast %jit3A_1017 : f32 to vector<16xf32>
      %select_n3A_1019 = arith.select %lt3A_1005, %get3A_1016, %broadcast_in_dim3A_1018 : vector<16xi1>, vector<16xf32>
      %swap3A_1020 = arith.index_cast %add3A_999 : i32 to index
      %swap3A_1021 = arith.constant 0 : index
      %swap3A_1022 = tpu.vector_load %arg16[%swap3A_1020, %swap3A_1021] {strides = array<i32>} : memref<128x64xf32, #tpu.memory_space<vmem>>, vector<1x16xf32>,
      %swap3A_1023 = vector.shape_cast %swap3A_1022 : vector<1x16xf32> to vector<16xf32>
      %swap3A_1024 = vector.shape_cast %select_n3A_1019 : vector<16xf32> to vector<1x16xf32>
      tpu.vector_store %arg16[%swap3A_1020, %swap3A_1021], %swap3A_1024 {strides = array<i32>} : memref<128x64xf32, #tpu.memory_space<vmem>>, vector<1x16xf32>,
      %convert_element_type3A_1025 = arith.fptosi %select_n3A_1012 : vector<16xf32> to vector<16xi32>
      %swap3A_1026 = arith.index_cast %add3A_999 : i32 to index
      %swap3A_1027 = arith.constant 0 : index
      %swap3A_1028 = tpu.vector_load %arg17[%swap3A_1026, %swap3A_1027] {strides = array<i32>} : memref<128x64xi32, #tpu.memory_space<vmem>>, vector<1x16xi32>,
      %swap3A_1029 = vector.shape_cast %swap3A_1028 : vector<1x16xi32> to vector<16xi32>
      %swap3A_1030 = vector.shape_cast %convert_element_type3A_1025 : vector<16xi32> to vector<1x16xi32>
      tpu.vector_store %arg17[%swap3A_1026, %swap3A_1027], %swap3A_1030 {strides = array<i32>} : memref<128x64xi32, #tpu.memory_space<vmem>>, vector<1x16xi32>,
      %jit3A_1031 = arith.constant 0.000000e+00 : f32
      %broadcast_in_dim3A_1032 = vector.broadcast %squeeze3A_997 : f32 to vector<16xf32>
      %broadcast_in_dim3A_1033 = vector.broadcast %jit3A_1031 : f32 to vector<16xf32>
      %select_n3A_1034 = arith.select %lt3A_1005, %broadcast_in_dim3A_1032, %broadcast_in_dim3A_1033 : vector<16xi1>, vector<16xf32>
      %swap3A_1035 = arith.index_cast %add3A_999 : i32 to index
      %swap3A_1036 = arith.constant 0 : index
      %swap3A_1037 = tpu.vector_load %arg18[%swap3A_1035, %swap3A_1036] {strides = array<i32>} : memref<128x64xf32, #tpu.memory_space<vmem>>, vector<1x16xf32>,
      %swap3A_1038 = vector.shape_cast %swap3A_1037 : vector<1x16xf32> to vector<16xf32>
      %swap3A_1039 = vector.shape_cast %select_n3A_1034 : vector<16xf32> to vector<1x16xf32>
      tpu.vector_store %arg18[%swap3A_1035, %swap3A_1036], %swap3A_1039 {strides = array<i32>} : memref<128x64xf32, #tpu.memory_space<vmem>>, vector<1x16xf32>,
      %iota3A_1040 = tpu.iota {dimensions = array<i32: 0>} : vector<16xi32>
      %add3A_1041 = arith.constant 16 : i32
      %add3A_1042 = vector.broadcast %add3A_1041 : i32 to vector<16xi32>
      %add3A_1043 = arith.addi %iota3A_1040, %add3A_1042 : vector<16xi32>
      %lt3A_1044 = vector.broadcast %squeeze3A_995 : i32 to vector<16xi32>
      %lt3A_1045 = arith.cmpi slt, %add3A_1043, %lt3A_1044 : vector<16xi32>
      %get3A_1046 = arith.index_cast %add3A_999 : i32 to index
      %get3A_1047 = arith.constant 80 : index
      %get3A_1048 = tpu.vector_load %arg15[%get3A_1046, %get3A_1047] {strides = array<i32>} : memref<128x128xf32, #tpu.memory_space<vmem>>, vector<1x16xf32>,
      %get3A_1049 = vector.shape_cast %get3A_1048 : vector<1x16xf32> to vector<16xf32>
      %jit3A_1050 = arith.constant -1.000000e+00 : f32
      %broadcast_in_dim3A_1051 = vector.broadcast %jit3A_1050 : f32 to vector<16xf32>
      %select_n3A_1052 = arith.select %lt3A_1045, %get3A_1049, %broadcast_in_dim3A_1051 : vector<16xi1>, vector<16xf32>
      %get3A_1053 = arith.index_cast %add3A_999 : i32 to index
      %get3A_1054 = arith.constant 16 : index
      %get3A_1055 = tpu.vector_load %arg15[%get3A_1053, %get3A_1054] {strides = array<i32>} : memref<128x128xf32, #tpu.memory_space<vmem>>, vector<1x16xf32>,
      %get3A_1056 = vector.shape_cast %get3A_1055 : vector<1x16xf32> to vector<16xf32>
      %jit3A_1057 = arith.constant 0.000000e+00 : f32
      %broadcast_in_dim3A_1058 = vector.broadcast %jit3A_1057 : f32 to vector<16xf32>
      %select_n3A_1059 = arith.select %lt3A_1045, %get3A_1056, %broadcast_in_dim3A_1058 : vector<16xi1>, vector<16xf32>
      %swap3A_1060 = arith.index_cast %add3A_999 : i32 to index
      %swap3A_1061 = arith.constant 16 : index
      %swap3A_1062 = tpu.vector_load %arg16[%swap3A_1060, %swap3A_1061] {strides = array<i32>} : memref<128x64xf32, #tpu.memory_space<vmem>>, vector<1x16xf32>,
      %swap3A_1063 = vector.shape_cast %swap3A_1062 : vector<1x16xf32> to vector<16xf32>
      %swap3A_1064 = vector.shape_cast %select_n3A_1059 : vector<16xf32> to vector<1x16xf32>
      tpu.vector_store %arg16[%swap3A_1060, %swap3A_1061], %swap3A_1064 {strides = array<i32>} : memref<128x64xf32, #tpu.memory_space<vmem>>, vector<1x16xf32>,
      %convert_element_type3A_1065 = arith.fptosi %select_n3A_1052 : vector<16xf32> to vector<16xi32>
      %swap3A_1066 = arith.index_cast %add3A_999 : i32 to index
      %swap3A_1067 = arith.constant 16 : index
      %swap3A_1068 = tpu.vector_load %arg17[%swap3A_1066, %swap3A_1067] {strides = array<i32>} : memref<128x64xi32, #tpu.memory_space<vmem>>, vector<1x16xi32>,
      %swap3A_1069 = vector.shape_cast %swap3A_1068 : vector<1x16xi32> to vector<16xi32>
      %swap3A_1070 = vector.shape_cast %convert_element_type3A_1065 : vector<16xi32> to vector<1x16xi32>
      tpu.vector_store %arg17[%swap3A_1066, %swap3A_1067], %swap3A_1070 {strides = array<i32>} : memref<128x64xi32, #tpu.memory_space<vmem>>, vector<1x16xi32>,
      %jit3A_1071 = arith.constant 0.000000e+00 : f32
      %broadcast_in_dim3A_1072 = vector.broadcast %squeeze3A_997 : f32 to vector<16xf32>
      %broadcast_in_dim3A_1073 = vector.broadcast %jit3A_1071 : f32 to vector<16xf32>
      %select_n3A_1074 = arith.select %lt3A_1045, %broadcast_in_dim3A_1072, %broadcast_in_dim3A_1073 : vector<16xi1>, vector<16xf32>
      %swap3A_1075 = arith.index_cast %add3A_999 : i32 to index
      %swap3A_1076 = arith.constant 16 : index
      %swap3A_1077 = tpu.vector_load %arg18[%swap3A_1075, %swap3A_1076] {strides = array<i32>} : memref<128x64xf32, #tpu.memory_space<vmem>>, vector<1x16xf32>,
      %swap3A_1078 = vector.shape_cast %swap3A_1077 : vector<1x16xf32> to vector<16xf32>
      %swap3A_1079 = vector.shape_cast %select_n3A_1074 : vector<16xf32> to vector<1x16xf32>
      tpu.vector_store %arg18[%swap3A_1075, %swap3A_1076], %swap3A_1079 {strides = array<i32>} : memref<128x64xf32, #tpu.memory_space<vmem>>, vector<1x16xf32>,
      %iota3A_1080 = tpu.iota {dimensions = array<i32: 0>} : vector<16xi32>
      %add3A_1081 = arith.constant 32 : i32
      %add3A_1082 = vector.broadcast %add3A_1081 : i32 to vector<16xi32>
      %add3A_1083 = arith.addi %iota3A_1080, %add3A_1082 : vector<16xi32>
      %lt3A_1084 = vector.broadcast %squeeze3A_995 : i32 to vector<16xi32>
      %lt3A_1085 = arith.cmpi slt, %add3A_1083, %lt3A_1084 : vector<16xi32>
      %get3A_1086 = arith.index_cast %add3A_999 : i32 to index
      %get3A_1087 = arith.constant 96 : index
      %get3A_1088 = tpu.vector_load %arg15[%get3A_1086, %get3A_1087] {strides = array<i32>} : memref<128x128xf32, #tpu.memory_space<vmem>>, vector<1x16xf32>,
      %get3A_1089 = vector.shape_cast %get3A_1088 : vector<1x16xf32> to vector<16xf32>
      %jit3A_1090 = arith.constant -1.000000e+00 : f32
      %broadcast_in_dim3A_1091 = vector.broadcast %jit3A_1090 : f32 to vector<16xf32>
      %select_n3A_1092 = arith.select %lt3A_1085, %get3A_1089, %broadcast_in_dim3A_1091 : vector<16xi1>, vector<16xf32>
      %get3A_1093 = arith.index_cast %add3A_999 : i32 to index
      %get3A_1094 = arith.constant 32 : index
      %get3A_1095 = tpu.vector_load %arg15[%get3A_1093, %get3A_1094] {strides = array<i32>} : memref<128x128xf32, #tpu.memory_space<vmem>>, vector<1x16xf32>,
      %get3A_1096 = vector.shape_cast %get3A_1095 : vector<1x16xf32> to vector<16xf32>
      %jit3A_1097 = arith.constant 0.000000e+00 : f32
      %broadcast_in_dim3A_1098 = vector.broadcast %jit3A_1097 : f32 to vector<16xf32>
      %select_n3A_1099 = arith.select %lt3A_1085, %get3A_1096, %broadcast_in_dim3A_1098 : vector<16xi1>, vector<16xf32>
      %swap3A_1100 = arith.index_cast %add3A_999 : i32 to index
      %swap3A_1101 = arith.constant 32 : index
      %swap3A_1102 = tpu.vector_load %arg16[%swap3A_1100, %swap3A_1101] {strides = array<i32>} : memref<128x64xf32, #tpu.memory_space<vmem>>, vector<1x16xf32>,
      %swap3A_1103 = vector.shape_cast %swap3A_1102 : vector<1x16xf32> to vector<16xf32>
      %swap3A_1104 = vector.shape_cast %select_n3A_1099 : vector<16xf32> to vector<1x16xf32>
      tpu.vector_store %arg16[%swap3A_1100, %swap3A_1101], %swap3A_1104 {strides = array<i32>} : memref<128x64xf32, #tpu.memory_space<vmem>>, vector<1x16xf32>,
      %convert_element_type3A_1105 = arith.fptosi %select_n3A_1092 : vector<16xf32> to vector<16xi32>
      %swap3A_1106 = arith.index_cast %add3A_999 : i32 to index
      %swap3A_1107 = arith.constant 32 : index
      %swap3A_1108 = tpu.vector_load %arg17[%swap3A_1106, %swap3A_1107] {strides = array<i32>} : memref<128x64xi32, #tpu.memory_space<vmem>>, vector<1x16xi32>,
      %swap3A_1109 = vector.shape_cast %swap3A_1108 : vector<1x16xi32> to vector<16xi32>
      %swap3A_1110 = vector.shape_cast %convert_element_type3A_1105 : vector<16xi32> to vector<1x16xi32>
      tpu.vector_store %arg17[%swap3A_1106, %swap3A_1107], %swap3A_1110 {strides = array<i32>} : memref<128x64xi32, #tpu.memory_space<vmem>>, vector<1x16xi32>,
      %jit3A_1111 = arith.constant 0.000000e+00 : f32
      %broadcast_in_dim3A_1112 = vector.broadcast %squeeze3A_997 : f32 to vector<16xf32>
      %broadcast_in_dim3A_1113 = vector.broadcast %jit3A_1111 : f32 to vector<16xf32>
      %select_n3A_1114 = arith.select %lt3A_1085, %broadcast_in_dim3A_1112, %broadcast_in_dim3A_1113 : vector<16xi1>, vector<16xf32>
      %swap3A_1115 = arith.index_cast %add3A_999 : i32 to index
      %swap3A_1116 = arith.constant 32 : index
      %swap3A_1117 = tpu.vector_load %arg18[%swap3A_1115, %swap3A_1116] {strides = array<i32>} : memref<128x64xf32, #tpu.memory_space<vmem>>, vector<1x16xf32>,
      %swap3A_1118 = vector.shape_cast %swap3A_1117 : vector<1x16xf32> to vector<16xf32>
      %swap3A_1119 = vector.shape_cast %select_n3A_1114 : vector<16xf32> to vector<1x16xf32>
      tpu.vector_store %arg18[%swap3A_1115, %swap3A_1116], %swap3A_1119 {strides = array<i32>} : memref<128x64xf32, #tpu.memory_space<vmem>>, vector<1x16xf32>,
      %iota3A_1120 = tpu.iota {dimensions = array<i32: 0>} : vector<16xi32>
      %add3A_1121 = arith.constant 48 : i32
      %add3A_1122 = vector.broadcast %add3A_1121 : i32 to vector<16xi32>
      %add3A_1123 = arith.addi %iota3A_1120, %add3A_1122 : vector<16xi32>
      %lt3A_1124 = vector.broadcast %squeeze3A_995 : i32 to vector<16xi32>
      %lt3A_1125 = arith.cmpi slt, %add3A_1123, %lt3A_1124 : vector<16xi32>
      %get3A_1126 = arith.index_cast %add3A_999 : i32 to index
      %get3A_1127 = arith.constant 112 : index
      %get3A_1128 = tpu.vector_load %arg15[%get3A_1126, %get3A_1127] {strides = array<i32>} : memref<128x128xf32, #tpu.memory_space<vmem>>, vector<1x16xf32>,
      %get3A_1129 = vector.shape_cast %get3A_1128 : vector<1x16xf32> to vector<16xf32>
      %jit3A_1130 = arith.constant -1.000000e+00 : f32
      %broadcast_in_dim3A_1131 = vector.broadcast %jit3A_1130 : f32 to vector<16xf32>
      %select_n3A_1132 = arith.select %lt3A_1125, %get3A_1129, %broadcast_in_dim3A_1131 : vector<16xi1>, vector<16xf32>
      %get3A_1133 = arith.index_cast %add3A_999 : i32 to index
      %get3A_1134 = arith.constant 48 : index
      %get3A_1135 = tpu.vector_load %arg15[%get3A_1133, %get3A_1134] {strides = array<i32>} : memref<128x128xf32, #tpu.memory_space<vmem>>, vector<1x16xf32>,
      %get3A_1136 = vector.shape_cast %get3A_1135 : vector<1x16xf32> to vector<16xf32>
      %jit3A_1137 = arith.constant 0.000000e+00 : f32
      %broadcast_in_dim3A_1138 = vector.broadcast %jit3A_1137 : f32 to vector<16xf32>
      %select_n3A_1139 = arith.select %lt3A_1125, %get3A_1136, %broadcast_in_dim3A_1138 : vector<16xi1>, vector<16xf32>
      %swap3A_1140 = arith.index_cast %add3A_999 : i32 to index
      %swap3A_1141 = arith.constant 48 : index
      %swap3A_1142 = tpu.vector_load %arg16[%swap3A_1140, %swap3A_1141] {strides = array<i32>} : memref<128x64xf32, #tpu.memory_space<vmem>>, vector<1x16xf32>,
      %swap3A_1143 = vector.shape_cast %swap3A_1142 : vector<1x16xf32> to vector<16xf32>
      %swap3A_1144 = vector.shape_cast %select_n3A_1139 : vector<16xf32> to vector<1x16xf32>
      tpu.vector_store %arg16[%swap3A_1140, %swap3A_1141], %swap3A_1144 {strides = array<i32>} : memref<128x64xf32, #tpu.memory_space<vmem>>, vector<1x16xf32>,
      %convert_element_type3A_1145 = arith.fptosi %select_n3A_1132 : vector<16xf32> to vector<16xi32>
      %swap3A_1146 = arith.index_cast %add3A_999 : i32 to index
      %swap3A_1147 = arith.constant 48 : index
      %swap3A_1148 = tpu.vector_load %arg17[%swap3A_1146, %swap3A_1147] {strides = array<i32>} : memref<128x64xi32, #tpu.memory_space<vmem>>, vector<1x16xi32>,
      %swap3A_1149 = vector.shape_cast %swap3A_1148 : vector<1x16xi32> to vector<16xi32>
      %swap3A_1150 = vector.shape_cast %convert_element_type3A_1145 : vector<16xi32> to vector<1x16xi32>
      tpu.vector_store %arg17[%swap3A_1146, %swap3A_1147], %swap3A_1150 {strides = array<i32>} : memref<128x64xi32, #tpu.memory_space<vmem>>, vector<1x16xi32>,
      %jit3A_1151 = arith.constant 0.000000e+00 : f32
      %broadcast_in_dim3A_1152 = vector.broadcast %squeeze3A_997 : f32 to vector<16xf32>
      %broadcast_in_dim3A_1153 = vector.broadcast %jit3A_1151 : f32 to vector<16xf32>
      %select_n3A_1154 = arith.select %lt3A_1125, %broadcast_in_dim3A_1152, %broadcast_in_dim3A_1153 : vector<16xi1>, vector<16xf32>
      %swap3A_1155 = arith.index_cast %add3A_999 : i32 to index
      %swap3A_1156 = arith.constant 48 : index
      %swap3A_1157 = tpu.vector_load %arg18[%swap3A_1155, %swap3A_1156] {strides = array<i32>} : memref<128x64xf32, #tpu.memory_space<vmem>>, vector<1x16xf32>,
      %swap3A_1158 = vector.shape_cast %swap3A_1157 : vector<1x16xf32> to vector<16xf32>
      %swap3A_1159 = vector.shape_cast %select_n3A_1154 : vector<16xf32> to vector<1x16xf32>
      tpu.vector_store %arg18[%swap3A_1155, %swap3A_1156], %swap3A_1159 {strides = array<i32>} : memref<128x64xf32, #tpu.memory_space<vmem>>, vector<1x16xf32>,
      %slice3A_1160 = vector.extract_strided_slice %select_n3A {offsets = [6], sizes = [1], strides = [1]} : vector<16xi32> to vector<1xi32>
      %squeeze3A_1161 = vector.extract %slice3A_1160[0] : i32 from vector<1xi32>
      %slice3A_1162 = vector.extract_strided_slice %get3A_162 {offsets = [6], sizes = [1], strides = [1]} : vector<16xf32> to vector<1xf32>
      %squeeze3A_1163 = vector.extract %slice3A_1162[0] : f32 from vector<1xf32>
      %add3A_1164 = arith.constant 6 : i32
      %add3A_1165 = arith.addi %mul3A_153, %add3A_1164 : i32
      %iota3A_1166 = tpu.iota {dimensions = array<i32: 0>} : vector<16xi32>
      %add3A_1167 = arith.constant 0 : i32
      %add3A_1168 = vector.broadcast %add3A_1167 : i32 to vector<16xi32>
      %add3A_1169 = arith.addi %iota3A_1166, %add3A_1168 : vector<16xi32>
      %lt3A_1170 = vector.broadcast %squeeze3A_1161 : i32 to vector<16xi32>
      %lt3A_1171 = arith.cmpi slt, %add3A_1169, %lt3A_1170 : vector<16xi32>
      %get3A_1172 = arith.index_cast %add3A_1165 : i32 to index
      %get3A_1173 = arith.constant 64 : index
      %get3A_1174 = tpu.vector_load %arg15[%get3A_1172, %get3A_1173] {strides = array<i32>} : memref<128x128xf32, #tpu.memory_space<vmem>>, vector<1x16xf32>,
      %get3A_1175 = vector.shape_cast %get3A_1174 : vector<1x16xf32> to vector<16xf32>
      %jit3A_1176 = arith.constant -1.000000e+00 : f32
      %broadcast_in_dim3A_1177 = vector.broadcast %jit3A_1176 : f32 to vector<16xf32>
      %select_n3A_1178 = arith.select %lt3A_1171, %get3A_1175, %broadcast_in_dim3A_1177 : vector<16xi1>, vector<16xf32>
      %get3A_1179 = arith.index_cast %add3A_1165 : i32 to index
      %get3A_1180 = arith.constant 0 : index
      %get3A_1181 = tpu.vector_load %arg15[%get3A_1179, %get3A_1180] {strides = array<i32>} : memref<128x128xf32, #tpu.memory_space<vmem>>, vector<1x16xf32>,
      %get3A_1182 = vector.shape_cast %get3A_1181 : vector<1x16xf32> to vector<16xf32>
      %jit3A_1183 = arith.constant 0.000000e+00 : f32
      %broadcast_in_dim3A_1184 = vector.broadcast %jit3A_1183 : f32 to vector<16xf32>
      %select_n3A_1185 = arith.select %lt3A_1171, %get3A_1182, %broadcast_in_dim3A_1184 : vector<16xi1>, vector<16xf32>
      %swap3A_1186 = arith.index_cast %add3A_1165 : i32 to index
      %swap3A_1187 = arith.constant 0 : index
      %swap3A_1188 = tpu.vector_load %arg16[%swap3A_1186, %swap3A_1187] {strides = array<i32>} : memref<128x64xf32, #tpu.memory_space<vmem>>, vector<1x16xf32>,
      %swap3A_1189 = vector.shape_cast %swap3A_1188 : vector<1x16xf32> to vector<16xf32>
      %swap3A_1190 = vector.shape_cast %select_n3A_1185 : vector<16xf32> to vector<1x16xf32>
      tpu.vector_store %arg16[%swap3A_1186, %swap3A_1187], %swap3A_1190 {strides = array<i32>} : memref<128x64xf32, #tpu.memory_space<vmem>>, vector<1x16xf32>,
      %convert_element_type3A_1191 = arith.fptosi %select_n3A_1178 : vector<16xf32> to vector<16xi32>
      %swap3A_1192 = arith.index_cast %add3A_1165 : i32 to index
      %swap3A_1193 = arith.constant 0 : index
      %swap3A_1194 = tpu.vector_load %arg17[%swap3A_1192, %swap3A_1193] {strides = array<i32>} : memref<128x64xi32, #tpu.memory_space<vmem>>, vector<1x16xi32>,
      %swap3A_1195 = vector.shape_cast %swap3A_1194 : vector<1x16xi32> to vector<16xi32>
      %swap3A_1196 = vector.shape_cast %convert_element_type3A_1191 : vector<16xi32> to vector<1x16xi32>
      tpu.vector_store %arg17[%swap3A_1192, %swap3A_1193], %swap3A_1196 {strides = array<i32>} : memref<128x64xi32, #tpu.memory_space<vmem>>, vector<1x16xi32>,
      %jit3A_1197 = arith.constant 0.000000e+00 : f32
      %broadcast_in_dim3A_1198 = vector.broadcast %squeeze3A_1163 : f32 to vector<16xf32>
      %broadcast_in_dim3A_1199 = vector.broadcast %jit3A_1197 : f32 to vector<16xf32>
      %select_n3A_1200 = arith.select %lt3A_1171, %broadcast_in_dim3A_1198, %broadcast_in_dim3A_1199 : vector<16xi1>, vector<16xf32>
      %swap3A_1201 = arith.index_cast %add3A_1165 : i32 to index
      %swap3A_1202 = arith.constant 0 : index
      %swap3A_1203 = tpu.vector_load %arg18[%swap3A_1201, %swap3A_1202] {strides = array<i32>} : memref<128x64xf32, #tpu.memory_space<vmem>>, vector<1x16xf32>,
      %swap3A_1204 = vector.shape_cast %swap3A_1203 : vector<1x16xf32> to vector<16xf32>
      %swap3A_1205 = vector.shape_cast %select_n3A_1200 : vector<16xf32> to vector<1x16xf32>
      tpu.vector_store %arg18[%swap3A_1201, %swap3A_1202], %swap3A_1205 {strides = array<i32>} : memref<128x64xf32, #tpu.memory_space<vmem>>, vector<1x16xf32>,
      %iota3A_1206 = tpu.iota {dimensions = array<i32: 0>} : vector<16xi32>
      %add3A_1207 = arith.constant 16 : i32
      %add3A_1208 = vector.broadcast %add3A_1207 : i32 to vector<16xi32>
      %add3A_1209 = arith.addi %iota3A_1206, %add3A_1208 : vector<16xi32>
      %lt3A_1210 = vector.broadcast %squeeze3A_1161 : i32 to vector<16xi32>
      %lt3A_1211 = arith.cmpi slt, %add3A_1209, %lt3A_1210 : vector<16xi32>
      %get3A_1212 = arith.index_cast %add3A_1165 : i32 to index
      %get3A_1213 = arith.constant 80 : index
      %get3A_1214 = tpu.vector_load %arg15[%get3A_1212, %get3A_1213] {strides = array<i32>} : memref<128x128xf32, #tpu.memory_space<vmem>>, vector<1x16xf32>,
      %get3A_1215 = vector.shape_cast %get3A_1214 : vector<1x16xf32> to vector<16xf32>
      %jit3A_1216 = arith.constant -1.000000e+00 : f32
      %broadcast_in_dim3A_1217 = vector.broadcast %jit3A_1216 : f32 to vector<16xf32>
      %select_n3A_1218 = arith.select %lt3A_1211, %get3A_1215, %broadcast_in_dim3A_1217 : vector<16xi1>, vector<16xf32>
      %get3A_1219 = arith.index_cast %add3A_1165 : i32 to index
      %get3A_1220 = arith.constant 16 : index
      %get3A_1221 = tpu.vector_load %arg15[%get3A_1219, %get3A_1220] {strides = array<i32>} : memref<128x128xf32, #tpu.memory_space<vmem>>, vector<1x16xf32>,
      %get3A_1222 = vector.shape_cast %get3A_1221 : vector<1x16xf32> to vector<16xf32>
      %jit3A_1223 = arith.constant 0.000000e+00 : f32
      %broadcast_in_dim3A_1224 = vector.broadcast %jit3A_1223 : f32 to vector<16xf32>
      %select_n3A_1225 = arith.select %lt3A_1211, %get3A_1222, %broadcast_in_dim3A_1224 : vector<16xi1>, vector<16xf32>
      %swap3A_1226 = arith.index_cast %add3A_1165 : i32 to index
      %swap3A_1227 = arith.constant 16 : index
      %swap3A_1228 = tpu.vector_load %arg16[%swap3A_1226, %swap3A_1227] {strides = array<i32>} : memref<128x64xf32, #tpu.memory_space<vmem>>, vector<1x16xf32>,
      %swap3A_1229 = vector.shape_cast %swap3A_1228 : vector<1x16xf32> to vector<16xf32>
      %swap3A_1230 = vector.shape_cast %select_n3A_1225 : vector<16xf32> to vector<1x16xf32>
      tpu.vector_store %arg16[%swap3A_1226, %swap3A_1227], %swap3A_1230 {strides = array<i32>} : memref<128x64xf32, #tpu.memory_space<vmem>>, vector<1x16xf32>,
      %convert_element_type3A_1231 = arith.fptosi %select_n3A_1218 : vector<16xf32> to vector<16xi32>
      %swap3A_1232 = arith.index_cast %add3A_1165 : i32 to index
      %swap3A_1233 = arith.constant 16 : index
      %swap3A_1234 = tpu.vector_load %arg17[%swap3A_1232, %swap3A_1233] {strides = array<i32>} : memref<128x64xi32, #tpu.memory_space<vmem>>, vector<1x16xi32>,
      %swap3A_1235 = vector.shape_cast %swap3A_1234 : vector<1x16xi32> to vector<16xi32>
      %swap3A_1236 = vector.shape_cast %convert_element_type3A_1231 : vector<16xi32> to vector<1x16xi32>
      tpu.vector_store %arg17[%swap3A_1232, %swap3A_1233], %swap3A_1236 {strides = array<i32>} : memref<128x64xi32, #tpu.memory_space<vmem>>, vector<1x16xi32>,
      %jit3A_1237 = arith.constant 0.000000e+00 : f32
      %broadcast_in_dim3A_1238 = vector.broadcast %squeeze3A_1163 : f32 to vector<16xf32>
      %broadcast_in_dim3A_1239 = vector.broadcast %jit3A_1237 : f32 to vector<16xf32>
      %select_n3A_1240 = arith.select %lt3A_1211, %broadcast_in_dim3A_1238, %broadcast_in_dim3A_1239 : vector<16xi1>, vector<16xf32>
      %swap3A_1241 = arith.index_cast %add3A_1165 : i32 to index
      %swap3A_1242 = arith.constant 16 : index
      %swap3A_1243 = tpu.vector_load %arg18[%swap3A_1241, %swap3A_1242] {strides = array<i32>} : memref<128x64xf32, #tpu.memory_space<vmem>>, vector<1x16xf32>,
      %swap3A_1244 = vector.shape_cast %swap3A_1243 : vector<1x16xf32> to vector<16xf32>
      %swap3A_1245 = vector.shape_cast %select_n3A_1240 : vector<16xf32> to vector<1x16xf32>
      tpu.vector_store %arg18[%swap3A_1241, %swap3A_1242], %swap3A_1245 {strides = array<i32>} : memref<128x64xf32, #tpu.memory_space<vmem>>, vector<1x16xf32>,
      %iota3A_1246 = tpu.iota {dimensions = array<i32: 0>} : vector<16xi32>
      %add3A_1247 = arith.constant 32 : i32
      %add3A_1248 = vector.broadcast %add3A_1247 : i32 to vector<16xi32>
      %add3A_1249 = arith.addi %iota3A_1246, %add3A_1248 : vector<16xi32>
      %lt3A_1250 = vector.broadcast %squeeze3A_1161 : i32 to vector<16xi32>
      %lt3A_1251 = arith.cmpi slt, %add3A_1249, %lt3A_1250 : vector<16xi32>
      %get3A_1252 = arith.index_cast %add3A_1165 : i32 to index
      %get3A_1253 = arith.constant 96 : index
      %get3A_1254 = tpu.vector_load %arg15[%get3A_1252, %get3A_1253] {strides = array<i32>} : memref<128x128xf32, #tpu.memory_space<vmem>>, vector<1x16xf32>,
      %get3A_1255 = vector.shape_cast %get3A_1254 : vector<1x16xf32> to vector<16xf32>
      %jit3A_1256 = arith.constant -1.000000e+00 : f32
      %broadcast_in_dim3A_1257 = vector.broadcast %jit3A_1256 : f32 to vector<16xf32>
      %select_n3A_1258 = arith.select %lt3A_1251, %get3A_1255, %broadcast_in_dim3A_1257 : vector<16xi1>, vector<16xf32>
      %get3A_1259 = arith.index_cast %add3A_1165 : i32 to index
      %get3A_1260 = arith.constant 32 : index
      %get3A_1261 = tpu.vector_load %arg15[%get3A_1259, %get3A_1260] {strides = array<i32>} : memref<128x128xf32, #tpu.memory_space<vmem>>, vector<1x16xf32>,
      %get3A_1262 = vector.shape_cast %get3A_1261 : vector<1x16xf32> to vector<16xf32>
      %jit3A_1263 = arith.constant 0.000000e+00 : f32
      %broadcast_in_dim3A_1264 = vector.broadcast %jit3A_1263 : f32 to vector<16xf32>
      %select_n3A_1265 = arith.select %lt3A_1251, %get3A_1262, %broadcast_in_dim3A_1264 : vector<16xi1>, vector<16xf32>
      %swap3A_1266 = arith.index_cast %add3A_1165 : i32 to index
      %swap3A_1267 = arith.constant 32 : index
      %swap3A_1268 = tpu.vector_load %arg16[%swap3A_1266, %swap3A_1267] {strides = array<i32>} : memref<128x64xf32, #tpu.memory_space<vmem>>, vector<1x16xf32>,
      %swap3A_1269 = vector.shape_cast %swap3A_1268 : vector<1x16xf32> to vector<16xf32>
      %swap3A_1270 = vector.shape_cast %select_n3A_1265 : vector<16xf32> to vector<1x16xf32>
      tpu.vector_store %arg16[%swap3A_1266, %swap3A_1267], %swap3A_1270 {strides = array<i32>} : memref<128x64xf32, #tpu.memory_space<vmem>>, vector<1x16xf32>,
      %convert_element_type3A_1271 = arith.fptosi %select_n3A_1258 : vector<16xf32> to vector<16xi32>
      %swap3A_1272 = arith.index_cast %add3A_1165 : i32 to index
      %swap3A_1273 = arith.constant 32 : index
      %swap3A_1274 = tpu.vector_load %arg17[%swap3A_1272, %swap3A_1273] {strides = array<i32>} : memref<128x64xi32, #tpu.memory_space<vmem>>, vector<1x16xi32>,
      %swap3A_1275 = vector.shape_cast %swap3A_1274 : vector<1x16xi32> to vector<16xi32>
      %swap3A_1276 = vector.shape_cast %convert_element_type3A_1271 : vector<16xi32> to vector<1x16xi32>
      tpu.vector_store %arg17[%swap3A_1272, %swap3A_1273], %swap3A_1276 {strides = array<i32>} : memref<128x64xi32, #tpu.memory_space<vmem>>, vector<1x16xi32>,
      %jit3A_1277 = arith.constant 0.000000e+00 : f32
      %broadcast_in_dim3A_1278 = vector.broadcast %squeeze3A_1163 : f32 to vector<16xf32>
      %broadcast_in_dim3A_1279 = vector.broadcast %jit3A_1277 : f32 to vector<16xf32>
      %select_n3A_1280 = arith.select %lt3A_1251, %broadcast_in_dim3A_1278, %broadcast_in_dim3A_1279 : vector<16xi1>, vector<16xf32>
      %swap3A_1281 = arith.index_cast %add3A_1165 : i32 to index
      %swap3A_1282 = arith.constant 32 : index
      %swap3A_1283 = tpu.vector_load %arg18[%swap3A_1281, %swap3A_1282] {strides = array<i32>} : memref<128x64xf32, #tpu.memory_space<vmem>>, vector<1x16xf32>,
      %swap3A_1284 = vector.shape_cast %swap3A_1283 : vector<1x16xf32> to vector<16xf32>
      %swap3A_1285 = vector.shape_cast %select_n3A_1280 : vector<16xf32> to vector<1x16xf32>
      tpu.vector_store %arg18[%swap3A_1281, %swap3A_1282], %swap3A_1285 {strides = array<i32>} : memref<128x64xf32, #tpu.memory_space<vmem>>, vector<1x16xf32>,
      %iota3A_1286 = tpu.iota {dimensions = array<i32: 0>} : vector<16xi32>
      %add3A_1287 = arith.constant 48 : i32
      %add3A_1288 = vector.broadcast %add3A_1287 : i32 to vector<16xi32>
      %add3A_1289 = arith.addi %iota3A_1286, %add3A_1288 : vector<16xi32>
      %lt3A_1290 = vector.broadcast %squeeze3A_1161 : i32 to vector<16xi32>
      %lt3A_1291 = arith.cmpi slt, %add3A_1289, %lt3A_1290 : vector<16xi32>
      %get3A_1292 = arith.index_cast %add3A_1165 : i32 to index
      %get3A_1293 = arith.constant 112 : index
      %get3A_1294 = tpu.vector_load %arg15[%get3A_1292, %get3A_1293] {strides = array<i32>} : memref<128x128xf32, #tpu.memory_space<vmem>>, vector<1x16xf32>,
      %get3A_1295 = vector.shape_cast %get3A_1294 : vector<1x16xf32> to vector<16xf32>
      %jit3A_1296 = arith.constant -1.000000e+00 : f32
      %broadcast_in_dim3A_1297 = vector.broadcast %jit3A_1296 : f32 to vector<16xf32>
      %select_n3A_1298 = arith.select %lt3A_1291, %get3A_1295, %broadcast_in_dim3A_1297 : vector<16xi1>, vector<16xf32>
      %get3A_1299 = arith.index_cast %add3A_1165 : i32 to index
      %get3A_1300 = arith.constant 48 : index
      %get3A_1301 = tpu.vector_load %arg15[%get3A_1299, %get3A_1300] {strides = array<i32>} : memref<128x128xf32, #tpu.memory_space<vmem>>, vector<1x16xf32>,
      %get3A_1302 = vector.shape_cast %get3A_1301 : vector<1x16xf32> to vector<16xf32>
      %jit3A_1303 = arith.constant 0.000000e+00 : f32
      %broadcast_in_dim3A_1304 = vector.broadcast %jit3A_1303 : f32 to vector<16xf32>
      %select_n3A_1305 = arith.select %lt3A_1291, %get3A_1302, %broadcast_in_dim3A_1304 : vector<16xi1>, vector<16xf32>
      %swap3A_1306 = arith.index_cast %add3A_1165 : i32 to index
      %swap3A_1307 = arith.constant 48 : index
      %swap3A_1308 = tpu.vector_load %arg16[%swap3A_1306, %swap3A_1307] {strides = array<i32>} : memref<128x64xf32, #tpu.memory_space<vmem>>, vector<1x16xf32>,
      %swap3A_1309 = vector.shape_cast %swap3A_1308 : vector<1x16xf32> to vector<16xf32>
      %swap3A_1310 = vector.shape_cast %select_n3A_1305 : vector<16xf32> to vector<1x16xf32>
      tpu.vector_store %arg16[%swap3A_1306, %swap3A_1307], %swap3A_1310 {strides = array<i32>} : memref<128x64xf32, #tpu.memory_space<vmem>>, vector<1x16xf32>,
      %convert_element_type3A_1311 = arith.fptosi %select_n3A_1298 : vector<16xf32> to vector<16xi32>
      %swap3A_1312 = arith.index_cast %add3A_1165 : i32 to index
      %swap3A_1313 = arith.constant 48 : index
      %swap3A_1314 = tpu.vector_load %arg17[%swap3A_1312, %swap3A_1313] {strides = array<i32>} : memref<128x64xi32, #tpu.memory_space<vmem>>, vector<1x16xi32>,
      %swap3A_1315 = vector.shape_cast %swap3A_1314 : vector<1x16xi32> to vector<16xi32>
      %swap3A_1316 = vector.shape_cast %convert_element_type3A_1311 : vector<16xi32> to vector<1x16xi32>
      tpu.vector_store %arg17[%swap3A_1312, %swap3A_1313], %swap3A_1316 {strides = array<i32>} : memref<128x64xi32, #tpu.memory_space<vmem>>, vector<1x16xi32>,
      %jit3A_1317 = arith.constant 0.000000e+00 : f32
      %broadcast_in_dim3A_1318 = vector.broadcast %squeeze3A_1163 : f32 to vector<16xf32>
      %broadcast_in_dim3A_1319 = vector.broadcast %jit3A_1317 : f32 to vector<16xf32>
      %select_n3A_1320 = arith.select %lt3A_1291, %broadcast_in_dim3A_1318, %broadcast_in_dim3A_1319 : vector<16xi1>, vector<16xf32>
      %swap3A_1321 = arith.index_cast %add3A_1165 : i32 to index
      %swap3A_1322 = arith.constant 48 : index
      %swap3A_1323 = tpu.vector_load %arg18[%swap3A_1321, %swap3A_1322] {strides = array<i32>} : memref<128x64xf32, #tpu.memory_space<vmem>>, vector<1x16xf32>,
      %swap3A_1324 = vector.shape_cast %swap3A_1323 : vector<1x16xf32> to vector<16xf32>
      %swap3A_1325 = vector.shape_cast %select_n3A_1320 : vector<16xf32> to vector<1x16xf32>
      tpu.vector_store %arg18[%swap3A_1321, %swap3A_1322], %swap3A_1325 {strides = array<i32>} : memref<128x64xf32, #tpu.memory_space<vmem>>, vector<1x16xf32>,
      %slice3A_1326 = vector.extract_strided_slice %select_n3A {offsets = [7], sizes = [1], strides = [1]} : vector<16xi32> to vector<1xi32>
      %squeeze3A_1327 = vector.extract %slice3A_1326[0] : i32 from vector<1xi32>
      %slice3A_1328 = vector.extract_strided_slice %get3A_162 {offsets = [7], sizes = [1], strides = [1]} : vector<16xf32> to vector<1xf32>
      %squeeze3A_1329 = vector.extract %slice3A_1328[0] : f32 from vector<1xf32>
      %add3A_1330 = arith.constant 7 : i32
      %add3A_1331 = arith.addi %mul3A_153, %add3A_1330 : i32
      %iota3A_1332 = tpu.iota {dimensions = array<i32: 0>} : vector<16xi32>
      %add3A_1333 = arith.constant 0 : i32
      %add3A_1334 = vector.broadcast %add3A_1333 : i32 to vector<16xi32>
      %add3A_1335 = arith.addi %iota3A_1332, %add3A_1334 : vector<16xi32>
      %lt3A_1336 = vector.broadcast %squeeze3A_1327 : i32 to vector<16xi32>
      %lt3A_1337 = arith.cmpi slt, %add3A_1335, %lt3A_1336 : vector<16xi32>
      %get3A_1338 = arith.index_cast %add3A_1331 : i32 to index
      %get3A_1339 = arith.constant 64 : index
      %get3A_1340 = tpu.vector_load %arg15[%get3A_1338, %get3A_1339] {strides = array<i32>} : memref<128x128xf32, #tpu.memory_space<vmem>>, vector<1x16xf32>,
      %get3A_1341 = vector.shape_cast %get3A_1340 : vector<1x16xf32> to vector<16xf32>
      %jit3A_1342 = arith.constant -1.000000e+00 : f32
      %broadcast_in_dim3A_1343 = vector.broadcast %jit3A_1342 : f32 to vector<16xf32>
      %select_n3A_1344 = arith.select %lt3A_1337, %get3A_1341, %broadcast_in_dim3A_1343 : vector<16xi1>, vector<16xf32>
      %get3A_1345 = arith.index_cast %add3A_1331 : i32 to index
      %get3A_1346 = arith.constant 0 : index
      %get3A_1347 = tpu.vector_load %arg15[%get3A_1345, %get3A_1346] {strides = array<i32>} : memref<128x128xf32, #tpu.memory_space<vmem>>, vector<1x16xf32>,
      %get3A_1348 = vector.shape_cast %get3A_1347 : vector<1x16xf32> to vector<16xf32>
      %jit3A_1349 = arith.constant 0.000000e+00 : f32
      %broadcast_in_dim3A_1350 = vector.broadcast %jit3A_1349 : f32 to vector<16xf32>
      %select_n3A_1351 = arith.select %lt3A_1337, %get3A_1348, %broadcast_in_dim3A_1350 : vector<16xi1>, vector<16xf32>
      %swap3A_1352 = arith.index_cast %add3A_1331 : i32 to index
      %swap3A_1353 = arith.constant 0 : index
      %swap3A_1354 = tpu.vector_load %arg16[%swap3A_1352, %swap3A_1353] {strides = array<i32>} : memref<128x64xf32, #tpu.memory_space<vmem>>, vector<1x16xf32>,
      %swap3A_1355 = vector.shape_cast %swap3A_1354 : vector<1x16xf32> to vector<16xf32>
      %swap3A_1356 = vector.shape_cast %select_n3A_1351 : vector<16xf32> to vector<1x16xf32>
      tpu.vector_store %arg16[%swap3A_1352, %swap3A_1353], %swap3A_1356 {strides = array<i32>} : memref<128x64xf32, #tpu.memory_space<vmem>>, vector<1x16xf32>,
      %convert_element_type3A_1357 = arith.fptosi %select_n3A_1344 : vector<16xf32> to vector<16xi32>
      %swap3A_1358 = arith.index_cast %add3A_1331 : i32 to index
      %swap3A_1359 = arith.constant 0 : index
      %swap3A_1360 = tpu.vector_load %arg17[%swap3A_1358, %swap3A_1359] {strides = array<i32>} : memref<128x64xi32, #tpu.memory_space<vmem>>, vector<1x16xi32>,
      %swap3A_1361 = vector.shape_cast %swap3A_1360 : vector<1x16xi32> to vector<16xi32>
      %swap3A_1362 = vector.shape_cast %convert_element_type3A_1357 : vector<16xi32> to vector<1x16xi32>
      tpu.vector_store %arg17[%swap3A_1358, %swap3A_1359], %swap3A_1362 {strides = array<i32>} : memref<128x64xi32, #tpu.memory_space<vmem>>, vector<1x16xi32>,
      %jit3A_1363 = arith.constant 0.000000e+00 : f32
      %broadcast_in_dim3A_1364 = vector.broadcast %squeeze3A_1329 : f32 to vector<16xf32>
      %broadcast_in_dim3A_1365 = vector.broadcast %jit3A_1363 : f32 to vector<16xf32>
      %select_n3A_1366 = arith.select %lt3A_1337, %broadcast_in_dim3A_1364, %broadcast_in_dim3A_1365 : vector<16xi1>, vector<16xf32>
      %swap3A_1367 = arith.index_cast %add3A_1331 : i32 to index
      %swap3A_1368 = arith.constant 0 : index
      %swap3A_1369 = tpu.vector_load %arg18[%swap3A_1367, %swap3A_1368] {strides = array<i32>} : memref<128x64xf32, #tpu.memory_space<vmem>>, vector<1x16xf32>,
      %swap3A_1370 = vector.shape_cast %swap3A_1369 : vector<1x16xf32> to vector<16xf32>
      %swap3A_1371 = vector.shape_cast %select_n3A_1366 : vector<16xf32> to vector<1x16xf32>
      tpu.vector_store %arg18[%swap3A_1367, %swap3A_1368], %swap3A_1371 {strides = array<i32>} : memref<128x64xf32, #tpu.memory_space<vmem>>, vector<1x16xf32>,
      %iota3A_1372 = tpu.iota {dimensions = array<i32: 0>} : vector<16xi32>
      %add3A_1373 = arith.constant 16 : i32
      %add3A_1374 = vector.broadcast %add3A_1373 : i32 to vector<16xi32>
      %add3A_1375 = arith.addi %iota3A_1372, %add3A_1374 : vector<16xi32>
      %lt3A_1376 = vector.broadcast %squeeze3A_1327 : i32 to vector<16xi32>
      %lt3A_1377 = arith.cmpi slt, %add3A_1375, %lt3A_1376 : vector<16xi32>
      %get3A_1378 = arith.index_cast %add3A_1331 : i32 to index
      %get3A_1379 = arith.constant 80 : index
      %get3A_1380 = tpu.vector_load %arg15[%get3A_1378, %get3A_1379] {strides = array<i32>} : memref<128x128xf32, #tpu.memory_space<vmem>>, vector<1x16xf32>,
      %get3A_1381 = vector.shape_cast %get3A_1380 : vector<1x16xf32> to vector<16xf32>
      %jit3A_1382 = arith.constant -1.000000e+00 : f32
      %broadcast_in_dim3A_1383 = vector.broadcast %jit3A_1382 : f32 to vector<16xf32>
      %select_n3A_1384 = arith.select %lt3A_1377, %get3A_1381, %broadcast_in_dim3A_1383 : vector<16xi1>, vector<16xf32>
      %get3A_1385 = arith.index_cast %add3A_1331 : i32 to index
      %get3A_1386 = arith.constant 16 : index
      %get3A_1387 = tpu.vector_load %arg15[%get3A_1385, %get3A_1386] {strides = array<i32>} : memref<128x128xf32, #tpu.memory_space<vmem>>, vector<1x16xf32>,
      %get3A_1388 = vector.shape_cast %get3A_1387 : vector<1x16xf32> to vector<16xf32>
      %jit3A_1389 = arith.constant 0.000000e+00 : f32
      %broadcast_in_dim3A_1390 = vector.broadcast %jit3A_1389 : f32 to vector<16xf32>
      %select_n3A_1391 = arith.select %lt3A_1377, %get3A_1388, %broadcast_in_dim3A_1390 : vector<16xi1>, vector<16xf32>
      %swap3A_1392 = arith.index_cast %add3A_1331 : i32 to index
      %swap3A_1393 = arith.constant 16 : index
      %swap3A_1394 = tpu.vector_load %arg16[%swap3A_1392, %swap3A_1393] {strides = array<i32>} : memref<128x64xf32, #tpu.memory_space<vmem>>, vector<1x16xf32>,
      %swap3A_1395 = vector.shape_cast %swap3A_1394 : vector<1x16xf32> to vector<16xf32>
      %swap3A_1396 = vector.shape_cast %select_n3A_1391 : vector<16xf32> to vector<1x16xf32>
      tpu.vector_store %arg16[%swap3A_1392, %swap3A_1393], %swap3A_1396 {strides = array<i32>} : memref<128x64xf32, #tpu.memory_space<vmem>>, vector<1x16xf32>,
      %convert_element_type3A_1397 = arith.fptosi %select_n3A_1384 : vector<16xf32> to vector<16xi32>
      %swap3A_1398 = arith.index_cast %add3A_1331 : i32 to index
      %swap3A_1399 = arith.constant 16 : index
      %swap3A_1400 = tpu.vector_load %arg17[%swap3A_1398, %swap3A_1399] {strides = array<i32>} : memref<128x64xi32, #tpu.memory_space<vmem>>, vector<1x16xi32>,
      %swap3A_1401 = vector.shape_cast %swap3A_1400 : vector<1x16xi32> to vector<16xi32>
      %swap3A_1402 = vector.shape_cast %convert_element_type3A_1397 : vector<16xi32> to vector<1x16xi32>
      tpu.vector_store %arg17[%swap3A_1398, %swap3A_1399], %swap3A_1402 {strides = array<i32>} : memref<128x64xi32, #tpu.memory_space<vmem>>, vector<1x16xi32>,
      %jit3A_1403 = arith.constant 0.000000e+00 : f32
      %broadcast_in_dim3A_1404 = vector.broadcast %squeeze3A_1329 : f32 to vector<16xf32>
      %broadcast_in_dim3A_1405 = vector.broadcast %jit3A_1403 : f32 to vector<16xf32>
      %select_n3A_1406 = arith.select %lt3A_1377, %broadcast_in_dim3A_1404, %broadcast_in_dim3A_1405 : vector<16xi1>, vector<16xf32>
      %swap3A_1407 = arith.index_cast %add3A_1331 : i32 to index
      %swap3A_1408 = arith.constant 16 : index
      %swap3A_1409 = tpu.vector_load %arg18[%swap3A_1407, %swap3A_1408] {strides = array<i32>} : memref<128x64xf32, #tpu.memory_space<vmem>>, vector<1x16xf32>,
      %swap3A_1410 = vector.shape_cast %swap3A_1409 : vector<1x16xf32> to vector<16xf32>
      %swap3A_1411 = vector.shape_cast %select_n3A_1406 : vector<16xf32> to vector<1x16xf32>
      tpu.vector_store %arg18[%swap3A_1407, %swap3A_1408], %swap3A_1411 {strides = array<i32>} : memref<128x64xf32, #tpu.memory_space<vmem>>, vector<1x16xf32>,
      %iota3A_1412 = tpu.iota {dimensions = array<i32: 0>} : vector<16xi32>
      %add3A_1413 = arith.constant 32 : i32
      %add3A_1414 = vector.broadcast %add3A_1413 : i32 to vector<16xi32>
      %add3A_1415 = arith.addi %iota3A_1412, %add3A_1414 : vector<16xi32>
      %lt3A_1416 = vector.broadcast %squeeze3A_1327 : i32 to vector<16xi32>
      %lt3A_1417 = arith.cmpi slt, %add3A_1415, %lt3A_1416 : vector<16xi32>
      %get3A_1418 = arith.index_cast %add3A_1331 : i32 to index
      %get3A_1419 = arith.constant 96 : index
      %get3A_1420 = tpu.vector_load %arg15[%get3A_1418, %get3A_1419] {strides = array<i32>} : memref<128x128xf32, #tpu.memory_space<vmem>>, vector<1x16xf32>,
      %get3A_1421 = vector.shape_cast %get3A_1420 : vector<1x16xf32> to vector<16xf32>
      %jit3A_1422 = arith.constant -1.000000e+00 : f32
      %broadcast_in_dim3A_1423 = vector.broadcast %jit3A_1422 : f32 to vector<16xf32>
      %select_n3A_1424 = arith.select %lt3A_1417, %get3A_1421, %broadcast_in_dim3A_1423 : vector<16xi1>, vector<16xf32>
      %get3A_1425 = arith.index_cast %add3A_1331 : i32 to index
      %get3A_1426 = arith.constant 32 : index
      %get3A_1427 = tpu.vector_load %arg15[%get3A_1425, %get3A_1426] {strides = array<i32>} : memref<128x128xf32, #tpu.memory_space<vmem>>, vector<1x16xf32>,
      %get3A_1428 = vector.shape_cast %get3A_1427 : vector<1x16xf32> to vector<16xf32>
      %jit3A_1429 = arith.constant 0.000000e+00 : f32
      %broadcast_in_dim3A_1430 = vector.broadcast %jit3A_1429 : f32 to vector<16xf32>
      %select_n3A_1431 = arith.select %lt3A_1417, %get3A_1428, %broadcast_in_dim3A_1430 : vector<16xi1>, vector<16xf32>
      %swap3A_1432 = arith.index_cast %add3A_1331 : i32 to index
      %swap3A_1433 = arith.constant 32 : index
      %swap3A_1434 = tpu.vector_load %arg16[%swap3A_1432, %swap3A_1433] {strides = array<i32>} : memref<128x64xf32, #tpu.memory_space<vmem>>, vector<1x16xf32>,
      %swap3A_1435 = vector.shape_cast %swap3A_1434 : vector<1x16xf32> to vector<16xf32>
      %swap3A_1436 = vector.shape_cast %select_n3A_1431 : vector<16xf32> to vector<1x16xf32>
      tpu.vector_store %arg16[%swap3A_1432, %swap3A_1433], %swap3A_1436 {strides = array<i32>} : memref<128x64xf32, #tpu.memory_space<vmem>>, vector<1x16xf32>,
      %convert_element_type3A_1437 = arith.fptosi %select_n3A_1424 : vector<16xf32> to vector<16xi32>
      %swap3A_1438 = arith.index_cast %add3A_1331 : i32 to index
      %swap3A_1439 = arith.constant 32 : index
      %swap3A_1440 = tpu.vector_load %arg17[%swap3A_1438, %swap3A_1439] {strides = array<i32>} : memref<128x64xi32, #tpu.memory_space<vmem>>, vector<1x16xi32>,
      %swap3A_1441 = vector.shape_cast %swap3A_1440 : vector<1x16xi32> to vector<16xi32>
      %swap3A_1442 = vector.shape_cast %convert_element_type3A_1437 : vector<16xi32> to vector<1x16xi32>
      tpu.vector_store %arg17[%swap3A_1438, %swap3A_1439], %swap3A_1442 {strides = array<i32>} : memref<128x64xi32, #tpu.memory_space<vmem>>, vector<1x16xi32>,
      %jit3A_1443 = arith.constant 0.000000e+00 : f32
      %broadcast_in_dim3A_1444 = vector.broadcast %squeeze3A_1329 : f32 to vector<16xf32>
      %broadcast_in_dim3A_1445 = vector.broadcast %jit3A_1443 : f32 to vector<16xf32>
      %select_n3A_1446 = arith.select %lt3A_1417, %broadcast_in_dim3A_1444, %broadcast_in_dim3A_1445 : vector<16xi1>, vector<16xf32>
      %swap3A_1447 = arith.index_cast %add3A_1331 : i32 to index
      %swap3A_1448 = arith.constant 32 : index
      %swap3A_1449 = tpu.vector_load %arg18[%swap3A_1447, %swap3A_1448] {strides = array<i32>} : memref<128x64xf32, #tpu.memory_space<vmem>>, vector<1x16xf32>,
      %swap3A_1450 = vector.shape_cast %swap3A_1449 : vector<1x16xf32> to vector<16xf32>
      %swap3A_1451 = vector.shape_cast %select_n3A_1446 : vector<16xf32> to vector<1x16xf32>
      tpu.vector_store %arg18[%swap3A_1447, %swap3A_1448], %swap3A_1451 {strides = array<i32>} : memref<128x64xf32, #tpu.memory_space<vmem>>, vector<1x16xf32>,
      %iota3A_1452 = tpu.iota {dimensions = array<i32: 0>} : vector<16xi32>
      %add3A_1453 = arith.constant 48 : i32
      %add3A_1454 = vector.broadcast %add3A_1453 : i32 to vector<16xi32>
      %add3A_1455 = arith.addi %iota3A_1452, %add3A_1454 : vector<16xi32>
      %lt3A_1456 = vector.broadcast %squeeze3A_1327 : i32 to vector<16xi32>
      %lt3A_1457 = arith.cmpi slt, %add3A_1455, %lt3A_1456 : vector<16xi32>
      %get3A_1458 = arith.index_cast %add3A_1331 : i32 to index
      %get3A_1459 = arith.constant 112 : index
      %get3A_1460 = tpu.vector_load %arg15[%get3A_1458, %get3A_1459] {strides = array<i32>} : memref<128x128xf32, #tpu.memory_space<vmem>>, vector<1x16xf32>,
      %get3A_1461 = vector.shape_cast %get3A_1460 : vector<1x16xf32> to vector<16xf32>
      %jit3A_1462 = arith.constant -1.000000e+00 : f32
      %broadcast_in_dim3A_1463 = vector.broadcast %jit3A_1462 : f32 to vector<16xf32>
      %select_n3A_1464 = arith.select %lt3A_1457, %get3A_1461, %broadcast_in_dim3A_1463 : vector<16xi1>, vector<16xf32>
      %get3A_1465 = arith.index_cast %add3A_1331 : i32 to index
      %get3A_1466 = arith.constant 48 : index
      %get3A_1467 = tpu.vector_load %arg15[%get3A_1465, %get3A_1466] {strides = array<i32>} : memref<128x128xf32, #tpu.memory_space<vmem>>, vector<1x16xf32>,
      %get3A_1468 = vector.shape_cast %get3A_1467 : vector<1x16xf32> to vector<16xf32>
      %jit3A_1469 = arith.constant 0.000000e+00 : f32
      %broadcast_in_dim3A_1470 = vector.broadcast %jit3A_1469 : f32 to vector<16xf32>
      %select_n3A_1471 = arith.select %lt3A_1457, %get3A_1468, %broadcast_in_dim3A_1470 : vector<16xi1>, vector<16xf32>
      %swap3A_1472 = arith.index_cast %add3A_1331 : i32 to index
      %swap3A_1473 = arith.constant 48 : index
      %swap3A_1474 = tpu.vector_load %arg16[%swap3A_1472, %swap3A_1473] {strides = array<i32>} : memref<128x64xf32, #tpu.memory_space<vmem>>, vector<1x16xf32>,
      %swap3A_1475 = vector.shape_cast %swap3A_1474 : vector<1x16xf32> to vector<16xf32>
      %swap3A_1476 = vector.shape_cast %select_n3A_1471 : vector<16xf32> to vector<1x16xf32>
      tpu.vector_store %arg16[%swap3A_1472, %swap3A_1473], %swap3A_1476 {strides = array<i32>} : memref<128x64xf32, #tpu.memory_space<vmem>>, vector<1x16xf32>,
      %convert_element_type3A_1477 = arith.fptosi %select_n3A_1464 : vector<16xf32> to vector<16xi32>
      %swap3A_1478 = arith.index_cast %add3A_1331 : i32 to index
      %swap3A_1479 = arith.constant 48 : index
      %swap3A_1480 = tpu.vector_load %arg17[%swap3A_1478, %swap3A_1479] {strides = array<i32>} : memref<128x64xi32, #tpu.memory_space<vmem>>, vector<1x16xi32>,
      %swap3A_1481 = vector.shape_cast %swap3A_1480 : vector<1x16xi32> to vector<16xi32>
      %swap3A_1482 = vector.shape_cast %convert_element_type3A_1477 : vector<16xi32> to vector<1x16xi32>
      tpu.vector_store %arg17[%swap3A_1478, %swap3A_1479], %swap3A_1482 {strides = array<i32>} : memref<128x64xi32, #tpu.memory_space<vmem>>, vector<1x16xi32>,
      %jit3A_1483 = arith.constant 0.000000e+00 : f32
      %broadcast_in_dim3A_1484 = vector.broadcast %squeeze3A_1329 : f32 to vector<16xf32>
      %broadcast_in_dim3A_1485 = vector.broadcast %jit3A_1483 : f32 to vector<16xf32>
      %select_n3A_1486 = arith.select %lt3A_1457, %broadcast_in_dim3A_1484, %broadcast_in_dim3A_1485 : vector<16xi1>, vector<16xf32>
      %swap3A_1487 = arith.index_cast %add3A_1331 : i32 to index
      %swap3A_1488 = arith.constant 48 : index
      %swap3A_1489 = tpu.vector_load %arg18[%swap3A_1487, %swap3A_1488] {strides = array<i32>} : memref<128x64xf32, #tpu.memory_space<vmem>>, vector<1x16xf32>,
      %swap3A_1490 = vector.shape_cast %swap3A_1489 : vector<1x16xf32> to vector<16xf32>
      %swap3A_1491 = vector.shape_cast %select_n3A_1486 : vector<16xf32> to vector<1x16xf32>
      tpu.vector_store %arg18[%swap3A_1487, %swap3A_1488], %swap3A_1491 {strides = array<i32>} : memref<128x64xf32, #tpu.memory_space<vmem>>, vector<1x16xf32>,
      %slice3A_1492 = vector.extract_strided_slice %select_n3A {offsets = [8], sizes = [1], strides = [1]} : vector<16xi32> to vector<1xi32>
      %squeeze3A_1493 = vector.extract %slice3A_1492[0] : i32 from vector<1xi32>
      %slice3A_1494 = vector.extract_strided_slice %get3A_162 {offsets = [8], sizes = [1], strides = [1]} : vector<16xf32> to vector<1xf32>
      %squeeze3A_1495 = vector.extract %slice3A_1494[0] : f32 from vector<1xf32>
      %add3A_1496 = arith.constant 8 : i32
      %add3A_1497 = arith.addi %mul3A_153, %add3A_1496 : i32
      %iota3A_1498 = tpu.iota {dimensions = array<i32: 0>} : vector<16xi32>
      %add3A_1499 = arith.constant 0 : i32
      %add3A_1500 = vector.broadcast %add3A_1499 : i32 to vector<16xi32>
      %add3A_1501 = arith.addi %iota3A_1498, %add3A_1500 : vector<16xi32>
      %lt3A_1502 = vector.broadcast %squeeze3A_1493 : i32 to vector<16xi32>
      %lt3A_1503 = arith.cmpi slt, %add3A_1501, %lt3A_1502 : vector<16xi32>
      %get3A_1504 = arith.index_cast %add3A_1497 : i32 to index
      %get3A_1505 = arith.constant 64 : index
      %get3A_1506 = tpu.vector_load %arg15[%get3A_1504, %get3A_1505] {strides = array<i32>} : memref<128x128xf32, #tpu.memory_space<vmem>>, vector<1x16xf32>,
      %get3A_1507 = vector.shape_cast %get3A_1506 : vector<1x16xf32> to vector<16xf32>
      %jit3A_1508 = arith.constant -1.000000e+00 : f32
      %broadcast_in_dim3A_1509 = vector.broadcast %jit3A_1508 : f32 to vector<16xf32>
      %select_n3A_1510 = arith.select %lt3A_1503, %get3A_1507, %broadcast_in_dim3A_1509 : vector<16xi1>, vector<16xf32>
      %get3A_1511 = arith.index_cast %add3A_1497 : i32 to index
      %get3A_1512 = arith.constant 0 : index
      %get3A_1513 = tpu.vector_load %arg15[%get3A_1511, %get3A_1512] {strides = array<i32>} : memref<128x128xf32, #tpu.memory_space<vmem>>, vector<1x16xf32>,
      %get3A_1514 = vector.shape_cast %get3A_1513 : vector<1x16xf32> to vector<16xf32>
      %jit3A_1515 = arith.constant 0.000000e+00 : f32
      %broadcast_in_dim3A_1516 = vector.broadcast %jit3A_1515 : f32 to vector<16xf32>
      %select_n3A_1517 = arith.select %lt3A_1503, %get3A_1514, %broadcast_in_dim3A_1516 : vector<16xi1>, vector<16xf32>
      %swap3A_1518 = arith.index_cast %add3A_1497 : i32 to index
      %swap3A_1519 = arith.constant 0 : index
      %swap3A_1520 = tpu.vector_load %arg16[%swap3A_1518, %swap3A_1519] {strides = array<i32>} : memref<128x64xf32, #tpu.memory_space<vmem>>, vector<1x16xf32>,
      %swap3A_1521 = vector.shape_cast %swap3A_1520 : vector<1x16xf32> to vector<16xf32>
      %swap3A_1522 = vector.shape_cast %select_n3A_1517 : vector<16xf32> to vector<1x16xf32>
      tpu.vector_store %arg16[%swap3A_1518, %swap3A_1519], %swap3A_1522 {strides = array<i32>} : memref<128x64xf32, #tpu.memory_space<vmem>>, vector<1x16xf32>,
      %convert_element_type3A_1523 = arith.fptosi %select_n3A_1510 : vector<16xf32> to vector<16xi32>
      %swap3A_1524 = arith.index_cast %add3A_1497 : i32 to index
      %swap3A_1525 = arith.constant 0 : index
      %swap3A_1526 = tpu.vector_load %arg17[%swap3A_1524, %swap3A_1525] {strides = array<i32>} : memref<128x64xi32, #tpu.memory_space<vmem>>, vector<1x16xi32>,
      %swap3A_1527 = vector.shape_cast %swap3A_1526 : vector<1x16xi32> to vector<16xi32>
      %swap3A_1528 = vector.shape_cast %convert_element_type3A_1523 : vector<16xi32> to vector<1x16xi32>
      tpu.vector_store %arg17[%swap3A_1524, %swap3A_1525], %swap3A_1528 {strides = array<i32>} : memref<128x64xi32, #tpu.memory_space<vmem>>, vector<1x16xi32>,
      %jit3A_1529 = arith.constant 0.000000e+00 : f32
      %broadcast_in_dim3A_1530 = vector.broadcast %squeeze3A_1495 : f32 to vector<16xf32>
      %broadcast_in_dim3A_1531 = vector.broadcast %jit3A_1529 : f32 to vector<16xf32>
      %select_n3A_1532 = arith.select %lt3A_1503, %broadcast_in_dim3A_1530, %broadcast_in_dim3A_1531 : vector<16xi1>, vector<16xf32>
      %swap3A_1533 = arith.index_cast %add3A_1497 : i32 to index
      %swap3A_1534 = arith.constant 0 : index
      %swap3A_1535 = tpu.vector_load %arg18[%swap3A_1533, %swap3A_1534] {strides = array<i32>} : memref<128x64xf32, #tpu.memory_space<vmem>>, vector<1x16xf32>,
      %swap3A_1536 = vector.shape_cast %swap3A_1535 : vector<1x16xf32> to vector<16xf32>
      %swap3A_1537 = vector.shape_cast %select_n3A_1532 : vector<16xf32> to vector<1x16xf32>
      tpu.vector_store %arg18[%swap3A_1533, %swap3A_1534], %swap3A_1537 {strides = array<i32>} : memref<128x64xf32, #tpu.memory_space<vmem>>, vector<1x16xf32>,
      %iota3A_1538 = tpu.iota {dimensions = array<i32: 0>} : vector<16xi32>
      %add3A_1539 = arith.constant 16 : i32
      %add3A_1540 = vector.broadcast %add3A_1539 : i32 to vector<16xi32>
      %add3A_1541 = arith.addi %iota3A_1538, %add3A_1540 : vector<16xi32>
      %lt3A_1542 = vector.broadcast %squeeze3A_1493 : i32 to vector<16xi32>
      %lt3A_1543 = arith.cmpi slt, %add3A_1541, %lt3A_1542 : vector<16xi32>
      %get3A_1544 = arith.index_cast %add3A_1497 : i32 to index
      %get3A_1545 = arith.constant 80 : index
      %get3A_1546 = tpu.vector_load %arg15[%get3A_1544, %get3A_1545] {strides = array<i32>} : memref<128x128xf32, #tpu.memory_space<vmem>>, vector<1x16xf32>,
      %get3A_1547 = vector.shape_cast %get3A_1546 : vector<1x16xf32> to vector<16xf32>
      %jit3A_1548 = arith.constant -1.000000e+00 : f32
      %broadcast_in_dim3A_1549 = vector.broadcast %jit3A_1548 : f32 to vector<16xf32>
      %select_n3A_1550 = arith.select %lt3A_1543, %get3A_1547, %broadcast_in_dim3A_1549 : vector<16xi1>, vector<16xf32>
      %get3A_1551 = arith.index_cast %add3A_1497 : i32 to index
      %get3A_1552 = arith.constant 16 : index
      %get3A_1553 = tpu.vector_load %arg15[%get3A_1551, %get3A_1552] {strides = array<i32>} : memref<128x128xf32, #tpu.memory_space<vmem>>, vector<1x16xf32>,
      %get3A_1554 = vector.shape_cast %get3A_1553 : vector<1x16xf32> to vector<16xf32>
      %jit3A_1555 = arith.constant 0.000000e+00 : f32
      %broadcast_in_dim3A_1556 = vector.broadcast %jit3A_1555 : f32 to vector<16xf32>
      %select_n3A_1557 = arith.select %lt3A_1543, %get3A_1554, %broadcast_in_dim3A_1556 : vector<16xi1>, vector<16xf32>
      %swap3A_1558 = arith.index_cast %add3A_1497 : i32 to index
      %swap3A_1559 = arith.constant 16 : index
      %swap3A_1560 = tpu.vector_load %arg16[%swap3A_1558, %swap3A_1559] {strides = array<i32>} : memref<128x64xf32, #tpu.memory_space<vmem>>, vector<1x16xf32>,
      %swap3A_1561 = vector.shape_cast %swap3A_1560 : vector<1x16xf32> to vector<16xf32>
      %swap3A_1562 = vector.shape_cast %select_n3A_1557 : vector<16xf32> to vector<1x16xf32>
      tpu.vector_store %arg16[%swap3A_1558, %swap3A_1559], %swap3A_1562 {strides = array<i32>} : memref<128x64xf32, #tpu.memory_space<vmem>>, vector<1x16xf32>,
      %convert_element_type3A_1563 = arith.fptosi %select_n3A_1550 : vector<16xf32> to vector<16xi32>
      %swap3A_1564 = arith.index_cast %add3A_1497 : i32 to index
      %swap3A_1565 = arith.constant 16 : index
      %swap3A_1566 = tpu.vector_load %arg17[%swap3A_1564, %swap3A_1565] {strides = array<i32>} : memref<128x64xi32, #tpu.memory_space<vmem>>, vector<1x16xi32>,
      %swap3A_1567 = vector.shape_cast %swap3A_1566 : vector<1x16xi32> to vector<16xi32>
      %swap3A_1568 = vector.shape_cast %convert_element_type3A_1563 : vector<16xi32> to vector<1x16xi32>
      tpu.vector_store %arg17[%swap3A_1564, %swap3A_1565], %swap3A_1568 {strides = array<i32>} : memref<128x64xi32, #tpu.memory_space<vmem>>, vector<1x16xi32>,
      %jit3A_1569 = arith.constant 0.000000e+00 : f32
      %broadcast_in_dim3A_1570 = vector.broadcast %squeeze3A_1495 : f32 to vector<16xf32>
      %broadcast_in_dim3A_1571 = vector.broadcast %jit3A_1569 : f32 to vector<16xf32>
      %select_n3A_1572 = arith.select %lt3A_1543, %broadcast_in_dim3A_1570, %broadcast_in_dim3A_1571 : vector<16xi1>, vector<16xf32>
      %swap3A_1573 = arith.index_cast %add3A_1497 : i32 to index
      %swap3A_1574 = arith.constant 16 : index
      %swap3A_1575 = tpu.vector_load %arg18[%swap3A_1573, %swap3A_1574] {strides = array<i32>} : memref<128x64xf32, #tpu.memory_space<vmem>>, vector<1x16xf32>,
      %swap3A_1576 = vector.shape_cast %swap3A_1575 : vector<1x16xf32> to vector<16xf32>
      %swap3A_1577 = vector.shape_cast %select_n3A_1572 : vector<16xf32> to vector<1x16xf32>
      tpu.vector_store %arg18[%swap3A_1573, %swap3A_1574], %swap3A_1577 {strides = array<i32>} : memref<128x64xf32, #tpu.memory_space<vmem>>, vector<1x16xf32>,
      %iota3A_1578 = tpu.iota {dimensions = array<i32: 0>} : vector<16xi32>
      %add3A_1579 = arith.constant 32 : i32
      %add3A_1580 = vector.broadcast %add3A_1579 : i32 to vector<16xi32>
      %add3A_1581 = arith.addi %iota3A_1578, %add3A_1580 : vector<16xi32>
      %lt3A_1582 = vector.broadcast %squeeze3A_1493 : i32 to vector<16xi32>
      %lt3A_1583 = arith.cmpi slt, %add3A_1581, %lt3A_1582 : vector<16xi32>
      %get3A_1584 = arith.index_cast %add3A_1497 : i32 to index
      %get3A_1585 = arith.constant 96 : index
      %get3A_1586 = tpu.vector_load %arg15[%get3A_1584, %get3A_1585] {strides = array<i32>} : memref<128x128xf32, #tpu.memory_space<vmem>>, vector<1x16xf32>,
      %get3A_1587 = vector.shape_cast %get3A_1586 : vector<1x16xf32> to vector<16xf32>
      %jit3A_1588 = arith.constant -1.000000e+00 : f32
      %broadcast_in_dim3A_1589 = vector.broadcast %jit3A_1588 : f32 to vector<16xf32>
      %select_n3A_1590 = arith.select %lt3A_1583, %get3A_1587, %broadcast_in_dim3A_1589 : vector<16xi1>, vector<16xf32>
      %get3A_1591 = arith.index_cast %add3A_1497 : i32 to index
      %get3A_1592 = arith.constant 32 : index
      %get3A_1593 = tpu.vector_load %arg15[%get3A_1591, %get3A_1592] {strides = array<i32>} : memref<128x128xf32, #tpu.memory_space<vmem>>, vector<1x16xf32>,
      %get3A_1594 = vector.shape_cast %get3A_1593 : vector<1x16xf32> to vector<16xf32>
      %jit3A_1595 = arith.constant 0.000000e+00 : f32
      %broadcast_in_dim3A_1596 = vector.broadcast %jit3A_1595 : f32 to vector<16xf32>
      %select_n3A_1597 = arith.select %lt3A_1583, %get3A_1594, %broadcast_in_dim3A_1596 : vector<16xi1>, vector<16xf32>
      %swap3A_1598 = arith.index_cast %add3A_1497 : i32 to index
      %swap3A_1599 = arith.constant 32 : index
      %swap3A_1600 = tpu.vector_load %arg16[%swap3A_1598, %swap3A_1599] {strides = array<i32>} : memref<128x64xf32, #tpu.memory_space<vmem>>, vector<1x16xf32>,
      %swap3A_1601 = vector.shape_cast %swap3A_1600 : vector<1x16xf32> to vector<16xf32>
      %swap3A_1602 = vector.shape_cast %select_n3A_1597 : vector<16xf32> to vector<1x16xf32>
      tpu.vector_store %arg16[%swap3A_1598, %swap3A_1599], %swap3A_1602 {strides = array<i32>} : memref<128x64xf32, #tpu.memory_space<vmem>>, vector<1x16xf32>,
      %convert_element_type3A_1603 = arith.fptosi %select_n3A_1590 : vector<16xf32> to vector<16xi32>
      %swap3A_1604 = arith.index_cast %add3A_1497 : i32 to index
      %swap3A_1605 = arith.constant 32 : index
      %swap3A_1606 = tpu.vector_load %arg17[%swap3A_1604, %swap3A_1605] {strides = array<i32>} : memref<128x64xi32, #tpu.memory_space<vmem>>, vector<1x16xi32>,
      %swap3A_1607 = vector.shape_cast %swap3A_1606 : vector<1x16xi32> to vector<16xi32>
      %swap3A_1608 = vector.shape_cast %convert_element_type3A_1603 : vector<16xi32> to vector<1x16xi32>
      tpu.vector_store %arg17[%swap3A_1604, %swap3A_1605], %swap3A_1608 {strides = array<i32>} : memref<128x64xi32, #tpu.memory_space<vmem>>, vector<1x16xi32>,
      %jit3A_1609 = arith.constant 0.000000e+00 : f32
      %broadcast_in_dim3A_1610 = vector.broadcast %squeeze3A_1495 : f32 to vector<16xf32>
      %broadcast_in_dim3A_1611 = vector.broadcast %jit3A_1609 : f32 to vector<16xf32>
      %select_n3A_1612 = arith.select %lt3A_1583, %broadcast_in_dim3A_1610, %broadcast_in_dim3A_1611 : vector<16xi1>, vector<16xf32>
      %swap3A_1613 = arith.index_cast %add3A_1497 : i32 to index
      %swap3A_1614 = arith.constant 32 : index
      %swap3A_1615 = tpu.vector_load %arg18[%swap3A_1613, %swap3A_1614] {strides = array<i32>} : memref<128x64xf32, #tpu.memory_space<vmem>>, vector<1x16xf32>,
      %swap3A_1616 = vector.shape_cast %swap3A_1615 : vector<1x16xf32> to vector<16xf32>
      %swap3A_1617 = vector.shape_cast %select_n3A_1612 : vector<16xf32> to vector<1x16xf32>
      tpu.vector_store %arg18[%swap3A_1613, %swap3A_1614], %swap3A_1617 {strides = array<i32>} : memref<128x64xf32, #tpu.memory_space<vmem>>, vector<1x16xf32>,
      %iota3A_1618 = tpu.iota {dimensions = array<i32: 0>} : vector<16xi32>
      %add3A_1619 = arith.constant 48 : i32
      %add3A_1620 = vector.broadcast %add3A_1619 : i32 to vector<16xi32>
      %add3A_1621 = arith.addi %iota3A_1618, %add3A_1620 : vector<16xi32>
      %lt3A_1622 = vector.broadcast %squeeze3A_1493 : i32 to vector<16xi32>
      %lt3A_1623 = arith.cmpi slt, %add3A_1621, %lt3A_1622 : vector<16xi32>
      %get3A_1624 = arith.index_cast %add3A_1497 : i32 to index
      %get3A_1625 = arith.constant 112 : index
      %get3A_1626 = tpu.vector_load %arg15[%get3A_1624, %get3A_1625] {strides = array<i32>} : memref<128x128xf32, #tpu.memory_space<vmem>>, vector<1x16xf32>,
      %get3A_1627 = vector.shape_cast %get3A_1626 : vector<1x16xf32> to vector<16xf32>
      %jit3A_1628 = arith.constant -1.000000e+00 : f32
      %broadcast_in_dim3A_1629 = vector.broadcast %jit3A_1628 : f32 to vector<16xf32>
      %select_n3A_1630 = arith.select %lt3A_1623, %get3A_1627, %broadcast_in_dim3A_1629 : vector<16xi1>, vector<16xf32>
      %get3A_1631 = arith.index_cast %add3A_1497 : i32 to index
      %get3A_1632 = arith.constant 48 : index
      %get3A_1633 = tpu.vector_load %arg15[%get3A_1631, %get3A_1632] {strides = array<i32>} : memref<128x128xf32, #tpu.memory_space<vmem>>, vector<1x16xf32>,
      %get3A_1634 = vector.shape_cast %get3A_1633 : vector<1x16xf32> to vector<16xf32>
      %jit3A_1635 = arith.constant 0.000000e+00 : f32
      %broadcast_in_dim3A_1636 = vector.broadcast %jit3A_1635 : f32 to vector<16xf32>
      %select_n3A_1637 = arith.select %lt3A_1623, %get3A_1634, %broadcast_in_dim3A_1636 : vector<16xi1>, vector<16xf32>
      %swap3A_1638 = arith.index_cast %add3A_1497 : i32 to index
      %swap3A_1639 = arith.constant 48 : index
      %swap3A_1640 = tpu.vector_load %arg16[%swap3A_1638, %swap3A_1639] {strides = array<i32>} : memref<128x64xf32, #tpu.memory_space<vmem>>, vector<1x16xf32>,
      %swap3A_1641 = vector.shape_cast %swap3A_1640 : vector<1x16xf32> to vector<16xf32>
      %swap3A_1642 = vector.shape_cast %select_n3A_1637 : vector<16xf32> to vector<1x16xf32>
      tpu.vector_store %arg16[%swap3A_1638, %swap3A_1639], %swap3A_1642 {strides = array<i32>} : memref<128x64xf32, #tpu.memory_space<vmem>>, vector<1x16xf32>,
      %convert_element_type3A_1643 = arith.fptosi %select_n3A_1630 : vector<16xf32> to vector<16xi32>
      %swap3A_1644 = arith.index_cast %add3A_1497 : i32 to index
      %swap3A_1645 = arith.constant 48 : index
      %swap3A_1646 = tpu.vector_load %arg17[%swap3A_1644, %swap3A_1645] {strides = array<i32>} : memref<128x64xi32, #tpu.memory_space<vmem>>, vector<1x16xi32>,
      %swap3A_1647 = vector.shape_cast %swap3A_1646 : vector<1x16xi32> to vector<16xi32>
      %swap3A_1648 = vector.shape_cast %convert_element_type3A_1643 : vector<16xi32> to vector<1x16xi32>
      tpu.vector_store %arg17[%swap3A_1644, %swap3A_1645], %swap3A_1648 {strides = array<i32>} : memref<128x64xi32, #tpu.memory_space<vmem>>, vector<1x16xi32>,
      %jit3A_1649 = arith.constant 0.000000e+00 : f32
      %broadcast_in_dim3A_1650 = vector.broadcast %squeeze3A_1495 : f32 to vector<16xf32>
      %broadcast_in_dim3A_1651 = vector.broadcast %jit3A_1649 : f32 to vector<16xf32>
      %select_n3A_1652 = arith.select %lt3A_1623, %broadcast_in_dim3A_1650, %broadcast_in_dim3A_1651 : vector<16xi1>, vector<16xf32>
      %swap3A_1653 = arith.index_cast %add3A_1497 : i32 to index
      %swap3A_1654 = arith.constant 48 : index
      %swap3A_1655 = tpu.vector_load %arg18[%swap3A_1653, %swap3A_1654] {strides = array<i32>} : memref<128x64xf32, #tpu.memory_space<vmem>>, vector<1x16xf32>,
      %swap3A_1656 = vector.shape_cast %swap3A_1655 : vector<1x16xf32> to vector<16xf32>
      %swap3A_1657 = vector.shape_cast %select_n3A_1652 : vector<16xf32> to vector<1x16xf32>
      tpu.vector_store %arg18[%swap3A_1653, %swap3A_1654], %swap3A_1657 {strides = array<i32>} : memref<128x64xf32, #tpu.memory_space<vmem>>, vector<1x16xf32>,
      %slice3A_1658 = vector.extract_strided_slice %select_n3A {offsets = [9], sizes = [1], strides = [1]} : vector<16xi32> to vector<1xi32>
      %squeeze3A_1659 = vector.extract %slice3A_1658[0] : i32 from vector<1xi32>
      %slice3A_1660 = vector.extract_strided_slice %get3A_162 {offsets = [9], sizes = [1], strides = [1]} : vector<16xf32> to vector<1xf32>
      %squeeze3A_1661 = vector.extract %slice3A_1660[0] : f32 from vector<1xf32>
      %add3A_1662 = arith.constant 9 : i32
      %add3A_1663 = arith.addi %mul3A_153, %add3A_1662 : i32
      %iota3A_1664 = tpu.iota {dimensions = array<i32: 0>} : vector<16xi32>
      %add3A_1665 = arith.constant 0 : i32
      %add3A_1666 = vector.broadcast %add3A_1665 : i32 to vector<16xi32>
      %add3A_1667 = arith.addi %iota3A_1664, %add3A_1666 : vector<16xi32>
      %lt3A_1668 = vector.broadcast %squeeze3A_1659 : i32 to vector<16xi32>
      %lt3A_1669 = arith.cmpi slt, %add3A_1667, %lt3A_1668 : vector<16xi32>
      %get3A_1670 = arith.index_cast %add3A_1663 : i32 to index
      %get3A_1671 = arith.constant 64 : index
      %get3A_1672 = tpu.vector_load %arg15[%get3A_1670, %get3A_1671] {strides = array<i32>} : memref<128x128xf32, #tpu.memory_space<vmem>>, vector<1x16xf32>,
      %get3A_1673 = vector.shape_cast %get3A_1672 : vector<1x16xf32> to vector<16xf32>
      %jit3A_1674 = arith.constant -1.000000e+00 : f32
      %broadcast_in_dim3A_1675 = vector.broadcast %jit3A_1674 : f32 to vector<16xf32>
      %select_n3A_1676 = arith.select %lt3A_1669, %get3A_1673, %broadcast_in_dim3A_1675 : vector<16xi1>, vector<16xf32>
      %get3A_1677 = arith.index_cast %add3A_1663 : i32 to index
      %get3A_1678 = arith.constant 0 : index
      %get3A_1679 = tpu.vector_load %arg15[%get3A_1677, %get3A_1678] {strides = array<i32>} : memref<128x128xf32, #tpu.memory_space<vmem>>, vector<1x16xf32>,
      %get3A_1680 = vector.shape_cast %get3A_1679 : vector<1x16xf32> to vector<16xf32>
      %jit3A_1681 = arith.constant 0.000000e+00 : f32
      %broadcast_in_dim3A_1682 = vector.broadcast %jit3A_1681 : f32 to vector<16xf32>
      %select_n3A_1683 = arith.select %lt3A_1669, %get3A_1680, %broadcast_in_dim3A_1682 : vector<16xi1>, vector<16xf32>
      %swap3A_1684 = arith.index_cast %add3A_1663 : i32 to index
      %swap3A_1685 = arith.constant 0 : index
      %swap3A_1686 = tpu.vector_load %arg16[%swap3A_1684, %swap3A_1685] {strides = array<i32>} : memref<128x64xf32, #tpu.memory_space<vmem>>, vector<1x16xf32>,
      %swap3A_1687 = vector.shape_cast %swap3A_1686 : vector<1x16xf32> to vector<16xf32>
      %swap3A_1688 = vector.shape_cast %select_n3A_1683 : vector<16xf32> to vector<1x16xf32>
      tpu.vector_store %arg16[%swap3A_1684, %swap3A_1685], %swap3A_1688 {strides = array<i32>} : memref<128x64xf32, #tpu.memory_space<vmem>>, vector<1x16xf32>,
      %convert_element_type3A_1689 = arith.fptosi %select_n3A_1676 : vector<16xf32> to vector<16xi32>
      %swap3A_1690 = arith.index_cast %add3A_1663 : i32 to index
      %swap3A_1691 = arith.constant 0 : index
      %swap3A_1692 = tpu.vector_load %arg17[%swap3A_1690, %swap3A_1691] {strides = array<i32>} : memref<128x64xi32, #tpu.memory_space<vmem>>, vector<1x16xi32>,
      %swap3A_1693 = vector.shape_cast %swap3A_1692 : vector<1x16xi32> to vector<16xi32>
      %swap3A_1694 = vector.shape_cast %convert_element_type3A_1689 : vector<16xi32> to vector<1x16xi32>
      tpu.vector_store %arg17[%swap3A_1690, %swap3A_1691], %swap3A_1694 {strides = array<i32>} : memref<128x64xi32, #tpu.memory_space<vmem>>, vector<1x16xi32>,
      %jit3A_1695 = arith.constant 0.000000e+00 : f32
      %broadcast_in_dim3A_1696 = vector.broadcast %squeeze3A_1661 : f32 to vector<16xf32>
      %broadcast_in_dim3A_1697 = vector.broadcast %jit3A_1695 : f32 to vector<16xf32>
      %select_n3A_1698 = arith.select %lt3A_1669, %broadcast_in_dim3A_1696, %broadcast_in_dim3A_1697 : vector<16xi1>, vector<16xf32>
      %swap3A_1699 = arith.index_cast %add3A_1663 : i32 to index
      %swap3A_1700 = arith.constant 0 : index
      %swap3A_1701 = tpu.vector_load %arg18[%swap3A_1699, %swap3A_1700] {strides = array<i32>} : memref<128x64xf32, #tpu.memory_space<vmem>>, vector<1x16xf32>,
      %swap3A_1702 = vector.shape_cast %swap3A_1701 : vector<1x16xf32> to vector<16xf32>
      %swap3A_1703 = vector.shape_cast %select_n3A_1698 : vector<16xf32> to vector<1x16xf32>
      tpu.vector_store %arg18[%swap3A_1699, %swap3A_1700], %swap3A_1703 {strides = array<i32>} : memref<128x64xf32, #tpu.memory_space<vmem>>, vector<1x16xf32>,
      %iota3A_1704 = tpu.iota {dimensions = array<i32: 0>} : vector<16xi32>
      %add3A_1705 = arith.constant 16 : i32
      %add3A_1706 = vector.broadcast %add3A_1705 : i32 to vector<16xi32>
      %add3A_1707 = arith.addi %iota3A_1704, %add3A_1706 : vector<16xi32>
      %lt3A_1708 = vector.broadcast %squeeze3A_1659 : i32 to vector<16xi32>
      %lt3A_1709 = arith.cmpi slt, %add3A_1707, %lt3A_1708 : vector<16xi32>
      %get3A_1710 = arith.index_cast %add3A_1663 : i32 to index
      %get3A_1711 = arith.constant 80 : index
      %get3A_1712 = tpu.vector_load %arg15[%get3A_1710, %get3A_1711] {strides = array<i32>} : memref<128x128xf32, #tpu.memory_space<vmem>>, vector<1x16xf32>,
      %get3A_1713 = vector.shape_cast %get3A_1712 : vector<1x16xf32> to vector<16xf32>
      %jit3A_1714 = arith.constant -1.000000e+00 : f32
      %broadcast_in_dim3A_1715 = vector.broadcast %jit3A_1714 : f32 to vector<16xf32>
      %select_n3A_1716 = arith.select %lt3A_1709, %get3A_1713, %broadcast_in_dim3A_1715 : vector<16xi1>, vector<16xf32>
      %get3A_1717 = arith.index_cast %add3A_1663 : i32 to index
      %get3A_1718 = arith.constant 16 : index
      %get3A_1719 = tpu.vector_load %arg15[%get3A_1717, %get3A_1718] {strides = array<i32>} : memref<128x128xf32, #tpu.memory_space<vmem>>, vector<1x16xf32>,
      %get3A_1720 = vector.shape_cast %get3A_1719 : vector<1x16xf32> to vector<16xf32>
      %jit3A_1721 = arith.constant 0.000000e+00 : f32
      %broadcast_in_dim3A_1722 = vector.broadcast %jit3A_1721 : f32 to vector<16xf32>
      %select_n3A_1723 = arith.select %lt3A_1709, %get3A_1720, %broadcast_in_dim3A_1722 : vector<16xi1>, vector<16xf32>
      %swap3A_1724 = arith.index_cast %add3A_1663 : i32 to index
      %swap3A_1725 = arith.constant 16 : index
      %swap3A_1726 = tpu.vector_load %arg16[%swap3A_1724, %swap3A_1725] {strides = array<i32>} : memref<128x64xf32, #tpu.memory_space<vmem>>, vector<1x16xf32>,
      %swap3A_1727 = vector.shape_cast %swap3A_1726 : vector<1x16xf32> to vector<16xf32>
      %swap3A_1728 = vector.shape_cast %select_n3A_1723 : vector<16xf32> to vector<1x16xf32>
      tpu.vector_store %arg16[%swap3A_1724, %swap3A_1725], %swap3A_1728 {strides = array<i32>} : memref<128x64xf32, #tpu.memory_space<vmem>>, vector<1x16xf32>,
      %convert_element_type3A_1729 = arith.fptosi %select_n3A_1716 : vector<16xf32> to vector<16xi32>
      %swap3A_1730 = arith.index_cast %add3A_1663 : i32 to index
      %swap3A_1731 = arith.constant 16 : index
      %swap3A_1732 = tpu.vector_load %arg17[%swap3A_1730, %swap3A_1731] {strides = array<i32>} : memref<128x64xi32, #tpu.memory_space<vmem>>, vector<1x16xi32>,
      %swap3A_1733 = vector.shape_cast %swap3A_1732 : vector<1x16xi32> to vector<16xi32>
      %swap3A_1734 = vector.shape_cast %convert_element_type3A_1729 : vector<16xi32> to vector<1x16xi32>
      tpu.vector_store %arg17[%swap3A_1730, %swap3A_1731], %swap3A_1734 {strides = array<i32>} : memref<128x64xi32, #tpu.memory_space<vmem>>, vector<1x16xi32>,
      %jit3A_1735 = arith.constant 0.000000e+00 : f32
      %broadcast_in_dim3A_1736 = vector.broadcast %squeeze3A_1661 : f32 to vector<16xf32>
      %broadcast_in_dim3A_1737 = vector.broadcast %jit3A_1735 : f32 to vector<16xf32>
      %select_n3A_1738 = arith.select %lt3A_1709, %broadcast_in_dim3A_1736, %broadcast_in_dim3A_1737 : vector<16xi1>, vector<16xf32>
      %swap3A_1739 = arith.index_cast %add3A_1663 : i32 to index
      %swap3A_1740 = arith.constant 16 : index
      %swap3A_1741 = tpu.vector_load %arg18[%swap3A_1739, %swap3A_1740] {strides = array<i32>} : memref<128x64xf32, #tpu.memory_space<vmem>>, vector<1x16xf32>,
      %swap3A_1742 = vector.shape_cast %swap3A_1741 : vector<1x16xf32> to vector<16xf32>
      %swap3A_1743 = vector.shape_cast %select_n3A_1738 : vector<16xf32> to vector<1x16xf32>
      tpu.vector_store %arg18[%swap3A_1739, %swap3A_1740], %swap3A_1743 {strides = array<i32>} : memref<128x64xf32, #tpu.memory_space<vmem>>, vector<1x16xf32>,
      %iota3A_1744 = tpu.iota {dimensions = array<i32: 0>} : vector<16xi32>
      %add3A_1745 = arith.constant 32 : i32
      %add3A_1746 = vector.broadcast %add3A_1745 : i32 to vector<16xi32>
      %add3A_1747 = arith.addi %iota3A_1744, %add3A_1746 : vector<16xi32>
      %lt3A_1748 = vector.broadcast %squeeze3A_1659 : i32 to vector<16xi32>
      %lt3A_1749 = arith.cmpi slt, %add3A_1747, %lt3A_1748 : vector<16xi32>
      %get3A_1750 = arith.index_cast %add3A_1663 : i32 to index
      %get3A_1751 = arith.constant 96 : index
      %get3A_1752 = tpu.vector_load %arg15[%get3A_1750, %get3A_1751] {strides = array<i32>} : memref<128x128xf32, #tpu.memory_space<vmem>>, vector<1x16xf32>,
      %get3A_1753 = vector.shape_cast %get3A_1752 : vector<1x16xf32> to vector<16xf32>
      %jit3A_1754 = arith.constant -1.000000e+00 : f32
      %broadcast_in_dim3A_1755 = vector.broadcast %jit3A_1754 : f32 to vector<16xf32>
      %select_n3A_1756 = arith.select %lt3A_1749, %get3A_1753, %broadcast_in_dim3A_1755 : vector<16xi1>, vector<16xf32>
      %get3A_1757 = arith.index_cast %add3A_1663 : i32 to index
      %get3A_1758 = arith.constant 32 : index
      %get3A_1759 = tpu.vector_load %arg15[%get3A_1757, %get3A_1758] {strides = array<i32>} : memref<128x128xf32, #tpu.memory_space<vmem>>, vector<1x16xf32>,
      %get3A_1760 = vector.shape_cast %get3A_1759 : vector<1x16xf32> to vector<16xf32>
      %jit3A_1761 = arith.constant 0.000000e+00 : f32
      %broadcast_in_dim3A_1762 = vector.broadcast %jit3A_1761 : f32 to vector<16xf32>
      %select_n3A_1763 = arith.select %lt3A_1749, %get3A_1760, %broadcast_in_dim3A_1762 : vector<16xi1>, vector<16xf32>
      %swap3A_1764 = arith.index_cast %add3A_1663 : i32 to index
      %swap3A_1765 = arith.constant 32 : index
      %swap3A_1766 = tpu.vector_load %arg16[%swap3A_1764, %swap3A_1765] {strides = array<i32>} : memref<128x64xf32, #tpu.memory_space<vmem>>, vector<1x16xf32>,
      %swap3A_1767 = vector.shape_cast %swap3A_1766 : vector<1x16xf32> to vector<16xf32>
      %swap3A_1768 = vector.shape_cast %select_n3A_1763 : vector<16xf32> to vector<1x16xf32>
      tpu.vector_store %arg16[%swap3A_1764, %swap3A_1765], %swap3A_1768 {strides = array<i32>} : memref<128x64xf32, #tpu.memory_space<vmem>>, vector<1x16xf32>,
      %convert_element_type3A_1769 = arith.fptosi %select_n3A_1756 : vector<16xf32> to vector<16xi32>
      %swap3A_1770 = arith.index_cast %add3A_1663 : i32 to index
      %swap3A_1771 = arith.constant 32 : index
      %swap3A_1772 = tpu.vector_load %arg17[%swap3A_1770, %swap3A_1771] {strides = array<i32>} : memref<128x64xi32, #tpu.memory_space<vmem>>, vector<1x16xi32>,
      %swap3A_1773 = vector.shape_cast %swap3A_1772 : vector<1x16xi32> to vector<16xi32>
      %swap3A_1774 = vector.shape_cast %convert_element_type3A_1769 : vector<16xi32> to vector<1x16xi32>
      tpu.vector_store %arg17[%swap3A_1770, %swap3A_1771], %swap3A_1774 {strides = array<i32>} : memref<128x64xi32, #tpu.memory_space<vmem>>, vector<1x16xi32>,
      %jit3A_1775 = arith.constant 0.000000e+00 : f32
      %broadcast_in_dim3A_1776 = vector.broadcast %squeeze3A_1661 : f32 to vector<16xf32>
      %broadcast_in_dim3A_1777 = vector.broadcast %jit3A_1775 : f32 to vector<16xf32>
      %select_n3A_1778 = arith.select %lt3A_1749, %broadcast_in_dim3A_1776, %broadcast_in_dim3A_1777 : vector<16xi1>, vector<16xf32>
      %swap3A_1779 = arith.index_cast %add3A_1663 : i32 to index
      %swap3A_1780 = arith.constant 32 : index
      %swap3A_1781 = tpu.vector_load %arg18[%swap3A_1779, %swap3A_1780] {strides = array<i32>} : memref<128x64xf32, #tpu.memory_space<vmem>>, vector<1x16xf32>,
      %swap3A_1782 = vector.shape_cast %swap3A_1781 : vector<1x16xf32> to vector<16xf32>
      %swap3A_1783 = vector.shape_cast %select_n3A_1778 : vector<16xf32> to vector<1x16xf32>
      tpu.vector_store %arg18[%swap3A_1779, %swap3A_1780], %swap3A_1783 {strides = array<i32>} : memref<128x64xf32, #tpu.memory_space<vmem>>, vector<1x16xf32>,
      %iota3A_1784 = tpu.iota {dimensions = array<i32: 0>} : vector<16xi32>
      %add3A_1785 = arith.constant 48 : i32
      %add3A_1786 = vector.broadcast %add3A_1785 : i32 to vector<16xi32>
      %add3A_1787 = arith.addi %iota3A_1784, %add3A_1786 : vector<16xi32>
      %lt3A_1788 = vector.broadcast %squeeze3A_1659 : i32 to vector<16xi32>
      %lt3A_1789 = arith.cmpi slt, %add3A_1787, %lt3A_1788 : vector<16xi32>
      %get3A_1790 = arith.index_cast %add3A_1663 : i32 to index
      %get3A_1791 = arith.constant 112 : index
      %get3A_1792 = tpu.vector_load %arg15[%get3A_1790, %get3A_1791] {strides = array<i32>} : memref<128x128xf32, #tpu.memory_space<vmem>>, vector<1x16xf32>,
      %get3A_1793 = vector.shape_cast %get3A_1792 : vector<1x16xf32> to vector<16xf32>
      %jit3A_1794 = arith.constant -1.000000e+00 : f32
      %broadcast_in_dim3A_1795 = vector.broadcast %jit3A_1794 : f32 to vector<16xf32>
      %select_n3A_1796 = arith.select %lt3A_1789, %get3A_1793, %broadcast_in_dim3A_1795 : vector<16xi1>, vector<16xf32>
      %get3A_1797 = arith.index_cast %add3A_1663 : i32 to index
      %get3A_1798 = arith.constant 48 : index
      %get3A_1799 = tpu.vector_load %arg15[%get3A_1797, %get3A_1798] {strides = array<i32>} : memref<128x128xf32, #tpu.memory_space<vmem>>, vector<1x16xf32>,
      %get3A_1800 = vector.shape_cast %get3A_1799 : vector<1x16xf32> to vector<16xf32>
      %jit3A_1801 = arith.constant 0.000000e+00 : f32
      %broadcast_in_dim3A_1802 = vector.broadcast %jit3A_1801 : f32 to vector<16xf32>
      %select_n3A_1803 = arith.select %lt3A_1789, %get3A_1800, %broadcast_in_dim3A_1802 : vector<16xi1>, vector<16xf32>
      %swap3A_1804 = arith.index_cast %add3A_1663 : i32 to index
      %swap3A_1805 = arith.constant 48 : index
      %swap3A_1806 = tpu.vector_load %arg16[%swap3A_1804, %swap3A_1805] {strides = array<i32>} : memref<128x64xf32, #tpu.memory_space<vmem>>, vector<1x16xf32>,
      %swap3A_1807 = vector.shape_cast %swap3A_1806 : vector<1x16xf32> to vector<16xf32>
      %swap3A_1808 = vector.shape_cast %select_n3A_1803 : vector<16xf32> to vector<1x16xf32>
      tpu.vector_store %arg16[%swap3A_1804, %swap3A_1805], %swap3A_1808 {strides = array<i32>} : memref<128x64xf32, #tpu.memory_space<vmem>>, vector<1x16xf32>,
      %convert_element_type3A_1809 = arith.fptosi %select_n3A_1796 : vector<16xf32> to vector<16xi32>
      %swap3A_1810 = arith.index_cast %add3A_1663 : i32 to index
      %swap3A_1811 = arith.constant 48 : index
      %swap3A_1812 = tpu.vector_load %arg17[%swap3A_1810, %swap3A_1811] {strides = array<i32>} : memref<128x64xi32, #tpu.memory_space<vmem>>, vector<1x16xi32>,
      %swap3A_1813 = vector.shape_cast %swap3A_1812 : vector<1x16xi32> to vector<16xi32>
      %swap3A_1814 = vector.shape_cast %convert_element_type3A_1809 : vector<16xi32> to vector<1x16xi32>
      tpu.vector_store %arg17[%swap3A_1810, %swap3A_1811], %swap3A_1814 {strides = array<i32>} : memref<128x64xi32, #tpu.memory_space<vmem>>, vector<1x16xi32>,
      %jit3A_1815 = arith.constant 0.000000e+00 : f32
      %broadcast_in_dim3A_1816 = vector.broadcast %squeeze3A_1661 : f32 to vector<16xf32>
      %broadcast_in_dim3A_1817 = vector.broadcast %jit3A_1815 : f32 to vector<16xf32>
      %select_n3A_1818 = arith.select %lt3A_1789, %broadcast_in_dim3A_1816, %broadcast_in_dim3A_1817 : vector<16xi1>, vector<16xf32>
      %swap3A_1819 = arith.index_cast %add3A_1663 : i32 to index
      %swap3A_1820 = arith.constant 48 : index
      %swap3A_1821 = tpu.vector_load %arg18[%swap3A_1819, %swap3A_1820] {strides = array<i32>} : memref<128x64xf32, #tpu.memory_space<vmem>>, vector<1x16xf32>,
      %swap3A_1822 = vector.shape_cast %swap3A_1821 : vector<1x16xf32> to vector<16xf32>
      %swap3A_1823 = vector.shape_cast %select_n3A_1818 : vector<16xf32> to vector<1x16xf32>
      tpu.vector_store %arg18[%swap3A_1819, %swap3A_1820], %swap3A_1823 {strides = array<i32>} : memref<128x64xf32, #tpu.memory_space<vmem>>, vector<1x16xf32>,
      %slice3A_1824 = vector.extract_strided_slice %select_n3A {offsets = [10], sizes = [1], strides = [1]} : vector<16xi32> to vector<1xi32>
      %squeeze3A_1825 = vector.extract %slice3A_1824[0] : i32 from vector<1xi32>
      %slice3A_1826 = vector.extract_strided_slice %get3A_162 {offsets = [10], sizes = [1], strides = [1]} : vector<16xf32> to vector<1xf32>
      %squeeze3A_1827 = vector.extract %slice3A_1826[0] : f32 from vector<1xf32>
      %add3A_1828 = arith.constant 10 : i32
      %add3A_1829 = arith.addi %mul3A_153, %add3A_1828 : i32
      %iota3A_1830 = tpu.iota {dimensions = array<i32: 0>} : vector<16xi32>
      %add3A_1831 = arith.constant 0 : i32
      %add3A_1832 = vector.broadcast %add3A_1831 : i32 to vector<16xi32>
      %add3A_1833 = arith.addi %iota3A_1830, %add3A_1832 : vector<16xi32>
      %lt3A_1834 = vector.broadcast %squeeze3A_1825 : i32 to vector<16xi32>
      %lt3A_1835 = arith.cmpi slt, %add3A_1833, %lt3A_1834 : vector<16xi32>
      %get3A_1836 = arith.index_cast %add3A_1829 : i32 to index
      %get3A_1837 = arith.constant 64 : index
      %get3A_1838 = tpu.vector_load %arg15[%get3A_1836, %get3A_1837] {strides = array<i32>} : memref<128x128xf32, #tpu.memory_space<vmem>>, vector<1x16xf32>,
      %get3A_1839 = vector.shape_cast %get3A_1838 : vector<1x16xf32> to vector<16xf32>
      %jit3A_1840 = arith.constant -1.000000e+00 : f32
      %broadcast_in_dim3A_1841 = vector.broadcast %jit3A_1840 : f32 to vector<16xf32>
      %select_n3A_1842 = arith.select %lt3A_1835, %get3A_1839, %broadcast_in_dim3A_1841 : vector<16xi1>, vector<16xf32>
      %get3A_1843 = arith.index_cast %add3A_1829 : i32 to index
      %get3A_1844 = arith.constant 0 : index
      %get3A_1845 = tpu.vector_load %arg15[%get3A_1843, %get3A_1844] {strides = array<i32>} : memref<128x128xf32, #tpu.memory_space<vmem>>, vector<1x16xf32>,
      %get3A_1846 = vector.shape_cast %get3A_1845 : vector<1x16xf32> to vector<16xf32>
      %jit3A_1847 = arith.constant 0.000000e+00 : f32
      %broadcast_in_dim3A_1848 = vector.broadcast %jit3A_1847 : f32 to vector<16xf32>
      %select_n3A_1849 = arith.select %lt3A_1835, %get3A_1846, %broadcast_in_dim3A_1848 : vector<16xi1>, vector<16xf32>
      %swap3A_1850 = arith.index_cast %add3A_1829 : i32 to index
      %swap3A_1851 = arith.constant 0 : index
      %swap3A_1852 = tpu.vector_load %arg16[%swap3A_1850, %swap3A_1851] {strides = array<i32>} : memref<128x64xf32, #tpu.memory_space<vmem>>, vector<1x16xf32>,
      %swap3A_1853 = vector.shape_cast %swap3A_1852 : vector<1x16xf32> to vector<16xf32>
      %swap3A_1854 = vector.shape_cast %select_n3A_1849 : vector<16xf32> to vector<1x16xf32>
      tpu.vector_store %arg16[%swap3A_1850, %swap3A_1851], %swap3A_1854 {strides = array<i32>} : memref<128x64xf32, #tpu.memory_space<vmem>>, vector<1x16xf32>,
      %convert_element_type3A_1855 = arith.fptosi %select_n3A_1842 : vector<16xf32> to vector<16xi32>
      %swap3A_1856 = arith.index_cast %add3A_1829 : i32 to index
      %swap3A_1857 = arith.constant 0 : index
      %swap3A_1858 = tpu.vector_load %arg17[%swap3A_1856, %swap3A_1857] {strides = array<i32>} : memref<128x64xi32, #tpu.memory_space<vmem>>, vector<1x16xi32>,
      %swap3A_1859 = vector.shape_cast %swap3A_1858 : vector<1x16xi32> to vector<16xi32>
      %swap3A_1860 = vector.shape_cast %convert_element_type3A_1855 : vector<16xi32> to vector<1x16xi32>
      tpu.vector_store %arg17[%swap3A_1856, %swap3A_1857], %swap3A_1860 {strides = array<i32>} : memref<128x64xi32, #tpu.memory_space<vmem>>, vector<1x16xi32>,
      %jit3A_1861 = arith.constant 0.000000e+00 : f32
      %broadcast_in_dim3A_1862 = vector.broadcast %squeeze3A_1827 : f32 to vector<16xf32>
      %broadcast_in_dim3A_1863 = vector.broadcast %jit3A_1861 : f32 to vector<16xf32>
      %select_n3A_1864 = arith.select %lt3A_1835, %broadcast_in_dim3A_1862, %broadcast_in_dim3A_1863 : vector<16xi1>, vector<16xf32>
      %swap3A_1865 = arith.index_cast %add3A_1829 : i32 to index
      %swap3A_1866 = arith.constant 0 : index
      %swap3A_1867 = tpu.vector_load %arg18[%swap3A_1865, %swap3A_1866] {strides = array<i32>} : memref<128x64xf32, #tpu.memory_space<vmem>>, vector<1x16xf32>,
      %swap3A_1868 = vector.shape_cast %swap3A_1867 : vector<1x16xf32> to vector<16xf32>
      %swap3A_1869 = vector.shape_cast %select_n3A_1864 : vector<16xf32> to vector<1x16xf32>
      tpu.vector_store %arg18[%swap3A_1865, %swap3A_1866], %swap3A_1869 {strides = array<i32>} : memref<128x64xf32, #tpu.memory_space<vmem>>, vector<1x16xf32>,
      %iota3A_1870 = tpu.iota {dimensions = array<i32: 0>} : vector<16xi32>
      %add3A_1871 = arith.constant 16 : i32
      %add3A_1872 = vector.broadcast %add3A_1871 : i32 to vector<16xi32>
      %add3A_1873 = arith.addi %iota3A_1870, %add3A_1872 : vector<16xi32>
      %lt3A_1874 = vector.broadcast %squeeze3A_1825 : i32 to vector<16xi32>
      %lt3A_1875 = arith.cmpi slt, %add3A_1873, %lt3A_1874 : vector<16xi32>
      %get3A_1876 = arith.index_cast %add3A_1829 : i32 to index
      %get3A_1877 = arith.constant 80 : index
      %get3A_1878 = tpu.vector_load %arg15[%get3A_1876, %get3A_1877] {strides = array<i32>} : memref<128x128xf32, #tpu.memory_space<vmem>>, vector<1x16xf32>,
      %get3A_1879 = vector.shape_cast %get3A_1878 : vector<1x16xf32> to vector<16xf32>
      %jit3A_1880 = arith.constant -1.000000e+00 : f32
      %broadcast_in_dim3A_1881 = vector.broadcast %jit3A_1880 : f32 to vector<16xf32>
      %select_n3A_1882 = arith.select %lt3A_1875, %get3A_1879, %broadcast_in_dim3A_1881 : vector<16xi1>, vector<16xf32>
      %get3A_1883 = arith.index_cast %add3A_1829 : i32 to index
      %get3A_1884 = arith.constant 16 : index
      %get3A_1885 = tpu.vector_load %arg15[%get3A_1883, %get3A_1884] {strides = array<i32>} : memref<128x128xf32, #tpu.memory_space<vmem>>, vector<1x16xf32>,
      %get3A_1886 = vector.shape_cast %get3A_1885 : vector<1x16xf32> to vector<16xf32>
      %jit3A_1887 = arith.constant 0.000000e+00 : f32
      %broadcast_in_dim3A_1888 = vector.broadcast %jit3A_1887 : f32 to vector<16xf32>
      %select_n3A_1889 = arith.select %lt3A_1875, %get3A_1886, %broadcast_in_dim3A_1888 : vector<16xi1>, vector<16xf32>
      %swap3A_1890 = arith.index_cast %add3A_1829 : i32 to index
      %swap3A_1891 = arith.constant 16 : index
      %swap3A_1892 = tpu.vector_load %arg16[%swap3A_1890, %swap3A_1891] {strides = array<i32>} : memref<128x64xf32, #tpu.memory_space<vmem>>, vector<1x16xf32>,
      %swap3A_1893 = vector.shape_cast %swap3A_1892 : vector<1x16xf32> to vector<16xf32>
      %swap3A_1894 = vector.shape_cast %select_n3A_1889 : vector<16xf32> to vector<1x16xf32>
      tpu.vector_store %arg16[%swap3A_1890, %swap3A_1891], %swap3A_1894 {strides = array<i32>} : memref<128x64xf32, #tpu.memory_space<vmem>>, vector<1x16xf32>,
      %convert_element_type3A_1895 = arith.fptosi %select_n3A_1882 : vector<16xf32> to vector<16xi32>
      %swap3A_1896 = arith.index_cast %add3A_1829 : i32 to index
      %swap3A_1897 = arith.constant 16 : index
      %swap3A_1898 = tpu.vector_load %arg17[%swap3A_1896, %swap3A_1897] {strides = array<i32>} : memref<128x64xi32, #tpu.memory_space<vmem>>, vector<1x16xi32>,
      %swap3A_1899 = vector.shape_cast %swap3A_1898 : vector<1x16xi32> to vector<16xi32>
      %swap3A_1900 = vector.shape_cast %convert_element_type3A_1895 : vector<16xi32> to vector<1x16xi32>
      tpu.vector_store %arg17[%swap3A_1896, %swap3A_1897], %swap3A_1900 {strides = array<i32>} : memref<128x64xi32, #tpu.memory_space<vmem>>, vector<1x16xi32>,
      %jit3A_1901 = arith.constant 0.000000e+00 : f32
      %broadcast_in_dim3A_1902 = vector.broadcast %squeeze3A_1827 : f32 to vector<16xf32>
      %broadcast_in_dim3A_1903 = vector.broadcast %jit3A_1901 : f32 to vector<16xf32>
      %select_n3A_1904 = arith.select %lt3A_1875, %broadcast_in_dim3A_1902, %broadcast_in_dim3A_1903 : vector<16xi1>, vector<16xf32>
      %swap3A_1905 = arith.index_cast %add3A_1829 : i32 to index
      %swap3A_1906 = arith.constant 16 : index
      %swap3A_1907 = tpu.vector_load %arg18[%swap3A_1905, %swap3A_1906] {strides = array<i32>} : memref<128x64xf32, #tpu.memory_space<vmem>>, vector<1x16xf32>,
      %swap3A_1908 = vector.shape_cast %swap3A_1907 : vector<1x16xf32> to vector<16xf32>
      %swap3A_1909 = vector.shape_cast %select_n3A_1904 : vector<16xf32> to vector<1x16xf32>
      tpu.vector_store %arg18[%swap3A_1905, %swap3A_1906], %swap3A_1909 {strides = array<i32>} : memref<128x64xf32, #tpu.memory_space<vmem>>, vector<1x16xf32>,
      %iota3A_1910 = tpu.iota {dimensions = array<i32: 0>} : vector<16xi32>
      %add3A_1911 = arith.constant 32 : i32
      %add3A_1912 = vector.broadcast %add3A_1911 : i32 to vector<16xi32>
      %add3A_1913 = arith.addi %iota3A_1910, %add3A_1912 : vector<16xi32>
      %lt3A_1914 = vector.broadcast %squeeze3A_1825 : i32 to vector<16xi32>
      %lt3A_1915 = arith.cmpi slt, %add3A_1913, %lt3A_1914 : vector<16xi32>
      %get3A_1916 = arith.index_cast %add3A_1829 : i32 to index
      %get3A_1917 = arith.constant 96 : index
      %get3A_1918 = tpu.vector_load %arg15[%get3A_1916, %get3A_1917] {strides = array<i32>} : memref<128x128xf32, #tpu.memory_space<vmem>>, vector<1x16xf32>,
      %get3A_1919 = vector.shape_cast %get3A_1918 : vector<1x16xf32> to vector<16xf32>
      %jit3A_1920 = arith.constant -1.000000e+00 : f32
      %broadcast_in_dim3A_1921 = vector.broadcast %jit3A_1920 : f32 to vector<16xf32>
      %select_n3A_1922 = arith.select %lt3A_1915, %get3A_1919, %broadcast_in_dim3A_1921 : vector<16xi1>, vector<16xf32>
      %get3A_1923 = arith.index_cast %add3A_1829 : i32 to index
      %get3A_1924 = arith.constant 32 : index
      %get3A_1925 = tpu.vector_load %arg15[%get3A_1923, %get3A_1924] {strides = array<i32>} : memref<128x128xf32, #tpu.memory_space<vmem>>, vector<1x16xf32>,
      %get3A_1926 = vector.shape_cast %get3A_1925 : vector<1x16xf32> to vector<16xf32>
      %jit3A_1927 = arith.constant 0.000000e+00 : f32
      %broadcast_in_dim3A_1928 = vector.broadcast %jit3A_1927 : f32 to vector<16xf32>
      %select_n3A_1929 = arith.select %lt3A_1915, %get3A_1926, %broadcast_in_dim3A_1928 : vector<16xi1>, vector<16xf32>
      %swap3A_1930 = arith.index_cast %add3A_1829 : i32 to index
      %swap3A_1931 = arith.constant 32 : index
      %swap3A_1932 = tpu.vector_load %arg16[%swap3A_1930, %swap3A_1931] {strides = array<i32>} : memref<128x64xf32, #tpu.memory_space<vmem>>, vector<1x16xf32>,
      %swap3A_1933 = vector.shape_cast %swap3A_1932 : vector<1x16xf32> to vector<16xf32>
      %swap3A_1934 = vector.shape_cast %select_n3A_1929 : vector<16xf32> to vector<1x16xf32>
      tpu.vector_store %arg16[%swap3A_1930, %swap3A_1931], %swap3A_1934 {strides = array<i32>} : memref<128x64xf32, #tpu.memory_space<vmem>>, vector<1x16xf32>,
      %convert_element_type3A_1935 = arith.fptosi %select_n3A_1922 : vector<16xf32> to vector<16xi32>
      %swap3A_1936 = arith.index_cast %add3A_1829 : i32 to index
      %swap3A_1937 = arith.constant 32 : index
      %swap3A_1938 = tpu.vector_load %arg17[%swap3A_1936, %swap3A_1937] {strides = array<i32>} : memref<128x64xi32, #tpu.memory_space<vmem>>, vector<1x16xi32>,
      %swap3A_1939 = vector.shape_cast %swap3A_1938 : vector<1x16xi32> to vector<16xi32>
      %swap3A_1940 = vector.shape_cast %convert_element_type3A_1935 : vector<16xi32> to vector<1x16xi32>
      tpu.vector_store %arg17[%swap3A_1936, %swap3A_1937], %swap3A_1940 {strides = array<i32>} : memref<128x64xi32, #tpu.memory_space<vmem>>, vector<1x16xi32>,
      %jit3A_1941 = arith.constant 0.000000e+00 : f32
      %broadcast_in_dim3A_1942 = vector.broadcast %squeeze3A_1827 : f32 to vector<16xf32>
      %broadcast_in_dim3A_1943 = vector.broadcast %jit3A_1941 : f32 to vector<16xf32>
      %select_n3A_1944 = arith.select %lt3A_1915, %broadcast_in_dim3A_1942, %broadcast_in_dim3A_1943 : vector<16xi1>, vector<16xf32>
      %swap3A_1945 = arith.index_cast %add3A_1829 : i32 to index
      %swap3A_1946 = arith.constant 32 : index
      %swap3A_1947 = tpu.vector_load %arg18[%swap3A_1945, %swap3A_1946] {strides = array<i32>} : memref<128x64xf32, #tpu.memory_space<vmem>>, vector<1x16xf32>,
      %swap3A_1948 = vector.shape_cast %swap3A_1947 : vector<1x16xf32> to vector<16xf32>
      %swap3A_1949 = vector.shape_cast %select_n3A_1944 : vector<16xf32> to vector<1x16xf32>
      tpu.vector_store %arg18[%swap3A_1945, %swap3A_1946], %swap3A_1949 {strides = array<i32>} : memref<128x64xf32, #tpu.memory_space<vmem>>, vector<1x16xf32>,
      %iota3A_1950 = tpu.iota {dimensions = array<i32: 0>} : vector<16xi32>
      %add3A_1951 = arith.constant 48 : i32
      %add3A_1952 = vector.broadcast %add3A_1951 : i32 to vector<16xi32>
      %add3A_1953 = arith.addi %iota3A_1950, %add3A_1952 : vector<16xi32>
      %lt3A_1954 = vector.broadcast %squeeze3A_1825 : i32 to vector<16xi32>
      %lt3A_1955 = arith.cmpi slt, %add3A_1953, %lt3A_1954 : vector<16xi32>
      %get3A_1956 = arith.index_cast %add3A_1829 : i32 to index
      %get3A_1957 = arith.constant 112 : index
      %get3A_1958 = tpu.vector_load %arg15[%get3A_1956, %get3A_1957] {strides = array<i32>} : memref<128x128xf32, #tpu.memory_space<vmem>>, vector<1x16xf32>,
      %get3A_1959 = vector.shape_cast %get3A_1958 : vector<1x16xf32> to vector<16xf32>
      %jit3A_1960 = arith.constant -1.000000e+00 : f32
      %broadcast_in_dim3A_1961 = vector.broadcast %jit3A_1960 : f32 to vector<16xf32>
      %select_n3A_1962 = arith.select %lt3A_1955, %get3A_1959, %broadcast_in_dim3A_1961 : vector<16xi1>, vector<16xf32>
      %get3A_1963 = arith.index_cast %add3A_1829 : i32 to index
      %get3A_1964 = arith.constant 48 : index
      %get3A_1965 = tpu.vector_load %arg15[%get3A_1963, %get3A_1964] {strides = array<i32>} : memref<128x128xf32, #tpu.memory_space<vmem>>, vector<1x16xf32>,
      %get3A_1966 = vector.shape_cast %get3A_1965 : vector<1x16xf32> to vector<16xf32>
      %jit3A_1967 = arith.constant 0.000000e+00 : f32
      %broadcast_in_dim3A_1968 = vector.broadcast %jit3A_1967 : f32 to vector<16xf32>
      %select_n3A_1969 = arith.select %lt3A_1955, %get3A_1966, %broadcast_in_dim3A_1968 : vector<16xi1>, vector<16xf32>
      %swap3A_1970 = arith.index_cast %add3A_1829 : i32 to index
      %swap3A_1971 = arith.constant 48 : index
      %swap3A_1972 = tpu.vector_load %arg16[%swap3A_1970, %swap3A_1971] {strides = array<i32>} : memref<128x64xf32, #tpu.memory_space<vmem>>, vector<1x16xf32>,
      %swap3A_1973 = vector.shape_cast %swap3A_1972 : vector<1x16xf32> to vector<16xf32>
      %swap3A_1974 = vector.shape_cast %select_n3A_1969 : vector<16xf32> to vector<1x16xf32>
      tpu.vector_store %arg16[%swap3A_1970, %swap3A_1971], %swap3A_1974 {strides = array<i32>} : memref<128x64xf32, #tpu.memory_space<vmem>>, vector<1x16xf32>,
      %convert_element_type3A_1975 = arith.fptosi %select_n3A_1962 : vector<16xf32> to vector<16xi32>
      %swap3A_1976 = arith.index_cast %add3A_1829 : i32 to index
      %swap3A_1977 = arith.constant 48 : index
      %swap3A_1978 = tpu.vector_load %arg17[%swap3A_1976, %swap3A_1977] {strides = array<i32>} : memref<128x64xi32, #tpu.memory_space<vmem>>, vector<1x16xi32>,
      %swap3A_1979 = vector.shape_cast %swap3A_1978 : vector<1x16xi32> to vector<16xi32>
      %swap3A_1980 = vector.shape_cast %convert_element_type3A_1975 : vector<16xi32> to vector<1x16xi32>
      tpu.vector_store %arg17[%swap3A_1976, %swap3A_1977], %swap3A_1980 {strides = array<i32>} : memref<128x64xi32, #tpu.memory_space<vmem>>, vector<1x16xi32>,
      %jit3A_1981 = arith.constant 0.000000e+00 : f32
      %broadcast_in_dim3A_1982 = vector.broadcast %squeeze3A_1827 : f32 to vector<16xf32>
      %broadcast_in_dim3A_1983 = vector.broadcast %jit3A_1981 : f32 to vector<16xf32>
      %select_n3A_1984 = arith.select %lt3A_1955, %broadcast_in_dim3A_1982, %broadcast_in_dim3A_1983 : vector<16xi1>, vector<16xf32>
      %swap3A_1985 = arith.index_cast %add3A_1829 : i32 to index
      %swap3A_1986 = arith.constant 48 : index
      %swap3A_1987 = tpu.vector_load %arg18[%swap3A_1985, %swap3A_1986] {strides = array<i32>} : memref<128x64xf32, #tpu.memory_space<vmem>>, vector<1x16xf32>,
      %swap3A_1988 = vector.shape_cast %swap3A_1987 : vector<1x16xf32> to vector<16xf32>
      %swap3A_1989 = vector.shape_cast %select_n3A_1984 : vector<16xf32> to vector<1x16xf32>
      tpu.vector_store %arg18[%swap3A_1985, %swap3A_1986], %swap3A_1989 {strides = array<i32>} : memref<128x64xf32, #tpu.memory_space<vmem>>, vector<1x16xf32>,
      %slice3A_1990 = vector.extract_strided_slice %select_n3A {offsets = [11], sizes = [1], strides = [1]} : vector<16xi32> to vector<1xi32>
      %squeeze3A_1991 = vector.extract %slice3A_1990[0] : i32 from vector<1xi32>
      %slice3A_1992 = vector.extract_strided_slice %get3A_162 {offsets = [11], sizes = [1], strides = [1]} : vector<16xf32> to vector<1xf32>
      %squeeze3A_1993 = vector.extract %slice3A_1992[0] : f32 from vector<1xf32>
      %add3A_1994 = arith.constant 11 : i32
      %add3A_1995 = arith.addi %mul3A_153, %add3A_1994 : i32
      %iota3A_1996 = tpu.iota {dimensions = array<i32: 0>} : vector<16xi32>
      %add3A_1997 = arith.constant 0 : i32
      %add3A_1998 = vector.broadcast %add3A_1997 : i32 to vector<16xi32>
      %add3A_1999 = arith.addi %iota3A_1996, %add3A_1998 : vector<16xi32>
      %lt3A_2000 = vector.broadcast %squeeze3A_1991 : i32 to vector<16xi32>
      %lt3A_2001 = arith.cmpi slt, %add3A_1999, %lt3A_2000 : vector<16xi32>
      %get3A_2002 = arith.index_cast %add3A_1995 : i32 to index
      %get3A_2003 = arith.constant 64 : index
      %get3A_2004 = tpu.vector_load %arg15[%get3A_2002, %get3A_2003] {strides = array<i32>} : memref<128x128xf32, #tpu.memory_space<vmem>>, vector<1x16xf32>,
      %get3A_2005 = vector.shape_cast %get3A_2004 : vector<1x16xf32> to vector<16xf32>
      %jit3A_2006 = arith.constant -1.000000e+00 : f32
      %broadcast_in_dim3A_2007 = vector.broadcast %jit3A_2006 : f32 to vector<16xf32>
      %select_n3A_2008 = arith.select %lt3A_2001, %get3A_2005, %broadcast_in_dim3A_2007 : vector<16xi1>, vector<16xf32>
      %get3A_2009 = arith.index_cast %add3A_1995 : i32 to index
      %get3A_2010 = arith.constant 0 : index
      %get3A_2011 = tpu.vector_load %arg15[%get3A_2009, %get3A_2010] {strides = array<i32>} : memref<128x128xf32, #tpu.memory_space<vmem>>, vector<1x16xf32>,
      %get3A_2012 = vector.shape_cast %get3A_2011 : vector<1x16xf32> to vector<16xf32>
      %jit3A_2013 = arith.constant 0.000000e+00 : f32
      %broadcast_in_dim3A_2014 = vector.broadcast %jit3A_2013 : f32 to vector<16xf32>
      %select_n3A_2015 = arith.select %lt3A_2001, %get3A_2012, %broadcast_in_dim3A_2014 : vector<16xi1>, vector<16xf32>
      %swap3A_2016 = arith.index_cast %add3A_1995 : i32 to index
      %swap3A_2017 = arith.constant 0 : index
      %swap3A_2018 = tpu.vector_load %arg16[%swap3A_2016, %swap3A_2017] {strides = array<i32>} : memref<128x64xf32, #tpu.memory_space<vmem>>, vector<1x16xf32>,
      %swap3A_2019 = vector.shape_cast %swap3A_2018 : vector<1x16xf32> to vector<16xf32>
      %swap3A_2020 = vector.shape_cast %select_n3A_2015 : vector<16xf32> to vector<1x16xf32>
      tpu.vector_store %arg16[%swap3A_2016, %swap3A_2017], %swap3A_2020 {strides = array<i32>} : memref<128x64xf32, #tpu.memory_space<vmem>>, vector<1x16xf32>,
      %convert_element_type3A_2021 = arith.fptosi %select_n3A_2008 : vector<16xf32> to vector<16xi32>
      %swap3A_2022 = arith.index_cast %add3A_1995 : i32 to index
      %swap3A_2023 = arith.constant 0 : index
      %swap3A_2024 = tpu.vector_load %arg17[%swap3A_2022, %swap3A_2023] {strides = array<i32>} : memref<128x64xi32, #tpu.memory_space<vmem>>, vector<1x16xi32>,
      %swap3A_2025 = vector.shape_cast %swap3A_2024 : vector<1x16xi32> to vector<16xi32>
      %swap3A_2026 = vector.shape_cast %convert_element_type3A_2021 : vector<16xi32> to vector<1x16xi32>
      tpu.vector_store %arg17[%swap3A_2022, %swap3A_2023], %swap3A_2026 {strides = array<i32>} : memref<128x64xi32, #tpu.memory_space<vmem>>, vector<1x16xi32>,
      %jit3A_2027 = arith.constant 0.000000e+00 : f32
      %broadcast_in_dim3A_2028 = vector.broadcast %squeeze3A_1993 : f32 to vector<16xf32>
      %broadcast_in_dim3A_2029 = vector.broadcast %jit3A_2027 : f32 to vector<16xf32>
      %select_n3A_2030 = arith.select %lt3A_2001, %broadcast_in_dim3A_2028, %broadcast_in_dim3A_2029 : vector<16xi1>, vector<16xf32>
      %swap3A_2031 = arith.index_cast %add3A_1995 : i32 to index
      %swap3A_2032 = arith.constant 0 : index
      %swap3A_2033 = tpu.vector_load %arg18[%swap3A_2031, %swap3A_2032] {strides = array<i32>} : memref<128x64xf32, #tpu.memory_space<vmem>>, vector<1x16xf32>,
      %swap3A_2034 = vector.shape_cast %swap3A_2033 : vector<1x16xf32> to vector<16xf32>
      %swap3A_2035 = vector.shape_cast %select_n3A_2030 : vector<16xf32> to vector<1x16xf32>
      tpu.vector_store %arg18[%swap3A_2031, %swap3A_2032], %swap3A_2035 {strides = array<i32>} : memref<128x64xf32, #tpu.memory_space<vmem>>, vector<1x16xf32>,
      %iota3A_2036 = tpu.iota {dimensions = array<i32: 0>} : vector<16xi32>
      %add3A_2037 = arith.constant 16 : i32
      %add3A_2038 = vector.broadcast %add3A_2037 : i32 to vector<16xi32>
      %add3A_2039 = arith.addi %iota3A_2036, %add3A_2038 : vector<16xi32>
      %lt3A_2040 = vector.broadcast %squeeze3A_1991 : i32 to vector<16xi32>
      %lt3A_2041 = arith.cmpi slt, %add3A_2039, %lt3A_2040 : vector<16xi32>
      %get3A_2042 = arith.index_cast %add3A_1995 : i32 to index
      %get3A_2043 = arith.constant 80 : index
      %get3A_2044 = tpu.vector_load %arg15[%get3A_2042, %get3A_2043] {strides = array<i32>} : memref<128x128xf32, #tpu.memory_space<vmem>>, vector<1x16xf32>,
      %get3A_2045 = vector.shape_cast %get3A_2044 : vector<1x16xf32> to vector<16xf32>
      %jit3A_2046 = arith.constant -1.000000e+00 : f32
      %broadcast_in_dim3A_2047 = vector.broadcast %jit3A_2046 : f32 to vector<16xf32>
      %select_n3A_2048 = arith.select %lt3A_2041, %get3A_2045, %broadcast_in_dim3A_2047 : vector<16xi1>, vector<16xf32>
      %get3A_2049 = arith.index_cast %add3A_1995 : i32 to index
      %get3A_2050 = arith.constant 16 : index
      %get3A_2051 = tpu.vector_load %arg15[%get3A_2049, %get3A_2050] {strides = array<i32>} : memref<128x128xf32, #tpu.memory_space<vmem>>, vector<1x16xf32>,
      %get3A_2052 = vector.shape_cast %get3A_2051 : vector<1x16xf32> to vector<16xf32>
      %jit3A_2053 = arith.constant 0.000000e+00 : f32
      %broadcast_in_dim3A_2054 = vector.broadcast %jit3A_2053 : f32 to vector<16xf32>
      %select_n3A_2055 = arith.select %lt3A_2041, %get3A_2052, %broadcast_in_dim3A_2054 : vector<16xi1>, vector<16xf32>
      %swap3A_2056 = arith.index_cast %add3A_1995 : i32 to index
      %swap3A_2057 = arith.constant 16 : index
      %swap3A_2058 = tpu.vector_load %arg16[%swap3A_2056, %swap3A_2057] {strides = array<i32>} : memref<128x64xf32, #tpu.memory_space<vmem>>, vector<1x16xf32>,
      %swap3A_2059 = vector.shape_cast %swap3A_2058 : vector<1x16xf32> to vector<16xf32>
      %swap3A_2060 = vector.shape_cast %select_n3A_2055 : vector<16xf32> to vector<1x16xf32>
      tpu.vector_store %arg16[%swap3A_2056, %swap3A_2057], %swap3A_2060 {strides = array<i32>} : memref<128x64xf32, #tpu.memory_space<vmem>>, vector<1x16xf32>,
      %convert_element_type3A_2061 = arith.fptosi %select_n3A_2048 : vector<16xf32> to vector<16xi32>
      %swap3A_2062 = arith.index_cast %add3A_1995 : i32 to index
      %swap3A_2063 = arith.constant 16 : index
      %swap3A_2064 = tpu.vector_load %arg17[%swap3A_2062, %swap3A_2063] {strides = array<i32>} : memref<128x64xi32, #tpu.memory_space<vmem>>, vector<1x16xi32>,
      %swap3A_2065 = vector.shape_cast %swap3A_2064 : vector<1x16xi32> to vector<16xi32>
      %swap3A_2066 = vector.shape_cast %convert_element_type3A_2061 : vector<16xi32> to vector<1x16xi32>
      tpu.vector_store %arg17[%swap3A_2062, %swap3A_2063], %swap3A_2066 {strides = array<i32>} : memref<128x64xi32, #tpu.memory_space<vmem>>, vector<1x16xi32>,
      %jit3A_2067 = arith.constant 0.000000e+00 : f32
      %broadcast_in_dim3A_2068 = vector.broadcast %squeeze3A_1993 : f32 to vector<16xf32>
      %broadcast_in_dim3A_2069 = vector.broadcast %jit3A_2067 : f32 to vector<16xf32>
      %select_n3A_2070 = arith.select %lt3A_2041, %broadcast_in_dim3A_2068, %broadcast_in_dim3A_2069 : vector<16xi1>, vector<16xf32>
      %swap3A_2071 = arith.index_cast %add3A_1995 : i32 to index
      %swap3A_2072 = arith.constant 16 : index
      %swap3A_2073 = tpu.vector_load %arg18[%swap3A_2071, %swap3A_2072] {strides = array<i32>} : memref<128x64xf32, #tpu.memory_space<vmem>>, vector<1x16xf32>,
      %swap3A_2074 = vector.shape_cast %swap3A_2073 : vector<1x16xf32> to vector<16xf32>
      %swap3A_2075 = vector.shape_cast %select_n3A_2070 : vector<16xf32> to vector<1x16xf32>
      tpu.vector_store %arg18[%swap3A_2071, %swap3A_2072], %swap3A_2075 {strides = array<i32>} : memref<128x64xf32, #tpu.memory_space<vmem>>, vector<1x16xf32>,
      %iota3A_2076 = tpu.iota {dimensions = array<i32: 0>} : vector<16xi32>
      %add3A_2077 = arith.constant 32 : i32
      %add3A_2078 = vector.broadcast %add3A_2077 : i32 to vector<16xi32>
      %add3A_2079 = arith.addi %iota3A_2076, %add3A_2078 : vector<16xi32>
      %lt3A_2080 = vector.broadcast %squeeze3A_1991 : i32 to vector<16xi32>
      %lt3A_2081 = arith.cmpi slt, %add3A_2079, %lt3A_2080 : vector<16xi32>
      %get3A_2082 = arith.index_cast %add3A_1995 : i32 to index
      %get3A_2083 = arith.constant 96 : index
      %get3A_2084 = tpu.vector_load %arg15[%get3A_2082, %get3A_2083] {strides = array<i32>} : memref<128x128xf32, #tpu.memory_space<vmem>>, vector<1x16xf32>,
      %get3A_2085 = vector.shape_cast %get3A_2084 : vector<1x16xf32> to vector<16xf32>
      %jit3A_2086 = arith.constant -1.000000e+00 : f32
      %broadcast_in_dim3A_2087 = vector.broadcast %jit3A_2086 : f32 to vector<16xf32>
      %select_n3A_2088 = arith.select %lt3A_2081, %get3A_2085, %broadcast_in_dim3A_2087 : vector<16xi1>, vector<16xf32>
      %get3A_2089 = arith.index_cast %add3A_1995 : i32 to index
      %get3A_2090 = arith.constant 32 : index
      %get3A_2091 = tpu.vector_load %arg15[%get3A_2089, %get3A_2090] {strides = array<i32>} : memref<128x128xf32, #tpu.memory_space<vmem>>, vector<1x16xf32>,
      %get3A_2092 = vector.shape_cast %get3A_2091 : vector<1x16xf32> to vector<16xf32>
      %jit3A_2093 = arith.constant 0.000000e+00 : f32
      %broadcast_in_dim3A_2094 = vector.broadcast %jit3A_2093 : f32 to vector<16xf32>
      %select_n3A_2095 = arith.select %lt3A_2081, %get3A_2092, %broadcast_in_dim3A_2094 : vector<16xi1>, vector<16xf32>
      %swap3A_2096 = arith.index_cast %add3A_1995 : i32 to index
      %swap3A_2097 = arith.constant 32 : index
      %swap3A_2098 = tpu.vector_load %arg16[%swap3A_2096, %swap3A_2097] {strides = array<i32>} : memref<128x64xf32, #tpu.memory_space<vmem>>, vector<1x16xf32>,
      %swap3A_2099 = vector.shape_cast %swap3A_2098 : vector<1x16xf32> to vector<16xf32>
      %swap3A_2100 = vector.shape_cast %select_n3A_2095 : vector<16xf32> to vector<1x16xf32>
      tpu.vector_store %arg16[%swap3A_2096, %swap3A_2097], %swap3A_2100 {strides = array<i32>} : memref<128x64xf32, #tpu.memory_space<vmem>>, vector<1x16xf32>,
      %convert_element_type3A_2101 = arith.fptosi %select_n3A_2088 : vector<16xf32> to vector<16xi32>
      %swap3A_2102 = arith.index_cast %add3A_1995 : i32 to index
      %swap3A_2103 = arith.constant 32 : index
      %swap3A_2104 = tpu.vector_load %arg17[%swap3A_2102, %swap3A_2103] {strides = array<i32>} : memref<128x64xi32, #tpu.memory_space<vmem>>, vector<1x16xi32>,
      %swap3A_2105 = vector.shape_cast %swap3A_2104 : vector<1x16xi32> to vector<16xi32>
      %swap3A_2106 = vector.shape_cast %convert_element_type3A_2101 : vector<16xi32> to vector<1x16xi32>
      tpu.vector_store %arg17[%swap3A_2102, %swap3A_2103], %swap3A_2106 {strides = array<i32>} : memref<128x64xi32, #tpu.memory_space<vmem>>, vector<1x16xi32>,
      %jit3A_2107 = arith.constant 0.000000e+00 : f32
      %broadcast_in_dim3A_2108 = vector.broadcast %squeeze3A_1993 : f32 to vector<16xf32>
      %broadcast_in_dim3A_2109 = vector.broadcast %jit3A_2107 : f32 to vector<16xf32>
      %select_n3A_2110 = arith.select %lt3A_2081, %broadcast_in_dim3A_2108, %broadcast_in_dim3A_2109 : vector<16xi1>, vector<16xf32>
      %swap3A_2111 = arith.index_cast %add3A_1995 : i32 to index
      %swap3A_2112 = arith.constant 32 : index
      %swap3A_2113 = tpu.vector_load %arg18[%swap3A_2111, %swap3A_2112] {strides = array<i32>} : memref<128x64xf32, #tpu.memory_space<vmem>>, vector<1x16xf32>,
      %swap3A_2114 = vector.shape_cast %swap3A_2113 : vector<1x16xf32> to vector<16xf32>
      %swap3A_2115 = vector.shape_cast %select_n3A_2110 : vector<16xf32> to vector<1x16xf32>
      tpu.vector_store %arg18[%swap3A_2111, %swap3A_2112], %swap3A_2115 {strides = array<i32>} : memref<128x64xf32, #tpu.memory_space<vmem>>, vector<1x16xf32>,
      %iota3A_2116 = tpu.iota {dimensions = array<i32: 0>} : vector<16xi32>
      %add3A_2117 = arith.constant 48 : i32
      %add3A_2118 = vector.broadcast %add3A_2117 : i32 to vector<16xi32>
      %add3A_2119 = arith.addi %iota3A_2116, %add3A_2118 : vector<16xi32>
      %lt3A_2120 = vector.broadcast %squeeze3A_1991 : i32 to vector<16xi32>
      %lt3A_2121 = arith.cmpi slt, %add3A_2119, %lt3A_2120 : vector<16xi32>
      %get3A_2122 = arith.index_cast %add3A_1995 : i32 to index
      %get3A_2123 = arith.constant 112 : index
      %get3A_2124 = tpu.vector_load %arg15[%get3A_2122, %get3A_2123] {strides = array<i32>} : memref<128x128xf32, #tpu.memory_space<vmem>>, vector<1x16xf32>,
      %get3A_2125 = vector.shape_cast %get3A_2124 : vector<1x16xf32> to vector<16xf32>
      %jit3A_2126 = arith.constant -1.000000e+00 : f32
      %broadcast_in_dim3A_2127 = vector.broadcast %jit3A_2126 : f32 to vector<16xf32>
      %select_n3A_2128 = arith.select %lt3A_2121, %get3A_2125, %broadcast_in_dim3A_2127 : vector<16xi1>, vector<16xf32>
      %get3A_2129 = arith.index_cast %add3A_1995 : i32 to index
      %get3A_2130 = arith.constant 48 : index
      %get3A_2131 = tpu.vector_load %arg15[%get3A_2129, %get3A_2130] {strides = array<i32>} : memref<128x128xf32, #tpu.memory_space<vmem>>, vector<1x16xf32>,
      %get3A_2132 = vector.shape_cast %get3A_2131 : vector<1x16xf32> to vector<16xf32>
      %jit3A_2133 = arith.constant 0.000000e+00 : f32
      %broadcast_in_dim3A_2134 = vector.broadcast %jit3A_2133 : f32 to vector<16xf32>
      %select_n3A_2135 = arith.select %lt3A_2121, %get3A_2132, %broadcast_in_dim3A_2134 : vector<16xi1>, vector<16xf32>
      %swap3A_2136 = arith.index_cast %add3A_1995 : i32 to index
      %swap3A_2137 = arith.constant 48 : index
      %swap3A_2138 = tpu.vector_load %arg16[%swap3A_2136, %swap3A_2137] {strides = array<i32>} : memref<128x64xf32, #tpu.memory_space<vmem>>, vector<1x16xf32>,
      %swap3A_2139 = vector.shape_cast %swap3A_2138 : vector<1x16xf32> to vector<16xf32>
      %swap3A_2140 = vector.shape_cast %select_n3A_2135 : vector<16xf32> to vector<1x16xf32>
      tpu.vector_store %arg16[%swap3A_2136, %swap3A_2137], %swap3A_2140 {strides = array<i32>} : memref<128x64xf32, #tpu.memory_space<vmem>>, vector<1x16xf32>,
      %convert_element_type3A_2141 = arith.fptosi %select_n3A_2128 : vector<16xf32> to vector<16xi32>
      %swap3A_2142 = arith.index_cast %add3A_1995 : i32 to index
      %swap3A_2143 = arith.constant 48 : index
      %swap3A_2144 = tpu.vector_load %arg17[%swap3A_2142, %swap3A_2143] {strides = array<i32>} : memref<128x64xi32, #tpu.memory_space<vmem>>, vector<1x16xi32>,
      %swap3A_2145 = vector.shape_cast %swap3A_2144 : vector<1x16xi32> to vector<16xi32>
      %swap3A_2146 = vector.shape_cast %convert_element_type3A_2141 : vector<16xi32> to vector<1x16xi32>
      tpu.vector_store %arg17[%swap3A_2142, %swap3A_2143], %swap3A_2146 {strides = array<i32>} : memref<128x64xi32, #tpu.memory_space<vmem>>, vector<1x16xi32>,
      %jit3A_2147 = arith.constant 0.000000e+00 : f32
      %broadcast_in_dim3A_2148 = vector.broadcast %squeeze3A_1993 : f32 to vector<16xf32>
      %broadcast_in_dim3A_2149 = vector.broadcast %jit3A_2147 : f32 to vector<16xf32>
      %select_n3A_2150 = arith.select %lt3A_2121, %broadcast_in_dim3A_2148, %broadcast_in_dim3A_2149 : vector<16xi1>, vector<16xf32>
      %swap3A_2151 = arith.index_cast %add3A_1995 : i32 to index
      %swap3A_2152 = arith.constant 48 : index
      %swap3A_2153 = tpu.vector_load %arg18[%swap3A_2151, %swap3A_2152] {strides = array<i32>} : memref<128x64xf32, #tpu.memory_space<vmem>>, vector<1x16xf32>,
      %swap3A_2154 = vector.shape_cast %swap3A_2153 : vector<1x16xf32> to vector<16xf32>
      %swap3A_2155 = vector.shape_cast %select_n3A_2150 : vector<16xf32> to vector<1x16xf32>
      tpu.vector_store %arg18[%swap3A_2151, %swap3A_2152], %swap3A_2155 {strides = array<i32>} : memref<128x64xf32, #tpu.memory_space<vmem>>, vector<1x16xf32>,
      %slice3A_2156 = vector.extract_strided_slice %select_n3A {offsets = [12], sizes = [1], strides = [1]} : vector<16xi32> to vector<1xi32>
      %squeeze3A_2157 = vector.extract %slice3A_2156[0] : i32 from vector<1xi32>
      %slice3A_2158 = vector.extract_strided_slice %get3A_162 {offsets = [12], sizes = [1], strides = [1]} : vector<16xf32> to vector<1xf32>
      %squeeze3A_2159 = vector.extract %slice3A_2158[0] : f32 from vector<1xf32>
      %add3A_2160 = arith.constant 12 : i32
      %add3A_2161 = arith.addi %mul3A_153, %add3A_2160 : i32
      %iota3A_2162 = tpu.iota {dimensions = array<i32: 0>} : vector<16xi32>
      %add3A_2163 = arith.constant 0 : i32
      %add3A_2164 = vector.broadcast %add3A_2163 : i32 to vector<16xi32>
      %add3A_2165 = arith.addi %iota3A_2162, %add3A_2164 : vector<16xi32>
      %lt3A_2166 = vector.broadcast %squeeze3A_2157 : i32 to vector<16xi32>
      %lt3A_2167 = arith.cmpi slt, %add3A_2165, %lt3A_2166 : vector<16xi32>
      %get3A_2168 = arith.index_cast %add3A_2161 : i32 to index
      %get3A_2169 = arith.constant 64 : index
      %get3A_2170 = tpu.vector_load %arg15[%get3A_2168, %get3A_2169] {strides = array<i32>} : memref<128x128xf32, #tpu.memory_space<vmem>>, vector<1x16xf32>,
      %get3A_2171 = vector.shape_cast %get3A_2170 : vector<1x16xf32> to vector<16xf32>
      %jit3A_2172 = arith.constant -1.000000e+00 : f32
      %broadcast_in_dim3A_2173 = vector.broadcast %jit3A_2172 : f32 to vector<16xf32>
      %select_n3A_2174 = arith.select %lt3A_2167, %get3A_2171, %broadcast_in_dim3A_2173 : vector<16xi1>, vector<16xf32>
      %get3A_2175 = arith.index_cast %add3A_2161 : i32 to index
      %get3A_2176 = arith.constant 0 : index
      %get3A_2177 = tpu.vector_load %arg15[%get3A_2175, %get3A_2176] {strides = array<i32>} : memref<128x128xf32, #tpu.memory_space<vmem>>, vector<1x16xf32>,
      %get3A_2178 = vector.shape_cast %get3A_2177 : vector<1x16xf32> to vector<16xf32>
      %jit3A_2179 = arith.constant 0.000000e+00 : f32
      %broadcast_in_dim3A_2180 = vector.broadcast %jit3A_2179 : f32 to vector<16xf32>
      %select_n3A_2181 = arith.select %lt3A_2167, %get3A_2178, %broadcast_in_dim3A_2180 : vector<16xi1>, vector<16xf32>
      %swap3A_2182 = arith.index_cast %add3A_2161 : i32 to index
      %swap3A_2183 = arith.constant 0 : index
      %swap3A_2184 = tpu.vector_load %arg16[%swap3A_2182, %swap3A_2183] {strides = array<i32>} : memref<128x64xf32, #tpu.memory_space<vmem>>, vector<1x16xf32>,
      %swap3A_2185 = vector.shape_cast %swap3A_2184 : vector<1x16xf32> to vector<16xf32>
      %swap3A_2186 = vector.shape_cast %select_n3A_2181 : vector<16xf32> to vector<1x16xf32>
      tpu.vector_store %arg16[%swap3A_2182, %swap3A_2183], %swap3A_2186 {strides = array<i32>} : memref<128x64xf32, #tpu.memory_space<vmem>>, vector<1x16xf32>,
      %convert_element_type3A_2187 = arith.fptosi %select_n3A_2174 : vector<16xf32> to vector<16xi32>
      %swap3A_2188 = arith.index_cast %add3A_2161 : i32 to index
      %swap3A_2189 = arith.constant 0 : index
      %swap3A_2190 = tpu.vector_load %arg17[%swap3A_2188, %swap3A_2189] {strides = array<i32>} : memref<128x64xi32, #tpu.memory_space<vmem>>, vector<1x16xi32>,
      %swap3A_2191 = vector.shape_cast %swap3A_2190 : vector<1x16xi32> to vector<16xi32>
      %swap3A_2192 = vector.shape_cast %convert_element_type3A_2187 : vector<16xi32> to vector<1x16xi32>
      tpu.vector_store %arg17[%swap3A_2188, %swap3A_2189], %swap3A_2192 {strides = array<i32>} : memref<128x64xi32, #tpu.memory_space<vmem>>, vector<1x16xi32>,
      %jit3A_2193 = arith.constant 0.000000e+00 : f32
      %broadcast_in_dim3A_2194 = vector.broadcast %squeeze3A_2159 : f32 to vector<16xf32>
      %broadcast_in_dim3A_2195 = vector.broadcast %jit3A_2193 : f32 to vector<16xf32>
      %select_n3A_2196 = arith.select %lt3A_2167, %broadcast_in_dim3A_2194, %broadcast_in_dim3A_2195 : vector<16xi1>, vector<16xf32>
      %swap3A_2197 = arith.index_cast %add3A_2161 : i32 to index
      %swap3A_2198 = arith.constant 0 : index
      %swap3A_2199 = tpu.vector_load %arg18[%swap3A_2197, %swap3A_2198] {strides = array<i32>} : memref<128x64xf32, #tpu.memory_space<vmem>>, vector<1x16xf32>,
      %swap3A_2200 = vector.shape_cast %swap3A_2199 : vector<1x16xf32> to vector<16xf32>
      %swap3A_2201 = vector.shape_cast %select_n3A_2196 : vector<16xf32> to vector<1x16xf32>
      tpu.vector_store %arg18[%swap3A_2197, %swap3A_2198], %swap3A_2201 {strides = array<i32>} : memref<128x64xf32, #tpu.memory_space<vmem>>, vector<1x16xf32>,
      %iota3A_2202 = tpu.iota {dimensions = array<i32: 0>} : vector<16xi32>
      %add3A_2203 = arith.constant 16 : i32
      %add3A_2204 = vector.broadcast %add3A_2203 : i32 to vector<16xi32>
      %add3A_2205 = arith.addi %iota3A_2202, %add3A_2204 : vector<16xi32>
      %lt3A_2206 = vector.broadcast %squeeze3A_2157 : i32 to vector<16xi32>
      %lt3A_2207 = arith.cmpi slt, %add3A_2205, %lt3A_2206 : vector<16xi32>
      %get3A_2208 = arith.index_cast %add3A_2161 : i32 to index
      %get3A_2209 = arith.constant 80 : index
      %get3A_2210 = tpu.vector_load %arg15[%get3A_2208, %get3A_2209] {strides = array<i32>} : memref<128x128xf32, #tpu.memory_space<vmem>>, vector<1x16xf32>,
      %get3A_2211 = vector.shape_cast %get3A_2210 : vector<1x16xf32> to vector<16xf32>
      %jit3A_2212 = arith.constant -1.000000e+00 : f32
      %broadcast_in_dim3A_2213 = vector.broadcast %jit3A_2212 : f32 to vector<16xf32>
      %select_n3A_2214 = arith.select %lt3A_2207, %get3A_2211, %broadcast_in_dim3A_2213 : vector<16xi1>, vector<16xf32>
      %get3A_2215 = arith.index_cast %add3A_2161 : i32 to index
      %get3A_2216 = arith.constant 16 : index
      %get3A_2217 = tpu.vector_load %arg15[%get3A_2215, %get3A_2216] {strides = array<i32>} : memref<128x128xf32, #tpu.memory_space<vmem>>, vector<1x16xf32>,
      %get3A_2218 = vector.shape_cast %get3A_2217 : vector<1x16xf32> to vector<16xf32>
      %jit3A_2219 = arith.constant 0.000000e+00 : f32
      %broadcast_in_dim3A_2220 = vector.broadcast %jit3A_2219 : f32 to vector<16xf32>
      %select_n3A_2221 = arith.select %lt3A_2207, %get3A_2218, %broadcast_in_dim3A_2220 : vector<16xi1>, vector<16xf32>
      %swap3A_2222 = arith.index_cast %add3A_2161 : i32 to index
      %swap3A_2223 = arith.constant 16 : index
      %swap3A_2224 = tpu.vector_load %arg16[%swap3A_2222, %swap3A_2223] {strides = array<i32>} : memref<128x64xf32, #tpu.memory_space<vmem>>, vector<1x16xf32>,
      %swap3A_2225 = vector.shape_cast %swap3A_2224 : vector<1x16xf32> to vector<16xf32>
      %swap3A_2226 = vector.shape_cast %select_n3A_2221 : vector<16xf32> to vector<1x16xf32>
      tpu.vector_store %arg16[%swap3A_2222, %swap3A_2223], %swap3A_2226 {strides = array<i32>} : memref<128x64xf32, #tpu.memory_space<vmem>>, vector<1x16xf32>,
      %convert_element_type3A_2227 = arith.fptosi %select_n3A_2214 : vector<16xf32> to vector<16xi32>
      %swap3A_2228 = arith.index_cast %add3A_2161 : i32 to index
      %swap3A_2229 = arith.constant 16 : index
      %swap3A_2230 = tpu.vector_load %arg17[%swap3A_2228, %swap3A_2229] {strides = array<i32>} : memref<128x64xi32, #tpu.memory_space<vmem>>, vector<1x16xi32>,
      %swap3A_2231 = vector.shape_cast %swap3A_2230 : vector<1x16xi32> to vector<16xi32>
      %swap3A_2232 = vector.shape_cast %convert_element_type3A_2227 : vector<16xi32> to vector<1x16xi32>
      tpu.vector_store %arg17[%swap3A_2228, %swap3A_2229], %swap3A_2232 {strides = array<i32>} : memref<128x64xi32, #tpu.memory_space<vmem>>, vector<1x16xi32>,
      %jit3A_2233 = arith.constant 0.000000e+00 : f32
      %broadcast_in_dim3A_2234 = vector.broadcast %squeeze3A_2159 : f32 to vector<16xf32>
      %broadcast_in_dim3A_2235 = vector.broadcast %jit3A_2233 : f32 to vector<16xf32>
      %select_n3A_2236 = arith.select %lt3A_2207, %broadcast_in_dim3A_2234, %broadcast_in_dim3A_2235 : vector<16xi1>, vector<16xf32>
      %swap3A_2237 = arith.index_cast %add3A_2161 : i32 to index
      %swap3A_2238 = arith.constant 16 : index
      %swap3A_2239 = tpu.vector_load %arg18[%swap3A_2237, %swap3A_2238] {strides = array<i32>} : memref<128x64xf32, #tpu.memory_space<vmem>>, vector<1x16xf32>,
      %swap3A_2240 = vector.shape_cast %swap3A_2239 : vector<1x16xf32> to vector<16xf32>
      %swap3A_2241 = vector.shape_cast %select_n3A_2236 : vector<16xf32> to vector<1x16xf32>
      tpu.vector_store %arg18[%swap3A_2237, %swap3A_2238], %swap3A_2241 {strides = array<i32>} : memref<128x64xf32, #tpu.memory_space<vmem>>, vector<1x16xf32>,
      %iota3A_2242 = tpu.iota {dimensions = array<i32: 0>} : vector<16xi32>
      %add3A_2243 = arith.constant 32 : i32
      %add3A_2244 = vector.broadcast %add3A_2243 : i32 to vector<16xi32>
      %add3A_2245 = arith.addi %iota3A_2242, %add3A_2244 : vector<16xi32>
      %lt3A_2246 = vector.broadcast %squeeze3A_2157 : i32 to vector<16xi32>
      %lt3A_2247 = arith.cmpi slt, %add3A_2245, %lt3A_2246 : vector<16xi32>
      %get3A_2248 = arith.index_cast %add3A_2161 : i32 to index
      %get3A_2249 = arith.constant 96 : index
      %get3A_2250 = tpu.vector_load %arg15[%get3A_2248, %get3A_2249] {strides = array<i32>} : memref<128x128xf32, #tpu.memory_space<vmem>>, vector<1x16xf32>,
      %get3A_2251 = vector.shape_cast %get3A_2250 : vector<1x16xf32> to vector<16xf32>
      %jit3A_2252 = arith.constant -1.000000e+00 : f32
      %broadcast_in_dim3A_2253 = vector.broadcast %jit3A_2252 : f32 to vector<16xf32>
      %select_n3A_2254 = arith.select %lt3A_2247, %get3A_2251, %broadcast_in_dim3A_2253 : vector<16xi1>, vector<16xf32>
      %get3A_2255 = arith.index_cast %add3A_2161 : i32 to index
      %get3A_2256 = arith.constant 32 : index
      %get3A_2257 = tpu.vector_load %arg15[%get3A_2255, %get3A_2256] {strides = array<i32>} : memref<128x128xf32, #tpu.memory_space<vmem>>, vector<1x16xf32>,
      %get3A_2258 = vector.shape_cast %get3A_2257 : vector<1x16xf32> to vector<16xf32>
      %jit3A_2259 = arith.constant 0.000000e+00 : f32
      %broadcast_in_dim3A_2260 = vector.broadcast %jit3A_2259 : f32 to vector<16xf32>
      %select_n3A_2261 = arith.select %lt3A_2247, %get3A_2258, %broadcast_in_dim3A_2260 : vector<16xi1>, vector<16xf32>
      %swap3A_2262 = arith.index_cast %add3A_2161 : i32 to index
      %swap3A_2263 = arith.constant 32 : index
      %swap3A_2264 = tpu.vector_load %arg16[%swap3A_2262, %swap3A_2263] {strides = array<i32>} : memref<128x64xf32, #tpu.memory_space<vmem>>, vector<1x16xf32>,
      %swap3A_2265 = vector.shape_cast %swap3A_2264 : vector<1x16xf32> to vector<16xf32>
      %swap3A_2266 = vector.shape_cast %select_n3A_2261 : vector<16xf32> to vector<1x16xf32>
      tpu.vector_store %arg16[%swap3A_2262, %swap3A_2263], %swap3A_2266 {strides = array<i32>} : memref<128x64xf32, #tpu.memory_space<vmem>>, vector<1x16xf32>,
      %convert_element_type3A_2267 = arith.fptosi %select_n3A_2254 : vector<16xf32> to vector<16xi32>
      %swap3A_2268 = arith.index_cast %add3A_2161 : i32 to index
      %swap3A_2269 = arith.constant 32 : index
      %swap3A_2270 = tpu.vector_load %arg17[%swap3A_2268, %swap3A_2269] {strides = array<i32>} : memref<128x64xi32, #tpu.memory_space<vmem>>, vector<1x16xi32>,
      %swap3A_2271 = vector.shape_cast %swap3A_2270 : vector<1x16xi32> to vector<16xi32>
      %swap3A_2272 = vector.shape_cast %convert_element_type3A_2267 : vector<16xi32> to vector<1x16xi32>
      tpu.vector_store %arg17[%swap3A_2268, %swap3A_2269], %swap3A_2272 {strides = array<i32>} : memref<128x64xi32, #tpu.memory_space<vmem>>, vector<1x16xi32>,
      %jit3A_2273 = arith.constant 0.000000e+00 : f32
      %broadcast_in_dim3A_2274 = vector.broadcast %squeeze3A_2159 : f32 to vector<16xf32>
      %broadcast_in_dim3A_2275 = vector.broadcast %jit3A_2273 : f32 to vector<16xf32>
      %select_n3A_2276 = arith.select %lt3A_2247, %broadcast_in_dim3A_2274, %broadcast_in_dim3A_2275 : vector<16xi1>, vector<16xf32>
      %swap3A_2277 = arith.index_cast %add3A_2161 : i32 to index
      %swap3A_2278 = arith.constant 32 : index
      %swap3A_2279 = tpu.vector_load %arg18[%swap3A_2277, %swap3A_2278] {strides = array<i32>} : memref<128x64xf32, #tpu.memory_space<vmem>>, vector<1x16xf32>,
      %swap3A_2280 = vector.shape_cast %swap3A_2279 : vector<1x16xf32> to vector<16xf32>
      %swap3A_2281 = vector.shape_cast %select_n3A_2276 : vector<16xf32> to vector<1x16xf32>
      tpu.vector_store %arg18[%swap3A_2277, %swap3A_2278], %swap3A_2281 {strides = array<i32>} : memref<128x64xf32, #tpu.memory_space<vmem>>, vector<1x16xf32>,
      %iota3A_2282 = tpu.iota {dimensions = array<i32: 0>} : vector<16xi32>
      %add3A_2283 = arith.constant 48 : i32
      %add3A_2284 = vector.broadcast %add3A_2283 : i32 to vector<16xi32>
      %add3A_2285 = arith.addi %iota3A_2282, %add3A_2284 : vector<16xi32>
      %lt3A_2286 = vector.broadcast %squeeze3A_2157 : i32 to vector<16xi32>
      %lt3A_2287 = arith.cmpi slt, %add3A_2285, %lt3A_2286 : vector<16xi32>
      %get3A_2288 = arith.index_cast %add3A_2161 : i32 to index
      %get3A_2289 = arith.constant 112 : index
      %get3A_2290 = tpu.vector_load %arg15[%get3A_2288, %get3A_2289] {strides = array<i32>} : memref<128x128xf32, #tpu.memory_space<vmem>>, vector<1x16xf32>,
      %get3A_2291 = vector.shape_cast %get3A_2290 : vector<1x16xf32> to vector<16xf32>
      %jit3A_2292 = arith.constant -1.000000e+00 : f32
      %broadcast_in_dim3A_2293 = vector.broadcast %jit3A_2292 : f32 to vector<16xf32>
      %select_n3A_2294 = arith.select %lt3A_2287, %get3A_2291, %broadcast_in_dim3A_2293 : vector<16xi1>, vector<16xf32>
      %get3A_2295 = arith.index_cast %add3A_2161 : i32 to index
      %get3A_2296 = arith.constant 48 : index
      %get3A_2297 = tpu.vector_load %arg15[%get3A_2295, %get3A_2296] {strides = array<i32>} : memref<128x128xf32, #tpu.memory_space<vmem>>, vector<1x16xf32>,
      %get3A_2298 = vector.shape_cast %get3A_2297 : vector<1x16xf32> to vector<16xf32>
      %jit3A_2299 = arith.constant 0.000000e+00 : f32
      %broadcast_in_dim3A_2300 = vector.broadcast %jit3A_2299 : f32 to vector<16xf32>
      %select_n3A_2301 = arith.select %lt3A_2287, %get3A_2298, %broadcast_in_dim3A_2300 : vector<16xi1>, vector<16xf32>
      %swap3A_2302 = arith.index_cast %add3A_2161 : i32 to index
      %swap3A_2303 = arith.constant 48 : index
      %swap3A_2304 = tpu.vector_load %arg16[%swap3A_2302, %swap3A_2303] {strides = array<i32>} : memref<128x64xf32, #tpu.memory_space<vmem>>, vector<1x16xf32>,
      %swap3A_2305 = vector.shape_cast %swap3A_2304 : vector<1x16xf32> to vector<16xf32>
      %swap3A_2306 = vector.shape_cast %select_n3A_2301 : vector<16xf32> to vector<1x16xf32>
      tpu.vector_store %arg16[%swap3A_2302, %swap3A_2303], %swap3A_2306 {strides = array<i32>} : memref<128x64xf32, #tpu.memory_space<vmem>>, vector<1x16xf32>,
      %convert_element_type3A_2307 = arith.fptosi %select_n3A_2294 : vector<16xf32> to vector<16xi32>
      %swap3A_2308 = arith.index_cast %add3A_2161 : i32 to index
      %swap3A_2309 = arith.constant 48 : index
      %swap3A_2310 = tpu.vector_load %arg17[%swap3A_2308, %swap3A_2309] {strides = array<i32>} : memref<128x64xi32, #tpu.memory_space<vmem>>, vector<1x16xi32>,
      %swap3A_2311 = vector.shape_cast %swap3A_2310 : vector<1x16xi32> to vector<16xi32>
      %swap3A_2312 = vector.shape_cast %convert_element_type3A_2307 : vector<16xi32> to vector<1x16xi32>
      tpu.vector_store %arg17[%swap3A_2308, %swap3A_2309], %swap3A_2312 {strides = array<i32>} : memref<128x64xi32, #tpu.memory_space<vmem>>, vector<1x16xi32>,
      %jit3A_2313 = arith.constant 0.000000e+00 : f32
      %broadcast_in_dim3A_2314 = vector.broadcast %squeeze3A_2159 : f32 to vector<16xf32>
      %broadcast_in_dim3A_2315 = vector.broadcast %jit3A_2313 : f32 to vector<16xf32>
      %select_n3A_2316 = arith.select %lt3A_2287, %broadcast_in_dim3A_2314, %broadcast_in_dim3A_2315 : vector<16xi1>, vector<16xf32>
      %swap3A_2317 = arith.index_cast %add3A_2161 : i32 to index
      %swap3A_2318 = arith.constant 48 : index
      %swap3A_2319 = tpu.vector_load %arg18[%swap3A_2317, %swap3A_2318] {strides = array<i32>} : memref<128x64xf32, #tpu.memory_space<vmem>>, vector<1x16xf32>,
      %swap3A_2320 = vector.shape_cast %swap3A_2319 : vector<1x16xf32> to vector<16xf32>
      %swap3A_2321 = vector.shape_cast %select_n3A_2316 : vector<16xf32> to vector<1x16xf32>
      tpu.vector_store %arg18[%swap3A_2317, %swap3A_2318], %swap3A_2321 {strides = array<i32>} : memref<128x64xf32, #tpu.memory_space<vmem>>, vector<1x16xf32>,
      %slice3A_2322 = vector.extract_strided_slice %select_n3A {offsets = [13], sizes = [1], strides = [1]} : vector<16xi32> to vector<1xi32>
      %squeeze3A_2323 = vector.extract %slice3A_2322[0] : i32 from vector<1xi32>
      %slice3A_2324 = vector.extract_strided_slice %get3A_162 {offsets = [13], sizes = [1], strides = [1]} : vector<16xf32> to vector<1xf32>
      %squeeze3A_2325 = vector.extract %slice3A_2324[0] : f32 from vector<1xf32>
      %add3A_2326 = arith.constant 13 : i32
      %add3A_2327 = arith.addi %mul3A_153, %add3A_2326 : i32
      %iota3A_2328 = tpu.iota {dimensions = array<i32: 0>} : vector<16xi32>
      %add3A_2329 = arith.constant 0 : i32
      %add3A_2330 = vector.broadcast %add3A_2329 : i32 to vector<16xi32>
      %add3A_2331 = arith.addi %iota3A_2328, %add3A_2330 : vector<16xi32>
      %lt3A_2332 = vector.broadcast %squeeze3A_2323 : i32 to vector<16xi32>
      %lt3A_2333 = arith.cmpi slt, %add3A_2331, %lt3A_2332 : vector<16xi32>
      %get3A_2334 = arith.index_cast %add3A_2327 : i32 to index
      %get3A_2335 = arith.constant 64 : index
      %get3A_2336 = tpu.vector_load %arg15[%get3A_2334, %get3A_2335] {strides = array<i32>} : memref<128x128xf32, #tpu.memory_space<vmem>>, vector<1x16xf32>,
      %get3A_2337 = vector.shape_cast %get3A_2336 : vector<1x16xf32> to vector<16xf32>
      %jit3A_2338 = arith.constant -1.000000e+00 : f32
      %broadcast_in_dim3A_2339 = vector.broadcast %jit3A_2338 : f32 to vector<16xf32>
      %select_n3A_2340 = arith.select %lt3A_2333, %get3A_2337, %broadcast_in_dim3A_2339 : vector<16xi1>, vector<16xf32>
      %get3A_2341 = arith.index_cast %add3A_2327 : i32 to index
      %get3A_2342 = arith.constant 0 : index
      %get3A_2343 = tpu.vector_load %arg15[%get3A_2341, %get3A_2342] {strides = array<i32>} : memref<128x128xf32, #tpu.memory_space<vmem>>, vector<1x16xf32>,
      %get3A_2344 = vector.shape_cast %get3A_2343 : vector<1x16xf32> to vector<16xf32>
      %jit3A_2345 = arith.constant 0.000000e+00 : f32
      %broadcast_in_dim3A_2346 = vector.broadcast %jit3A_2345 : f32 to vector<16xf32>
      %select_n3A_2347 = arith.select %lt3A_2333, %get3A_2344, %broadcast_in_dim3A_2346 : vector<16xi1>, vector<16xf32>
      %swap3A_2348 = arith.index_cast %add3A_2327 : i32 to index
      %swap3A_2349 = arith.constant 0 : index
      %swap3A_2350 = tpu.vector_load %arg16[%swap3A_2348, %swap3A_2349] {strides = array<i32>} : memref<128x64xf32, #tpu.memory_space<vmem>>, vector<1x16xf32>,
      %swap3A_2351 = vector.shape_cast %swap3A_2350 : vector<1x16xf32> to vector<16xf32>
      %swap3A_2352 = vector.shape_cast %select_n3A_2347 : vector<16xf32> to vector<1x16xf32>
      tpu.vector_store %arg16[%swap3A_2348, %swap3A_2349], %swap3A_2352 {strides = array<i32>} : memref<128x64xf32, #tpu.memory_space<vmem>>, vector<1x16xf32>,
      %convert_element_type3A_2353 = arith.fptosi %select_n3A_2340 : vector<16xf32> to vector<16xi32>
      %swap3A_2354 = arith.index_cast %add3A_2327 : i32 to index
      %swap3A_2355 = arith.constant 0 : index
      %swap3A_2356 = tpu.vector_load %arg17[%swap3A_2354, %swap3A_2355] {strides = array<i32>} : memref<128x64xi32, #tpu.memory_space<vmem>>, vector<1x16xi32>,
      %swap3A_2357 = vector.shape_cast %swap3A_2356 : vector<1x16xi32> to vector<16xi32>
      %swap3A_2358 = vector.shape_cast %convert_element_type3A_2353 : vector<16xi32> to vector<1x16xi32>
      tpu.vector_store %arg17[%swap3A_2354, %swap3A_2355], %swap3A_2358 {strides = array<i32>} : memref<128x64xi32, #tpu.memory_space<vmem>>, vector<1x16xi32>,
      %jit3A_2359 = arith.constant 0.000000e+00 : f32
      %broadcast_in_dim3A_2360 = vector.broadcast %squeeze3A_2325 : f32 to vector<16xf32>
      %broadcast_in_dim3A_2361 = vector.broadcast %jit3A_2359 : f32 to vector<16xf32>
      %select_n3A_2362 = arith.select %lt3A_2333, %broadcast_in_dim3A_2360, %broadcast_in_dim3A_2361 : vector<16xi1>, vector<16xf32>
      %swap3A_2363 = arith.index_cast %add3A_2327 : i32 to index
      %swap3A_2364 = arith.constant 0 : index
      %swap3A_2365 = tpu.vector_load %arg18[%swap3A_2363, %swap3A_2364] {strides = array<i32>} : memref<128x64xf32, #tpu.memory_space<vmem>>, vector<1x16xf32>,
      %swap3A_2366 = vector.shape_cast %swap3A_2365 : vector<1x16xf32> to vector<16xf32>
      %swap3A_2367 = vector.shape_cast %select_n3A_2362 : vector<16xf32> to vector<1x16xf32>
      tpu.vector_store %arg18[%swap3A_2363, %swap3A_2364], %swap3A_2367 {strides = array<i32>} : memref<128x64xf32, #tpu.memory_space<vmem>>, vector<1x16xf32>,
      %iota3A_2368 = tpu.iota {dimensions = array<i32: 0>} : vector<16xi32>
      %add3A_2369 = arith.constant 16 : i32
      %add3A_2370 = vector.broadcast %add3A_2369 : i32 to vector<16xi32>
      %add3A_2371 = arith.addi %iota3A_2368, %add3A_2370 : vector<16xi32>
      %lt3A_2372 = vector.broadcast %squeeze3A_2323 : i32 to vector<16xi32>
      %lt3A_2373 = arith.cmpi slt, %add3A_2371, %lt3A_2372 : vector<16xi32>
      %get3A_2374 = arith.index_cast %add3A_2327 : i32 to index
      %get3A_2375 = arith.constant 80 : index
      %get3A_2376 = tpu.vector_load %arg15[%get3A_2374, %get3A_2375] {strides = array<i32>} : memref<128x128xf32, #tpu.memory_space<vmem>>, vector<1x16xf32>,
      %get3A_2377 = vector.shape_cast %get3A_2376 : vector<1x16xf32> to vector<16xf32>
      %jit3A_2378 = arith.constant -1.000000e+00 : f32
      %broadcast_in_dim3A_2379 = vector.broadcast %jit3A_2378 : f32 to vector<16xf32>
      %select_n3A_2380 = arith.select %lt3A_2373, %get3A_2377, %broadcast_in_dim3A_2379 : vector<16xi1>, vector<16xf32>
      %get3A_2381 = arith.index_cast %add3A_2327 : i32 to index
      %get3A_2382 = arith.constant 16 : index
      %get3A_2383 = tpu.vector_load %arg15[%get3A_2381, %get3A_2382] {strides = array<i32>} : memref<128x128xf32, #tpu.memory_space<vmem>>, vector<1x16xf32>,
      %get3A_2384 = vector.shape_cast %get3A_2383 : vector<1x16xf32> to vector<16xf32>
      %jit3A_2385 = arith.constant 0.000000e+00 : f32
      %broadcast_in_dim3A_2386 = vector.broadcast %jit3A_2385 : f32 to vector<16xf32>
      %select_n3A_2387 = arith.select %lt3A_2373, %get3A_2384, %broadcast_in_dim3A_2386 : vector<16xi1>, vector<16xf32>
      %swap3A_2388 = arith.index_cast %add3A_2327 : i32 to index
      %swap3A_2389 = arith.constant 16 : index
      %swap3A_2390 = tpu.vector_load %arg16[%swap3A_2388, %swap3A_2389] {strides = array<i32>} : memref<128x64xf32, #tpu.memory_space<vmem>>, vector<1x16xf32>,
      %swap3A_2391 = vector.shape_cast %swap3A_2390 : vector<1x16xf32> to vector<16xf32>
      %swap3A_2392 = vector.shape_cast %select_n3A_2387 : vector<16xf32> to vector<1x16xf32>
      tpu.vector_store %arg16[%swap3A_2388, %swap3A_2389], %swap3A_2392 {strides = array<i32>} : memref<128x64xf32, #tpu.memory_space<vmem>>, vector<1x16xf32>,
      %convert_element_type3A_2393 = arith.fptosi %select_n3A_2380 : vector<16xf32> to vector<16xi32>
      %swap3A_2394 = arith.index_cast %add3A_2327 : i32 to index
      %swap3A_2395 = arith.constant 16 : index
      %swap3A_2396 = tpu.vector_load %arg17[%swap3A_2394, %swap3A_2395] {strides = array<i32>} : memref<128x64xi32, #tpu.memory_space<vmem>>, vector<1x16xi32>,
      %swap3A_2397 = vector.shape_cast %swap3A_2396 : vector<1x16xi32> to vector<16xi32>
      %swap3A_2398 = vector.shape_cast %convert_element_type3A_2393 : vector<16xi32> to vector<1x16xi32>
      tpu.vector_store %arg17[%swap3A_2394, %swap3A_2395], %swap3A_2398 {strides = array<i32>} : memref<128x64xi32, #tpu.memory_space<vmem>>, vector<1x16xi32>,
      %jit3A_2399 = arith.constant 0.000000e+00 : f32
      %broadcast_in_dim3A_2400 = vector.broadcast %squeeze3A_2325 : f32 to vector<16xf32>
      %broadcast_in_dim3A_2401 = vector.broadcast %jit3A_2399 : f32 to vector<16xf32>
      %select_n3A_2402 = arith.select %lt3A_2373, %broadcast_in_dim3A_2400, %broadcast_in_dim3A_2401 : vector<16xi1>, vector<16xf32>
      %swap3A_2403 = arith.index_cast %add3A_2327 : i32 to index
      %swap3A_2404 = arith.constant 16 : index
      %swap3A_2405 = tpu.vector_load %arg18[%swap3A_2403, %swap3A_2404] {strides = array<i32>} : memref<128x64xf32, #tpu.memory_space<vmem>>, vector<1x16xf32>,
      %swap3A_2406 = vector.shape_cast %swap3A_2405 : vector<1x16xf32> to vector<16xf32>
      %swap3A_2407 = vector.shape_cast %select_n3A_2402 : vector<16xf32> to vector<1x16xf32>
      tpu.vector_store %arg18[%swap3A_2403, %swap3A_2404], %swap3A_2407 {strides = array<i32>} : memref<128x64xf32, #tpu.memory_space<vmem>>, vector<1x16xf32>,
      %iota3A_2408 = tpu.iota {dimensions = array<i32: 0>} : vector<16xi32>
      %add3A_2409 = arith.constant 32 : i32
      %add3A_2410 = vector.broadcast %add3A_2409 : i32 to vector<16xi32>
      %add3A_2411 = arith.addi %iota3A_2408, %add3A_2410 : vector<16xi32>
      %lt3A_2412 = vector.broadcast %squeeze3A_2323 : i32 to vector<16xi32>
      %lt3A_2413 = arith.cmpi slt, %add3A_2411, %lt3A_2412 : vector<16xi32>
      %get3A_2414 = arith.index_cast %add3A_2327 : i32 to index
      %get3A_2415 = arith.constant 96 : index
      %get3A_2416 = tpu.vector_load %arg15[%get3A_2414, %get3A_2415] {strides = array<i32>} : memref<128x128xf32, #tpu.memory_space<vmem>>, vector<1x16xf32>,
      %get3A_2417 = vector.shape_cast %get3A_2416 : vector<1x16xf32> to vector<16xf32>
      %jit3A_2418 = arith.constant -1.000000e+00 : f32
      %broadcast_in_dim3A_2419 = vector.broadcast %jit3A_2418 : f32 to vector<16xf32>
      %select_n3A_2420 = arith.select %lt3A_2413, %get3A_2417, %broadcast_in_dim3A_2419 : vector<16xi1>, vector<16xf32>
      %get3A_2421 = arith.index_cast %add3A_2327 : i32 to index
      %get3A_2422 = arith.constant 32 : index
      %get3A_2423 = tpu.vector_load %arg15[%get3A_2421, %get3A_2422] {strides = array<i32>} : memref<128x128xf32, #tpu.memory_space<vmem>>, vector<1x16xf32>,
      %get3A_2424 = vector.shape_cast %get3A_2423 : vector<1x16xf32> to vector<16xf32>
      %jit3A_2425 = arith.constant 0.000000e+00 : f32
      %broadcast_in_dim3A_2426 = vector.broadcast %jit3A_2425 : f32 to vector<16xf32>
      %select_n3A_2427 = arith.select %lt3A_2413, %get3A_2424, %broadcast_in_dim3A_2426 : vector<16xi1>, vector<16xf32>
      %swap3A_2428 = arith.index_cast %add3A_2327 : i32 to index
      %swap3A_2429 = arith.constant 32 : index
      %swap3A_2430 = tpu.vector_load %arg16[%swap3A_2428, %swap3A_2429] {strides = array<i32>} : memref<128x64xf32, #tpu.memory_space<vmem>>, vector<1x16xf32>,
      %swap3A_2431 = vector.shape_cast %swap3A_2430 : vector<1x16xf32> to vector<16xf32>
      %swap3A_2432 = vector.shape_cast %select_n3A_2427 : vector<16xf32> to vector<1x16xf32>
      tpu.vector_store %arg16[%swap3A_2428, %swap3A_2429], %swap3A_2432 {strides = array<i32>} : memref<128x64xf32, #tpu.memory_space<vmem>>, vector<1x16xf32>,
      %convert_element_type3A_2433 = arith.fptosi %select_n3A_2420 : vector<16xf32> to vector<16xi32>
      %swap3A_2434 = arith.index_cast %add3A_2327 : i32 to index
      %swap3A_2435 = arith.constant 32 : index
      %swap3A_2436 = tpu.vector_load %arg17[%swap3A_2434, %swap3A_2435] {strides = array<i32>} : memref<128x64xi32, #tpu.memory_space<vmem>>, vector<1x16xi32>,
      %swap3A_2437 = vector.shape_cast %swap3A_2436 : vector<1x16xi32> to vector<16xi32>
      %swap3A_2438 = vector.shape_cast %convert_element_type3A_2433 : vector<16xi32> to vector<1x16xi32>
      tpu.vector_store %arg17[%swap3A_2434, %swap3A_2435], %swap3A_2438 {strides = array<i32>} : memref<128x64xi32, #tpu.memory_space<vmem>>, vector<1x16xi32>,
      %jit3A_2439 = arith.constant 0.000000e+00 : f32
      %broadcast_in_dim3A_2440 = vector.broadcast %squeeze3A_2325 : f32 to vector<16xf32>
      %broadcast_in_dim3A_2441 = vector.broadcast %jit3A_2439 : f32 to vector<16xf32>
      %select_n3A_2442 = arith.select %lt3A_2413, %broadcast_in_dim3A_2440, %broadcast_in_dim3A_2441 : vector<16xi1>, vector<16xf32>
      %swap3A_2443 = arith.index_cast %add3A_2327 : i32 to index
      %swap3A_2444 = arith.constant 32 : index
      %swap3A_2445 = tpu.vector_load %arg18[%swap3A_2443, %swap3A_2444] {strides = array<i32>} : memref<128x64xf32, #tpu.memory_space<vmem>>, vector<1x16xf32>,
      %swap3A_2446 = vector.shape_cast %swap3A_2445 : vector<1x16xf32> to vector<16xf32>
      %swap3A_2447 = vector.shape_cast %select_n3A_2442 : vector<16xf32> to vector<1x16xf32>
      tpu.vector_store %arg18[%swap3A_2443, %swap3A_2444], %swap3A_2447 {strides = array<i32>} : memref<128x64xf32, #tpu.memory_space<vmem>>, vector<1x16xf32>,
      %iota3A_2448 = tpu.iota {dimensions = array<i32: 0>} : vector<16xi32>
      %add3A_2449 = arith.constant 48 : i32
      %add3A_2450 = vector.broadcast %add3A_2449 : i32 to vector<16xi32>
      %add3A_2451 = arith.addi %iota3A_2448, %add3A_2450 : vector<16xi32>
      %lt3A_2452 = vector.broadcast %squeeze3A_2323 : i32 to vector<16xi32>
      %lt3A_2453 = arith.cmpi slt, %add3A_2451, %lt3A_2452 : vector<16xi32>
      %get3A_2454 = arith.index_cast %add3A_2327 : i32 to index
      %get3A_2455 = arith.constant 112 : index
      %get3A_2456 = tpu.vector_load %arg15[%get3A_2454, %get3A_2455] {strides = array<i32>} : memref<128x128xf32, #tpu.memory_space<vmem>>, vector<1x16xf32>,
      %get3A_2457 = vector.shape_cast %get3A_2456 : vector<1x16xf32> to vector<16xf32>
      %jit3A_2458 = arith.constant -1.000000e+00 : f32
      %broadcast_in_dim3A_2459 = vector.broadcast %jit3A_2458 : f32 to vector<16xf32>
      %select_n3A_2460 = arith.select %lt3A_2453, %get3A_2457, %broadcast_in_dim3A_2459 : vector<16xi1>, vector<16xf32>
      %get3A_2461 = arith.index_cast %add3A_2327 : i32 to index
      %get3A_2462 = arith.constant 48 : index
      %get3A_2463 = tpu.vector_load %arg15[%get3A_2461, %get3A_2462] {strides = array<i32>} : memref<128x128xf32, #tpu.memory_space<vmem>>, vector<1x16xf32>,
      %get3A_2464 = vector.shape_cast %get3A_2463 : vector<1x16xf32> to vector<16xf32>
      %jit3A_2465 = arith.constant 0.000000e+00 : f32
      %broadcast_in_dim3A_2466 = vector.broadcast %jit3A_2465 : f32 to vector<16xf32>
      %select_n3A_2467 = arith.select %lt3A_2453, %get3A_2464, %broadcast_in_dim3A_2466 : vector<16xi1>, vector<16xf32>
      %swap3A_2468 = arith.index_cast %add3A_2327 : i32 to index
      %swap3A_2469 = arith.constant 48 : index
      %swap3A_2470 = tpu.vector_load %arg16[%swap3A_2468, %swap3A_2469] {strides = array<i32>} : memref<128x64xf32, #tpu.memory_space<vmem>>, vector<1x16xf32>,
      %swap3A_2471 = vector.shape_cast %swap3A_2470 : vector<1x16xf32> to vector<16xf32>
      %swap3A_2472 = vector.shape_cast %select_n3A_2467 : vector<16xf32> to vector<1x16xf32>
      tpu.vector_store %arg16[%swap3A_2468, %swap3A_2469], %swap3A_2472 {strides = array<i32>} : memref<128x64xf32, #tpu.memory_space<vmem>>, vector<1x16xf32>,
      %convert_element_type3A_2473 = arith.fptosi %select_n3A_2460 : vector<16xf32> to vector<16xi32>
      %swap3A_2474 = arith.index_cast %add3A_2327 : i32 to index
      %swap3A_2475 = arith.constant 48 : index
      %swap3A_2476 = tpu.vector_load %arg17[%swap3A_2474, %swap3A_2475] {strides = array<i32>} : memref<128x64xi32, #tpu.memory_space<vmem>>, vector<1x16xi32>,
      %swap3A_2477 = vector.shape_cast %swap3A_2476 : vector<1x16xi32> to vector<16xi32>
      %swap3A_2478 = vector.shape_cast %convert_element_type3A_2473 : vector<16xi32> to vector<1x16xi32>
      tpu.vector_store %arg17[%swap3A_2474, %swap3A_2475], %swap3A_2478 {strides = array<i32>} : memref<128x64xi32, #tpu.memory_space<vmem>>, vector<1x16xi32>,
      %jit3A_2479 = arith.constant 0.000000e+00 : f32
      %broadcast_in_dim3A_2480 = vector.broadcast %squeeze3A_2325 : f32 to vector<16xf32>
      %broadcast_in_dim3A_2481 = vector.broadcast %jit3A_2479 : f32 to vector<16xf32>
      %select_n3A_2482 = arith.select %lt3A_2453, %broadcast_in_dim3A_2480, %broadcast_in_dim3A_2481 : vector<16xi1>, vector<16xf32>
      %swap3A_2483 = arith.index_cast %add3A_2327 : i32 to index
      %swap3A_2484 = arith.constant 48 : index
      %swap3A_2485 = tpu.vector_load %arg18[%swap3A_2483, %swap3A_2484] {strides = array<i32>} : memref<128x64xf32, #tpu.memory_space<vmem>>, vector<1x16xf32>,
      %swap3A_2486 = vector.shape_cast %swap3A_2485 : vector<1x16xf32> to vector<16xf32>
      %swap3A_2487 = vector.shape_cast %select_n3A_2482 : vector<16xf32> to vector<1x16xf32>
      tpu.vector_store %arg18[%swap3A_2483, %swap3A_2484], %swap3A_2487 {strides = array<i32>} : memref<128x64xf32, #tpu.memory_space<vmem>>, vector<1x16xf32>,
      %slice3A_2488 = vector.extract_strided_slice %select_n3A {offsets = [14], sizes = [1], strides = [1]} : vector<16xi32> to vector<1xi32>
      %squeeze3A_2489 = vector.extract %slice3A_2488[0] : i32 from vector<1xi32>
      %slice3A_2490 = vector.extract_strided_slice %get3A_162 {offsets = [14], sizes = [1], strides = [1]} : vector<16xf32> to vector<1xf32>
      %squeeze3A_2491 = vector.extract %slice3A_2490[0] : f32 from vector<1xf32>
      %add3A_2492 = arith.constant 14 : i32
      %add3A_2493 = arith.addi %mul3A_153, %add3A_2492 : i32
      %iota3A_2494 = tpu.iota {dimensions = array<i32: 0>} : vector<16xi32>
      %add3A_2495 = arith.constant 0 : i32
      %add3A_2496 = vector.broadcast %add3A_2495 : i32 to vector<16xi32>
      %add3A_2497 = arith.addi %iota3A_2494, %add3A_2496 : vector<16xi32>
      %lt3A_2498 = vector.broadcast %squeeze3A_2489 : i32 to vector<16xi32>
      %lt3A_2499 = arith.cmpi slt, %add3A_2497, %lt3A_2498 : vector<16xi32>
      %get3A_2500 = arith.index_cast %add3A_2493 : i32 to index
      %get3A_2501 = arith.constant 64 : index
      %get3A_2502 = tpu.vector_load %arg15[%get3A_2500, %get3A_2501] {strides = array<i32>} : memref<128x128xf32, #tpu.memory_space<vmem>>, vector<1x16xf32>,
      %get3A_2503 = vector.shape_cast %get3A_2502 : vector<1x16xf32> to vector<16xf32>
      %jit3A_2504 = arith.constant -1.000000e+00 : f32
      %broadcast_in_dim3A_2505 = vector.broadcast %jit3A_2504 : f32 to vector<16xf32>
      %select_n3A_2506 = arith.select %lt3A_2499, %get3A_2503, %broadcast_in_dim3A_2505 : vector<16xi1>, vector<16xf32>
      %get3A_2507 = arith.index_cast %add3A_2493 : i32 to index
      %get3A_2508 = arith.constant 0 : index
      %get3A_2509 = tpu.vector_load %arg15[%get3A_2507, %get3A_2508] {strides = array<i32>} : memref<128x128xf32, #tpu.memory_space<vmem>>, vector<1x16xf32>,
      %get3A_2510 = vector.shape_cast %get3A_2509 : vector<1x16xf32> to vector<16xf32>
      %jit3A_2511 = arith.constant 0.000000e+00 : f32
      %broadcast_in_dim3A_2512 = vector.broadcast %jit3A_2511 : f32 to vector<16xf32>
      %select_n3A_2513 = arith.select %lt3A_2499, %get3A_2510, %broadcast_in_dim3A_2512 : vector<16xi1>, vector<16xf32>
      %swap3A_2514 = arith.index_cast %add3A_2493 : i32 to index
      %swap3A_2515 = arith.constant 0 : index
      %swap3A_2516 = tpu.vector_load %arg16[%swap3A_2514, %swap3A_2515] {strides = array<i32>} : memref<128x64xf32, #tpu.memory_space<vmem>>, vector<1x16xf32>,
      %swap3A_2517 = vector.shape_cast %swap3A_2516 : vector<1x16xf32> to vector<16xf32>
      %swap3A_2518 = vector.shape_cast %select_n3A_2513 : vector<16xf32> to vector<1x16xf32>
      tpu.vector_store %arg16[%swap3A_2514, %swap3A_2515], %swap3A_2518 {strides = array<i32>} : memref<128x64xf32, #tpu.memory_space<vmem>>, vector<1x16xf32>,
      %convert_element_type3A_2519 = arith.fptosi %select_n3A_2506 : vector<16xf32> to vector<16xi32>
      %swap3A_2520 = arith.index_cast %add3A_2493 : i32 to index
      %swap3A_2521 = arith.constant 0 : index
      %swap3A_2522 = tpu.vector_load %arg17[%swap3A_2520, %swap3A_2521] {strides = array<i32>} : memref<128x64xi32, #tpu.memory_space<vmem>>, vector<1x16xi32>,
      %swap3A_2523 = vector.shape_cast %swap3A_2522 : vector<1x16xi32> to vector<16xi32>
      %swap3A_2524 = vector.shape_cast %convert_element_type3A_2519 : vector<16xi32> to vector<1x16xi32>
      tpu.vector_store %arg17[%swap3A_2520, %swap3A_2521], %swap3A_2524 {strides = array<i32>} : memref<128x64xi32, #tpu.memory_space<vmem>>, vector<1x16xi32>,
      %jit3A_2525 = arith.constant 0.000000e+00 : f32
      %broadcast_in_dim3A_2526 = vector.broadcast %squeeze3A_2491 : f32 to vector<16xf32>
      %broadcast_in_dim3A_2527 = vector.broadcast %jit3A_2525 : f32 to vector<16xf32>
      %select_n3A_2528 = arith.select %lt3A_2499, %broadcast_in_dim3A_2526, %broadcast_in_dim3A_2527 : vector<16xi1>, vector<16xf32>
      %swap3A_2529 = arith.index_cast %add3A_2493 : i32 to index
      %swap3A_2530 = arith.constant 0 : index
      %swap3A_2531 = tpu.vector_load %arg18[%swap3A_2529, %swap3A_2530] {strides = array<i32>} : memref<128x64xf32, #tpu.memory_space<vmem>>, vector<1x16xf32>,
      %swap3A_2532 = vector.shape_cast %swap3A_2531 : vector<1x16xf32> to vector<16xf32>
      %swap3A_2533 = vector.shape_cast %select_n3A_2528 : vector<16xf32> to vector<1x16xf32>
      tpu.vector_store %arg18[%swap3A_2529, %swap3A_2530], %swap3A_2533 {strides = array<i32>} : memref<128x64xf32, #tpu.memory_space<vmem>>, vector<1x16xf32>,
      %iota3A_2534 = tpu.iota {dimensions = array<i32: 0>} : vector<16xi32>
      %add3A_2535 = arith.constant 16 : i32
      %add3A_2536 = vector.broadcast %add3A_2535 : i32 to vector<16xi32>
      %add3A_2537 = arith.addi %iota3A_2534, %add3A_2536 : vector<16xi32>
      %lt3A_2538 = vector.broadcast %squeeze3A_2489 : i32 to vector<16xi32>
      %lt3A_2539 = arith.cmpi slt, %add3A_2537, %lt3A_2538 : vector<16xi32>
      %get3A_2540 = arith.index_cast %add3A_2493 : i32 to index
      %get3A_2541 = arith.constant 80 : index
      %get3A_2542 = tpu.vector_load %arg15[%get3A_2540, %get3A_2541] {strides = array<i32>} : memref<128x128xf32, #tpu.memory_space<vmem>>, vector<1x16xf32>,
      %get3A_2543 = vector.shape_cast %get3A_2542 : vector<1x16xf32> to vector<16xf32>
      %jit3A_2544 = arith.constant -1.000000e+00 : f32
      %broadcast_in_dim3A_2545 = vector.broadcast %jit3A_2544 : f32 to vector<16xf32>
      %select_n3A_2546 = arith.select %lt3A_2539, %get3A_2543, %broadcast_in_dim3A_2545 : vector<16xi1>, vector<16xf32>
      %get3A_2547 = arith.index_cast %add3A_2493 : i32 to index
      %get3A_2548 = arith.constant 16 : index
      %get3A_2549 = tpu.vector_load %arg15[%get3A_2547, %get3A_2548] {strides = array<i32>} : memref<128x128xf32, #tpu.memory_space<vmem>>, vector<1x16xf32>,
      %get3A_2550 = vector.shape_cast %get3A_2549 : vector<1x16xf32> to vector<16xf32>
      %jit3A_2551 = arith.constant 0.000000e+00 : f32
      %broadcast_in_dim3A_2552 = vector.broadcast %jit3A_2551 : f32 to vector<16xf32>
      %select_n3A_2553 = arith.select %lt3A_2539, %get3A_2550, %broadcast_in_dim3A_2552 : vector<16xi1>, vector<16xf32>
      %swap3A_2554 = arith.index_cast %add3A_2493 : i32 to index
      %swap3A_2555 = arith.constant 16 : index
      %swap3A_2556 = tpu.vector_load %arg16[%swap3A_2554, %swap3A_2555] {strides = array<i32>} : memref<128x64xf32, #tpu.memory_space<vmem>>, vector<1x16xf32>,
      %swap3A_2557 = vector.shape_cast %swap3A_2556 : vector<1x16xf32> to vector<16xf32>
      %swap3A_2558 = vector.shape_cast %select_n3A_2553 : vector<16xf32> to vector<1x16xf32>
      tpu.vector_store %arg16[%swap3A_2554, %swap3A_2555], %swap3A_2558 {strides = array<i32>} : memref<128x64xf32, #tpu.memory_space<vmem>>, vector<1x16xf32>,
      %convert_element_type3A_2559 = arith.fptosi %select_n3A_2546 : vector<16xf32> to vector<16xi32>
      %swap3A_2560 = arith.index_cast %add3A_2493 : i32 to index
      %swap3A_2561 = arith.constant 16 : index
      %swap3A_2562 = tpu.vector_load %arg17[%swap3A_2560, %swap3A_2561] {strides = array<i32>} : memref<128x64xi32, #tpu.memory_space<vmem>>, vector<1x16xi32>,
      %swap3A_2563 = vector.shape_cast %swap3A_2562 : vector<1x16xi32> to vector<16xi32>
      %swap3A_2564 = vector.shape_cast %convert_element_type3A_2559 : vector<16xi32> to vector<1x16xi32>
      tpu.vector_store %arg17[%swap3A_2560, %swap3A_2561], %swap3A_2564 {strides = array<i32>} : memref<128x64xi32, #tpu.memory_space<vmem>>, vector<1x16xi32>,
      %jit3A_2565 = arith.constant 0.000000e+00 : f32
      %broadcast_in_dim3A_2566 = vector.broadcast %squeeze3A_2491 : f32 to vector<16xf32>
      %broadcast_in_dim3A_2567 = vector.broadcast %jit3A_2565 : f32 to vector<16xf32>
      %select_n3A_2568 = arith.select %lt3A_2539, %broadcast_in_dim3A_2566, %broadcast_in_dim3A_2567 : vector<16xi1>, vector<16xf32>
      %swap3A_2569 = arith.index_cast %add3A_2493 : i32 to index
      %swap3A_2570 = arith.constant 16 : index
      %swap3A_2571 = tpu.vector_load %arg18[%swap3A_2569, %swap3A_2570] {strides = array<i32>} : memref<128x64xf32, #tpu.memory_space<vmem>>, vector<1x16xf32>,
      %swap3A_2572 = vector.shape_cast %swap3A_2571 : vector<1x16xf32> to vector<16xf32>
      %swap3A_2573 = vector.shape_cast %select_n3A_2568 : vector<16xf32> to vector<1x16xf32>
      tpu.vector_store %arg18[%swap3A_2569, %swap3A_2570], %swap3A_2573 {strides = array<i32>} : memref<128x64xf32, #tpu.memory_space<vmem>>, vector<1x16xf32>,
      %iota3A_2574 = tpu.iota {dimensions = array<i32: 0>} : vector<16xi32>
      %add3A_2575 = arith.constant 32 : i32
      %add3A_2576 = vector.broadcast %add3A_2575 : i32 to vector<16xi32>
      %add3A_2577 = arith.addi %iota3A_2574, %add3A_2576 : vector<16xi32>
      %lt3A_2578 = vector.broadcast %squeeze3A_2489 : i32 to vector<16xi32>
      %lt3A_2579 = arith.cmpi slt, %add3A_2577, %lt3A_2578 : vector<16xi32>
      %get3A_2580 = arith.index_cast %add3A_2493 : i32 to index
      %get3A_2581 = arith.constant 96 : index
      %get3A_2582 = tpu.vector_load %arg15[%get3A_2580, %get3A_2581] {strides = array<i32>} : memref<128x128xf32, #tpu.memory_space<vmem>>, vector<1x16xf32>,
      %get3A_2583 = vector.shape_cast %get3A_2582 : vector<1x16xf32> to vector<16xf32>
      %jit3A_2584 = arith.constant -1.000000e+00 : f32
      %broadcast_in_dim3A_2585 = vector.broadcast %jit3A_2584 : f32 to vector<16xf32>
      %select_n3A_2586 = arith.select %lt3A_2579, %get3A_2583, %broadcast_in_dim3A_2585 : vector<16xi1>, vector<16xf32>
      %get3A_2587 = arith.index_cast %add3A_2493 : i32 to index
      %get3A_2588 = arith.constant 32 : index
      %get3A_2589 = tpu.vector_load %arg15[%get3A_2587, %get3A_2588] {strides = array<i32>} : memref<128x128xf32, #tpu.memory_space<vmem>>, vector<1x16xf32>,
      %get3A_2590 = vector.shape_cast %get3A_2589 : vector<1x16xf32> to vector<16xf32>
      %jit3A_2591 = arith.constant 0.000000e+00 : f32
      %broadcast_in_dim3A_2592 = vector.broadcast %jit3A_2591 : f32 to vector<16xf32>
      %select_n3A_2593 = arith.select %lt3A_2579, %get3A_2590, %broadcast_in_dim3A_2592 : vector<16xi1>, vector<16xf32>
      %swap3A_2594 = arith.index_cast %add3A_2493 : i32 to index
      %swap3A_2595 = arith.constant 32 : index
      %swap3A_2596 = tpu.vector_load %arg16[%swap3A_2594, %swap3A_2595] {strides = array<i32>} : memref<128x64xf32, #tpu.memory_space<vmem>>, vector<1x16xf32>,
      %swap3A_2597 = vector.shape_cast %swap3A_2596 : vector<1x16xf32> to vector<16xf32>
      %swap3A_2598 = vector.shape_cast %select_n3A_2593 : vector<16xf32> to vector<1x16xf32>
      tpu.vector_store %arg16[%swap3A_2594, %swap3A_2595], %swap3A_2598 {strides = array<i32>} : memref<128x64xf32, #tpu.memory_space<vmem>>, vector<1x16xf32>,
      %convert_element_type3A_2599 = arith.fptosi %select_n3A_2586 : vector<16xf32> to vector<16xi32>
      %swap3A_2600 = arith.index_cast %add3A_2493 : i32 to index
      %swap3A_2601 = arith.constant 32 : index
      %swap3A_2602 = tpu.vector_load %arg17[%swap3A_2600, %swap3A_2601] {strides = array<i32>} : memref<128x64xi32, #tpu.memory_space<vmem>>, vector<1x16xi32>,
      %swap3A_2603 = vector.shape_cast %swap3A_2602 : vector<1x16xi32> to vector<16xi32>
      %swap3A_2604 = vector.shape_cast %convert_element_type3A_2599 : vector<16xi32> to vector<1x16xi32>
      tpu.vector_store %arg17[%swap3A_2600, %swap3A_2601], %swap3A_2604 {strides = array<i32>} : memref<128x64xi32, #tpu.memory_space<vmem>>, vector<1x16xi32>,
      %jit3A_2605 = arith.constant 0.000000e+00 : f32
      %broadcast_in_dim3A_2606 = vector.broadcast %squeeze3A_2491 : f32 to vector<16xf32>
      %broadcast_in_dim3A_2607 = vector.broadcast %jit3A_2605 : f32 to vector<16xf32>
      %select_n3A_2608 = arith.select %lt3A_2579, %broadcast_in_dim3A_2606, %broadcast_in_dim3A_2607 : vector<16xi1>, vector<16xf32>
      %swap3A_2609 = arith.index_cast %add3A_2493 : i32 to index
      %swap3A_2610 = arith.constant 32 : index
      %swap3A_2611 = tpu.vector_load %arg18[%swap3A_2609, %swap3A_2610] {strides = array<i32>} : memref<128x64xf32, #tpu.memory_space<vmem>>, vector<1x16xf32>,
      %swap3A_2612 = vector.shape_cast %swap3A_2611 : vector<1x16xf32> to vector<16xf32>
      %swap3A_2613 = vector.shape_cast %select_n3A_2608 : vector<16xf32> to vector<1x16xf32>
      tpu.vector_store %arg18[%swap3A_2609, %swap3A_2610], %swap3A_2613 {strides = array<i32>} : memref<128x64xf32, #tpu.memory_space<vmem>>, vector<1x16xf32>,
      %iota3A_2614 = tpu.iota {dimensions = array<i32: 0>} : vector<16xi32>
      %add3A_2615 = arith.constant 48 : i32
      %add3A_2616 = vector.broadcast %add3A_2615 : i32 to vector<16xi32>
      %add3A_2617 = arith.addi %iota3A_2614, %add3A_2616 : vector<16xi32>
      %lt3A_2618 = vector.broadcast %squeeze3A_2489 : i32 to vector<16xi32>
      %lt3A_2619 = arith.cmpi slt, %add3A_2617, %lt3A_2618 : vector<16xi32>
      %get3A_2620 = arith.index_cast %add3A_2493 : i32 to index
      %get3A_2621 = arith.constant 112 : index
      %get3A_2622 = tpu.vector_load %arg15[%get3A_2620, %get3A_2621] {strides = array<i32>} : memref<128x128xf32, #tpu.memory_space<vmem>>, vector<1x16xf32>,
      %get3A_2623 = vector.shape_cast %get3A_2622 : vector<1x16xf32> to vector<16xf32>
      %jit3A_2624 = arith.constant -1.000000e+00 : f32
      %broadcast_in_dim3A_2625 = vector.broadcast %jit3A_2624 : f32 to vector<16xf32>
      %select_n3A_2626 = arith.select %lt3A_2619, %get3A_2623, %broadcast_in_dim3A_2625 : vector<16xi1>, vector<16xf32>
      %get3A_2627 = arith.index_cast %add3A_2493 : i32 to index
      %get3A_2628 = arith.constant 48 : index
      %get3A_2629 = tpu.vector_load %arg15[%get3A_2627, %get3A_2628] {strides = array<i32>} : memref<128x128xf32, #tpu.memory_space<vmem>>, vector<1x16xf32>,
      %get3A_2630 = vector.shape_cast %get3A_2629 : vector<1x16xf32> to vector<16xf32>
      %jit3A_2631 = arith.constant 0.000000e+00 : f32
      %broadcast_in_dim3A_2632 = vector.broadcast %jit3A_2631 : f32 to vector<16xf32>
      %select_n3A_2633 = arith.select %lt3A_2619, %get3A_2630, %broadcast_in_dim3A_2632 : vector<16xi1>, vector<16xf32>
      %swap3A_2634 = arith.index_cast %add3A_2493 : i32 to index
      %swap3A_2635 = arith.constant 48 : index
      %swap3A_2636 = tpu.vector_load %arg16[%swap3A_2634, %swap3A_2635] {strides = array<i32>} : memref<128x64xf32, #tpu.memory_space<vmem>>, vector<1x16xf32>,
      %swap3A_2637 = vector.shape_cast %swap3A_2636 : vector<1x16xf32> to vector<16xf32>
      %swap3A_2638 = vector.shape_cast %select_n3A_2633 : vector<16xf32> to vector<1x16xf32>
      tpu.vector_store %arg16[%swap3A_2634, %swap3A_2635], %swap3A_2638 {strides = array<i32>} : memref<128x64xf32, #tpu.memory_space<vmem>>, vector<1x16xf32>,
      %convert_element_type3A_2639 = arith.fptosi %select_n3A_2626 : vector<16xf32> to vector<16xi32>
      %swap3A_2640 = arith.index_cast %add3A_2493 : i32 to index
      %swap3A_2641 = arith.constant 48 : index
      %swap3A_2642 = tpu.vector_load %arg17[%swap3A_2640, %swap3A_2641] {strides = array<i32>} : memref<128x64xi32, #tpu.memory_space<vmem>>, vector<1x16xi32>,
      %swap3A_2643 = vector.shape_cast %swap3A_2642 : vector<1x16xi32> to vector<16xi32>
      %swap3A_2644 = vector.shape_cast %convert_element_type3A_2639 : vector<16xi32> to vector<1x16xi32>
      tpu.vector_store %arg17[%swap3A_2640, %swap3A_2641], %swap3A_2644 {strides = array<i32>} : memref<128x64xi32, #tpu.memory_space<vmem>>, vector<1x16xi32>,
      %jit3A_2645 = arith.constant 0.000000e+00 : f32
      %broadcast_in_dim3A_2646 = vector.broadcast %squeeze3A_2491 : f32 to vector<16xf32>
      %broadcast_in_dim3A_2647 = vector.broadcast %jit3A_2645 : f32 to vector<16xf32>
      %select_n3A_2648 = arith.select %lt3A_2619, %broadcast_in_dim3A_2646, %broadcast_in_dim3A_2647 : vector<16xi1>, vector<16xf32>
      %swap3A_2649 = arith.index_cast %add3A_2493 : i32 to index
      %swap3A_2650 = arith.constant 48 : index
      %swap3A_2651 = tpu.vector_load %arg18[%swap3A_2649, %swap3A_2650] {strides = array<i32>} : memref<128x64xf32, #tpu.memory_space<vmem>>, vector<1x16xf32>,
      %swap3A_2652 = vector.shape_cast %swap3A_2651 : vector<1x16xf32> to vector<16xf32>
      %swap3A_2653 = vector.shape_cast %select_n3A_2648 : vector<16xf32> to vector<1x16xf32>
      tpu.vector_store %arg18[%swap3A_2649, %swap3A_2650], %swap3A_2653 {strides = array<i32>} : memref<128x64xf32, #tpu.memory_space<vmem>>, vector<1x16xf32>,
      %slice3A_2654 = vector.extract_strided_slice %select_n3A {offsets = [15], sizes = [1], strides = [1]} : vector<16xi32> to vector<1xi32>
      %squeeze3A_2655 = vector.extract %slice3A_2654[0] : i32 from vector<1xi32>
      %slice3A_2656 = vector.extract_strided_slice %get3A_162 {offsets = [15], sizes = [1], strides = [1]} : vector<16xf32> to vector<1xf32>
      %squeeze3A_2657 = vector.extract %slice3A_2656[0] : f32 from vector<1xf32>
      %add3A_2658 = arith.constant 15 : i32
      %add3A_2659 = arith.addi %mul3A_153, %add3A_2658 : i32
      %iota3A_2660 = tpu.iota {dimensions = array<i32: 0>} : vector<16xi32>
      %add3A_2661 = arith.constant 0 : i32
      %add3A_2662 = vector.broadcast %add3A_2661 : i32 to vector<16xi32>
      %add3A_2663 = arith.addi %iota3A_2660, %add3A_2662 : vector<16xi32>
      %lt3A_2664 = vector.broadcast %squeeze3A_2655 : i32 to vector<16xi32>
      %lt3A_2665 = arith.cmpi slt, %add3A_2663, %lt3A_2664 : vector<16xi32>
      %get3A_2666 = arith.index_cast %add3A_2659 : i32 to index
      %get3A_2667 = arith.constant 64 : index
      %get3A_2668 = tpu.vector_load %arg15[%get3A_2666, %get3A_2667] {strides = array<i32>} : memref<128x128xf32, #tpu.memory_space<vmem>>, vector<1x16xf32>,
      %get3A_2669 = vector.shape_cast %get3A_2668 : vector<1x16xf32> to vector<16xf32>
      %jit3A_2670 = arith.constant -1.000000e+00 : f32
      %broadcast_in_dim3A_2671 = vector.broadcast %jit3A_2670 : f32 to vector<16xf32>
      %select_n3A_2672 = arith.select %lt3A_2665, %get3A_2669, %broadcast_in_dim3A_2671 : vector<16xi1>, vector<16xf32>
      %get3A_2673 = arith.index_cast %add3A_2659 : i32 to index
      %get3A_2674 = arith.constant 0 : index
      %get3A_2675 = tpu.vector_load %arg15[%get3A_2673, %get3A_2674] {strides = array<i32>} : memref<128x128xf32, #tpu.memory_space<vmem>>, vector<1x16xf32>,
      %get3A_2676 = vector.shape_cast %get3A_2675 : vector<1x16xf32> to vector<16xf32>
      %jit3A_2677 = arith.constant 0.000000e+00 : f32
      %broadcast_in_dim3A_2678 = vector.broadcast %jit3A_2677 : f32 to vector<16xf32>
      %select_n3A_2679 = arith.select %lt3A_2665, %get3A_2676, %broadcast_in_dim3A_2678 : vector<16xi1>, vector<16xf32>
      %swap3A_2680 = arith.index_cast %add3A_2659 : i32 to index
      %swap3A_2681 = arith.constant 0 : index
      %swap3A_2682 = tpu.vector_load %arg16[%swap3A_2680, %swap3A_2681] {strides = array<i32>} : memref<128x64xf32, #tpu.memory_space<vmem>>, vector<1x16xf32>,
      %swap3A_2683 = vector.shape_cast %swap3A_2682 : vector<1x16xf32> to vector<16xf32>
      %swap3A_2684 = vector.shape_cast %select_n3A_2679 : vector<16xf32> to vector<1x16xf32>
      tpu.vector_store %arg16[%swap3A_2680, %swap3A_2681], %swap3A_2684 {strides = array<i32>} : memref<128x64xf32, #tpu.memory_space<vmem>>, vector<1x16xf32>,
      %convert_element_type3A_2685 = arith.fptosi %select_n3A_2672 : vector<16xf32> to vector<16xi32>
      %swap3A_2686 = arith.index_cast %add3A_2659 : i32 to index
      %swap3A_2687 = arith.constant 0 : index
      %swap3A_2688 = tpu.vector_load %arg17[%swap3A_2686, %swap3A_2687] {strides = array<i32>} : memref<128x64xi32, #tpu.memory_space<vmem>>, vector<1x16xi32>,
      %swap3A_2689 = vector.shape_cast %swap3A_2688 : vector<1x16xi32> to vector<16xi32>
      %swap3A_2690 = vector.shape_cast %convert_element_type3A_2685 : vector<16xi32> to vector<1x16xi32>
      tpu.vector_store %arg17[%swap3A_2686, %swap3A_2687], %swap3A_2690 {strides = array<i32>} : memref<128x64xi32, #tpu.memory_space<vmem>>, vector<1x16xi32>,
      %jit3A_2691 = arith.constant 0.000000e+00 : f32
      %broadcast_in_dim3A_2692 = vector.broadcast %squeeze3A_2657 : f32 to vector<16xf32>
      %broadcast_in_dim3A_2693 = vector.broadcast %jit3A_2691 : f32 to vector<16xf32>
      %select_n3A_2694 = arith.select %lt3A_2665, %broadcast_in_dim3A_2692, %broadcast_in_dim3A_2693 : vector<16xi1>, vector<16xf32>
      %swap3A_2695 = arith.index_cast %add3A_2659 : i32 to index
      %swap3A_2696 = arith.constant 0 : index
      %swap3A_2697 = tpu.vector_load %arg18[%swap3A_2695, %swap3A_2696] {strides = array<i32>} : memref<128x64xf32, #tpu.memory_space<vmem>>, vector<1x16xf32>,
      %swap3A_2698 = vector.shape_cast %swap3A_2697 : vector<1x16xf32> to vector<16xf32>
      %swap3A_2699 = vector.shape_cast %select_n3A_2694 : vector<16xf32> to vector<1x16xf32>
      tpu.vector_store %arg18[%swap3A_2695, %swap3A_2696], %swap3A_2699 {strides = array<i32>} : memref<128x64xf32, #tpu.memory_space<vmem>>, vector<1x16xf32>,
      %iota3A_2700 = tpu.iota {dimensions = array<i32: 0>} : vector<16xi32>
      %add3A_2701 = arith.constant 16 : i32
      %add3A_2702 = vector.broadcast %add3A_2701 : i32 to vector<16xi32>
      %add3A_2703 = arith.addi %iota3A_2700, %add3A_2702 : vector<16xi32>
      %lt3A_2704 = vector.broadcast %squeeze3A_2655 : i32 to vector<16xi32>
      %lt3A_2705 = arith.cmpi slt, %add3A_2703, %lt3A_2704 : vector<16xi32>
      %get3A_2706 = arith.index_cast %add3A_2659 : i32 to index
      %get3A_2707 = arith.constant 80 : index
      %get3A_2708 = tpu.vector_load %arg15[%get3A_2706, %get3A_2707] {strides = array<i32>} : memref<128x128xf32, #tpu.memory_space<vmem>>, vector<1x16xf32>,
      %get3A_2709 = vector.shape_cast %get3A_2708 : vector<1x16xf32> to vector<16xf32>
      %jit3A_2710 = arith.constant -1.000000e+00 : f32
      %broadcast_in_dim3A_2711 = vector.broadcast %jit3A_2710 : f32 to vector<16xf32>
      %select_n3A_2712 = arith.select %lt3A_2705, %get3A_2709, %broadcast_in_dim3A_2711 : vector<16xi1>, vector<16xf32>
      %get3A_2713 = arith.index_cast %add3A_2659 : i32 to index
      %get3A_2714 = arith.constant 16 : index
      %get3A_2715 = tpu.vector_load %arg15[%get3A_2713, %get3A_2714] {strides = array<i32>} : memref<128x128xf32, #tpu.memory_space<vmem>>, vector<1x16xf32>,
      %get3A_2716 = vector.shape_cast %get3A_2715 : vector<1x16xf32> to vector<16xf32>
      %jit3A_2717 = arith.constant 0.000000e+00 : f32
      %broadcast_in_dim3A_2718 = vector.broadcast %jit3A_2717 : f32 to vector<16xf32>
      %select_n3A_2719 = arith.select %lt3A_2705, %get3A_2716, %broadcast_in_dim3A_2718 : vector<16xi1>, vector<16xf32>
      %swap3A_2720 = arith.index_cast %add3A_2659 : i32 to index
      %swap3A_2721 = arith.constant 16 : index
      %swap3A_2722 = tpu.vector_load %arg16[%swap3A_2720, %swap3A_2721] {strides = array<i32>} : memref<128x64xf32, #tpu.memory_space<vmem>>, vector<1x16xf32>,
      %swap3A_2723 = vector.shape_cast %swap3A_2722 : vector<1x16xf32> to vector<16xf32>
      %swap3A_2724 = vector.shape_cast %select_n3A_2719 : vector<16xf32> to vector<1x16xf32>
      tpu.vector_store %arg16[%swap3A_2720, %swap3A_2721], %swap3A_2724 {strides = array<i32>} : memref<128x64xf32, #tpu.memory_space<vmem>>, vector<1x16xf32>,
      %convert_element_type3A_2725 = arith.fptosi %select_n3A_2712 : vector<16xf32> to vector<16xi32>
      %swap3A_2726 = arith.index_cast %add3A_2659 : i32 to index
      %swap3A_2727 = arith.constant 16 : index
      %swap3A_2728 = tpu.vector_load %arg17[%swap3A_2726, %swap3A_2727] {strides = array<i32>} : memref<128x64xi32, #tpu.memory_space<vmem>>, vector<1x16xi32>,
      %swap3A_2729 = vector.shape_cast %swap3A_2728 : vector<1x16xi32> to vector<16xi32>
      %swap3A_2730 = vector.shape_cast %convert_element_type3A_2725 : vector<16xi32> to vector<1x16xi32>
      tpu.vector_store %arg17[%swap3A_2726, %swap3A_2727], %swap3A_2730 {strides = array<i32>} : memref<128x64xi32, #tpu.memory_space<vmem>>, vector<1x16xi32>,
      %jit3A_2731 = arith.constant 0.000000e+00 : f32
      %broadcast_in_dim3A_2732 = vector.broadcast %squeeze3A_2657 : f32 to vector<16xf32>
      %broadcast_in_dim3A_2733 = vector.broadcast %jit3A_2731 : f32 to vector<16xf32>
      %select_n3A_2734 = arith.select %lt3A_2705, %broadcast_in_dim3A_2732, %broadcast_in_dim3A_2733 : vector<16xi1>, vector<16xf32>
      %swap3A_2735 = arith.index_cast %add3A_2659 : i32 to index
      %swap3A_2736 = arith.constant 16 : index
      %swap3A_2737 = tpu.vector_load %arg18[%swap3A_2735, %swap3A_2736] {strides = array<i32>} : memref<128x64xf32, #tpu.memory_space<vmem>>, vector<1x16xf32>,
      %swap3A_2738 = vector.shape_cast %swap3A_2737 : vector<1x16xf32> to vector<16xf32>
      %swap3A_2739 = vector.shape_cast %select_n3A_2734 : vector<16xf32> to vector<1x16xf32>
      tpu.vector_store %arg18[%swap3A_2735, %swap3A_2736], %swap3A_2739 {strides = array<i32>} : memref<128x64xf32, #tpu.memory_space<vmem>>, vector<1x16xf32>,
      %iota3A_2740 = tpu.iota {dimensions = array<i32: 0>} : vector<16xi32>
      %add3A_2741 = arith.constant 32 : i32
      %add3A_2742 = vector.broadcast %add3A_2741 : i32 to vector<16xi32>
      %add3A_2743 = arith.addi %iota3A_2740, %add3A_2742 : vector<16xi32>
      %lt3A_2744 = vector.broadcast %squeeze3A_2655 : i32 to vector<16xi32>
      %lt3A_2745 = arith.cmpi slt, %add3A_2743, %lt3A_2744 : vector<16xi32>
      %get3A_2746 = arith.index_cast %add3A_2659 : i32 to index
      %get3A_2747 = arith.constant 96 : index
      %get3A_2748 = tpu.vector_load %arg15[%get3A_2746, %get3A_2747] {strides = array<i32>} : memref<128x128xf32, #tpu.memory_space<vmem>>, vector<1x16xf32>,
      %get3A_2749 = vector.shape_cast %get3A_2748 : vector<1x16xf32> to vector<16xf32>
      %jit3A_2750 = arith.constant -1.000000e+00 : f32
      %broadcast_in_dim3A_2751 = vector.broadcast %jit3A_2750 : f32 to vector<16xf32>
      %select_n3A_2752 = arith.select %lt3A_2745, %get3A_2749, %broadcast_in_dim3A_2751 : vector<16xi1>, vector<16xf32>
      %get3A_2753 = arith.index_cast %add3A_2659 : i32 to index
      %get3A_2754 = arith.constant 32 : index
      %get3A_2755 = tpu.vector_load %arg15[%get3A_2753, %get3A_2754] {strides = array<i32>} : memref<128x128xf32, #tpu.memory_space<vmem>>, vector<1x16xf32>,
      %get3A_2756 = vector.shape_cast %get3A_2755 : vector<1x16xf32> to vector<16xf32>
      %jit3A_2757 = arith.constant 0.000000e+00 : f32
      %broadcast_in_dim3A_2758 = vector.broadcast %jit3A_2757 : f32 to vector<16xf32>
      %select_n3A_2759 = arith.select %lt3A_2745, %get3A_2756, %broadcast_in_dim3A_2758 : vector<16xi1>, vector<16xf32>
      %swap3A_2760 = arith.index_cast %add3A_2659 : i32 to index
      %swap3A_2761 = arith.constant 32 : index
      %swap3A_2762 = tpu.vector_load %arg16[%swap3A_2760, %swap3A_2761] {strides = array<i32>} : memref<128x64xf32, #tpu.memory_space<vmem>>, vector<1x16xf32>,
      %swap3A_2763 = vector.shape_cast %swap3A_2762 : vector<1x16xf32> to vector<16xf32>
      %swap3A_2764 = vector.shape_cast %select_n3A_2759 : vector<16xf32> to vector<1x16xf32>
      tpu.vector_store %arg16[%swap3A_2760, %swap3A_2761], %swap3A_2764 {strides = array<i32>} : memref<128x64xf32, #tpu.memory_space<vmem>>, vector<1x16xf32>,
      %convert_element_type3A_2765 = arith.fptosi %select_n3A_2752 : vector<16xf32> to vector<16xi32>
      %swap3A_2766 = arith.index_cast %add3A_2659 : i32 to index
      %swap3A_2767 = arith.constant 32 : index
      %swap3A_2768 = tpu.vector_load %arg17[%swap3A_2766, %swap3A_2767] {strides = array<i32>} : memref<128x64xi32, #tpu.memory_space<vmem>>, vector<1x16xi32>,
      %swap3A_2769 = vector.shape_cast %swap3A_2768 : vector<1x16xi32> to vector<16xi32>
      %swap3A_2770 = vector.shape_cast %convert_element_type3A_2765 : vector<16xi32> to vector<1x16xi32>
      tpu.vector_store %arg17[%swap3A_2766, %swap3A_2767], %swap3A_2770 {strides = array<i32>} : memref<128x64xi32, #tpu.memory_space<vmem>>, vector<1x16xi32>,
      %jit3A_2771 = arith.constant 0.000000e+00 : f32
      %broadcast_in_dim3A_2772 = vector.broadcast %squeeze3A_2657 : f32 to vector<16xf32>
      %broadcast_in_dim3A_2773 = vector.broadcast %jit3A_2771 : f32 to vector<16xf32>
      %select_n3A_2774 = arith.select %lt3A_2745, %broadcast_in_dim3A_2772, %broadcast_in_dim3A_2773 : vector<16xi1>, vector<16xf32>
      %swap3A_2775 = arith.index_cast %add3A_2659 : i32 to index
      %swap3A_2776 = arith.constant 32 : index
      %swap3A_2777 = tpu.vector_load %arg18[%swap3A_2775, %swap3A_2776] {strides = array<i32>} : memref<128x64xf32, #tpu.memory_space<vmem>>, vector<1x16xf32>,
      %swap3A_2778 = vector.shape_cast %swap3A_2777 : vector<1x16xf32> to vector<16xf32>
      %swap3A_2779 = vector.shape_cast %select_n3A_2774 : vector<16xf32> to vector<1x16xf32>
      tpu.vector_store %arg18[%swap3A_2775, %swap3A_2776], %swap3A_2779 {strides = array<i32>} : memref<128x64xf32, #tpu.memory_space<vmem>>, vector<1x16xf32>,
      %iota3A_2780 = tpu.iota {dimensions = array<i32: 0>} : vector<16xi32>
      %add3A_2781 = arith.constant 48 : i32
      %add3A_2782 = vector.broadcast %add3A_2781 : i32 to vector<16xi32>
      %add3A_2783 = arith.addi %iota3A_2780, %add3A_2782 : vector<16xi32>
      %lt3A_2784 = vector.broadcast %squeeze3A_2655 : i32 to vector<16xi32>
      %lt3A_2785 = arith.cmpi slt, %add3A_2783, %lt3A_2784 : vector<16xi32>
      %get3A_2786 = arith.index_cast %add3A_2659 : i32 to index
      %get3A_2787 = arith.constant 112 : index
      %get3A_2788 = tpu.vector_load %arg15[%get3A_2786, %get3A_2787] {strides = array<i32>} : memref<128x128xf32, #tpu.memory_space<vmem>>, vector<1x16xf32>,
      %get3A_2789 = vector.shape_cast %get3A_2788 : vector<1x16xf32> to vector<16xf32>
      %jit3A_2790 = arith.constant -1.000000e+00 : f32
      %broadcast_in_dim3A_2791 = vector.broadcast %jit3A_2790 : f32 to vector<16xf32>
      %select_n3A_2792 = arith.select %lt3A_2785, %get3A_2789, %broadcast_in_dim3A_2791 : vector<16xi1>, vector<16xf32>
      %get3A_2793 = arith.index_cast %add3A_2659 : i32 to index
      %get3A_2794 = arith.constant 48 : index
      %get3A_2795 = tpu.vector_load %arg15[%get3A_2793, %get3A_2794] {strides = array<i32>} : memref<128x128xf32, #tpu.memory_space<vmem>>, vector<1x16xf32>,
      %get3A_2796 = vector.shape_cast %get3A_2795 : vector<1x16xf32> to vector<16xf32>
      %jit3A_2797 = arith.constant 0.000000e+00 : f32
      %broadcast_in_dim3A_2798 = vector.broadcast %jit3A_2797 : f32 to vector<16xf32>
      %select_n3A_2799 = arith.select %lt3A_2785, %get3A_2796, %broadcast_in_dim3A_2798 : vector<16xi1>, vector<16xf32>
      %swap3A_2800 = arith.index_cast %add3A_2659 : i32 to index
      %swap3A_2801 = arith.constant 48 : index
      %swap3A_2802 = tpu.vector_load %arg16[%swap3A_2800, %swap3A_2801] {strides = array<i32>} : memref<128x64xf32, #tpu.memory_space<vmem>>, vector<1x16xf32>,
      %swap3A_2803 = vector.shape_cast %swap3A_2802 : vector<1x16xf32> to vector<16xf32>
      %swap3A_2804 = vector.shape_cast %select_n3A_2799 : vector<16xf32> to vector<1x16xf32>
      tpu.vector_store %arg16[%swap3A_2800, %swap3A_2801], %swap3A_2804 {strides = array<i32>} : memref<128x64xf32, #tpu.memory_space<vmem>>, vector<1x16xf32>,
      %convert_element_type3A_2805 = arith.fptosi %select_n3A_2792 : vector<16xf32> to vector<16xi32>
      %swap3A_2806 = arith.index_cast %add3A_2659 : i32 to index
      %swap3A_2807 = arith.constant 48 : index
      %swap3A_2808 = tpu.vector_load %arg17[%swap3A_2806, %swap3A_2807] {strides = array<i32>} : memref<128x64xi32, #tpu.memory_space<vmem>>, vector<1x16xi32>,
      %swap3A_2809 = vector.shape_cast %swap3A_2808 : vector<1x16xi32> to vector<16xi32>
      %swap3A_2810 = vector.shape_cast %convert_element_type3A_2805 : vector<16xi32> to vector<1x16xi32>
      tpu.vector_store %arg17[%swap3A_2806, %swap3A_2807], %swap3A_2810 {strides = array<i32>} : memref<128x64xi32, #tpu.memory_space<vmem>>, vector<1x16xi32>,
      %jit3A_2811 = arith.constant 0.000000e+00 : f32
      %broadcast_in_dim3A_2812 = vector.broadcast %squeeze3A_2657 : f32 to vector<16xf32>
      %broadcast_in_dim3A_2813 = vector.broadcast %jit3A_2811 : f32 to vector<16xf32>
      %select_n3A_2814 = arith.select %lt3A_2785, %broadcast_in_dim3A_2812, %broadcast_in_dim3A_2813 : vector<16xi1>, vector<16xf32>
      %swap3A_2815 = arith.index_cast %add3A_2659 : i32 to index
      %swap3A_2816 = arith.constant 48 : index
      %swap3A_2817 = tpu.vector_load %arg18[%swap3A_2815, %swap3A_2816] {strides = array<i32>} : memref<128x64xf32, #tpu.memory_space<vmem>>, vector<1x16xf32>,
      %swap3A_2818 = vector.shape_cast %swap3A_2817 : vector<1x16xf32> to vector<16xf32>
      %swap3A_2819 = vector.shape_cast %select_n3A_2814 : vector<16xf32> to vector<1x16xf32>
      tpu.vector_store %arg18[%swap3A_2815, %swap3A_2816], %swap3A_2819 {strides = array<i32>} : memref<128x64xf32, #tpu.memory_space<vmem>>, vector<1x16xf32>,
    }
    %scan3A_126 = arith.constant 8 : i32
    %dma_start3A_127 = arith.constant 0 : i32
    %dma_start3A_128 = tpu.memref_slice %arg7[%mul3A_2, %dma_start3A_127] : memref<4096x64xf32, #tpu.memory_space<hbm>> -> memref<128x64xf32, #tpu.memory_space<hbm>>
    %dma_start3A_129 = arith.constant 0 : i32
    %dma_start3A_130 = tpu.memref_slice %arg7[%mul3A_2, %dma_start3A_129] : memref<4096x64xf32, #tpu.memory_space<hbm>> -> memref<128x64xf32, #tpu.memory_space<hbm>>
    tpu.enqueue_dma source(%arg16 : memref<128x64xf32, #tpu.memory_space<vmem>>) target(%dma_start3A_130 : memref<128x64xf32, #tpu.memory_space<hbm>>) target_semaphore(%arg19 : memref<!tpu.dma_semaphore, #tpu.memory_space<semaphore_mem>>)
    %dma_start3A_131 = arith.constant 0 : i32
    %dma_start3A_132 = tpu.memref_slice %arg8[%mul3A_2, %dma_start3A_131] : memref<4096x64xi32, #tpu.memory_space<hbm>> -> memref<128x64xi32, #tpu.memory_space<hbm>>
    %dma_start3A_133 = arith.constant 0 : i32
    %dma_start3A_134 = tpu.memref_slice %arg8[%mul3A_2, %dma_start3A_133] : memref<4096x64xi32, #tpu.memory_space<hbm>> -> memref<128x64xi32, #tpu.memory_space<hbm>>
    tpu.enqueue_dma source(%arg17 : memref<128x64xi32, #tpu.memory_space<vmem>>) target(%dma_start3A_134 : memref<128x64xi32, #tpu.memory_space<hbm>>) target_semaphore(%arg19 : memref<!tpu.dma_semaphore, #tpu.memory_space<semaphore_mem>>)
    %dma_start3A_135 = arith.constant 0 : i32
    %dma_start3A_136 = tpu.memref_slice %arg9[%mul3A_2, %dma_start3A_135] : memref<4096x64xf32, #tpu.memory_space<hbm>> -> memref<128x64xf32, #tpu.memory_space<hbm>>
    %dma_start3A_137 = arith.constant 0 : i32
    %dma_start3A_138 = tpu.memref_slice %arg9[%mul3A_2, %dma_start3A_137] : memref<4096x64xf32, #tpu.memory_space<hbm>> -> memref<128x64xf32, #tpu.memory_space<hbm>>
    tpu.enqueue_dma source(%arg18 : memref<128x64xf32, #tpu.memory_space<vmem>>) target(%dma_start3A_138 : memref<128x64xf32, #tpu.memory_space<hbm>>) target_semaphore(%arg19 : memref<!tpu.dma_semaphore, #tpu.memory_space<semaphore_mem>>)
    %dma_wait3A_139 = arith.constant 0 : i32
    %dma_wait3A_140 = tpu.memref_slice %arg7[%mul3A_2, %dma_wait3A_139] : memref<4096x64xf32, #tpu.memory_space<hbm>> -> memref<128x64xf32, #tpu.memory_space<hbm>>
    %dma_wait3A_141 = arith.constant 0 : i32
    %dma_wait3A_142 = tpu.memref_slice %arg7[%mul3A_2, %dma_wait3A_141] : memref<4096x64xf32, #tpu.memory_space<hbm>> -> memref<128x64xf32, #tpu.memory_space<hbm>>
    tpu.wait_dma2 semaphore(%arg19 : memref<!tpu.dma_semaphore, #tpu.memory_space<semaphore_mem>>) src(%arg16 : memref<128x64xf32, #tpu.memory_space<vmem>>) dst(%dma_wait3A_142 : memref<128x64xf32, #tpu.memory_space<hbm>>)
    %dma_wait3A_143 = arith.constant 0 : i32
    %dma_wait3A_144 = tpu.memref_slice %arg8[%mul3A_2, %dma_wait3A_143] : memref<4096x64xi32, #tpu.memory_space<hbm>> -> memref<128x64xi32, #tpu.memory_space<hbm>>
    %dma_wait3A_145 = arith.constant 0 : i32
    %dma_wait3A_146 = tpu.memref_slice %arg8[%mul3A_2, %dma_wait3A_145] : memref<4096x64xi32, #tpu.memory_space<hbm>> -> memref<128x64xi32, #tpu.memory_space<hbm>>
    tpu.wait_dma2 semaphore(%arg19 : memref<!tpu.dma_semaphore, #tpu.memory_space<semaphore_mem>>) src(%arg17 : memref<128x64xi32, #tpu.memory_space<vmem>>) dst(%dma_wait3A_146 : memref<128x64xi32, #tpu.memory_space<hbm>>)
    %dma_wait3A_147 = arith.constant 0 : i32
    %dma_wait3A_148 = tpu.memref_slice %arg9[%mul3A_2, %dma_wait3A_147] : memref<4096x64xf32, #tpu.memory_space<hbm>> -> memref<128x64xf32, #tpu.memory_space<hbm>>
    %dma_wait3A_149 = arith.constant 0 : i32
    %dma_wait3A_150 = tpu.memref_slice %arg9[%mul3A_2, %dma_wait3A_149] : memref<4096x64xf32, #tpu.memory_space<hbm>> -> memref<128x64xf32, #tpu.memory_space<hbm>>
    tpu.wait_dma2 semaphore(%arg19 : memref<!tpu.dma_semaphore, #tpu.memory_space<semaphore_mem>>) src(%arg18 : memref<128x64xf32, #tpu.memory_space<vmem>>) dst(%dma_wait3A_150 : memref<128x64xf32, #tpu.memory_space<hbm>>)
    return
  }
}

module attributes {stable_mosaic.version = 14 : i64} {
  func.func @_tc_body(%arg0: i32, %arg1: memref<256x64xf32, #tpu.memory_space<vmem>>, %arg2: memref<256x128xf32, #tpu.memory_space<vmem>>, %arg3: memref<256x64x128xf32, #tpu.memory_space<vmem>>) attributes {dimension_semantics = [#tpu.dimension_semantics<arbitrary>], iteration_bounds = array<i64: 16>, scalar_prefetch = 0 : i64, scratch_operands = 0 : i64, tpu.core_type = #tpu.core_type<tc>, window_params = [{transform_indices = @transform_0, window_bounds = array<i64: 256, 64>}, {transform_indices = @transform_1, window_bounds = array<i64: 256, 128>}, {transform_indices = @transform_2, window_bounds = array<i64: 256, 64, 128>}]} {
    %get3A = arith.constant 0 : index
    %get3A_0 = arith.constant 0 : index
    %get3A_1 = vector.load %arg1[%get3A, %get3A_0] : memref<256x64xf32, #tpu.memory_space<vmem>>, vector<256x64xf32>
    %get3A_2 = arith.constant 0 : index
    %get3A_3 = arith.constant 0 : index
    %get3A_4 = vector.load %arg2[%get3A_2, %get3A_3] : memref<256x128xf32, #tpu.memory_space<vmem>>, vector<256x128xf32>
    %broadcast_in_dim3A = vector.shape_cast %get3A_1 : vector<256x64xf32> to vector<256x64x1xf32>
    %broadcast_in_dim3A_5 = vector.shape_cast %get3A_4 : vector<256x128xf32> to vector<256x1x128xf32>
    %mul3A = vector.broadcast %broadcast_in_dim3A : vector<256x64x1xf32> to vector<256x64x128xf32>
    %mul3A_6 = vector.broadcast %broadcast_in_dim3A_5 : vector<256x1x128xf32> to vector<256x64x128xf32>
    %mul3A_7 = arith.mulf %mul3A, %mul3A_6 : vector<256x64x128xf32>
    %swap3A = arith.constant 0 : index
    %swap3A_8 = arith.constant 0 : index
    %swap3A_9 = arith.constant 0 : index
    %swap3A_10 = vector.load %arg3[%swap3A, %swap3A_8, %swap3A_9] : memref<256x64x128xf32, #tpu.memory_space<vmem>>, vector<256x64x128xf32>
    tpu.vector_store %arg3[%swap3A, %swap3A_8, %swap3A_9], %mul3A_7 {strides = array<i32>} : memref<256x64x128xf32, #tpu.memory_space<vmem>>, vector<256x64x128xf32>,
    return
  }
  func.func @transform_0(%arg0: i32) -> (i32, i32) {
    %c0_i32 = arith.constant 0 : i32
    %c0_i32_0 = arith.constant 0 : i32
    return %arg0, %c0_i32 : i32, i32
  }
  func.func @transform_1(%arg0: i32) -> (i32, i32) {
    %c0_i32 = arith.constant 0 : i32
    %c0_i32_0 = arith.constant 0 : i32
    return %arg0, %c0_i32 : i32, i32
  }
  func.func @transform_2(%arg0: i32) -> (i32, i32, i32) {
    %c0_i32 = arith.constant 0 : i32
    %c0_i32_0 = arith.constant 0 : i32
    %c0_i32_1 = arith.constant 0 : i32
    return %arg0, %c0_i32, %c0_i32_0 : i32, i32, i32
  }
}

</mosaic_0001>

<sc_bundles>
// kernel: kernel.4.cloned.1.call-start
scs
__scs_entry_jumppad:
0x0: {  	(pc) =	sbr.rel $0x88, $3  }
0x1: {  	(tag) =	ssettag $0x0;
	lr =	simm.s32 $0x1  }
0x2: {  	[smem:$0x3F9A] =	sst lr;
	_ =	strace $0xD0000000  }
0x3: {  	_ = 	snop  }
0x4: {  	_ = 	snop  }
0x5: {  	_ = 	snop  }
0x6: {  	_ = 	snop  }
0x7: {  	_ = 	snop  }
__scs_overlays_trampoline_lowered:
0x8: {  	[smem:$0x3FA9] =	sst s0  }
0x9: {  	[smem:$0x3FAA] =	sst s1  }
0xa: {  	[smem:$0x3FAB] =	sst s2  }
0xb: {  	[smem:$0x3FAC] =	sst s3  }
0xc: {  	[smem:$0x3FAD] =	sst s4  }
0xd: {  	[smem:$0x3FAE] =	sst s5  }
0xe: {  	[smem:$0x3FAF] =	sst s6  }
0xf: {  	[smem:$0x3FB0] =	sst s7  }
0x10: {  	[smem:$0x3FB1] =	sst s8  }
0x11: {  	[smem:$0x3FB2] =	sst s9;
	s0 =	simm.s32 @!p0 $0x0  }
0x12: {  	s1 =	sld [smem:$0x3F98];
	s0 =	simm.s32 @p0 $0x1  }
0x13: {  	[smem:$0x3FB3] =	sst s0;
	s0 =	simm.s32 @!p1 $0x0  }
0x14: {  	s2 =	sld [smem:$0x3F97];
	s0 =	simm.s32 @p1 $0x1  }
0x15: {  	[smem:$0x3FB4] =	sst s0;
	s0 =	simm.s32 @!p2 $0x0  }
0x16: {  	s3 =	sld [smem:$0x3FDB];
	s0 =	simm.s32 @p2 $0x1  }
0x17: {  	s4 =	simm.s32 $0x1BF5;
	[smem:$0x3FB6] =	sst s0  }
0x18: {  	s0 =	sld [smem:$0x3F99];
	_ =	swait.ge [sflag:s4], $0x0  }
0x19: {  	s7 =	sld [smem:$0x3F9A]  }
0x1a: {  	s8 =	sadd.s32 $0xFFFFE003, lr  }
0x1b: {  	s9 =	sadd.s32 $0xFFFFFEF7, lr;
	s5 =	simm.s32 $0xFFFFFFFF;
	p2 =	slt.u32 s8, $0xFFFFF086  }
0x1c: {  	p1 =	slt.u32 s9, $0xF7A;
	s5 =	simm.s32 @!p2 $0x0  }
0x1d: {  	s5 =	simm.s32 @p1 $0x1;
	p0 =	seq.s32 s7, s2  }
0x1e: {  	s7 =	smul.u32 @!p0 $0xF7A, s2;
	p2 =	seq.s32 @!p0 s5, $0x0  }
0x1f: {  	s9 =	smul.u32 $0xF7A, s1;
	s8 =	simm.s32 @!p0 $0x1BF5;
	p2 =	por !p2, p0  }
0x20: {  	[sflag:s8] =	ssyncset.s32 @!p0 $0xFFFFF086;
	s6 =	sadd.s32 @!p0 s3, s7;
	s7 =	simm.s32 @!p0 $0x108  }
0x21: {  	s3 =	sadd.s32 s3, s9;
	s6 =	sadd.s32 @!p0 $0x88, s6;
	s7 =	simm.s32 @p2 $0x1082  }
0x22: {  	[simem:s7], [sflag:s8] =	dma.local @!p0 [hbm:s6], $0xF7A  }
0x23: {  	s9 =	sor.u32 $0xD0000000, s2;
	s6 =	simm.s32 $0x108;
	_ =	swait.ge @!p0 [sflag:s8], $0x0  }
0x24: {  	s3 =	sadd.s32 $0x88, s3;
	s6 =	simm.s32 @!p1 $0x1082;
	[sflag:s4] =	ssyncset.s32 $0xFFFFF086  }
0x25: {  	[simem:s6], [sflag:s4] =	dma.local [hbm:s3], $0xF7A  }
0x26: {  	[smem:$0x3F9A] =	sst s1;
	(tag) =	ssettag s2;
	_ =	strace s9  }
0x27: {  	s1 =	sld [smem:$0x3FAA]  }
0x28: {  	s2 =	sld [smem:$0x3FAB]  }
0x29: {  	s4 =	sld [smem:$0x3FAD]  }
0x2a: {  	p0 =	seq.s32 s5, $0x0;
	s5 =	sld [smem:$0x3FAE]  }
0x2b: {  	s6 =	sld [smem:$0x3FAF]  }
0x2c: {  	s7 =	sld [smem:$0x3FB0]  }
0x2d: {  	s3 =	simm.s32 $0x108;
	s8 =	sld [smem:$0x3FB1]  }
0x2e: {  	s3 =	simm.s32 @!p0 $0x1082;
	s9 =	sld [smem:$0x3FB2]  }
0x2f: {  	lr =	sadd.s32 s0, s3;
	s0 =	sld [smem:$0x3FA9]  }
0x30: {  	s3 =	sld [smem:$0x3FAC]  }
0x31: {  	[smem:$0x3FB5] =	sst s10  }
0x32: {  	s10 =	sld [smem:$0x3FB3];
	_ =	sdelay $0x3  }
0x33: {  	p0 =	seq.s32 s10, $0x1;
	s10 =	sld [smem:$0x3FB5];
	_ =	sdelay $0x3  }
0x34: {  	[smem:$0x3FB5] =	sst s10  }
0x35: {  	s10 =	sld [smem:$0x3FB4];
	_ =	sdelay $0x3  }
0x36: {  	p1 =	seq.s32 s10, $0x1;
	s10 =	sld [smem:$0x3FB5];
	_ =	sdelay $0x3  }
0x37: {  	[smem:$0x3FB5] =	sst s10  }
0x38: {  	s10 =	sld [smem:$0x3FB6]  }
0x39: {  	_ = 	snop;
	(pc) =	sbr.ind lr, $3  }
0x3a: {  	_ = 	snop  }
0x3b: {  	_ = 	snop  }
0x3c: {  	p2 =	seq.s32 s10, $0x1;
	s10 =	sld [smem:$0x3FB5]  }
0x3d: {  	_ =	shalt  }
0x3e: {  	_ =	shalt  }
0x3f: {  	_ =	shalt  }
0x40: {  	_ =	shalt  }
0x41: {  	_ =	shalt  }
0x42: {  	_ =	shalt  }
0x43: {  	_ =	shalt  }
0x44: {  	_ =	shalt  }
0x45: {  	_ =	shalt  }
0x46: {  	_ =	shalt  }
0x47: {  	_ =	shalt  }
0x48: {  	_ =	shalt  }
0x49: {  	_ =	shalt  }
0x4a: {  	_ =	shalt  }
0x4b: {  	_ =	shalt  }
0x4c: {  	_ =	shalt  }
0x4d: {  	_ =	shalt  }
0x4e: {  	_ =	shalt  }
0x4f: {  	_ =	shalt  }
0x50: {  	_ =	shalt  }
0x51: {  	_ =	shalt  }
0x52: {  	_ =	shalt  }
0x53: {  	_ =	shalt  }
0x54: {  	_ =	shalt  }
0x55: {  	_ =	shalt  }
0x56: {  	_ =	shalt  }
0x57: {  	_ =	shalt  }
0x58: {  	_ =	shalt  }
0x59: {  	_ =	shalt  }
0x5a: {  	_ =	shalt  }
0x5b: {  	_ =	shalt  }
0x5c: {  	_ =	shalt  }
0x5d: {  	_ =	shalt  }
0x5e: {  	_ =	shalt  }
0x5f: {  	_ =	shalt  }
0x60: {  	_ =	shalt  }
0x61: {  	_ =	shalt  }
0x62: {  	_ =	shalt  }
0x63: {  	_ =	shalt  }
0x64: {  	_ =	shalt  }
0x65: {  	_ =	shalt  }
0x66: {  	_ =	shalt  }
0x67: {  	_ =	shalt  }
0x68: {  	_ =	shalt  }
0x69: {  	_ =	shalt  }
0x6a: {  	_ =	shalt  }
0x6b: {  	_ =	shalt  }
0x6c: {  	_ =	shalt  }
0x6d: {  	_ =	shalt  }
0x6e: {  	_ =	shalt  }
0x6f: {  	_ =	shalt  }
0x70: {  	_ =	shalt  }
0x71: {  	_ =	shalt  }
0x72: {  	_ =	shalt  }
0x73: {  	_ =	shalt  }
0x74: {  	_ =	shalt  }
0x75: {  	_ =	shalt  }
0x76: {  	_ =	shalt  }
0x77: {  	_ =	shalt  }
0x78: {  	_ =	shalt  }
0x79: {  	_ =	shalt  }
0x7a: {  	_ =	shalt  }
0x7b: {  	_ =	shalt  }
0x7c: {  	_ =	shalt  }
0x7d: {  	_ =	shalt  }
0x7e: {  	_ =	shalt  }
0x7f: {  	_ =	shalt  }
0x80: {  	_ =	shalt  }
0x81: {  	_ =	shalt  }
0x82: {  	_ =	shalt  }
0x83: {  	_ =	shalt  }
0x84: {  	_ =	shalt  }
0x85: {  	_ =	shalt  }
0x86: {  	_ =	shalt  }
0x87: {  	_ =	shalt  }
.Lfunc_end0:
.L_simem_size_0:
called_computation_lowered:
.L_overlay_start_0:
0x88: {  	s2 =	sld [smem:$0x3FD9]  }
0x89: {  	s3 =	sld [smem:$0x3FFE];
	_ =	sdelay $0x1  }
0x8a: {  	s1 =	srdreg.scid  }
0x8b: {  	s0 =	sand.u32 $0x1, s1  }
0x8c: {  	s14 =	sshll.u32 s0, $0xA;
	s2 =	sadd.s32 s3, s2  }
0x8d: {  	s2 =	sadd.s32 s2, s14  }
0x8e: {  	[smem:$0x3FC1] =	sst s2  }
0x8f: {  	_ = 	snop  }
0x90: {  	s2 =	sld [smem:$0x3FC9]  }
0x91: {  	s15 =	sld [smem:$0x3FD0]  }
0x92: {  	s4 =	sld [smem:$0x3FC7]  }
0x93: {  	s5 =	sld [smem:$0x3FC6]  }
0x94: {  	s7 =	simm.s32 $0xA;
	s8 =	simm.s32 $0x10;
	s6 =	sld [smem:$0x3FC4]  }
0x95: {  	[smem:s8], [sflag:s7] =	dma.local [hbm:s15], $0x1  }
0x96: {  	_ =	swait.eq [sflag:s7], $0x1  }
0x97: {  	[sflag:s7] =	ssyncset.done $0x0  }
0x98: {  	s16 =	sld [smem:$0x11];
	[sflag:s7] =	ssyncadd.s32 $0xFFFFFFFF  }
0x99: {  	s17 =	sld [smem:$0x12];
	(tm) =	ssettm $0x1  }
0x9a: {  	s18 =	sld [smem:$0x3FFB];
	_ =	sdelay $0x3  }
0x9b: {  	_ =	strace s18  }
0x9c: {  	s8 =	sld [smem:$0x3FFC];
	_ =	sdelay $0x3  }
0x9d: {  	_ =	strace s8  }
0x9e: {  	s8 =	sld [smem:$0x3FFD];
	_ =	sdelay $0x3  }
0x9f: {  	_ =	strace s8  }
0xa0: {  	_ =	strace $0x8FFFFFFF  }
0xa1: {  	s19 =	sld [smem:$0x3FDB];
	_ =	sdelay $0x1  }
0xa2: {  	s9 =	simm.s32 $_scs_section_size  }
0xa3: {  	s10 =	simm.s32 $_size__tile_overlayer_lowered;
	s11 =	simm.s32 $_tile_overlayer_lowered  }
0xa4: {  	s22 =	simm.s32 $0x1BFF;
	s21 =	sshll.u32 s11, $0x1;
	s8 =	sadd.s32 s9, s19  }
0xa5: {  	s12 =	simm.s32 $0x0;
	s20 =	sshll.u32 s10, $0x1;
	s10 =	sadd.s32 s21, s8  }
0xa6: {  	[timem:s12], [sflag:s22] =	dma.local [hbm:s10], s20  }
0xa7: {  	_ =	swait.ge [sflag:s22], s20  }
0xa8: {  	s9 =	ssub.s32 $0x0, s20;
	[sflag:s22] =	ssyncset.done $0x0  }
0xa9: {  	[sflag:s22] =	ssyncadd.s32 s9;
	_ =	sdelay $0x1  }
0xaa: {  	s23 =	simm.s32 $0x1B8B  }
0xab: {  	_ =	swait.ge [sflag:s23], $0x1  }
0xac: {  	[sflag:s23] =	ssyncset.done $0x0  }
0xad: {  	s25 =	simm.s32 $0x1B8E;
	s24 =	sld [smem:$0x3FFE];
	[sflag:s23] =	ssyncadd.s32 $0xFFFFFFFF  }
0xae: {  	s26 =	simm.s32 $execute0_lowered;
	[smem:$0x3FD2] =	sst s25  }
0xaf: {  	s10 =	sshll.u32 s26, $0x1;
	_ =	strace $0x80000046;
	[dreg:$0x1] =	wrdreg $0xFFFFFFFF  }
0xb0: {  	s28 =	simm.s32 $_size_execute0_lowered;
	s8 =	sadd.s32 s8, s10;
	[dreg:$0x0] =	wrdreg $0x0  }
0xb1: {  	s10 =	sshll.u32 s28, $0x1;
	[dreg:$0x2] =	wrdreg s8  }
0xb2: {  	[dreg:$0x3] =	wrdreg s10  }
0xb3: {  	[dreg:$0x4] =	wrdreg $0xC0  }
0xb4: {  	_ =	task [dreg:s12], $0x5FFFF  }
0xb5: {  	[dreg:$0x1] =	wrdreg $0xFFFFFFFF  }
0xb6: {  	[dreg:$0x0] =	wrdreg $0x60  }
0xb7: {  	[dreg:$0x2] =	wrdreg s2  }
0xb8: {  	[dreg:$0x3] =	wrdreg s5  }
0xb9: {  	[dreg:$0x4] =	wrdreg s17  }
0xba: {  	[dreg:$0x5] =	wrdreg s6  }
0xbb: {  	[dreg:$0x6] =	wrdreg s4  }
0xbc: {  	[dreg:$0x7] =	wrdreg s16  }
0xbd: {  	[dreg:$0x8] =	wrdreg s24  }
0xbe: {  	[dreg:$0x9] =	wrdreg $0x9  }
0xbf: {  	_ =	task.clear_ibuf [dreg:s12], $0xAFFFF;
	_ =	strace $0x90000046  }
0xc0: {  	s29 =	simm.s32 $0x9;
	_ =	strace $0x80000048  }
0xc1: {  	_ =	swait.ge [sflag:s29], $0x1  }
0xc2: {  	[sflag:s29] =	ssyncadd.s32 $0xFFFFFFFF  }
0xc3: {  	_ =	strace $0x90000048  }
0xc4: {  	_ =	sfence  }
0xc5: {  	s30 =	sld [smem:$0x0];
	_ =	sdelay $0x2  }
0xc6: {  	s31 =	sshll.u32 s1, $0xD;
	s1 =	sshrl.u32 s1, $0x2  }
0xc7: {  	s3 =	sand.u32 $0x4000, s31;
	s1 =	sadd.s32 s1, s30  }
0xc8: {  	s0 =	sor.u32 s3, s0;
	s1 =	sshll.u32 s1, $0x11  }
0xc9: {  	s0 =	sor.u32 s1, s0  }
0xca: {  	s0 =	sadd.s32 $0x8F2B, s0  }
0xcb: {  	[sflag:s0] =	ssyncadd.remote.s32 $0x1  }
0xcc: {  	_ =	sfence.sel $0xFFFF  }
0xcd: {  	[dreg:$0x0] =	wrdreg $0xFFFFFFFF;
	(pc) =	sbr.abs _section_cstart, $3  }
0xce: {  	[dreg:$0x1] =	wrdreg $0xFFFFFFFF  }
0xcf: {  	_ =	task.clear_ibuf [dreg:s12], $0x2FFFF;
	_ =	strace $0x9FFFFFFF  }
0xd0: {  	(tm) =	ssettm $0x7FFFFFFF  }
0xd1: {  	_ =	shalt  }
tec
execute0_lowered:
.L_overlay_start_1:
0x0: {  	(tag) =	ssettag $0x1  }
0x1: {  	s6 =	rddreg [dreg:$0x0]  }
0x2: {  	s0 =	rddreg [dreg:$0x1]  }
0x3: {  	s2 =	rddreg [dreg:$0x2]  }
0x4: {  	s3 =	rddreg [dreg:$0x3]  }
0x5: {  	s7 =	rddreg [dreg:$0x4]  }
0x6: {  	s8 =	rddreg [dreg:$0x5]  }
0x7: {  	s9 =	rddreg [dreg:$0x6];
	s5 =	srdreg.scid  }
0x8: {  	s1 =	rddreg [dreg:$0x7];
	s4 =	stileid.u32  }
0x9: {  	s15 =	simm.s32 $0x100;
	s16 =	simm.s32 $0x280;
	s17 =	simm.s32 $0x180  }
0xa: {  	s18 =	simm.s32 $0x2;
	s19 =	simm.s32 $0x4280;
	s20 =	simm.s32 $0x8280  }
0xb: {  	s21 =	simm.s32 $0xC280;
	s22 =	simm.s32 $0x0;
	s10 =	sand.u32 $0x1, s5  }
0xc: {  	s5 =	simm.s32 $0x0;
	s11 =	sshll.u32 s4, $0x8;
	s12 =	sshll.u32 s10, $0x7  }
0xd: {  	[smem:$0x7FF] =	sst s5;
	s10 =	ssub.s32 $0x2, s10;
	s11 =	sor.u32 s12, s11  }
0xe: {  	_ =	strace $0x80000047;
	s31 =	sshrl.u32 s10, $0x1;
	s12 =	sshll.u32 s11, $0x4  }
0xf: {  	s11 =	sshrl.u32 s11, $0x3;
	s14 =	ssub.s32 s10, s31;
	s13 =	sadd.s32 s12, s9  }
0x10: {  	s6 =	sadd.s32 s6, s11;
	s7 =	sadd.s32 s7, s11;
	s8 =	sadd.s32 s8, s12  }
0x11: {  	v0 =	vlaneseq.u32;
	s11 =	smax.u32 s14, $0x1;
	s12 =	simm.s32 $0x200;
	s14 =	simm.s32 $0x80  }
0x12: {  	v1 =	vor.u32 $0x10, v0;
	v2 =	vor.u32 $0x20, v0;
	v3 =	vor.u32 $0x30, v0;
	s9 =	sadd.s32 $0xE00, s13;
	s10 =	sadd.s32 $0x10E00, s13;
	s13 =	simm.s32 $0x1  }
.LBB2_1:
0x13: {  	[tilespmem:s5], [sflag:$0x1] =	stream.linear.gather [hbm4b:s6+s5], $0x80, $0x38;
	[tilespmem:$0x10280] =	vst v63  }
0x14: {  	_ = 	snop  }
0x15: {  	[tilespmem:s12], [sflag:$0x2] =	stream.linear.gather [hbm4b:s7+s5], $0x80, $0x38;
	[tilespmem:$0x10280] =	vst v63  }
0x16: {  	_ =	swait.ge [sflag:s13], $0x80  }
0x17: {  	[sflag:s13] =	ssyncset.done $0x0  }
0x18: {  	[sflag:s13] =	ssyncadd.s32 $0xFFFFFF80  }
0x19: {  	[tilespmem:s14], [sflag:$0x1] =	stream.indirect.gather [hbm4b:s0+s14], $0x1, s5, s14, $0xb8;
	[tilespmem:$0x10280] =	vst v63  }
0x1a: {  	_ =	swait.ge [sflag:s13], $0x80  }
0x1b: {  	[sflag:s13] =	ssyncset.done $0x0  }
0x1c: {  	[sflag:s13] =	ssyncadd.s32 $0xFFFFFF80  }
0x1d: {  	v4 =	vld [tilespmem:$0x80]  }
0x1e: {  	v5 =	vld [tilespmem:$0x90]  }
0x1f: {  	v6 =	vld [tilespmem:$0xA0]  }
0x20: {  	v7 =	vld [tilespmem:$0xB0]  }
0x21: {  	v8 =	vld [tilespmem:$0xC0]  }
0x22: {  	v9 =	vld [tilespmem:$0xD0];
	vm0 =	vgt.s32 v4, $0x0  }
0x23: {  	v10 =	vld [tilespmem:$0xE0];
	vm9 =	vgt.s32 v5, $0x0;
	v4 =	vnsel vm0, $0x0, v4  }
0x24: {  	v11 =	vld [tilespmem:$0xF0];
	vm10 =	vgt.s32 v6, $0x0;
	v5 =	vnsel vm9, $0x0, v5;
	v4 =	vmin.u32 v4, $0x3FF  }
0x25: {  	vm11 =	vgt.s32 v7, $0x0;
	[tilespmem:$0x100] =	vst v4;
	v4 =	vmin.u32 v5, $0x3FF;
	v5 =	vnsel vm10, $0x0, v6  }
0x26: {  	vm12 =	vgt.s32 v8, $0x0;
	[tilespmem:$0x110] =	vst v4;
	v4 =	vmin.u32 v5, $0x3FF;
	v5 =	vnsel vm11, $0x0, v7  }
0x27: {  	vm13 =	vgt.s32 v9, $0x0;
	[tilespmem:$0x120] =	vst v4;
	v4 =	vmin.u32 v5, $0x3FF;
	v5 =	vnsel vm12, $0x0, v8  }
0x28: {  	vm14 =	vgt.s32 v10, $0x0;
	[tilespmem:$0x130] =	vst v4;
	v4 =	vmin.u32 v5, $0x3FF;
	v5 =	vnsel vm13, $0x0, v9  }
0x29: {  	vm15 =	vgt.s32 v11, $0x0;
	[tilespmem:$0x140] =	vst v4;
	v4 =	vmin.u32 v5, $0x3FF;
	v5 =	vnsel vm14, $0x0, v10  }
0x2a: {  	[tilespmem:$0x150] =	vst v4;
	v4 =	vnsel vm15, $0x0, v11;
	v5 =	vmin.u32 v5, $0x3FF  }
0x2b: {  	[tilespmem:$0x160] =	vst v5;
	v4 =	vmin.u32 v4, $0x3FF  }
0x2c: {  	[tilespmem:$0x170] =	vst v4  }
0x2d: {  	[tilespmem:s16], [sflag:$0x1] =	stream.indirect.gather [hbm4b:s2+s14], $0x80, s15, s14, $0xb8;
	[tilespmem:$0x10280] =	vst v63  }
0x2e: {  	_ = 	snop  }
0x2f: {  	[tilespmem:s17], [sflag:$0x1] =	stream.indirect.gather [hbm4b:s3+s14], $0x1, s15, s14, $0xb8;
	[tilespmem:$0x10280] =	vst v63  }
0x30: {  	_ =	swait.ge [sflag:s18], $0x80  }
0x31: {  	[sflag:s18] =	ssyncset.done $0x0  }
0x32: {  	[sflag:s18] =	ssyncadd.s32 $0xFFFFFF80  }
0x33: {  	_ =	swait.ge [sflag:s13], $0x4000  }
0x34: {  	[sflag:s13] =	ssyncset.done $0x0  }
0x35: {  	[sflag:s13] =	ssyncadd.s32 $0xFFFFC000  }
0x36: {  	_ =	swait.ge [sflag:s13], $0x80  }
0x37: {  	[sflag:s13] =	ssyncset.done $0x0  }
0x38: {  	s23 =	simm.s32 $0x0;
	[sflag:s13] =	ssyncadd.s32 $0xFFFFFF80  }
.LBB2_2:
0x39: {  	s25 =	sshll.u32 s23, $0x4  }
0x3a: {  	v5 =	vld [tilespmem:s25+$0x80]  }
0x3b: {  	v6 =	vld [tilespmem:s25+$0x180]  }
0x3c: {  	s24 =	sshll.u32 s23, $0xB  }
0x3d: {  	v7 =	vld [tilespmem:s24+$0x2C0]  }
0x3e: {  	v4 =	vld [tilespmem:s25+$0x200]  }
0x3f: {  	v8 =	vld [tilespmem:s24+$0x280];
	vm0 =	vlt.u32 v5, $0x400  }
0x40: {  	v56 =	vld [tilespmem:s24+$0x2D0];
	v5 =	vnsel vm0, $0x0, v6  }
0x41: {  	v9 =	vbroadcast v5, $0x0  }
0x42: {  	v10 =	vld [tilespmem:s24+$0x290];
	v7 =	vtrunc.f32 v7  }
0x43: {  	v7 =	vcvt.f32.s32 v7;
	vm12 =	vgt.s32 v9, v0  }
0x44: {  	v12 =	vbroadcast v4, $0x0;
	v8 =	vnsel vm12, $0x0, v8  }
0x45: {  	v57 =	vld [tilespmem:s24+$0x2A0];
	v6 =	vtrunc.f32 v56;
	v7 =	vnsel vm12, $0xFFFFFFFF, v7;
	[tilespmem:s24+$0x4280] =	vst v8  }
0x46: {  	v6 =	vcvt.f32.s32 v6;
	vm13 =	vgt.s32 v9, v1;
	v58 =	vnsel vm12, $0x0, v12;
	[tilespmem:s24+$0x8280] =	vst v7  }
0x47: {  	v61 =	vld [tilespmem:s24+$0x2B0];
	v59 =	vnsel vm13, $0x0, v10;
	[tilespmem:s24+$0xC280] =	vst v58  }
0x48: {  	v6 =	vnsel vm13, $0xFFFFFFFF, v6;
	[tilespmem:s24+$0x4290] =	vst v59  }
0x49: {  	v17 =	vld [tilespmem:s24+$0x300];
	vm14 =	vgt.s32 v9, v2;
	v62 =	vnsel vm13, $0x0, v12;
	[tilespmem:s24+$0x8290] =	vst v6  }
0x4a: {  	v14 =	vnsel vm14, $0x0, v57;
	[tilespmem:s24+$0xC290] =	vst v62  }
0x4b: {  	v24 =	vld [tilespmem:s24+$0x310];
	v21 =	vbroadcast v5, $0x1;
	vm15 =	vgt.s32 v9, v3;
	v18 =	vnsel vm14, $0x0, v12;
	[tilespmem:s24+$0x42A0] =	vst v14  }
0x4c: {  	v63 =	vld [tilespmem:s24+$0x340];
	v20 =	vnsel vm15, $0x0, v61;
	[tilespmem:s24+$0xC2A0] =	vst v18  }
0x4d: {  	v31 =	vld [tilespmem:s24+$0x320];
	v28 =	vbroadcast v4, $0x1;
	vm4 =	vgt.s32 v21, v0;
	v25 =	vnsel vm15, $0x0, v12;
	[tilespmem:s24+$0x42B0] =	vst v20  }
0x4e: {  	v27 =	vnsel vm4, $0x0, v17;
	[tilespmem:s24+$0xC2B0] =	vst v25  }
0x4f: {  	v37 =	vld [tilespmem:s24+$0x330];
	vm5 =	vgt.s32 v21, v1;
	v32 =	vnsel vm4, $0x0, v28;
	[tilespmem:s24+$0x4300] =	vst v27  }
0x50: {  	v11 =	vld [tilespmem:s24+$0x2E0];
	v34 =	vnsel vm5, $0x0, v24;
	[tilespmem:s24+$0xC300] =	vst v32  }
0x51: {  	v43 =	vld [tilespmem:s24+$0x380];
	vm6 =	vgt.s32 v21, v2;
	v38 =	vnsel vm5, $0x0, v28;
	[tilespmem:s24+$0x4310] =	vst v34  }
0x52: {  	v23 =	vtrunc.f32 v63;
	v63 =	vld [tilespmem:s24+$0x3B0];
	v40 =	vnsel vm6, $0x0, v31;
	[tilespmem:s24+$0xC310] =	vst v38  }
0x53: {  	v47 =	vbroadcast v5, $0x2;
	vm7 =	vgt.s32 v21, v3;
	v44 =	vnsel vm6, $0x0, v28;
	[tilespmem:s24+$0x4320] =	vst v40  }
0x54: {  	v50 =	vld [tilespmem:s24+$0x390];
	v46 =	vnsel vm7, $0x0, v37;
	[tilespmem:s24+$0xC320] =	vst v44  }
0x55: {  	v13 =	vld [tilespmem:s24+$0x2F0];
	vm8 =	vgt.s32 v47, v0;
	v51 =	vnsel vm7, $0x0, v28;
	[tilespmem:s24+$0x4330] =	vst v46  }
0x56: {  	v54 =	vbroadcast v4, $0x2;
	vm11 =	vgt.s32 v47, v3;
	v53 =	vnsel vm8, $0x0, v43;
	[tilespmem:s24+$0xC330] =	vst v51  }
0x57: {  	v60 =	vtrunc.f32 v11;
	v21 =	vld [tilespmem:s24+$0x400];
	v24 =	vnsel vm11, $0x0, v63;
	[tilespmem:s24+$0x4380] =	vst v53  }
0x58: {  	vm9 =	vgt.s32 v47, v1;
	v7 =	vcvt.f32.s32 v60;
	v58 =	vnsel vm8, $0x0, v54;
	[tilespmem:s24+$0x43B0] =	vst v24  }
0x59: {  	v57 =	vld [tilespmem:s24+$0x3A0];
	v60 =	vnsel vm9, $0x0, v50;
	v25 =	vbroadcast v5, $0x3;
	[tilespmem:s24+$0xC380] =	vst v58  }
0x5a: {  	v16 =	vtrunc.f32 v13;
	v28 =	vld [tilespmem:s24+$0x410];
	[tilespmem:s24+$0x4390] =	vst v60;
	v15 =	vnsel vm14, $0xFFFFFFFF, v7  }
0x5b: {  	v7 =	vcvt.f32.s32 v16;
	v16 =	vnsel vm9, $0x0, v54;
	vm12 =	vgt.s32 v25, v0;
	[tilespmem:s24+$0x82A0] =	vst v15  }
0x5c: {  	v19 =	vld [tilespmem:s24+$0x350];
	[tilespmem:s24+$0xC390] =	vst v16;
	v31 =	vnsel vm12, $0x0, v21  }
0x5d: {  	vm10 =	vgt.s32 v47, v2;
	v22 =	vnsel vm15, $0xFFFFFFFF, v7;
	[tilespmem:s24+$0x4400] =	vst v31  }
0x5e: {  	v47 =	vld [tilespmem:s24+$0x480];
	vm13 =	vgt.s32 v25, v1;
	v18 =	vnsel vm10, $0x0, v57;
	[tilespmem:s24+$0x82B0] =	vst v22  }
0x5f: {  	v26 =	vld [tilespmem:s24+$0x360];
	v7 =	vcvt.f32.s32 v23;
	v38 =	vnsel vm13, $0x0, v28;
	[tilespmem:s24+$0x43A0] =	vst v18  }
0x60: {  	v51 =	vbroadcast v5, $0x4;
	v22 =	vnsel vm10, $0x0, v54;
	[tilespmem:s24+$0x4410] =	vst v38  }
0x61: {  	v30 =	vtrunc.f32 v19;
	v17 =	vld [tilespmem:s24+$0x440];
	v29 =	vnsel vm4, $0xFFFFFFFF, v7;
	[tilespmem:s24+$0xC3A0] =	vst v22  }
0x62: {  	v33 =	vld [tilespmem:s24+$0x370];
	v7 =	vcvt.f32.s32 v30;
	vm4 =	vgt.s32 v51, v0;
	[tilespmem:s24+$0x8300] =	vst v29;
	v29 =	vnsel vm11, $0x0, v54  }
0x63: {  	v32 =	vbroadcast v4, $0x3;
	v57 =	vnsel vm4, $0x0, v47;
	[tilespmem:s24+$0xC3B0] =	vst v29  }
0x64: {  	v36 =	vtrunc.f32 v26;
	v58 =	vbroadcast v4, $0x4;
	v23 =	vld [tilespmem:s24+$0x450];
	v35 =	vnsel vm5, $0xFFFFFFFF, v7;
	[tilespmem:s24+$0x4480] =	vst v57  }
0x65: {  	v39 =	vld [tilespmem:s24+$0x3C0];
	v7 =	vcvt.f32.s32 v36;
	v36 =	vnsel vm12, $0x0, v32;
	vm5 =	vgt.s32 v51, v1;
	[tilespmem:s24+$0x8310] =	vst v35  }
0x66: {  	v27 =	vtrunc.f32 v17;
	v54 =	vld [tilespmem:s24+$0x490];
	[tilespmem:s24+$0xC400] =	vst v36;
	v17 =	vnsel vm5, $0x0, v58  }
0x67: {  	v45 =	vld [tilespmem:s24+$0x3D0];
	v42 =	vtrunc.f32 v33;
	v41 =	vnsel vm6, $0xFFFFFFFF, v7;
	[tilespmem:s24+$0xC490] =	vst v17  }
0x68: {  	v16 =	vld [tilespmem:s24+$0x4B0];
	v7 =	vcvt.f32.s32 v42;
	v42 =	vnsel vm13, $0x0, v32;
	vm6 =	vgt.s32 v51, v2;
	[tilespmem:s24+$0x8320] =	vst v41  }
0x69: {  	v30 =	vld [tilespmem:s24+$0x460];
	v34 =	vtrunc.f32 v23;
	[tilespmem:s24+$0xC410] =	vst v42;
	v23 =	vnsel vm6, $0x0, v58  }
0x6a: {  	v52 =	vld [tilespmem:s24+$0x3E0];
	v48 =	vnsel vm7, $0xFFFFFFFF, v7;
	[tilespmem:s24+$0xC4A0] =	vst v23  }
0x6b: {  	vm14 =	vgt.s32 v25, v2;
	v35 =	vld [tilespmem:s24+$0x420];
	v12 =	vnsel vm5, $0x0, v54;
	[tilespmem:s24+$0x8330] =	vst v48  }
0x6c: {  	v49 =	vtrunc.f32 v39;
	vm7 =	vgt.s32 v51, v3;
	v48 =	vnsel vm14, $0x0, v32;
	[tilespmem:s24+$0x4490] =	vst v12  }
0x6d: {  	v59 =	vld [tilespmem:s24+$0x3F0];
	vm15 =	vgt.s32 v25, v3;
	v7 =	vcvt.f32.s32 v49;
	v25 =	vnsel vm7, $0x0, v16;
	[tilespmem:s24+$0xC420] =	vst v48  }
0x6e: {  	v56 =	vtrunc.f32 v45;
	v40 =	vtrunc.f32 v30;
	v41 =	vld [tilespmem:s24+$0x430];
	v30 =	vnsel vm7, $0x0, v58;
	[tilespmem:s24+$0x44B0] =	vst v25  }
0x6f: {  	v55 =	vnsel vm8, $0xFFFFFFFF, v7;
	v7 =	vcvt.f32.s32 v56;
	[tilespmem:s24+$0xC4B0] =	vst v30  }
0x70: {  	v62 =	vtrunc.f32 v52;
	v44 =	vnsel vm14, $0x0, v35;
	[tilespmem:s24+$0x8380] =	vst v55  }
0x71: {  	[tilespmem:s24+$0x4420] =	vst v44;
	v55 =	vnsel vm15, $0x0, v32;
	v61 =	vnsel vm9, $0xFFFFFFFF, v7;
	v7 =	vcvt.f32.s32 v62  }
0x72: {  	v20 =	vtrunc.f32 v59;
	[tilespmem:s24+$0xC430] =	vst v55  }
0x73: {  	v50 =	vnsel vm15, $0x0, v41;
	[tilespmem:s24+$0x8390] =	vst v61;
	v61 =	vld [tilespmem:s24+$0x4A0];
	v19 =	vnsel vm10, $0xFFFFFFFF, v7;
	v7 =	vcvt.f32.s32 v20  }
0x74: {  	v37 =	vld [tilespmem:s24+$0x470];
	v62 =	vnsel vm4, $0x0, v58;
	[tilespmem:s24+$0x4430] =	vst v50  }
0x75: {  	v22 =	vld [tilespmem:s24+$0x500];
	[tilespmem:s24+$0xC480] =	vst v62;
	v26 =	vnsel vm11, $0xFFFFFFFF, v7;
	v7 =	vcvt.f32.s32 v27  }
0x76: {  	v42 =	vld [tilespmem:s24+$0x530];
	[tilespmem:s24+$0x83A0] =	vst v19  }
0x77: {  	v43 =	vld [tilespmem:s24+$0x4C0];
	[tilespmem:s24+$0x83B0] =	vst v26;
	v26 =	vbroadcast v5, $0x5;
	v33 =	vnsel vm12, $0xFFFFFFFF, v7;
	v7 =	vcvt.f32.s32 v34  }
0x78: {  	v29 =	vld [tilespmem:s24+$0x510];
	v19 =	vnsel vm6, $0x0, v61;
	[tilespmem:s24+$0x8400] =	vst v33  }
0x79: {  	v49 =	vld [tilespmem:s24+$0x4D0];
	[tilespmem:s24+$0x44A0] =	vst v19;
	vm8 =	vgt.s32 v26, v0;
	v39 =	vnsel vm13, $0xFFFFFFFF, v7  }
0x7a: {  	v56 =	vld [tilespmem:s24+$0x4E0];
	v33 =	vbroadcast v4, $0x5;
	vm11 =	vgt.s32 v26, v3;
	v32 =	vnsel vm8, $0x0, v22;
	[tilespmem:s24+$0x8410] =	vst v39  }
0x7b: {  	v51 =	vnsel vm11, $0x0, v42;
	[tilespmem:s24+$0x4500] =	vst v32  }
0x7c: {  	v46 =	vtrunc.f32 v37;
	vm9 =	vgt.s32 v26, v1;
	v37 =	vnsel vm8, $0x0, v33;
	[tilespmem:s24+$0x4530] =	vst v51  }
0x7d: {  	v53 =	vtrunc.f32 v43;
	v39 =	vnsel vm9, $0x0, v29;
	[tilespmem:s24+$0xC500] =	vst v37  }
0x7e: {  	v36 =	vld [tilespmem:s24+$0x520];
	vm10 =	vgt.s32 v26, v2;
	v7 =	vcvt.f32.s32 v40;
	v43 =	vnsel vm9, $0x0, v33;
	[tilespmem:s24+$0x4510] =	vst v39  }
0x7f: {  	v60 =	vtrunc.f32 v49;
	v15 =	vtrunc.f32 v56;
	v49 =	vnsel vm10, $0x0, v33;
	[tilespmem:s24+$0xC510] =	vst v43  }
0x80: {  	v26 =	vld [tilespmem:s24+$0x600];
	v56 =	vnsel vm11, $0x0, v33;
	v45 =	vnsel vm14, $0xFFFFFFFF, v7;
	v7 =	vcvt.f32.s32 v46;
	[tilespmem:s24+$0xC520] =	vst v49  }
0x81: {  	v63 =	vld [tilespmem:s24+$0x4F0];
	[tilespmem:s24+$0xC530] =	vst v56  }
0x82: {  	v48 =	vld [tilespmem:s24+$0x580];
	v30 =	vbroadcast v5, $0x7;
	[tilespmem:s24+$0x8420] =	vst v45;
	v52 =	vnsel vm15, $0xFFFFFFFF, v7;
	v7 =	vcvt.f32.s32 v53  }
0x83: {  	v55 =	vld [tilespmem:s24+$0x590];
	v45 =	vnsel vm10, $0x0, v36;
	[tilespmem:s24+$0x8430] =	vst v52;
	v52 =	vbroadcast v5, $0x6  }
0x84: {  	v62 =	vld [tilespmem:s24+$0x5A0];
	[tilespmem:s24+$0x4520] =	vst v45;
	v59 =	vnsel vm4, $0xFFFFFFFF, v7;
	v7 =	vcvt.f32.s32 v60;
	vm4 =	vgt.s32 v30, v0  }
0x85: {  	[tilespmem:s24+$0x8480] =	vst v59;
	v36 =	vnsel vm4, $0x0, v26  }
0x86: {  	v33 =	vld [tilespmem:s24+$0x610];
	vm12 =	vgt.s32 v52, v0;
	v14 =	vnsel vm5, $0xFFFFFFFF, v7;
	[tilespmem:s24+$0x4600] =	vst v36  }
0x87: {  	vm13 =	vgt.s32 v52, v1;
	v58 =	vnsel vm12, $0x0, v48;
	[tilespmem:s24+$0x8490] =	vst v14  }
0x88: {  	v18 =	vld [tilespmem:s24+$0x540];
	v59 =	vbroadcast v4, $0x6;
	vm14 =	vgt.s32 v52, v2;
	v17 =	vnsel vm13, $0x0, v55;
	[tilespmem:s24+$0x4580] =	vst v58  }
0x89: {  	v21 =	vtrunc.f32 v63;
	v23 =	vnsel vm14, $0x0, v62;
	[tilespmem:s24+$0x4590] =	vst v17  }
0x8a: {  	v7 =	vcvt.f32.s32 v15;
	vm5 =	vgt.s32 v30, v1;
	v63 =	vnsel vm12, $0x0, v59;
	[tilespmem:s24+$0x45A0] =	vst v23  }
0x8b: {  	v24 =	vld [tilespmem:s24+$0x550];
	v43 =	vnsel vm5, $0x0, v33;
	[tilespmem:s24+$0xC580] =	vst v63  }
0x8c: {  	v20 =	vnsel vm6, $0xFFFFFFFF, v7;
	v7 =	vcvt.f32.s32 v21;
	[tilespmem:s24+$0x4610] =	vst v43  }
0x8d: {  	v28 =	vtrunc.f32 v18;
	vm15 =	vgt.s32 v52, v3;
	v52 =	vld [tilespmem:s24+$0x680];
	v21 =	vnsel vm13, $0x0, v59;
	[tilespmem:s24+$0x84A0] =	vst v20  }
0x8e: {  	[tilespmem:s24+$0xC590] =	vst v21;
	v27 =	vnsel vm7, $0xFFFFFFFF, v7;
	v7 =	vcvt.f32.s32 v28  }
0x8f: {  	v31 =	vld [tilespmem:s24+$0x560];
	v56 =	vbroadcast v5, $0x8;
	[tilespmem:s24+$0x84B0] =	vst v27;
	v27 =	vnsel vm14, $0x0, v59  }
0x90: {  	v35 =	vtrunc.f32 v24;
	v20 =	vld [tilespmem:s24+$0x5B0];
	v34 =	vnsel vm8, $0xFFFFFFFF, v7;
	[tilespmem:s24+$0xC5A0] =	vst v27  }
0x91: {  	v63 =	vbroadcast v4, $0x8;
	vm8 =	vgt.s32 v56, v0;
	[tilespmem:s24+$0x8500] =	vst v34;
	v34 =	vnsel vm15, $0x0, v59  }
0x92: {  	v7 =	vcvt.f32.s32 v35;
	v62 =	vnsel vm8, $0x0, v52;
	[tilespmem:s24+$0xC5B0] =	vst v34  }
0x93: {  	v38 =	vld [tilespmem:s24+$0x570];
	v17 =	vnsel vm8, $0x0, v63;
	[tilespmem:s24+$0x4680] =	vst v62  }
0x94: {  	v37 =	vbroadcast v4, $0x7;
	v40 =	vnsel vm9, $0xFFFFFFFF, v7;
	[tilespmem:s24+$0xC680] =	vst v17  }
0x95: {  	v41 =	vtrunc.f32 v31;
	v29 =	vnsel vm15, $0x0, v20;
	[tilespmem:s24+$0x8510] =	vst v40  }
0x96: {  	v44 =	vld [tilespmem:s24+$0x5C0];
	v7 =	vcvt.f32.s32 v41;
	v41 =	vnsel vm4, $0x0, v37;
	vm9 =	vgt.s32 v56, v1;
	[tilespmem:s24+$0x45B0] =	vst v29  }
0x97: {  	[tilespmem:s24+$0xC600] =	vst v41;
	v23 =	vnsel vm9, $0x0, v63  }
0x98: {  	v57 =	vld [tilespmem:s24+$0x5E0];
	v47 =	vtrunc.f32 v38;
	v46 =	vnsel vm10, $0xFFFFFFFF, v7;
	[tilespmem:s24+$0xC690] =	vst v23  }
0x99: {  	v50 =	vld [tilespmem:s24+$0x5D0];
	v7 =	vcvt.f32.s32 v47;
	v47 =	vnsel vm5, $0x0, v37;
	vm10 =	vgt.s32 v56, v2;
	[tilespmem:s24+$0x8520] =	vst v46  }
0x9a: {  	v40 =	vld [tilespmem:s24+$0x620];
	[tilespmem:s24+$0xC610] =	vst v47;
	v29 =	vnsel vm10, $0x0, v63  }
0x9b: {  	v16 =	vld [tilespmem:s24+$0x5F0];
	v54 =	vtrunc.f32 v44;
	vm6 =	vgt.s32 v30, v2;
	v53 =	vnsel vm11, $0xFFFFFFFF, v7;
	[tilespmem:s24+$0xC6A0] =	vst v29  }
0x9c: {  	v22 =	vld [tilespmem:s24+$0x640];
	v7 =	vcvt.f32.s32 v54;
	vm11 =	vgt.s32 v56, v3;
	[tilespmem:s24+$0x8530] =	vst v53;
	v53 =	vnsel vm6, $0x0, v37  }
0x9d: {  	v46 =	vld [tilespmem:s24+$0x630];
	v36 =	vnsel vm11, $0x0, v63;
	[tilespmem:s24+$0xC620] =	vst v53  }
0x9e: {  	v61 =	vtrunc.f32 v50;
	v59 =	vld [tilespmem:s24+$0x690];
	v60 =	vnsel vm12, $0xFFFFFFFF, v7;
	[tilespmem:s24+$0xC6B0] =	vst v36  }
0x9f: {  	v28 =	vld [tilespmem:s24+$0x650];
	vm7 =	vgt.s32 v30, v3;
	v7 =	vcvt.f32.s32 v61;
	v49 =	vnsel vm6, $0x0, v40;
	[tilespmem:s24+$0x8580] =	vst v60  }
0xa0: {  	v25 =	vtrunc.f32 v16;
	v16 =	vld [tilespmem:s24+$0x6A0];
	[tilespmem:s24+$0x4620] =	vst v49;
	v60 =	vnsel vm7, $0x0, v37  }
0xa1: {  	v19 =	vtrunc.f32 v57;
	v32 =	vtrunc.f32 v22;
	v22 =	vld [tilespmem:s24+$0x6B0];
	v18 =	vnsel vm13, $0xFFFFFFFF, v7;
	[tilespmem:s24+$0xC630] =	vst v60  }
0xa2: {  	v35 =	vld [tilespmem:s24+$0x660];
	v7 =	vcvt.f32.s32 v19;
	v55 =	vnsel vm7, $0x0, v46;
	[tilespmem:s24+$0x8590] =	vst v18  }
0xa3: {  	v19 =	vnsel vm9, $0x0, v59;
	[tilespmem:s24+$0x4630] =	vst v55  }
0xa4: {  	v39 =	vtrunc.f32 v28;
	v28 =	vld [tilespmem:s24+$0x700];
	[tilespmem:s24+$0x4690] =	vst v19;
	v24 =	vnsel vm14, $0xFFFFFFFF, v7;
	v7 =	vcvt.f32.s32 v25  }
0xa5: {  	v42 =	vld [tilespmem:s24+$0x670];
	v25 =	vnsel vm10, $0x0, v16;
	[tilespmem:s24+$0x85A0] =	vst v24  }
0xa6: {  	[tilespmem:s24+$0x46A0] =	vst v25;
	v31 =	vnsel vm15, $0xFFFFFFFF, v7;
	v7 =	vcvt.f32.s32 v32;
	v32 =	vbroadcast v5, $0x9  }
0xa7: {  	v45 =	vtrunc.f32 v35;
	v35 =	vld [tilespmem:s24+$0x710];
	[tilespmem:s24+$0x85B0] =	vst v31;
	v31 =	vnsel vm11, $0x0, v22  }
0xa8: {  	v38 =	vnsel vm4, $0xFFFFFFFF, v7;
	v7 =	vcvt.f32.s32 v39;
	[tilespmem:s24+$0x46B0] =	vst v31;
	vm12 =	vgt.s32 v32, v0  }
0xa9: {  	v48 =	vld [tilespmem:s24+$0x6C0];
	v39 =	vbroadcast v4, $0x9;
	[tilespmem:s24+$0x8600] =	vst v38;
	v38 =	vnsel vm12, $0x0, v28  }
0xaa: {  	v51 =	vtrunc.f32 v42;
	v42 =	vld [tilespmem:s24+$0x720];
	v44 =	vnsel vm5, $0xFFFFFFFF, v7;
	[tilespmem:s24+$0x4700] =	vst v38  }
0xab: {  	v54 =	vld [tilespmem:s24+$0x6D0];
	vm13 =	vgt.s32 v32, v1;
	v43 =	vnsel vm12, $0x0, v39;
	[tilespmem:s24+$0x8610] =	vst v44  }
0xac: {  	v61 =	vld [tilespmem:s24+$0x6E0];
	v7 =	vcvt.f32.s32 v45;
	v45 =	vnsel vm13, $0x0, v35;
	[tilespmem:s24+$0xC700] =	vst v43  }
0xad: {  	vm14 =	vgt.s32 v32, v2;
	v49 =	vnsel vm13, $0x0, v39;
	[tilespmem:s24+$0x4710] =	vst v45  }
0xae: {  	v58 =	vtrunc.f32 v48;
	v48 =	vld [tilespmem:s24+$0x730];
	vm15 =	vgt.s32 v32, v3;
	v55 =	vnsel vm14, $0x0, v39;
	[tilespmem:s24+$0xC710] =	vst v49  }
0xaf: {  	v62 =	vnsel vm15, $0x0, v39;
	[tilespmem:s24+$0xC720] =	vst v55  }
0xb0: {  	v15 =	vtrunc.f32 v54;
	v54 =	vld [tilespmem:s24+$0x780];
	[tilespmem:s24+$0xC730] =	vst v62;
	v50 =	vnsel vm6, $0xFFFFFFFF, v7;
	v7 =	vcvt.f32.s32 v51  }
0xb1: {  	v21 =	vtrunc.f32 v61;
	v61 =	vld [tilespmem:s24+$0x790];
	v51 =	vnsel vm14, $0x0, v42;
	[tilespmem:s24+$0x8620] =	vst v50  }
0xb2: {  	v19 =	vld [tilespmem:s24+$0x7A0];
	[tilespmem:s24+$0x4720] =	vst v51;
	v57 =	vnsel vm7, $0xFFFFFFFF, v7;
	v7 =	vcvt.f32.s32 v58;
	v58 =	vbroadcast v5, $0xA  }
0xb3: {  	[tilespmem:s24+$0x8630] =	vst v57;
	v57 =	vnsel vm15, $0x0, v48  }
0xb4: {  	v14 =	vnsel vm8, $0xFFFFFFFF, v7;
	[tilespmem:s24+$0x4730] =	vst v57;
	vm4 =	vgt.s32 v58, v0  }
0xb5: {  	v7 =	vcvt.f32.s32 v15;
	vm5 =	vgt.s32 v58, v1;
	[tilespmem:s24+$0x8680] =	vst v14;
	v15 =	vnsel vm4, $0x0, v54  }
0xb6: {  	v16 =	vbroadcast v4, $0xA;
	vm6 =	vgt.s32 v58, v2;
	v22 =	vnsel vm5, $0x0, v61;
	[tilespmem:s24+$0x4780] =	vst v15  }
0xb7: {  	v38 =	vld [tilespmem:s24+$0x810];
	v28 =	vnsel vm6, $0x0, v19;
	[tilespmem:s24+$0x4790] =	vst v22  }
0xb8: {  	v18 =	vld [tilespmem:s24+$0x6F0];
	vm7 =	vgt.s32 v58, v3;
	v32 =	vnsel vm6, $0x0, v16;
	[tilespmem:s24+$0x47A0] =	vst v28  }
0xb9: {  	v35 =	vbroadcast v5, $0xB;
	v39 =	vnsel vm7, $0x0, v16;
	[tilespmem:s24+$0xC7A0] =	vst v32  }
0xba: {  	v45 =	vld [tilespmem:s24+$0x820];
	v20 =	vnsel vm9, $0xFFFFFFFF, v7;
	[tilespmem:s24+$0xC7B0] =	vst v39  }
0xbb: {  	v24 =	vld [tilespmem:s24+$0x740];
	v7 =	vcvt.f32.s32 v21;
	vm9 =	vgt.s32 v35, v1;
	[tilespmem:s24+$0x8690] =	vst v20;
	v20 =	vnsel vm4, $0x0, v16  }
0xbc: {  	v48 =	vnsel vm9, $0x0, v38;
	[tilespmem:s24+$0xC780] =	vst v20  }
0xbd: {  	v25 =	vld [tilespmem:s24+$0x7B0];
	v27 =	vtrunc.f32 v18;
	v26 =	vnsel vm10, $0xFFFFFFFF, v7;
	[tilespmem:s24+$0x4810] =	vst v48  }
0xbe: {  	v30 =	vld [tilespmem:s24+$0x750];
	v42 =	vbroadcast v4, $0xB;
	vm10 =	vgt.s32 v35, v2;
	[tilespmem:s24+$0x86A0] =	vst v26;
	v26 =	vnsel vm5, $0x0, v16  }
0xbf: {  	v31 =	vld [tilespmem:s24+$0x800];
	v7 =	vcvt.f32.s32 v27;
	v54 =	vnsel vm10, $0x0, v45;
	[tilespmem:s24+$0xC790] =	vst v26  }
0xc0: {  	v34 =	vtrunc.f32 v24;
	v57 =	vld [tilespmem:s24+$0x880];
	v58 =	vnsel vm10, $0x0, v42;
	[tilespmem:s24+$0x4820] =	vst v54  }
0xc1: {  	v37 =	vld [tilespmem:s24+$0x760];
	v33 =	vnsel vm11, $0xFFFFFFFF, v7;
	v7 =	vcvt.f32.s32 v34;
	[tilespmem:s24+$0xC820] =	vst v58  }
0xc2: {  	v44 =	vld [tilespmem:s24+$0x770];
	v61 =	vbroadcast v5, $0xC;
	v34 =	vnsel vm7, $0x0, v25;
	[tilespmem:s24+$0x86B0] =	vst v33  }
0xc3: {  	v41 =	vtrunc.f32 v30;
	vm8 =	vgt.s32 v35, v0;
	v16 =	vld [tilespmem:s24+$0x890];
	[tilespmem:s24+$0x47B0] =	vst v34;
	v40 =	vnsel vm12, $0xFFFFFFFF, v7  }
0xc4: {  	v7 =	vcvt.f32.s32 v41;
	v41 =	vnsel vm8, $0x0, v31;
	vm12 =	vgt.s32 v61, v0;
	[tilespmem:s24+$0x8700] =	vst v40  }
0xc5: {  	v50 =	vld [tilespmem:s24+$0x7C0];
	[tilespmem:s24+$0x4800] =	vst v41;
	v19 =	vnsel vm12, $0x0, v57  }
0xc6: {  	v47 =	vtrunc.f32 v37;
	v46 =	vnsel vm13, $0xFFFFFFFF, v7;
	[tilespmem:s24+$0x4880] =	vst v19  }
0xc7: {  	v51 =	vld [tilespmem:s24+$0x830];
	v7 =	vcvt.f32.s32 v47;
	vm13 =	vgt.s32 v61, v1;
	[tilespmem:s24+$0x8710] =	vst v46;
	v46 =	vnsel vm8, $0x0, v42  }
0xc8: {  	v56 =	vld [tilespmem:s24+$0x7D0];
	v53 =	vtrunc.f32 v44;
	v26 =	vnsel vm13, $0x0, v16;
	[tilespmem:s24+$0xC800] =	vst v46  }
0xc9: {  	v63 =	vld [tilespmem:s24+$0x7E0];
	v52 =	vnsel vm14, $0xFFFFFFFF, v7;
	v7 =	vcvt.f32.s32 v53;
	[tilespmem:s24+$0x4890] =	vst v26  }
0xca: {  	v60 =	vtrunc.f32 v50;
	vm11 =	vgt.s32 v35, v3;
	v35 =	vld [tilespmem:s24+$0x900];
	[tilespmem:s24+$0x8720] =	vst v52;
	v52 =	vnsel vm9, $0x0, v42  }
0xcb: {  	v59 =	vnsel vm15, $0xFFFFFFFF, v7;
	v7 =	vcvt.f32.s32 v60;
	[tilespmem:s24+$0xC810] =	vst v52  }
0xcc: {  	v21 =	vld [tilespmem:s24+$0x7F0];
	v39 =	vbroadcast v5, $0xD;
	v60 =	vnsel vm11, $0x0, v51;
	[tilespmem:s24+$0x8730] =	vst v59  }
0xcd: {  	v18 =	vtrunc.f32 v56;
	[tilespmem:s24+$0x4830] =	vst v60;
	v17 =	vnsel vm4, $0xFFFFFFFF, v7  }
0xce: {  	v27 =	vld [tilespmem:s24+$0x840];
	v7 =	vcvt.f32.s32 v18;
	vm4 =	vgt.s32 v39, v0;
	[tilespmem:s24+$0x8780] =	vst v17;
	v17 =	vnsel vm11, $0x0, v42  }
0xcf: {  	v24 =	vtrunc.f32 v63;
	v20 =	vbroadcast v4, $0xC;
	v45 =	vnsel vm4, $0x0, v35;
	[tilespmem:s24+$0xC830] =	vst v17  }
0xd0: {  	v42 =	vld [tilespmem:s24+$0x910];
	v23 =	vnsel vm5, $0xFFFFFFFF, v7;
	v7 =	vcvt.f32.s32 v24;
	[tilespmem:s24+$0x4900] =	vst v45  }
0xd1: {  	v30 =	vtrunc.f32 v21;
	v24 =	vnsel vm12, $0x0, v20;
	[tilespmem:s24+$0x8790] =	vst v23  }
0xd2: {  	v33 =	vld [tilespmem:s24+$0x850];
	[tilespmem:s24+$0xC880] =	vst v24;
	v29 =	vnsel vm6, $0xFFFFFFFF, v7;
	v7 =	vcvt.f32.s32 v30  }
0xd3: {  	v37 =	vtrunc.f32 v27;
	v23 =	vld [tilespmem:s24+$0x8A0];
	v30 =	vnsel vm13, $0x0, v20;
	[tilespmem:s24+$0x87A0] =	vst v29  }
0xd4: {  	vm14 =	vgt.s32 v61, v2;
	vm5 =	vgt.s32 v39, v1;
	[tilespmem:s24+$0xC890] =	vst v30;
	v36 =	vnsel vm7, $0xFFFFFFFF, v7  }
0xd5: {  	vm15 =	vgt.s32 v61, v3;
	v61 =	vld [tilespmem:s24+$0x980];
	v7 =	vcvt.f32.s32 v37;
	v52 =	vnsel vm5, $0x0, v42;
	[tilespmem:s24+$0x87B0] =	vst v36  }
0xd6: {  	v40 =	vld [tilespmem:s24+$0x860];
	v36 =	vnsel vm14, $0x0, v20;
	[tilespmem:s24+$0x4910] =	vst v52  }
0xd7: {  	v17 =	vbroadcast v5, $0xE;
	v29 =	vld [tilespmem:s24+$0x8B0];
	v43 =	vnsel vm8, $0xFFFFFFFF, v7;
	[tilespmem:s24+$0xC8A0] =	vst v36  }
0xd8: {  	v47 =	vld [tilespmem:s24+$0x870];
	v44 =	vtrunc.f32 v33;
	v32 =	vnsel vm14, $0x0, v23;
	[tilespmem:s24+$0x8800] =	vst v43  }
0xd9: {  	v7 =	vcvt.f32.s32 v44;
	vm8 =	vgt.s32 v17, v0;
	[tilespmem:s24+$0x48A0] =	vst v32;
	v43 =	vnsel vm15, $0x0, v20  }
0xda: {  	v23 =	vnsel vm8, $0x0, v61;
	[tilespmem:s24+$0xC8B0] =	vst v43  }
0xdb: {  	v53 =	vld [tilespmem:s24+$0x8C0];
	v46 =	vbroadcast v4, $0xD;
	v50 =	vtrunc.f32 v40;
	v49 =	vnsel vm9, $0xFFFFFFFF, v7;
	[tilespmem:s24+$0x4980] =	vst v23  }
0xdc: {  	v20 =	vld [tilespmem:s24+$0x990];
	v7 =	vcvt.f32.s32 v50;
	v38 =	vnsel vm15, $0x0, v29;
	[tilespmem:s24+$0x8810] =	vst v49  }
0xdd: {  	v56 =	vtrunc.f32 v47;
	v50 =	vnsel vm4, $0x0, v46;
	[tilespmem:s24+$0x48B0] =	vst v38  }
0xde: {  	[tilespmem:s24+$0xC900] =	vst v50;
	v55 =	vnsel vm10, $0xFFFFFFFF, v7;
	v7 =	vcvt.f32.s32 v56  }
0xdf: {  	v49 =	vld [tilespmem:s24+$0x920];
	v56 =	vnsel vm5, $0x0, v46;
	[tilespmem:s24+$0x8820] =	vst v55  }
0xe0: {  	v59 =	vld [tilespmem:s24+$0x8D0];
	v63 =	vtrunc.f32 v53;
	vm9 =	vgt.s32 v17, v1;
	[tilespmem:s24+$0xC910] =	vst v56;
	v62 =	vnsel vm11, $0xFFFFFFFF, v7  }
0xe1: {  	vm6 =	vgt.s32 v39, v2;
	v7 =	vcvt.f32.s32 v63;
	v30 =	vnsel vm9, $0x0, v20;
	[tilespmem:s24+$0x8830] =	vst v62  }
0xe2: {  	v62 =	vnsel vm6, $0x0, v46;
	[tilespmem:s24+$0x4990] =	vst v30  }
0xe3: {  	v18 =	vld [tilespmem:s24+$0x8E0];
	v5 =	vbroadcast v5, $0xF;
	v24 =	vbroadcast v4, $0xE;
	v21 =	vnsel vm12, $0xFFFFFFFF, v7;
	[tilespmem:s24+$0xC920] =	vst v62  }
0xe4: {  	v4 =	vbroadcast v4, $0xF;
	vm7 =	vgt.s32 v39, v3;
	v55 =	vld [tilespmem:s24+$0x930];
	v58 =	vnsel vm6, $0x0, v49;
	[tilespmem:s24+$0x8880] =	vst v21  }
0xe5: {  	v25 =	vld [tilespmem:s24+$0x8F0];
	v22 =	vtrunc.f32 v59;
	vm11 =	vgt.s32 v17, v3;
	[tilespmem:s24+$0x4920] =	vst v58;
	v21 =	vnsel vm7, $0x0, v46  }
0xe6: {  	v31 =	vld [tilespmem:s24+$0x940];
	v7 =	vcvt.f32.s32 v22;
	vm12 =	vgt.s32 v5, v0;
	v46 =	vnsel vm11, $0x0, v24;
	[tilespmem:s24+$0xC930] =	vst v21  }
0xe7: {  	v57 =	vld [tilespmem:s24+$0x9C0];
	v52 =	vnsel vm12, $0x0, v4;
	[tilespmem:s24+$0xC9B0] =	vst v46  }
0xe8: {  	v28 =	vtrunc.f32 v18;
	v27 =	vnsel vm13, $0xFFFFFFFF, v7;
	[tilespmem:s24+$0xCA00] =	vst v52  }
0xe9: {  	v37 =	vld [tilespmem:s24+$0x950];
	v7 =	vcvt.f32.s32 v28;
	v16 =	vnsel vm7, $0x0, v55;
	[tilespmem:s24+$0x8890] =	vst v27  }
0xea: {  	v34 =	vtrunc.f32 v25;
	v44 =	vld [tilespmem:s24+$0x960];
	v28 =	vnsel vm8, $0x0, v24;
	vm13 =	vgt.s32 v5, v1;
	[tilespmem:s24+$0x4930] =	vst v16  }
0xeb: {  	v63 =	vld [tilespmem:s24+$0x9D0];
	[tilespmem:s24+$0xC980] =	vst v28;
	v58 =	vnsel vm13, $0x0, v4;
	v33 =	vnsel vm14, $0xFFFFFFFF, v7;
	v7 =	vcvt.f32.s32 v34  }
0xec: {  	v41 =	vtrunc.f32 v31;
	v19 =	vtrunc.f32 v57;
	v57 =	vld [tilespmem:s24+$0xA30];
	v34 =	vnsel vm9, $0x0, v24;
	[tilespmem:s24+$0xCA10] =	vst v58  }
0xed: {  	v51 =	vld [tilespmem:s24+$0x970];
	vm14 =	vgt.s32 v5, v2;
	[tilespmem:s24+$0x88A0] =	vst v33;
	v40 =	vnsel vm15, $0xFFFFFFFF, v7;
	v7 =	vcvt.f32.s32 v41  }
0xee: {  	v48 =	vtrunc.f32 v37;
	vm10 =	vgt.s32 v17, v2;
	[tilespmem:s24+$0xC990] =	vst v34;
	v62 =	vnsel vm14, $0x0, v4  }
0xef: {  	v54 =	vtrunc.f32 v44;
	v27 =	vld [tilespmem:s24+$0x9A0];
	[tilespmem:s24+$0xCA20] =	vst v62;
	v47 =	vnsel vm4, $0xFFFFFFFF, v7;
	v7 =	vcvt.f32.s32 v48  }
0xf0: {  	v45 =	vld [tilespmem:s24+$0xA10];
	v26 =	vtrunc.f32 v63;
	vm15 =	vgt.s32 v5, v3;
	[tilespmem:s24+$0x88B0] =	vst v40;
	v40 =	vnsel vm10, $0x0, v24  }
0xf1: {  	v39 =	vld [tilespmem:s24+$0xA00];
	v63 =	vnsel vm15, $0x0, v57;
	[tilespmem:s24+$0xC9A0] =	vst v40;
	v53 =	vnsel vm5, $0xFFFFFFFF, v7;
	v7 =	vcvt.f32.s32 v54  }
0xf2: {  	v60 =	vtrunc.f32 v51;
	v33 =	vld [tilespmem:s24+$0x9B0];
	v4 =	vnsel vm15, $0x0, v4;
	[tilespmem:s24+$0x4A30] =	vst v63  }
0xf3: {  	v22 =	vld [tilespmem:s24+$0x9E0];
	[tilespmem:s24+$0xCA30] =	vst v4;
	v59 =	vnsel vm6, $0xFFFFFFFF, v7;
	v7 =	vcvt.f32.s32 v60  }
0xf4: {  	v51 =	vld [tilespmem:s24+$0xA20];
	v36 =	vnsel vm10, $0x0, v27;
	[tilespmem:s24+$0x8900] =	vst v47  }
0xf5: {  	v29 =	vld [tilespmem:s24+$0x9F0];
	[tilespmem:s24+$0x49A0] =	vst v36;
	v18 =	vnsel vm7, $0xFFFFFFFF, v7;
	v7 =	vcvt.f32.s32 v19  }
0xf6: {  	v48 =	vnsel vm12, $0x0, v39;
	[tilespmem:s24+$0x8910] =	vst v53;
	v53 =	vld [tilespmem:s24+$0xA70]  }
0xf7: {  	v35 =	vld [tilespmem:s24+$0xA40];
	[tilespmem:s24+$0x4A00] =	vst v48;
	v42 =	vnsel vm11, $0x0, v33;
	v25 =	vnsel vm8, $0xFFFFFFFF, v7;
	v7 =	vcvt.f32.s32 v26  }
0xf8: {  	v32 =	vtrunc.f32 v22;
	v54 =	vnsel vm13, $0x0, v45;
	[tilespmem:s24+$0x49B0] =	vst v42  }
0xf9: {  	v41 =	vld [tilespmem:s24+$0xA50];
	[tilespmem:s24+$0x4A10] =	vst v54;
	v31 =	vnsel vm9, $0xFFFFFFFF, v7;
	v7 =	vcvt.f32.s32 v32  }
0xfa: {  	v38 =	vtrunc.f32 v29;
	[tilespmem:s24+$0x8920] =	vst v59;
	v59 =	vnsel vm14, $0x0, v51  }
0xfb: {  	v47 =	vld [tilespmem:s24+$0xA60];
	[tilespmem:s24+$0x4A20] =	vst v59;
	v61 =	vtrunc.f32 v53;
	v37 =	vnsel vm10, $0xFFFFFFFF, v7;
	v7 =	vcvt.f32.s32 v38  }
0xfc: {  	v44 =	vtrunc.f32 v35;
	[tilespmem:s24+$0x8930] =	vst v18;
	v5 =	vcvt.f32.s32 v61  }
0xfd: {  	[tilespmem:s24+$0x8980] =	vst v25;
	v43 =	vnsel vm11, $0xFFFFFFFF, v7;
	v7 =	vcvt.f32.s32 v44  }
0xfe: {  	v50 =	vtrunc.f32 v41;
	[tilespmem:s24+$0x8990] =	vst v31;
	v5 =	vnsel vm15, $0xFFFFFFFF, v5  }
0xff: {  	p0 =	sne.s32 s23, $0x7;
	[tilespmem:s24+$0x8A30] =	vst v5;
	v49 =	vnsel vm12, $0xFFFFFFFF, v7;
	v7 =	vcvt.f32.s32 v50  }
.Ltmp0:
0x100: {  	v56 =	vtrunc.f32 v47;
	[tilespmem:s24+$0x89A0] =	vst v37;
	(pc) =	sbr.rel @p0 .LBB2_2-.Ltmp0, $4  }
0x101: {  	[tilespmem:s24+$0x89B0] =	vst v43;
	v55 =	vnsel vm13, $0xFFFFFFFF, v7;
	v7 =	vcvt.f32.s32 v56  }
0x102: {  	[tilespmem:s24+$0x8A00] =	vst v49  }
0x103: {  	[tilespmem:s24+$0x8A10] =	vst v55;
	v60 =	vnsel vm14, $0xFFFFFFFF, v7  }
0x104: {  	s23 =	sadd.s32 $0x1, s23;
	[tilespmem:s24+$0x8A20] =	vst v60  }
0x105: {  	[hbm4b:s8+s5] =	stream.linear.scatter [tilespmem:s19], [sflag:$0x1], $0x4000, $0x38;
	[tilespmem:$0x10280] =	vst v63  }
0x106: {  	_ = 	snop  }
0x107: {  	[hbm4b:s9+s5] =	stream.linear.scatter [tilespmem:s20], [sflag:$0x1], $0x4000, $0x38;
	[tilespmem:$0x10280] =	vst v63  }
0x108: {  	_ = 	snop  }
0x109: {  	[hbm4b:s10+s5] =	stream.linear.scatter [tilespmem:s21], [sflag:$0x1], $0x4000, $0x38;
	[tilespmem:$0x10280] =	vst v63  }
0x10a: {  	_ =	swait.ge [sflag:s13], $0x4000  }
0x10b: {  	[sflag:s13] =	ssyncset.done $0x0  }
0x10c: {  	s22 =	sadd.s32 $0x1, s22;
	[sflag:s13] =	ssyncadd.s32 $0xFFFFC000  }
0x10d: {  	p0 =	sne.s32 s22, s11;
	_ =	swait.ge [sflag:s13], $0x4000  }
.Ltmp1:
0x10e: {  	[sflag:s13] =	ssyncset.done $0x0;
	(pc) =	sbr.rel @p0 .LBB2_1-.Ltmp1, $4  }
0x10f: {  	[sflag:s13] =	ssyncadd.s32 $0xFFFFC000  }
0x110: {  	_ =	swait.ge [sflag:s13], $0x4000  }
0x111: {  	[sflag:s13] =	ssyncset.done $0x0  }
0x112: {  	[sflag:s13] =	ssyncadd.s32 $0xFFFFC000  }
0x113: {  	_ =	sfence.sel $0x180000  }
0x114: {  	[bflag:$0x0] =	sbarrier.arrive $0xFFFF  }
0x115: {  	p0 =	sne.s32 s4, $0x0;
	_ =	strace $0x90000047  }
0x116: {  	s0 =	sadd.s32 @!p0 $0x100000, s1;
	[bflag:$0x2] =	sbarrier.arrive $0xFFFF  }
0x117: {  	[sflag:s0] =	ssyncadd.tile.s32 @!p0 $0x1;
	_ =	shalt  }
.Lfunc_end2:
_tile_overlayer_lowered:
.L_overlay_start_2:
0x118: {  	(tag) =	ssettag $0x2  }
0x119: {  	s0 =	rddreg [dreg:$0x0];
	s2 =	stileid.u32  }
0x11a: {  	s1 =	rddreg [dreg:$0x1];
	p0 =	sne.s32 s2, $0x0  }
0x11b: {  	s3 =	rddreg [dreg:$0x2];
	[bflag:$0x3] =	sbarrier.arrive $0xFFFF;
	s2 =	simm.s32 @!p0 $0x1C03  }
0x11c: {  	[timem:s3], [sflag:s2] =	dma.local @!p0 [hbm:s0], s1  }
0x11d: {  	s0 =	simm.s32 @!p0 $0x3  }
0x11e: {  	_ =	swait.ge @!p0 [sflag:s0], s1  }
0x11f: {  	s1 =	ssub.s32 @!p0 $0x0, s1;
	[sflag:s0] =	ssyncset.done @!p0 $0x0  }
0x120: {  	[sflag:s0] =	ssyncadd.s32 @!p0 s1  }
0x121: {  	[bflag:$0x3] =	sbarrier.arrive $0xFFFF  }
0x122: {  	_ =	shalt  }

</sc_bundles>
